<compile_context>
chip_gen: v7x
topology: tpu7x:2x2x1
jax: 0.10.2.dev20260603
libtpu: 0.0.44.dev20260713+nightly
codegen_flags: <defaults>
</compile_context>

<pallas_src>
import jax
import jax.numpy as jnp
from jax import lax
from jax.experimental import pallas as pl
from jax.experimental.pallas import tpu as pltpu
from jax.experimental.pallas import tpu_sc as plsc

A = 9
H = 50
W = 50
HW = H * W
N = A * HW
NPAD = 22528
NWORK = 16
SL = NPAD // NWORK
NCH = SL // 16
PRE = 20
POST = 10
NMS_T = 0.7
NEG = -1e9
NEGINF = -3.0e38
BIG = 3.0e38

_f32 = jnp.float32
_i32 = jnp.int32


def _iota16():
    return lax.broadcasted_iota(_i32, (16,), 0)


def _trunc(x):
    return x.astype(_i32).astype(_f32)


def _splat_i(x):
    return jnp.full((16,), x, _i32)


def _splat_f(x):
    return jnp.full((16,), x, _f32)


def _perm(v, idx):
    return v.at[idx].get(mode="promise_in_bounds")


def _bcast_max(v):
    it = _iota16()
    for s in (1, 2, 4, 8):
        v = jnp.maximum(v, _perm(v, it ^ s))
    return v


def _bcast_min(v):
    it = _iota16()
    for s in (1, 2, 4, 8):
        v = jnp.minimum(v, _perm(v, it ^ s))
    return v


def _sc_body(x_hbm, im_hbm, out_hbm,
             sall, cfg, cF, cx1, cy1, cx2, cy2, imv, lpk, shpk, gpk,
             tsc2, tx1, ty1, tx2, ty2, tar, tkeep, fsv, stage, dsem):
    wid = lax.axis_index("s")
    it = _iota16()
    lane0 = it == 0

    cp = pltpu.async_copy(x_hbm.at[pl.ds(wid * (5 * SL), 5 * SL)], sall, dsem)
    pltpu.sync_copy(im_hbm, imv)
    cp.wait()

    imh = imv[pl.ds(0, 16)]
    imw = imv[pl.ds(16, 16)]
    imsc = imv[pl.ds(32, 16)]
    minsz = 5.0 * imsc

    base = wid * SL
    basef = base.astype(_f32)

    def decode(t, _):
        for u in range(4):
            off = t * 64 + u * 16
            g = (base + off + it).astype(_f32)
            af = _trunc(g / 2500.0)
            pf = g - af * 2500.0
            Ff = pf * 9.0 + af
            hh = _trunc(pf / 50.0)
            ww = pf - hh * 50.0
            ridx = _trunc(af / 3.0)
            sidx = af - ridx * 3.0
            wr = jnp.where(ridx == 0.0, 23.0,
                           jnp.where(ridx == 1.0, 16.0, 11.0))
            hr = jnp.where(ridx == 0.0, 12.0,
                           jnp.where(ridx == 1.0, 16.0, 22.0))
            sc = jnp.where(sidx == 0.0, 8.0,
                           jnp.where(sidx == 1.0, 16.0, 32.0))
            wa = wr * sc
            ha = hr * sc
            ctx = 8.0 + ww * 16.0
            cty = 8.0 + hh * 16.0
            dxv = sall[pl.ds(SL + off, 16)]
            dyv = sall[pl.ds(2 * SL + off, 16)]
            dwv = jnp.clip(sall[pl.ds(3 * SL + off, 16)], -10.0, 4.135)
            dhv = jnp.clip(sall[pl.ds(4 * SL + off, 16)], -10.0, 4.135)
            pcx = dxv * wa + ctx
            pcy = dyv * ha + cty
            pwv = jnp.exp(dwv) * wa
            phv = jnp.exp(dhv) * ha
            x1 = jnp.clip(pcx - 0.5 * pwv, 0.0, imw - 1.0)
            x2 = jnp.clip(pcx + 0.5 * pwv, 0.0, imw - 1.0)
            y1 = jnp.clip(pcy - 0.5 * phv, 0.0, imh - 1.0)
            y2 = jnp.clip(pcy + 0.5 * phv, 0.0, imh - 1.0)
            wsv = x2 - x1 + 1.0
            hsv = y2 - y1 + 1.0
            valid = (wsv >= minsz) & (hsv >= minsz)
            fgm = jnp.where(valid, sall[pl.ds(off, 16)], NEG)
            fgm = jnp.where(g < float(N), fgm, NEGINF)
            cfg[pl.ds(off, 16)] = fgm
            cF[pl.ds(off, 16)] = Ff
            cx1[pl.ds(off, 16)] = x1
            cy1[pl.ds(off, 16)] = y1
            cx2[pl.ds(off, 16)] = x2
            cy2[pl.ds(off, 16)] = y2
        return 0

    lax.fori_loop(0, NCH // 4, decode, 0)

    lpk[pl.ds(0, 16)] = _splat_f(NEGINF)
    lpk[pl.ds(16, 16)] = _splat_f(NEGINF)
    for c in range(2, 12):
        lpk[pl.ds(c * 16, 16)] = _splat_f(0.0)

    def pick(r, _):
        Ms = [_splat_f(NEGINF)] * 4
        FMs = [_splat_f(0.0)] * 4
        for k in range(NCH):
            c4 = k % 4
            v = cfg[pl.ds(k * 16, 16)]
            f = cF[pl.ds(k * 16, 16)]
            better = (v > Ms[c4]) | ((v == Ms[c4]) & (f < FMs[c4]))
            Ms[c4] = jnp.where(better, v, Ms[c4])
            FMs[c4] = jnp.where(better, f, FMs[c4])
        M, FM = Ms[0], FMs[0]
        for c4 in range(1, 4):
            better = (Ms[c4] > M) | ((Ms[c4] == M) & (FMs[c4] < FM))
            M = jnp.where(better, Ms[c4], M)
            FM = jnp.where(better, FMs[c4], FM)
        m = _bcast_max(M)
        fm = _bcast_min(jnp.where(M == m, FM, BIG))
        pf = _trunc(fm / 9.0)
        af = fm - pf * 9.0
        g = af * 2500.0 + pf
        oidx = (g - basef).astype(_i32)
        plsc.store_scatter(cfg, [oidx], _splat_f(NEGINF), mask=lane0)
        ridx = _splat_i(r)
        plsc.store_scatter(lpk, [ridx], m, mask=lane0)
        plsc.store_scatter(lpk, [ridx + 32], fm, mask=lane0)
        plsc.store_scatter(lpk, [ridx + 64],
                           plsc.load_gather(cx1, [oidx]), mask=lane0)
        plsc.store_scatter(lpk, [ridx + 96],
                           plsc.load_gather(cy1, [oidx]), mask=lane0)
        plsc.store_scatter(lpk, [ridx + 128],
                           plsc.load_gather(cx2, [oidx]), mask=lane0)
        plsc.store_scatter(lpk, [ridx + 160],
                           plsc.load_gather(cy2, [oidx]), mask=lane0)
        return 0

    lax.fori_loop(0, PRE, pick, 0)

    pltpu.sync_copy(lpk, shpk.at[pl.ds(wid * 192, 192)])
    plsc.subcore_barrier()

    @pl.when(wid == 0)
    def _merge():
        pltpu.sync_copy(shpk, gpk)

        for c in range(2):
            tsc2[pl.ds(c * 16, 16)] = _splat_f(NEGINF)
            for ref in (tx1, ty1, tx2, ty2, tar):
                ref[pl.ds(c * 16, 16)] = _splat_f(0.0)

        def gpick(r, _):
            Ms = [_splat_f(NEGINF)] * 4
            FMs = [_splat_f(0.0)] * 4
            Ss = [_splat_i(0)] * 4
            ci = 0
            for w in range(NWORK):
                for hh2 in range(2):
                    b = w * 192 + hh2 * 16
                    c4 = ci % 4
                    ci += 1
                    v = gpk[pl.ds(b, 16)]
                    f = gpk[pl.ds(b + 32, 16)]
                    s = _splat_i(b) + it
                    better = (v > Ms[c4]) | ((v == Ms[c4]) & (f < FMs[c4]))
                    Ms[c4] = jnp.where(better, v, Ms[c4])
                    FMs[c4] = jnp.where(better, f, FMs[c4])
                    Ss[c4] = jnp.where(better, s, Ss[c4])
            M, FM, S = Ms[0], FMs[0], Ss[0]
            for c4 in range(1, 4):
                better = (Ms[c4] > M) | ((Ms[c4] == M) & (FMs[c4] < FM))
                M = jnp.where(better, Ms[c4], M)
                FM = jnp.where(better, FMs[c4], FM)
                S = jnp.where(better, Ss[c4], S)
            m = _bcast_max(M)
            fm = _bcast_min(jnp.where(M == m, FM, BIG))
            sidx = _bcast_min(jnp.where((M == m) & (FM == fm), S, 2147483647))
            plsc.store_scatter(gpk, [sidx], _splat_f(NEGINF), mask=lane0)
            ridx = _splat_i(r)
            bx1 = plsc.load_gather(gpk, [sidx + 64])
            by1 = plsc.load_gather(gpk, [sidx + 96])
            bx2 = plsc.load_gather(gpk, [sidx + 128])
            by2 = plsc.load_gather(gpk, [sidx + 160])
            plsc.store_scatter(tsc2, [ridx], m, mask=lane0)
            plsc.store_scatter(tx1, [ridx], bx1, mask=lane0)
            plsc.store_scatter(ty1, [ridx], by1, mask=lane0)
            plsc.store_scatter(tx2, [ridx], bx2, mask=lane0)
            plsc.store_scatter(ty2, [ridx], by2, mask=lane0)
            plsc.store_scatter(
                tar, [ridx],
                (bx2 - bx1 + 1.0) * (by2 - by1 + 1.0), mask=lane0)
            return 0

        lax.fori_loop(0, PRE, gpick, 0)

        tkeep[pl.ds(0, 16)] = _splat_f(1.0)
        tkeep[pl.ds(16, 16)] = jnp.where(it + 16 < PRE, 1.0, 0.0)

        def nms(i, _):
            iidx = _splat_i(i)
            ki = plsc.load_gather(tkeep, [iidx])
            ai = plsc.load_gather(tar, [iidx])
            x1i = plsc.load_gather(tx1, [iidx])
            y1i = plsc.load_gather(ty1, [iidx])
            x2i = plsc.load_gather(tx2, [iidx])
            y2i = plsc.load_gather(ty2, [iidx])
            for c in range(2):
                sv = _splat_i(c * 16) + it
                a1 = tx1[pl.ds(c * 16, 16)]
                b1 = ty1[pl.ds(c * 16, 16)]
                a2 = tx2[pl.ds(c * 16, 16)]
                b2 = ty2[pl.ds(c * 16, 16)]
                ar = tar[pl.ds(c * 16, 16)]
                xx1 = jnp.maximum(x1i, a1)
                yy1 = jnp.maximum(y1i, b1)
                xx2 = jnp.minimum(x2i, a2)
                yy2 = jnp.minimum(y2i, b2)
                iw = jnp.maximum(xx2 - xx1 + 1.0, 0.0)
                ih = jnp.maximum(yy2 - yy1 + 1.0, 0.0)
                inter = iw * ih
                iou = inter / (ai + ar - inter)
                kv = tkeep[pl.ds(c * 16, 16)]
                sup = (iou > NMS_T) & (sv > iidx) & (ki > 0.0)
                tkeep[pl.ds(c * 16, 16)] = jnp.where(sup, 0.0, kv)
            return 0

        lax.fori_loop(0, PRE, nms, 0)

        for c in range(2):
            sv = _splat_i(c * 16) + it
            kv = tkeep[pl.ds(c * 16, 16)]
            fs = jnp.where(kv > 0.0, tsc2[pl.ds(c * 16, 16)], NEG)
            fsv[pl.ds(c * 16, 16)] = jnp.where(sv < PRE, fs, NEGINF)

        for c in range(4):
            stage[pl.ds(c * 16, 16)] = _splat_f(0.0)

        def outp(j, _):
            M = _splat_f(NEGINF)
            S = _splat_i(0)
            for k in range(2):
                v = fsv[pl.ds(k * 16, 16)]
                s = _splat_i(k * 16) + it
                better = (v > M) | ((v == M) & (s < S))
                M = jnp.where(better, v, M)
                S = jnp.where(better, s, S)
            m = _bcast_max(M)
            sidx = _bcast_min(jnp.where(M == m, S, 2147483647))
            plsc.store_scatter(fsv, [sidx], _splat_f(NEGINF), mask=lane0)
            bx1 = plsc.load_gather(tx1, [sidx])
            by1 = plsc.load_gather(ty1, [sidx])
            bx2 = plsc.load_gather(tx2, [sidx])
            by2 = plsc.load_gather(ty2, [sidx])
            val = jnp.where(it == 0, bx1,
                            jnp.where(it == 1, by1,
                                      jnp.where(it == 2, bx2, by2)))
            oidx = _splat_i(4 * j) + it
            plsc.store_scatter(stage, [oidx], val, mask=it < 4)
            return 0

        lax.fori_loop(0, POST, outp, 0)
        pltpu.sync_copy(stage, out_hbm)


def kernel(scores, bbox_deltas, im_info):
    fg = scores[0, A:].reshape(-1)
    bd = bbox_deltas[0].reshape(A, 4, HW)
    zpad = jnp.zeros((NPAD - N,), _f32)
    comps = [jnp.concatenate([fg, zpad])]
    for j in range(4):
        comps.append(jnp.concatenate([bd[:, j, :].reshape(-1), zpad]))
    xall = jnp.stack(comps).reshape(5, NWORK, SL).transpose(1, 0, 2).reshape(-1)
    imf = jnp.repeat(im_info.reshape(-1), 16)

    mesh = plsc.VectorSubcoreMesh(
        core_axis_name="c", subcore_axis_name="s", num_cores=1)
    vm = pltpu.VMEM
    out = pl.kernel(
        _sc_body,
        out_type=jax.ShapeDtypeStruct((64,), _f32),
        mesh=mesh,
        scratch_types=[
            vm((5 * SL,), _f32),
            vm((SL,), _f32), vm((SL,), _f32),
            vm((SL,), _f32), vm((SL,), _f32),
            vm((SL,), _f32), vm((SL,), _f32),
            vm((48,), _f32),
            vm((192,), _f32),
            pltpu.VMEM_SHARED((3072,), _f32),
            vm((3072,), _f32),
            vm((32,), _f32), vm((32,), _f32), vm((32,), _f32),
            vm((32,), _f32), vm((32,), _f32), vm((32,), _f32),
            vm((32,), _f32), vm((32,), _f32),
            vm((64,), _f32),
            pltpu.SemaphoreType.DMA,
        ],
        compiler_params=pltpu.CompilerParams(needs_layout_passes=False),
    )(xall, imf)
    return out[:40].reshape(POST, 4)

# --- scband reference (transcript-rebuilt; emitter-appended) ---
"""Pipeline reference for scband-proposal-layer-4157528342623 (READ-ONLY COPY).

The authoritative reference and input builder live on the scoring server;
editing this copy changes nothing except your own understanding.
"""

import jax, jax.numpy as jnp
import numpy as np

FEAT_STRIDE = 16
ANCHOR_SCALES = [8.0, 16.0, 32.0]
ANCHOR_RATIOS = [0.5, 1.0, 2.0]
PRE_NMS_TOPN = 20
AFTER_NMS_TOPN = 10
NMS_THRESH = 0.7
MIN_SIZE = 5.0
H = 50
W = 50
A = len(ANCHOR_SCALES) * len(ANCHOR_RATIOS)


def generate_anchors(base_size, ratios, scales):
    base = np.array([0.0, 0.0, base_size - 1.0, base_size - 1.0], dtype=np.float32)
    w = base[2] - base[0] + 1.0
    h = base[3] - base[1] + 1.0
    x_ctr = base[0] + 0.5 * (w - 1.0)
    y_ctr = base[1] + 0.5 * (h - 1.0)
    size = w * h
    anchors = []
    for r in ratios:
        ws = np.round(np.sqrt(size / r))
        hs = np.round(ws * r)
        for s in scales:
            wss = ws * s
            hss = hs * s
            anchors.append([x_ctr - 0.5 * (wss - 1.0),
                            y_ctr - 0.5 * (hss - 1.0),
                            x_ctr + 0.5 * (wss - 1.0),
                            y_ctr + 0.5 * (hss - 1.0)])
    return np.array(anchors, dtype=np.float32)


def setup_inputs(seed: int = 0) -> dict:
    key = jax.random.key(seed)
    k1, k2 = jax.random.split(key)
    scores = jax.random.normal(k1, (1, 2 * A, H, W), dtype=jnp.float32)
    bbox_deltas = jax.random.normal(k2, (1, 4 * A, H, W), dtype=jnp.float32) * 0.1
    im_info = jnp.ones((1, 3), dtype=jnp.float32) * jnp.array([800.0, 800.0, 1.0], dtype=jnp.float32)
    return {"scores": scores, "bbox_deltas": bbox_deltas, "im_info": im_info}


def reference(scores, bbox_deltas, im_info):
    anchors = jnp.asarray(generate_anchors(FEAT_STRIDE, ANCHOR_RATIOS, ANCHOR_SCALES))
    h, w = scores.shape[2], scores.shape[3]
    shift_x = jnp.arange(w, dtype=jnp.float32) * FEAT_STRIDE
    shift_y = jnp.arange(h, dtype=jnp.float32) * FEAT_STRIDE
    sx, sy = jnp.meshgrid(shift_x, shift_y)
    shifts = jnp.stack([sx.ravel(), sy.ravel(), sx.ravel(), sy.ravel()], axis=1)
    all_anchors = (anchors[None, :, :] + shifts[:, None, :]).reshape(-1, 4)

    fg_scores = scores[:, A:, :, :].transpose(0, 2, 3, 1).reshape(-1)
    deltas = bbox_deltas.transpose(0, 2, 3, 1).reshape(-1, 4)

    widths = all_anchors[:, 2] - all_anchors[:, 0] + 1.0
    heights = all_anchors[:, 3] - all_anchors[:, 1] + 1.0
    ctr_x = all_anchors[:, 0] + 0.5 * widths
    ctr_y = all_anchors[:, 1] + 0.5 * heights
    dx = deltas[:, 0]
    dy = deltas[:, 1]
    dw = jnp.clip(deltas[:, 2], -10.0, 4.135)
    dh = jnp.clip(deltas[:, 3], -10.0, 4.135)
    pred_ctr_x = dx * widths + ctr_x
    pred_ctr_y = dy * heights + ctr_y
    pred_w = jnp.exp(dw) * widths
    pred_h = jnp.exp(dh) * heights
    x1 = pred_ctr_x - 0.5 * pred_w
    y1 = pred_ctr_y - 0.5 * pred_h
    x2 = pred_ctr_x + 0.5 * pred_w
    y2 = pred_ctr_y + 0.5 * pred_h

    x1 = jnp.clip(x1, 0.0, im_info[0, 1] - 1.0)
    x2 = jnp.clip(x2, 0.0, im_info[0, 1] - 1.0)
    y1 = jnp.clip(y1, 0.0, im_info[0, 0] - 1.0)
    y2 = jnp.clip(y2, 0.0, im_info[0, 0] - 1.0)
    proposals = jnp.stack([x1, y1, x2, y2], axis=1)

    ws = x2 - x1 + 1.0
    hs = y2 - y1 + 1.0
    min_sz = MIN_SIZE * im_info[0, 2]
    valid = (ws >= min_sz) & (hs >= min_sz)
    fg = jnp.where(valid, fg_scores, -1e9)

    top_scores, top_idx = jax.lax.top_k(fg, PRE_NMS_TOPN)
    top_boxes = proposals[top_idx]

    areas = (top_boxes[:, 2] - top_boxes[:, 0] + 1.0) * (top_boxes[:, 3] - top_boxes[:, 1] + 1.0)
    keep = jnp.ones((PRE_NMS_TOPN,), dtype=jnp.float32)
    idxs = jnp.arange(PRE_NMS_TOPN)
    for i in range(PRE_NMS_TOPN):
        xx1 = jnp.maximum(top_boxes[i, 0], top_boxes[:, 0])
        yy1 = jnp.maximum(top_boxes[i, 1], top_boxes[:, 1])
        xx2 = jnp.minimum(top_boxes[i, 2], top_boxes[:, 2])
        yy2 = jnp.minimum(top_boxes[i, 3], top_boxes[:, 3])
        iw = jnp.maximum(xx2 - xx1 + 1.0, 0.0)
        ih = jnp.maximum(yy2 - yy1 + 1.0, 0.0)
        inter = iw * ih
        iou = inter / (areas[i] + areas - inter)
        suppress = (iou > NMS_THRESH) & (idxs > i) & (keep[i] > 0.0)
        keep = jnp.where(suppress, 0.0, keep)

    final_scores = jnp.where(keep > 0.0, top_scores, -1e9)
    _, sel = jax.lax.top_k(final_scores, AFTER_NMS_TOPN)
    rois = top_boxes[sel]
    return rois

if __name__ == "__main__":
    import jax
    _d = setup_inputs()
    print(jax.jit(kernel)(*tuple(_d.values())))

</pallas_src>

<mosaic_0001>
#map = affine_map<(d0, d1) -> (0)>
module attributes {stable_mosaic.version = 14 : i64} {
  func.func @_sc_body(%arg0: i32, %arg1: i32, %arg2: memref<112640xf32, #tpu.memory_space<hbm>>, %arg3: memref<48xf32, #tpu.memory_space<hbm>>, %arg4: memref<64xf32, #tpu.memory_space<hbm>>, %arg5: memref<7040xf32, #tpu.memory_space<vmem>>, %arg6: memref<1408xf32, #tpu.memory_space<vmem>>, %arg7: memref<1408xf32, #tpu.memory_space<vmem>>, %arg8: memref<1408xf32, #tpu.memory_space<vmem>>, %arg9: memref<1408xf32, #tpu.memory_space<vmem>>, %arg10: memref<1408xf32, #tpu.memory_space<vmem>>, %arg11: memref<1408xf32, #tpu.memory_space<vmem>>, %arg12: memref<48xf32, #tpu.memory_space<vmem>>, %arg13: memref<192xf32, #tpu.memory_space<vmem>>, %arg14: memref<3072xf32, #tpu.memory_space<vmem_shared>>, %arg15: memref<3072xf32, #tpu.memory_space<vmem>>, %arg16: memref<32xf32, #tpu.memory_space<vmem>>, %arg17: memref<32xf32, #tpu.memory_space<vmem>>, %arg18: memref<32xf32, #tpu.memory_space<vmem>>, %arg19: memref<32xf32, #tpu.memory_space<vmem>>, %arg20: memref<32xf32, #tpu.memory_space<vmem>>, %arg21: memref<32xf32, #tpu.memory_space<vmem>>, %arg22: memref<32xf32, #tpu.memory_space<vmem>>, %arg23: memref<32xf32, #tpu.memory_space<vmem>>, %arg24: memref<64xf32, #tpu.memory_space<vmem>>, %arg25: memref<!tpu.dma_semaphore, #tpu.memory_space<semaphore_mem>>) attributes {dimension_semantics = [#tpu.dimension_semantics<core_parallel>, #tpu.dimension_semantics<subcore_parallel>], iteration_bounds = array<i64: 1, 16>, scalar_prefetch = 0 : i64, scratch_operands = 21 : i64, tpu.core_type = #tpu.core_type<sc_vector_subcore>, window_params = [{transform_indices = #map}, {transform_indices = #map}, {transform_indices = #map}]} {
    %iota3A = tpu.iota {dimensions = array<i32: 0>} : vector<16xi32>
    %eq3A = arith.constant 0 : i32
    %eq3A_0 = vector.broadcast %eq3A : i32 to vector<16xi32>
    %eq3A_1 = arith.cmpi eq, %iota3A, %eq3A_0 : vector<16xi32>
    %mul3A = arith.constant 7040 : i32
    %mul3A_2 = arith.muli %arg1, %mul3A : i32
    %dma_start3A = tpu.memref_slice %arg2[%mul3A_2] : memref<112640xf32, #tpu.memory_space<hbm>> -> memref<7040xf32, #tpu.memory_space<hbm>>
    %dma_start3A_3 = tpu.memref_slice %arg2[%mul3A_2] : memref<112640xf32, #tpu.memory_space<hbm>> -> memref<7040xf32, #tpu.memory_space<hbm>>
    tpu.enqueue_dma source(%dma_start3A_3 : memref<7040xf32, #tpu.memory_space<hbm>>) target(%arg5 : memref<7040xf32, #tpu.memory_space<vmem>>) target_semaphore(%arg25 : memref<!tpu.dma_semaphore, #tpu.memory_space<semaphore_mem>>)
    "tpu.region"() ({
      %run_scoped3A = tpu.sem_alloc : memref<!tpu.dma_semaphore, #tpu.memory_space<semaphore_mem>>
      tpu.enqueue_dma source(%arg3 : memref<48xf32, #tpu.memory_space<hbm>>) target(%arg12 : memref<48xf32, #tpu.memory_space<vmem>>) target_semaphore(%run_scoped3A : memref<!tpu.dma_semaphore, #tpu.memory_space<semaphore_mem>>)
      tpu.wait_dma2 semaphore(%run_scoped3A : memref<!tpu.dma_semaphore, #tpu.memory_space<semaphore_mem>>) src(%arg3 : memref<48xf32, #tpu.memory_space<hbm>>) dst(%arg12 : memref<48xf32, #tpu.memory_space<vmem>>)
      tpu.yield
    }) : () -> ()
    %dma_wait3A = tpu.memref_slice %arg2[%mul3A_2] : memref<112640xf32, #tpu.memory_space<hbm>> -> memref<7040xf32, #tpu.memory_space<hbm>>
    %dma_wait3A_4 = tpu.memref_slice %arg2[%mul3A_2] : memref<112640xf32, #tpu.memory_space<hbm>> -> memref<7040xf32, #tpu.memory_space<hbm>>
    tpu.wait_dma2 semaphore(%arg25 : memref<!tpu.dma_semaphore, #tpu.memory_space<semaphore_mem>>) src(%dma_wait3A_4 : memref<7040xf32, #tpu.memory_space<hbm>>) dst(%arg5 : memref<7040xf32, #tpu.memory_space<vmem>>)
    %get3A = arith.constant 0 : index
    %get3A_5 = tpu.vector_load %arg12[%get3A] {strides = array<i32>} : memref<48xf32, #tpu.memory_space<vmem>>, vector<16xf32>,
    %get3A_6 = arith.constant 16 : index
    %get3A_7 = tpu.vector_load %arg12[%get3A_6] {strides = array<i32>} : memref<48xf32, #tpu.memory_space<vmem>>, vector<16xf32>,
    %get3A_8 = arith.constant 32 : index
    %get3A_9 = tpu.vector_load %arg12[%get3A_8] {strides = array<i32>} : memref<48xf32, #tpu.memory_space<vmem>>, vector<16xf32>,
    %mul3A_10 = arith.constant 5.000000e+00 : f32
    %mul3A_11 = vector.broadcast %mul3A_10 : f32 to vector<16xf32>
    %mul3A_12 = arith.mulf %mul3A_11, %get3A_9 : vector<16xf32>
    %mul3A_13 = arith.constant 1408 : i32
    %mul3A_14 = arith.muli %arg1, %mul3A_13 : i32
    %convert_element_type3A = arith.sitofp %mul3A_14 : i32 to f32
    %scan3A = arith.constant 0 : i32
    %scan3A_15 = arith.constant 0 : i32
    %scan3A_16 = arith.constant 22 : i32
    %scan3A_17 = arith.addi %scan3A_15, %scan3A_16 : i32
    %scan3A_18 = arith.constant 1 : i32
    %scan3A_19 = scf.for %scan3A_80 = %scan3A_15 to %scan3A_17 step %scan3A_18 iter_args(%scan3A_81 = %scan3A) -> (i32)  : i32 {
      %mul3A_82 = arith.constant 64 : i32
      %mul3A_83 = arith.muli %scan3A_80, %mul3A_82 : i32
      %add3A = arith.constant 0 : i32
      %add3A_84 = arith.addi %mul3A_83, %add3A : i32
      %add3A_85 = arith.addi %mul3A_14, %add3A_84 : i32
      %add3A_86 = vector.broadcast %add3A_85 : i32 to vector<16xi32>
      %add3A_87 = arith.addi %add3A_86, %iota3A : vector<16xi32>
      %convert_element_type3A_88 = arith.sitofp %add3A_87 : vector<16xi32> to vector<16xf32>
      %div3A = arith.constant 2.500000e+03 : f32
      %div3A_89 = vector.broadcast %div3A : f32 to vector<16xf32>
      %div3A_90 = arith.divf %convert_element_type3A_88, %div3A_89 : vector<16xf32>
      %convert_element_type3A_91 = arith.fptosi %div3A_90 : vector<16xf32> to vector<16xi32>
      %convert_element_type3A_92 = arith.sitofp %convert_element_type3A_91 : vector<16xi32> to vector<16xf32>
      %mul3A_93 = arith.constant 2.500000e+03 : f32
      %mul3A_94 = vector.broadcast %mul3A_93 : f32 to vector<16xf32>
      %mul3A_95 = arith.mulf %convert_element_type3A_92, %mul3A_94 : vector<16xf32>
      %sub3A = arith.subf %convert_element_type3A_88, %mul3A_95 : vector<16xf32>
      %mul3A_96 = arith.constant 9.000000e+00 : f32
      %mul3A_97 = vector.broadcast %mul3A_96 : f32 to vector<16xf32>
      %mul3A_98 = arith.mulf %sub3A, %mul3A_97 : vector<16xf32>
      %add3A_99 = arith.addf %mul3A_98, %convert_element_type3A_92 : vector<16xf32>
      %div3A_100 = arith.constant 5.000000e+01 : f32
      %div3A_101 = vector.broadcast %div3A_100 : f32 to vector<16xf32>
      %div3A_102 = arith.divf %sub3A, %div3A_101 : vector<16xf32>
      %convert_element_type3A_103 = arith.fptosi %div3A_102 : vector<16xf32> to vector<16xi32>
      %convert_element_type3A_104 = arith.sitofp %convert_element_type3A_103 : vector<16xi32> to vector<16xf32>
      %mul3A_105 = arith.constant 5.000000e+01 : f32
      %mul3A_106 = vector.broadcast %mul3A_105 : f32 to vector<16xf32>
      %mul3A_107 = arith.mulf %convert_element_type3A_104, %mul3A_106 : vector<16xf32>
      %sub3A_108 = arith.subf %sub3A, %mul3A_107 : vector<16xf32>
      %div3A_109 = arith.constant 3.000000e+00 : f32
      %div3A_110 = vector.broadcast %div3A_109 : f32 to vector<16xf32>
      %div3A_111 = arith.divf %convert_element_type3A_92, %div3A_110 : vector<16xf32>
      %convert_element_type3A_112 = arith.fptosi %div3A_111 : vector<16xf32> to vector<16xi32>
      %convert_element_type3A_113 = arith.sitofp %convert_element_type3A_112 : vector<16xi32> to vector<16xf32>
      %mul3A_114 = arith.constant 3.000000e+00 : f32
      %mul3A_115 = vector.broadcast %mul3A_114 : f32 to vector<16xf32>
      %mul3A_116 = arith.mulf %convert_element_type3A_113, %mul3A_115 : vector<16xf32>
      %sub3A_117 = arith.subf %convert_element_type3A_92, %mul3A_116 : vector<16xf32>
      %eq3A_118 = arith.constant 0.000000e+00 : f32
      %eq3A_119 = vector.broadcast %eq3A_118 : f32 to vector<16xf32>
      %eq3A_120 = arith.cmpf oeq, %convert_element_type3A_113, %eq3A_119 : vector<16xf32>
      %eq3A_121 = arith.constant 1.000000e+00 : f32
      %eq3A_122 = vector.broadcast %eq3A_121 : f32 to vector<16xf32>
      %eq3A_123 = arith.cmpf oeq, %convert_element_type3A_113, %eq3A_122 : vector<16xf32>
      %jit3A = arith.constant 1.600000e+01 : f32
      %jit3A_124 = arith.constant 1.100000e+01 : f32
      %broadcast_in_dim3A_125 = vector.broadcast %jit3A : f32 to vector<16xf32>
      %broadcast_in_dim3A_126 = vector.broadcast %jit3A_124 : f32 to vector<16xf32>
      %select_n3A = arith.select %eq3A_123, %broadcast_in_dim3A_125, %broadcast_in_dim3A_126 : vector<16xi1>, vector<16xf32>
      %jit3A_127 = arith.constant 2.300000e+01 : f32
      %broadcast_in_dim3A_128 = vector.broadcast %jit3A_127 : f32 to vector<16xf32>
      %select_n3A_129 = arith.select %eq3A_120, %broadcast_in_dim3A_128, %select_n3A : vector<16xi1>, vector<16xf32>
      %eq3A_130 = arith.constant 0.000000e+00 : f32
      %eq3A_131 = vector.broadcast %eq3A_130 : f32 to vector<16xf32>
      %eq3A_132 = arith.cmpf oeq, %convert_element_type3A_113, %eq3A_131 : vector<16xf32>
      %eq3A_133 = arith.constant 1.000000e+00 : f32
      %eq3A_134 = vector.broadcast %eq3A_133 : f32 to vector<16xf32>
      %eq3A_135 = arith.cmpf oeq, %convert_element_type3A_113, %eq3A_134 : vector<16xf32>
      %jit3A_136 = arith.constant 1.600000e+01 : f32
      %jit3A_137 = arith.constant 2.200000e+01 : f32
      %broadcast_in_dim3A_138 = vector.broadcast %jit3A_136 : f32 to vector<16xf32>
      %broadcast_in_dim3A_139 = vector.broadcast %jit3A_137 : f32 to vector<16xf32>
      %select_n3A_140 = arith.select %eq3A_135, %broadcast_in_dim3A_138, %broadcast_in_dim3A_139 : vector<16xi1>, vector<16xf32>
      %jit3A_141 = arith.constant 1.200000e+01 : f32
      %broadcast_in_dim3A_142 = vector.broadcast %jit3A_141 : f32 to vector<16xf32>
      %select_n3A_143 = arith.select %eq3A_132, %broadcast_in_dim3A_142, %select_n3A_140 : vector<16xi1>, vector<16xf32>
      %eq3A_144 = arith.constant 0.000000e+00 : f32
      %eq3A_145 = vector.broadcast %eq3A_144 : f32 to vector<16xf32>
      %eq3A_146 = arith.cmpf oeq, %sub3A_117, %eq3A_145 : vector<16xf32>
      %eq3A_147 = arith.constant 1.000000e+00 : f32
      %eq3A_148 = vector.broadcast %eq3A_147 : f32 to vector<16xf32>
      %eq3A_149 = arith.cmpf oeq, %sub3A_117, %eq3A_148 : vector<16xf32>
      %jit3A_150 = arith.constant 1.600000e+01 : f32
      %jit3A_151 = arith.constant 3.200000e+01 : f32
      %broadcast_in_dim3A_152 = vector.broadcast %jit3A_150 : f32 to vector<16xf32>
      %broadcast_in_dim3A_153 = vector.broadcast %jit3A_151 : f32 to vector<16xf32>
      %select_n3A_154 = arith.select %eq3A_149, %broadcast_in_dim3A_152, %broadcast_in_dim3A_153 : vector<16xi1>, vector<16xf32>
      %jit3A_155 = arith.constant 8.000000e+00 : f32
      %broadcast_in_dim3A_156 = vector.broadcast %jit3A_155 : f32 to vector<16xf32>
      %select_n3A_157 = arith.select %eq3A_146, %broadcast_in_dim3A_156, %select_n3A_154 : vector<16xi1>, vector<16xf32>
      %mul3A_158 = arith.mulf %select_n3A_129, %select_n3A_157 : vector<16xf32>
      %mul3A_159 = arith.mulf %select_n3A_143, %select_n3A_157 : vector<16xf32>
      %mul3A_160 = arith.constant 1.600000e+01 : f32
      %mul3A_161 = vector.broadcast %mul3A_160 : f32 to vector<16xf32>
      %mul3A_162 = arith.mulf %sub3A_108, %mul3A_161 : vector<16xf32>
      %add3A_163 = arith.constant 8.000000e+00 : f32
      %add3A_164 = vector.broadcast %add3A_163 : f32 to vector<16xf32>
      %add3A_165 = arith.addf %add3A_164, %mul3A_162 : vector<16xf32>
      %mul3A_166 = arith.constant 1.600000e+01 : f32
      %mul3A_167 = vector.broadcast %mul3A_166 : f32 to vector<16xf32>
      %mul3A_168 = arith.mulf %convert_element_type3A_104, %mul3A_167 : vector<16xf32>
      %add3A_169 = arith.constant 8.000000e+00 : f32
      %add3A_170 = vector.broadcast %add3A_169 : f32 to vector<16xf32>
      %add3A_171 = arith.addf %add3A_170, %mul3A_168 : vector<16xf32>
      %add3A_172 = arith.constant 1408 : i32
      %add3A_173 = arith.addi %add3A_172, %add3A_84 : i32
      %get3A_174 = arith.index_cast %add3A_173 : i32 to index
      %get3A_175 = tpu.vector_load %arg5[%get3A_174] {strides = array<i32>} : memref<7040xf32, #tpu.memory_space<vmem>>, vector<16xf32>,
      %add3A_176 = arith.constant 2816 : i32
      %add3A_177 = arith.addi %add3A_176, %add3A_84 : i32
      %get3A_178 = arith.index_cast %add3A_177 : i32 to index
      %get3A_179 = tpu.vector_load %arg5[%get3A_178] {strides = array<i32>} : memref<7040xf32, #tpu.memory_space<vmem>>, vector<16xf32>,
      %add3A_180 = arith.constant 4224 : i32
      %add3A_181 = arith.addi %add3A_180, %add3A_84 : i32
      %get3A_182 = arith.index_cast %add3A_181 : i32 to index
      %get3A_183 = tpu.vector_load %arg5[%get3A_182] {strides = array<i32>} : memref<7040xf32, #tpu.memory_space<vmem>>, vector<16xf32>,
      %jit3A_184 = arith.constant -1.000000e+01 : f32
      %jit3A_185 = arith.constant 4.135000e+00 : f32
      %max3A = vector.broadcast %jit3A_184 : f32 to vector<16xf32>
      %max3A_186 = arith.maximumf %max3A, %get3A_183 : vector<16xf32>
      %min3A = vector.broadcast %jit3A_185 : f32 to vector<16xf32>
      %min3A_187 = arith.minimumf %min3A, %max3A_186 : vector<16xf32>
      %add3A_188 = arith.constant 5632 : i32
      %add3A_189 = arith.addi %add3A_188, %add3A_84 : i32
      %get3A_190 = arith.index_cast %add3A_189 : i32 to index
      %get3A_191 = tpu.vector_load %arg5[%get3A_190] {strides = array<i32>} : memref<7040xf32, #tpu.memory_space<vmem>>, vector<16xf32>,
      %jit3A_192 = arith.constant -1.000000e+01 : f32
      %jit3A_193 = arith.constant 4.135000e+00 : f32
      %max3A_194 = vector.broadcast %jit3A_192 : f32 to vector<16xf32>
      %max3A_195 = arith.maximumf %max3A_194, %get3A_191 : vector<16xf32>
      %min3A_196 = vector.broadcast %jit3A_193 : f32 to vector<16xf32>
      %min3A_197 = arith.minimumf %min3A_196, %max3A_195 : vector<16xf32>
      %mul3A_198 = arith.mulf %get3A_175, %mul3A_158 : vector<16xf32>
      %add3A_199 = arith.addf %mul3A_198, %add3A_165 : vector<16xf32>
      %mul3A_200 = arith.mulf %get3A_179, %mul3A_159 : vector<16xf32>
      %add3A_201 = arith.addf %mul3A_200, %add3A_171 : vector<16xf32>
      %exp3A = math.exp %min3A_187 : vector<16xf32>
      %mul3A_202 = arith.mulf %exp3A, %mul3A_158 : vector<16xf32>
      %exp3A_203 = math.exp %min3A_197 : vector<16xf32>
      %mul3A_204 = arith.mulf %exp3A_203, %mul3A_159 : vector<16xf32>
      %mul3A_205 = arith.constant 5.000000e-01 : f32
      %mul3A_206 = vector.broadcast %mul3A_205 : f32 to vector<16xf32>
      %mul3A_207 = arith.mulf %mul3A_206, %mul3A_202 : vector<16xf32>
      %sub3A_208 = arith.subf %add3A_199, %mul3A_207 : vector<16xf32>
      %sub3A_209 = arith.constant 1.000000e+00 : f32
      %sub3A_210 = vector.broadcast %sub3A_209 : f32 to vector<16xf32>
      %sub3A_211 = arith.subf %get3A_7, %sub3A_210 : vector<16xf32>
      %jit3A_212 = arith.constant 0.000000e+00 : f32
      %max3A_213 = vector.broadcast %jit3A_212 : f32 to vector<16xf32>
      %max3A_214 = arith.maximumf %max3A_213, %sub3A_208 : vector<16xf32>
      %min3A_215 = arith.minimumf %sub3A_211, %max3A_214 : vector<16xf32>
      %mul3A_216 = arith.constant 5.000000e-01 : f32
      %mul3A_217 = vector.broadcast %mul3A_216 : f32 to vector<16xf32>
      %mul3A_218 = arith.mulf %mul3A_217, %mul3A_202 : vector<16xf32>
      %add3A_219 = arith.addf %add3A_199, %mul3A_218 : vector<16xf32>
      %sub3A_220 = arith.constant 1.000000e+00 : f32
      %sub3A_221 = vector.broadcast %sub3A_220 : f32 to vector<16xf32>
      %sub3A_222 = arith.subf %get3A_7, %sub3A_221 : vector<16xf32>
      %jit3A_223 = arith.constant 0.000000e+00 : f32
      %max3A_224 = vector.broadcast %jit3A_223 : f32 to vector<16xf32>
      %max3A_225 = arith.maximumf %max3A_224, %add3A_219 : vector<16xf32>
      %min3A_226 = arith.minimumf %sub3A_222, %max3A_225 : vector<16xf32>
      %mul3A_227 = arith.constant 5.000000e-01 : f32
      %mul3A_228 = vector.broadcast %mul3A_227 : f32 to vector<16xf32>
      %mul3A_229 = arith.mulf %mul3A_228, %mul3A_204 : vector<16xf32>
      %sub3A_230 = arith.subf %add3A_201, %mul3A_229 : vector<16xf32>
      %sub3A_231 = arith.constant 1.000000e+00 : f32
      %sub3A_232 = vector.broadcast %sub3A_231 : f32 to vector<16xf32>
      %sub3A_233 = arith.subf %get3A_5, %sub3A_232 : vector<16xf32>
      %jit3A_234 = arith.constant 0.000000e+00 : f32
      %max3A_235 = vector.broadcast %jit3A_234 : f32 to vector<16xf32>
      %max3A_236 = arith.maximumf %max3A_235, %sub3A_230 : vector<16xf32>
      %min3A_237 = arith.minimumf %sub3A_233, %max3A_236 : vector<16xf32>
      %mul3A_238 = arith.constant 5.000000e-01 : f32
      %mul3A_239 = vector.broadcast %mul3A_238 : f32 to vector<16xf32>
      %mul3A_240 = arith.mulf %mul3A_239, %mul3A_204 : vector<16xf32>
      %add3A_241 = arith.addf %add3A_201, %mul3A_240 : vector<16xf32>
      %sub3A_242 = arith.constant 1.000000e+00 : f32
      %sub3A_243 = vector.broadcast %sub3A_242 : f32 to vector<16xf32>
      %sub3A_244 = arith.subf %get3A_5, %sub3A_243 : vector<16xf32>
      %jit3A_245 = arith.constant 0.000000e+00 : f32
      %max3A_246 = vector.broadcast %jit3A_245 : f32 to vector<16xf32>
      %max3A_247 = arith.maximumf %max3A_246, %add3A_241 : vector<16xf32>
      %min3A_248 = arith.minimumf %sub3A_244, %max3A_247 : vector<16xf32>
      %sub3A_249 = arith.subf %min3A_226, %min3A_215 : vector<16xf32>
      %add3A_250 = arith.constant 1.000000e+00 : f32
      %add3A_251 = vector.broadcast %add3A_250 : f32 to vector<16xf32>
      %add3A_252 = arith.addf %sub3A_249, %add3A_251 : vector<16xf32>
      %sub3A_253 = arith.subf %min3A_248, %min3A_237 : vector<16xf32>
      %add3A_254 = arith.constant 1.000000e+00 : f32
      %add3A_255 = vector.broadcast %add3A_254 : f32 to vector<16xf32>
      %add3A_256 = arith.addf %sub3A_253, %add3A_255 : vector<16xf32>
      %ge3A = arith.cmpf oge, %add3A_252, %mul3A_12 : vector<16xf32>
      %ge3A_257 = arith.cmpf oge, %add3A_256, %mul3A_12 : vector<16xf32>
      %and3A = arith.andi %ge3A, %ge3A_257 : vector<16xi1>
      %get3A_258 = arith.index_cast %add3A_84 : i32 to index
      %get3A_259 = tpu.vector_load %arg5[%get3A_258] {strides = array<i32>} : memref<7040xf32, #tpu.memory_space<vmem>>, vector<16xf32>,
      %jit3A_260 = arith.constant -1.000000e+09 : f32
      %broadcast_in_dim3A_261 = vector.broadcast %jit3A_260 : f32 to vector<16xf32>
      %select_n3A_262 = arith.select %and3A, %get3A_259, %broadcast_in_dim3A_261 : vector<16xi1>, vector<16xf32>
      %lt3A = arith.constant 2.250000e+04 : f32
      %lt3A_263 = vector.broadcast %lt3A : f32 to vector<16xf32>
      %lt3A_264 = arith.cmpf olt, %convert_element_type3A_88, %lt3A_263 : vector<16xf32>
      %jit3A_265 = arith.constant -3.000000e+38 : f32
      %broadcast_in_dim3A_266 = vector.broadcast %jit3A_265 : f32 to vector<16xf32>
      %select_n3A_267 = arith.select %lt3A_264, %select_n3A_262, %broadcast_in_dim3A_266 : vector<16xi1>, vector<16xf32>
      %swap3A_268 = arith.index_cast %add3A_84 : i32 to index
      %swap3A_269 = tpu.vector_load %arg6[%swap3A_268] {strides = array<i32>} : memref<1408xf32, #tpu.memory_space<vmem>>, vector<16xf32>,
      tpu.vector_store %arg6[%swap3A_268], %select_n3A_267 {strides = array<i32>} : memref<1408xf32, #tpu.memory_space<vmem>>, vector<16xf32>,
      %swap3A_270 = arith.index_cast %add3A_84 : i32 to index
      %swap3A_271 = tpu.vector_load %arg7[%swap3A_270] {strides = array<i32>} : memref<1408xf32, #tpu.memory_space<vmem>>, vector<16xf32>,
      tpu.vector_store %arg7[%swap3A_270], %add3A_99 {strides = array<i32>} : memref<1408xf32, #tpu.memory_space<vmem>>, vector<16xf32>,
      %swap3A_272 = arith.index_cast %add3A_84 : i32 to index
      %swap3A_273 = tpu.vector_load %arg8[%swap3A_272] {strides = array<i32>} : memref<1408xf32, #tpu.memory_space<vmem>>, vector<16xf32>,
      tpu.vector_store %arg8[%swap3A_272], %min3A_215 {strides = array<i32>} : memref<1408xf32, #tpu.memory_space<vmem>>, vector<16xf32>,
      %swap3A_274 = arith.index_cast %add3A_84 : i32 to index
      %swap3A_275 = tpu.vector_load %arg9[%swap3A_274] {strides = array<i32>} : memref<1408xf32, #tpu.memory_space<vmem>>, vector<16xf32>,
      tpu.vector_store %arg9[%swap3A_274], %min3A_237 {strides = array<i32>} : memref<1408xf32, #tpu.memory_space<vmem>>, vector<16xf32>,
      %swap3A_276 = arith.index_cast %add3A_84 : i32 to index
      %swap3A_277 = tpu.vector_load %arg10[%swap3A_276] {strides = array<i32>} : memref<1408xf32, #tpu.memory_space<vmem>>, vector<16xf32>,
      tpu.vector_store %arg10[%swap3A_276], %min3A_226 {strides = array<i32>} : memref<1408xf32, #tpu.memory_space<vmem>>, vector<16xf32>,
      %swap3A_278 = arith.index_cast %add3A_84 : i32 to index
      %swap3A_279 = tpu.vector_load %arg11[%swap3A_278] {strides = array<i32>} : memref<1408xf32, #tpu.memory_space<vmem>>, vector<16xf32>,
      tpu.vector_store %arg11[%swap3A_278], %min3A_248 {strides = array<i32>} : memref<1408xf32, #tpu.memory_space<vmem>>, vector<16xf32>,
      %mul3A_280 = arith.constant 64 : i32
      %mul3A_281 = arith.muli %scan3A_80, %mul3A_280 : i32
      %add3A_282 = arith.constant 16 : i32
      %add3A_283 = arith.addi %mul3A_281, %add3A_282 : i32
      %add3A_284 = arith.addi %mul3A_14, %add3A_283 : i32
      %add3A_285 = vector.broadcast %add3A_284 : i32 to vector<16xi32>
      %add3A_286 = arith.addi %add3A_285, %iota3A : vector<16xi32>
      %convert_element_type3A_287 = arith.sitofp %add3A_286 : vector<16xi32> to vector<16xf32>
      %div3A_288 = arith.constant 2.500000e+03 : f32
      %div3A_289 = vector.broadcast %div3A_288 : f32 to vector<16xf32>
      %div3A_290 = arith.divf %convert_element_type3A_287, %div3A_289 : vector<16xf32>
      %convert_element_type3A_291 = arith.fptosi %div3A_290 : vector<16xf32> to vector<16xi32>
      %convert_element_type3A_292 = arith.sitofp %convert_element_type3A_291 : vector<16xi32> to vector<16xf32>
      %mul3A_293 = arith.constant 2.500000e+03 : f32
      %mul3A_294 = vector.broadcast %mul3A_293 : f32 to vector<16xf32>
      %mul3A_295 = arith.mulf %convert_element_type3A_292, %mul3A_294 : vector<16xf32>
      %sub3A_296 = arith.subf %convert_element_type3A_287, %mul3A_295 : vector<16xf32>
      %mul3A_297 = arith.constant 9.000000e+00 : f32
      %mul3A_298 = vector.broadcast %mul3A_297 : f32 to vector<16xf32>
      %mul3A_299 = arith.mulf %sub3A_296, %mul3A_298 : vector<16xf32>
      %add3A_300 = arith.addf %mul3A_299, %convert_element_type3A_292 : vector<16xf32>
      %div3A_301 = arith.constant 5.000000e+01 : f32
      %div3A_302 = vector.broadcast %div3A_301 : f32 to vector<16xf32>
      %div3A_303 = arith.divf %sub3A_296, %div3A_302 : vector<16xf32>
      %convert_element_type3A_304 = arith.fptosi %div3A_303 : vector<16xf32> to vector<16xi32>
      %convert_element_type3A_305 = arith.sitofp %convert_element_type3A_304 : vector<16xi32> to vector<16xf32>
      %mul3A_306 = arith.constant 5.000000e+01 : f32
      %mul3A_307 = vector.broadcast %mul3A_306 : f32 to vector<16xf32>
      %mul3A_308 = arith.mulf %convert_element_type3A_305, %mul3A_307 : vector<16xf32>
      %sub3A_309 = arith.subf %sub3A_296, %mul3A_308 : vector<16xf32>
      %div3A_310 = arith.constant 3.000000e+00 : f32
      %div3A_311 = vector.broadcast %div3A_310 : f32 to vector<16xf32>
      %div3A_312 = arith.divf %convert_element_type3A_292, %div3A_311 : vector<16xf32>
      %convert_element_type3A_313 = arith.fptosi %div3A_312 : vector<16xf32> to vector<16xi32>
      %convert_element_type3A_314 = arith.sitofp %convert_element_type3A_313 : vector<16xi32> to vector<16xf32>
      %mul3A_315 = arith.constant 3.000000e+00 : f32
      %mul3A_316 = vector.broadcast %mul3A_315 : f32 to vector<16xf32>
      %mul3A_317 = arith.mulf %convert_element_type3A_314, %mul3A_316 : vector<16xf32>
      %sub3A_318 = arith.subf %convert_element_type3A_292, %mul3A_317 : vector<16xf32>
      %eq3A_319 = arith.constant 0.000000e+00 : f32
      %eq3A_320 = vector.broadcast %eq3A_319 : f32 to vector<16xf32>
      %eq3A_321 = arith.cmpf oeq, %convert_element_type3A_314, %eq3A_320 : vector<16xf32>
      %eq3A_322 = arith.constant 1.000000e+00 : f32
      %eq3A_323 = vector.broadcast %eq3A_322 : f32 to vector<16xf32>
      %eq3A_324 = arith.cmpf oeq, %convert_element_type3A_314, %eq3A_323 : vector<16xf32>
      %jit3A_325 = arith.constant 1.600000e+01 : f32
      %jit3A_326 = arith.constant 1.100000e+01 : f32
      %broadcast_in_dim3A_327 = vector.broadcast %jit3A_325 : f32 to vector<16xf32>
      %broadcast_in_dim3A_328 = vector.broadcast %jit3A_326 : f32 to vector<16xf32>
      %select_n3A_329 = arith.select %eq3A_324, %broadcast_in_dim3A_327, %broadcast_in_dim3A_328 : vector<16xi1>, vector<16xf32>
      %jit3A_330 = arith.constant 2.300000e+01 : f32
      %broadcast_in_dim3A_331 = vector.broadcast %jit3A_330 : f32 to vector<16xf32>
      %select_n3A_332 = arith.select %eq3A_321, %broadcast_in_dim3A_331, %select_n3A_329 : vector<16xi1>, vector<16xf32>
      %eq3A_333 = arith.constant 0.000000e+00 : f32
      %eq3A_334 = vector.broadcast %eq3A_333 : f32 to vector<16xf32>
      %eq3A_335 = arith.cmpf oeq, %convert_element_type3A_314, %eq3A_334 : vector<16xf32>
      %eq3A_336 = arith.constant 1.000000e+00 : f32
      %eq3A_337 = vector.broadcast %eq3A_336 : f32 to vector<16xf32>
      %eq3A_338 = arith.cmpf oeq, %convert_element_type3A_314, %eq3A_337 : vector<16xf32>
      %jit3A_339 = arith.constant 1.600000e+01 : f32
      %jit3A_340 = arith.constant 2.200000e+01 : f32
      %broadcast_in_dim3A_341 = vector.broadcast %jit3A_339 : f32 to vector<16xf32>
      %broadcast_in_dim3A_342 = vector.broadcast %jit3A_340 : f32 to vector<16xf32>
      %select_n3A_343 = arith.select %eq3A_338, %broadcast_in_dim3A_341, %broadcast_in_dim3A_342 : vector<16xi1>, vector<16xf32>
      %jit3A_344 = arith.constant 1.200000e+01 : f32
      %broadcast_in_dim3A_345 = vector.broadcast %jit3A_344 : f32 to vector<16xf32>
      %select_n3A_346 = arith.select %eq3A_335, %broadcast_in_dim3A_345, %select_n3A_343 : vector<16xi1>, vector<16xf32>
      %eq3A_347 = arith.constant 0.000000e+00 : f32
      %eq3A_348 = vector.broadcast %eq3A_347 : f32 to vector<16xf32>
      %eq3A_349 = arith.cmpf oeq, %sub3A_318, %eq3A_348 : vector<16xf32>
      %eq3A_350 = arith.constant 1.000000e+00 : f32
      %eq3A_351 = vector.broadcast %eq3A_350 : f32 to vector<16xf32>
      %eq3A_352 = arith.cmpf oeq, %sub3A_318, %eq3A_351 : vector<16xf32>
      %jit3A_353 = arith.constant 1.600000e+01 : f32
      %jit3A_354 = arith.constant 3.200000e+01 : f32
      %broadcast_in_dim3A_355 = vector.broadcast %jit3A_353 : f32 to vector<16xf32>
      %broadcast_in_dim3A_356 = vector.broadcast %jit3A_354 : f32 to vector<16xf32>
      %select_n3A_357 = arith.select %eq3A_352, %broadcast_in_dim3A_355, %broadcast_in_dim3A_356 : vector<16xi1>, vector<16xf32>
      %jit3A_358 = arith.constant 8.000000e+00 : f32
      %broadcast_in_dim3A_359 = vector.broadcast %jit3A_358 : f32 to vector<16xf32>
      %select_n3A_360 = arith.select %eq3A_349, %broadcast_in_dim3A_359, %select_n3A_357 : vector<16xi1>, vector<16xf32>
      %mul3A_361 = arith.mulf %select_n3A_332, %select_n3A_360 : vector<16xf32>
      %mul3A_362 = arith.mulf %select_n3A_346, %select_n3A_360 : vector<16xf32>
      %mul3A_363 = arith.constant 1.600000e+01 : f32
      %mul3A_364 = vector.broadcast %mul3A_363 : f32 to vector<16xf32>
      %mul3A_365 = arith.mulf %sub3A_309, %mul3A_364 : vector<16xf32>
      %add3A_366 = arith.constant 8.000000e+00 : f32
      %add3A_367 = vector.broadcast %add3A_366 : f32 to vector<16xf32>
      %add3A_368 = arith.addf %add3A_367, %mul3A_365 : vector<16xf32>
      %mul3A_369 = arith.constant 1.600000e+01 : f32
      %mul3A_370 = vector.broadcast %mul3A_369 : f32 to vector<16xf32>
      %mul3A_371 = arith.mulf %convert_element_type3A_305, %mul3A_370 : vector<16xf32>
      %add3A_372 = arith.constant 8.000000e+00 : f32
      %add3A_373 = vector.broadcast %add3A_372 : f32 to vector<16xf32>
      %add3A_374 = arith.addf %add3A_373, %mul3A_371 : vector<16xf32>
      %add3A_375 = arith.constant 1408 : i32
      %add3A_376 = arith.addi %add3A_375, %add3A_283 : i32
      %get3A_377 = arith.index_cast %add3A_376 : i32 to index
      %get3A_378 = tpu.vector_load %arg5[%get3A_377] {strides = array<i32>} : memref<7040xf32, #tpu.memory_space<vmem>>, vector<16xf32>,
      %add3A_379 = arith.constant 2816 : i32
      %add3A_380 = arith.addi %add3A_379, %add3A_283 : i32
      %get3A_381 = arith.index_cast %add3A_380 : i32 to index
      %get3A_382 = tpu.vector_load %arg5[%get3A_381] {strides = array<i32>} : memref<7040xf32, #tpu.memory_space<vmem>>, vector<16xf32>,
      %add3A_383 = arith.constant 4224 : i32
      %add3A_384 = arith.addi %add3A_383, %add3A_283 : i32
      %get3A_385 = arith.index_cast %add3A_384 : i32 to index
      %get3A_386 = tpu.vector_load %arg5[%get3A_385] {strides = array<i32>} : memref<7040xf32, #tpu.memory_space<vmem>>, vector<16xf32>,
      %jit3A_387 = arith.constant -1.000000e+01 : f32
      %jit3A_388 = arith.constant 4.135000e+00 : f32
      %max3A_389 = vector.broadcast %jit3A_387 : f32 to vector<16xf32>
      %max3A_390 = arith.maximumf %max3A_389, %get3A_386 : vector<16xf32>
      %min3A_391 = vector.broadcast %jit3A_388 : f32 to vector<16xf32>
      %min3A_392 = arith.minimumf %min3A_391, %max3A_390 : vector<16xf32>
      %add3A_393 = arith.constant 5632 : i32
      %add3A_394 = arith.addi %add3A_393, %add3A_283 : i32
      %get3A_395 = arith.index_cast %add3A_394 : i32 to index
      %get3A_396 = tpu.vector_load %arg5[%get3A_395] {strides = array<i32>} : memref<7040xf32, #tpu.memory_space<vmem>>, vector<16xf32>,
      %jit3A_397 = arith.constant -1.000000e+01 : f32
      %jit3A_398 = arith.constant 4.135000e+00 : f32
      %max3A_399 = vector.broadcast %jit3A_397 : f32 to vector<16xf32>
      %max3A_400 = arith.maximumf %max3A_399, %get3A_396 : vector<16xf32>
      %min3A_401 = vector.broadcast %jit3A_398 : f32 to vector<16xf32>
      %min3A_402 = arith.minimumf %min3A_401, %max3A_400 : vector<16xf32>
      %mul3A_403 = arith.mulf %get3A_378, %mul3A_361 : vector<16xf32>
      %add3A_404 = arith.addf %mul3A_403, %add3A_368 : vector<16xf32>
      %mul3A_405 = arith.mulf %get3A_382, %mul3A_362 : vector<16xf32>
      %add3A_406 = arith.addf %mul3A_405, %add3A_374 : vector<16xf32>
      %exp3A_407 = math.exp %min3A_392 : vector<16xf32>
      %mul3A_408 = arith.mulf %exp3A_407, %mul3A_361 : vector<16xf32>
      %exp3A_409 = math.exp %min3A_402 : vector<16xf32>
      %mul3A_410 = arith.mulf %exp3A_409, %mul3A_362 : vector<16xf32>
      %mul3A_411 = arith.constant 5.000000e-01 : f32
      %mul3A_412 = vector.broadcast %mul3A_411 : f32 to vector<16xf32>
      %mul3A_413 = arith.mulf %mul3A_412, %mul3A_408 : vector<16xf32>
      %sub3A_414 = arith.subf %add3A_404, %mul3A_413 : vector<16xf32>
      %sub3A_415 = arith.constant 1.000000e+00 : f32
      %sub3A_416 = vector.broadcast %sub3A_415 : f32 to vector<16xf32>
      %sub3A_417 = arith.subf %get3A_7, %sub3A_416 : vector<16xf32>
      %jit3A_418 = arith.constant 0.000000e+00 : f32
      %max3A_419 = vector.broadcast %jit3A_418 : f32 to vector<16xf32>
      %max3A_420 = arith.maximumf %max3A_419, %sub3A_414 : vector<16xf32>
      %min3A_421 = arith.minimumf %sub3A_417, %max3A_420 : vector<16xf32>
      %mul3A_422 = arith.constant 5.000000e-01 : f32
      %mul3A_423 = vector.broadcast %mul3A_422 : f32 to vector<16xf32>
      %mul3A_424 = arith.mulf %mul3A_423, %mul3A_408 : vector<16xf32>
      %add3A_425 = arith.addf %add3A_404, %mul3A_424 : vector<16xf32>
      %sub3A_426 = arith.constant 1.000000e+00 : f32
      %sub3A_427 = vector.broadcast %sub3A_426 : f32 to vector<16xf32>
      %sub3A_428 = arith.subf %get3A_7, %sub3A_427 : vector<16xf32>
      %jit3A_429 = arith.constant 0.000000e+00 : f32
      %max3A_430 = vector.broadcast %jit3A_429 : f32 to vector<16xf32>
      %max3A_431 = arith.maximumf %max3A_430, %add3A_425 : vector<16xf32>
      %min3A_432 = arith.minimumf %sub3A_428, %max3A_431 : vector<16xf32>
      %mul3A_433 = arith.constant 5.000000e-01 : f32
      %mul3A_434 = vector.broadcast %mul3A_433 : f32 to vector<16xf32>
      %mul3A_435 = arith.mulf %mul3A_434, %mul3A_410 : vector<16xf32>
      %sub3A_436 = arith.subf %add3A_406, %mul3A_435 : vector<16xf32>
      %sub3A_437 = arith.constant 1.000000e+00 : f32
      %sub3A_438 = vector.broadcast %sub3A_437 : f32 to vector<16xf32>
      %sub3A_439 = arith.subf %get3A_5, %sub3A_438 : vector<16xf32>
      %jit3A_440 = arith.constant 0.000000e+00 : f32
      %max3A_441 = vector.broadcast %jit3A_440 : f32 to vector<16xf32>
      %max3A_442 = arith.maximumf %max3A_441, %sub3A_436 : vector<16xf32>
      %min3A_443 = arith.minimumf %sub3A_439, %max3A_442 : vector<16xf32>
      %mul3A_444 = arith.constant 5.000000e-01 : f32
      %mul3A_445 = vector.broadcast %mul3A_444 : f32 to vector<16xf32>
      %mul3A_446 = arith.mulf %mul3A_445, %mul3A_410 : vector<16xf32>
      %add3A_447 = arith.addf %add3A_406, %mul3A_446 : vector<16xf32>
      %sub3A_448 = arith.constant 1.000000e+00 : f32
      %sub3A_449 = vector.broadcast %sub3A_448 : f32 to vector<16xf32>
      %sub3A_450 = arith.subf %get3A_5, %sub3A_449 : vector<16xf32>
      %jit3A_451 = arith.constant 0.000000e+00 : f32
      %max3A_452 = vector.broadcast %jit3A_451 : f32 to vector<16xf32>
      %max3A_453 = arith.maximumf %max3A_452, %add3A_447 : vector<16xf32>
      %min3A_454 = arith.minimumf %sub3A_450, %max3A_453 : vector<16xf32>
      %sub3A_455 = arith.subf %min3A_432, %min3A_421 : vector<16xf32>
      %add3A_456 = arith.constant 1.000000e+00 : f32
      %add3A_457 = vector.broadcast %add3A_456 : f32 to vector<16xf32>
      %add3A_458 = arith.addf %sub3A_455, %add3A_457 : vector<16xf32>
      %sub3A_459 = arith.subf %min3A_454, %min3A_443 : vector<16xf32>
      %add3A_460 = arith.constant 1.000000e+00 : f32
      %add3A_461 = vector.broadcast %add3A_460 : f32 to vector<16xf32>
      %add3A_462 = arith.addf %sub3A_459, %add3A_461 : vector<16xf32>
      %ge3A_463 = arith.cmpf oge, %add3A_458, %mul3A_12 : vector<16xf32>
      %ge3A_464 = arith.cmpf oge, %add3A_462, %mul3A_12 : vector<16xf32>
      %and3A_465 = arith.andi %ge3A_463, %ge3A_464 : vector<16xi1>
      %get3A_466 = arith.index_cast %add3A_283 : i32 to index
      %get3A_467 = tpu.vector_load %arg5[%get3A_466] {strides = array<i32>} : memref<7040xf32, #tpu.memory_space<vmem>>, vector<16xf32>,
      %jit3A_468 = arith.constant -1.000000e+09 : f32
      %broadcast_in_dim3A_469 = vector.broadcast %jit3A_468 : f32 to vector<16xf32>
      %select_n3A_470 = arith.select %and3A_465, %get3A_467, %broadcast_in_dim3A_469 : vector<16xi1>, vector<16xf32>
      %lt3A_471 = arith.constant 2.250000e+04 : f32
      %lt3A_472 = vector.broadcast %lt3A_471 : f32 to vector<16xf32>
      %lt3A_473 = arith.cmpf olt, %convert_element_type3A_287, %lt3A_472 : vector<16xf32>
      %jit3A_474 = arith.constant -3.000000e+38 : f32
      %broadcast_in_dim3A_475 = vector.broadcast %jit3A_474 : f32 to vector<16xf32>
      %select_n3A_476 = arith.select %lt3A_473, %select_n3A_470, %broadcast_in_dim3A_475 : vector<16xi1>, vector<16xf32>
      %swap3A_477 = arith.index_cast %add3A_283 : i32 to index
      %swap3A_478 = tpu.vector_load %arg6[%swap3A_477] {strides = array<i32>} : memref<1408xf32, #tpu.memory_space<vmem>>, vector<16xf32>,
      tpu.vector_store %arg6[%swap3A_477], %select_n3A_476 {strides = array<i32>} : memref<1408xf32, #tpu.memory_space<vmem>>, vector<16xf32>,
      %swap3A_479 = arith.index_cast %add3A_283 : i32 to index
      %swap3A_480 = tpu.vector_load %arg7[%swap3A_479] {strides = array<i32>} : memref<1408xf32, #tpu.memory_space<vmem>>, vector<16xf32>,
      tpu.vector_store %arg7[%swap3A_479], %add3A_300 {strides = array<i32>} : memref<1408xf32, #tpu.memory_space<vmem>>, vector<16xf32>,
      %swap3A_481 = arith.index_cast %add3A_283 : i32 to index
      %swap3A_482 = tpu.vector_load %arg8[%swap3A_481] {strides = array<i32>} : memref<1408xf32, #tpu.memory_space<vmem>>, vector<16xf32>,
      tpu.vector_store %arg8[%swap3A_481], %min3A_421 {strides = array<i32>} : memref<1408xf32, #tpu.memory_space<vmem>>, vector<16xf32>,
      %swap3A_483 = arith.index_cast %add3A_283 : i32 to index
      %swap3A_484 = tpu.vector_load %arg9[%swap3A_483] {strides = array<i32>} : memref<1408xf32, #tpu.memory_space<vmem>>, vector<16xf32>,
      tpu.vector_store %arg9[%swap3A_483], %min3A_443 {strides = array<i32>} : memref<1408xf32, #tpu.memory_space<vmem>>, vector<16xf32>,
      %swap3A_485 = arith.index_cast %add3A_283 : i32 to index
      %swap3A_486 = tpu.vector_load %arg10[%swap3A_485] {strides = array<i32>} : memref<1408xf32, #tpu.memory_space<vmem>>, vector<16xf32>,
      tpu.vector_store %arg10[%swap3A_485], %min3A_432 {strides = array<i32>} : memref<1408xf32, #tpu.memory_space<vmem>>, vector<16xf32>,
      %swap3A_487 = arith.index_cast %add3A_283 : i32 to index
      %swap3A_488 = tpu.vector_load %arg11[%swap3A_487] {strides = array<i32>} : memref<1408xf32, #tpu.memory_space<vmem>>, vector<16xf32>,
      tpu.vector_store %arg11[%swap3A_487], %min3A_454 {strides = array<i32>} : memref<1408xf32, #tpu.memory_space<vmem>>, vector<16xf32>,
      %mul3A_489 = arith.constant 64 : i32
      %mul3A_490 = arith.muli %scan3A_80, %mul3A_489 : i32
      %add3A_491 = arith.constant 32 : i32
      %add3A_492 = arith.addi %mul3A_490, %add3A_491 : i32
      %add3A_493 = arith.addi %mul3A_14, %add3A_492 : i32
      %add3A_494 = vector.broadcast %add3A_493 : i32 to vector<16xi32>
      %add3A_495 = arith.addi %add3A_494, %iota3A : vector<16xi32>
      %convert_element_type3A_496 = arith.sitofp %add3A_495 : vector<16xi32> to vector<16xf32>
      %div3A_497 = arith.constant 2.500000e+03 : f32
      %div3A_498 = vector.broadcast %div3A_497 : f32 to vector<16xf32>
      %div3A_499 = arith.divf %convert_element_type3A_496, %div3A_498 : vector<16xf32>
      %convert_element_type3A_500 = arith.fptosi %div3A_499 : vector<16xf32> to vector<16xi32>
      %convert_element_type3A_501 = arith.sitofp %convert_element_type3A_500 : vector<16xi32> to vector<16xf32>
      %mul3A_502 = arith.constant 2.500000e+03 : f32
      %mul3A_503 = vector.broadcast %mul3A_502 : f32 to vector<16xf32>
      %mul3A_504 = arith.mulf %convert_element_type3A_501, %mul3A_503 : vector<16xf32>
      %sub3A_505 = arith.subf %convert_element_type3A_496, %mul3A_504 : vector<16xf32>
      %mul3A_506 = arith.constant 9.000000e+00 : f32
      %mul3A_507 = vector.broadcast %mul3A_506 : f32 to vector<16xf32>
      %mul3A_508 = arith.mulf %sub3A_505, %mul3A_507 : vector<16xf32>
      %add3A_509 = arith.addf %mul3A_508, %convert_element_type3A_501 : vector<16xf32>
      %div3A_510 = arith.constant 5.000000e+01 : f32
      %div3A_511 = vector.broadcast %div3A_510 : f32 to vector<16xf32>
      %div3A_512 = arith.divf %sub3A_505, %div3A_511 : vector<16xf32>
      %convert_element_type3A_513 = arith.fptosi %div3A_512 : vector<16xf32> to vector<16xi32>
      %convert_element_type3A_514 = arith.sitofp %convert_element_type3A_513 : vector<16xi32> to vector<16xf32>
      %mul3A_515 = arith.constant 5.000000e+01 : f32
      %mul3A_516 = vector.broadcast %mul3A_515 : f32 to vector<16xf32>
      %mul3A_517 = arith.mulf %convert_element_type3A_514, %mul3A_516 : vector<16xf32>
      %sub3A_518 = arith.subf %sub3A_505, %mul3A_517 : vector<16xf32>
      %div3A_519 = arith.constant 3.000000e+00 : f32
      %div3A_520 = vector.broadcast %div3A_519 : f32 to vector<16xf32>
      %div3A_521 = arith.divf %convert_element_type3A_501, %div3A_520 : vector<16xf32>
      %convert_element_type3A_522 = arith.fptosi %div3A_521 : vector<16xf32> to vector<16xi32>
      %convert_element_type3A_523 = arith.sitofp %convert_element_type3A_522 : vector<16xi32> to vector<16xf32>
      %mul3A_524 = arith.constant 3.000000e+00 : f32
      %mul3A_525 = vector.broadcast %mul3A_524 : f32 to vector<16xf32>
      %mul3A_526 = arith.mulf %convert_element_type3A_523, %mul3A_525 : vector<16xf32>
      %sub3A_527 = arith.subf %convert_element_type3A_501, %mul3A_526 : vector<16xf32>
      %eq3A_528 = arith.constant 0.000000e+00 : f32
      %eq3A_529 = vector.broadcast %eq3A_528 : f32 to vector<16xf32>
      %eq3A_530 = arith.cmpf oeq, %convert_element_type3A_523, %eq3A_529 : vector<16xf32>
      %eq3A_531 = arith.constant 1.000000e+00 : f32
      %eq3A_532 = vector.broadcast %eq3A_531 : f32 to vector<16xf32>
      %eq3A_533 = arith.cmpf oeq, %convert_element_type3A_523, %eq3A_532 : vector<16xf32>
      %jit3A_534 = arith.constant 1.600000e+01 : f32
      %jit3A_535 = arith.constant 1.100000e+01 : f32
      %broadcast_in_dim3A_536 = vector.broadcast %jit3A_534 : f32 to vector<16xf32>
      %broadcast_in_dim3A_537 = vector.broadcast %jit3A_535 : f32 to vector<16xf32>
      %select_n3A_538 = arith.select %eq3A_533, %broadcast_in_dim3A_536, %broadcast_in_dim3A_537 : vector<16xi1>, vector<16xf32>
      %jit3A_539 = arith.constant 2.300000e+01 : f32
      %broadcast_in_dim3A_540 = vector.broadcast %jit3A_539 : f32 to vector<16xf32>
      %select_n3A_541 = arith.select %eq3A_530, %broadcast_in_dim3A_540, %select_n3A_538 : vector<16xi1>, vector<16xf32>
      %eq3A_542 = arith.constant 0.000000e+00 : f32
      %eq3A_543 = vector.broadcast %eq3A_542 : f32 to vector<16xf32>
      %eq3A_544 = arith.cmpf oeq, %convert_element_type3A_523, %eq3A_543 : vector<16xf32>
      %eq3A_545 = arith.constant 1.000000e+00 : f32
      %eq3A_546 = vector.broadcast %eq3A_545 : f32 to vector<16xf32>
      %eq3A_547 = arith.cmpf oeq, %convert_element_type3A_523, %eq3A_546 : vector<16xf32>
      %jit3A_548 = arith.constant 1.600000e+01 : f32
      %jit3A_549 = arith.constant 2.200000e+01 : f32
      %broadcast_in_dim3A_550 = vector.broadcast %jit3A_548 : f32 to vector<16xf32>
      %broadcast_in_dim3A_551 = vector.broadcast %jit3A_549 : f32 to vector<16xf32>
      %select_n3A_552 = arith.select %eq3A_547, %broadcast_in_dim3A_550, %broadcast_in_dim3A_551 : vector<16xi1>, vector<16xf32>
      %jit3A_553 = arith.constant 1.200000e+01 : f32
      %broadcast_in_dim3A_554 = vector.broadcast %jit3A_553 : f32 to vector<16xf32>
      %select_n3A_555 = arith.select %eq3A_544, %broadcast_in_dim3A_554, %select_n3A_552 : vector<16xi1>, vector<16xf32>
      %eq3A_556 = arith.constant 0.000000e+00 : f32
      %eq3A_557 = vector.broadcast %eq3A_556 : f32 to vector<16xf32>
      %eq3A_558 = arith.cmpf oeq, %sub3A_527, %eq3A_557 : vector<16xf32>
      %eq3A_559 = arith.constant 1.000000e+00 : f32
      %eq3A_560 = vector.broadcast %eq3A_559 : f32 to vector<16xf32>
      %eq3A_561 = arith.cmpf oeq, %sub3A_527, %eq3A_560 : vector<16xf32>
      %jit3A_562 = arith.constant 1.600000e+01 : f32
      %jit3A_563 = arith.constant 3.200000e+01 : f32
      %broadcast_in_dim3A_564 = vector.broadcast %jit3A_562 : f32 to vector<16xf32>
      %broadcast_in_dim3A_565 = vector.broadcast %jit3A_563 : f32 to vector<16xf32>
      %select_n3A_566 = arith.select %eq3A_561, %broadcast_in_dim3A_564, %broadcast_in_dim3A_565 : vector<16xi1>, vector<16xf32>
      %jit3A_567 = arith.constant 8.000000e+00 : f32
      %broadcast_in_dim3A_568 = vector.broadcast %jit3A_567 : f32 to vector<16xf32>
      %select_n3A_569 = arith.select %eq3A_558, %broadcast_in_dim3A_568, %select_n3A_566 : vector<16xi1>, vector<16xf32>
      %mul3A_570 = arith.mulf %select_n3A_541, %select_n3A_569 : vector<16xf32>
      %mul3A_571 = arith.mulf %select_n3A_555, %select_n3A_569 : vector<16xf32>
      %mul3A_572 = arith.constant 1.600000e+01 : f32
      %mul3A_573 = vector.broadcast %mul3A_572 : f32 to vector<16xf32>
      %mul3A_574 = arith.mulf %sub3A_518, %mul3A_573 : vector<16xf32>
      %add3A_575 = arith.constant 8.000000e+00 : f32
      %add3A_576 = vector.broadcast %add3A_575 : f32 to vector<16xf32>
      %add3A_577 = arith.addf %add3A_576, %mul3A_574 : vector<16xf32>
      %mul3A_578 = arith.constant 1.600000e+01 : f32
      %mul3A_579 = vector.broadcast %mul3A_578 : f32 to vector<16xf32>
      %mul3A_580 = arith.mulf %convert_element_type3A_514, %mul3A_579 : vector<16xf32>
      %add3A_581 = arith.constant 8.000000e+00 : f32
      %add3A_582 = vector.broadcast %add3A_581 : f32 to vector<16xf32>
      %add3A_583 = arith.addf %add3A_582, %mul3A_580 : vector<16xf32>
      %add3A_584 = arith.constant 1408 : i32
      %add3A_585 = arith.addi %add3A_584, %add3A_492 : i32
      %get3A_586 = arith.index_cast %add3A_585 : i32 to index
      %get3A_587 = tpu.vector_load %arg5[%get3A_586] {strides = array<i32>} : memref<7040xf32, #tpu.memory_space<vmem>>, vector<16xf32>,
      %add3A_588 = arith.constant 2816 : i32
      %add3A_589 = arith.addi %add3A_588, %add3A_492 : i32
      %get3A_590 = arith.index_cast %add3A_589 : i32 to index
      %get3A_591 = tpu.vector_load %arg5[%get3A_590] {strides = array<i32>} : memref<7040xf32, #tpu.memory_space<vmem>>, vector<16xf32>,
      %add3A_592 = arith.constant 4224 : i32
      %add3A_593 = arith.addi %add3A_592, %add3A_492 : i32
      %get3A_594 = arith.index_cast %add3A_593 : i32 to index
      %get3A_595 = tpu.vector_load %arg5[%get3A_594] {strides = array<i32>} : memref<7040xf32, #tpu.memory_space<vmem>>, vector<16xf32>,
      %jit3A_596 = arith.constant -1.000000e+01 : f32
      %jit3A_597 = arith.constant 4.135000e+00 : f32
      %max3A_598 = vector.broadcast %jit3A_596 : f32 to vector<16xf32>
      %max3A_599 = arith.maximumf %max3A_598, %get3A_595 : vector<16xf32>
      %min3A_600 = vector.broadcast %jit3A_597 : f32 to vector<16xf32>
      %min3A_601 = arith.minimumf %min3A_600, %max3A_599 : vector<16xf32>
      %add3A_602 = arith.constant 5632 : i32
      %add3A_603 = arith.addi %add3A_602, %add3A_492 : i32
      %get3A_604 = arith.index_cast %add3A_603 : i32 to index
      %get3A_605 = tpu.vector_load %arg5[%get3A_604] {strides = array<i32>} : memref<7040xf32, #tpu.memory_space<vmem>>, vector<16xf32>,
      %jit3A_606 = arith.constant -1.000000e+01 : f32
      %jit3A_607 = arith.constant 4.135000e+00 : f32
      %max3A_608 = vector.broadcast %jit3A_606 : f32 to vector<16xf32>
      %max3A_609 = arith.maximumf %max3A_608, %get3A_605 : vector<16xf32>
      %min3A_610 = vector.broadcast %jit3A_607 : f32 to vector<16xf32>
      %min3A_611 = arith.minimumf %min3A_610, %max3A_609 : vector<16xf32>
      %mul3A_612 = arith.mulf %get3A_587, %mul3A_570 : vector<16xf32>
      %add3A_613 = arith.addf %mul3A_612, %add3A_577 : vector<16xf32>
      %mul3A_614 = arith.mulf %get3A_591, %mul3A_571 : vector<16xf32>
      %add3A_615 = arith.addf %mul3A_614, %add3A_583 : vector<16xf32>
      %exp3A_616 = math.exp %min3A_601 : vector<16xf32>
      %mul3A_617 = arith.mulf %exp3A_616, %mul3A_570 : vector<16xf32>
      %exp3A_618 = math.exp %min3A_611 : vector<16xf32>
      %mul3A_619 = arith.mulf %exp3A_618, %mul3A_571 : vector<16xf32>
      %mul3A_620 = arith.constant 5.000000e-01 : f32
      %mul3A_621 = vector.broadcast %mul3A_620 : f32 to vector<16xf32>
      %mul3A_622 = arith.mulf %mul3A_621, %mul3A_617 : vector<16xf32>
      %sub3A_623 = arith.subf %add3A_613, %mul3A_622 : vector<16xf32>
      %sub3A_624 = arith.constant 1.000000e+00 : f32
      %sub3A_625 = vector.broadcast %sub3A_624 : f32 to vector<16xf32>
      %sub3A_626 = arith.subf %get3A_7, %sub3A_625 : vector<16xf32>
      %jit3A_627 = arith.constant 0.000000e+00 : f32
      %max3A_628 = vector.broadcast %jit3A_627 : f32 to vector<16xf32>
      %max3A_629 = arith.maximumf %max3A_628, %sub3A_623 : vector<16xf32>
      %min3A_630 = arith.minimumf %sub3A_626, %max3A_629 : vector<16xf32>
      %mul3A_631 = arith.constant 5.000000e-01 : f32
      %mul3A_632 = vector.broadcast %mul3A_631 : f32 to vector<16xf32>
      %mul3A_633 = arith.mulf %mul3A_632, %mul3A_617 : vector<16xf32>
      %add3A_634 = arith.addf %add3A_613, %mul3A_633 : vector<16xf32>
      %sub3A_635 = arith.constant 1.000000e+00 : f32
      %sub3A_636 = vector.broadcast %sub3A_635 : f32 to vector<16xf32>
      %sub3A_637 = arith.subf %get3A_7, %sub3A_636 : vector<16xf32>
      %jit3A_638 = arith.constant 0.000000e+00 : f32
      %max3A_639 = vector.broadcast %jit3A_638 : f32 to vector<16xf32>
      %max3A_640 = arith.maximumf %max3A_639, %add3A_634 : vector<16xf32>
      %min3A_641 = arith.minimumf %sub3A_637, %max3A_640 : vector<16xf32>
      %mul3A_642 = arith.constant 5.000000e-01 : f32
      %mul3A_643 = vector.broadcast %mul3A_642 : f32 to vector<16xf32>
      %mul3A_644 = arith.mulf %mul3A_643, %mul3A_619 : vector<16xf32>
      %sub3A_645 = arith.subf %add3A_615, %mul3A_644 : vector<16xf32>
      %sub3A_646 = arith.constant 1.000000e+00 : f32
      %sub3A_647 = vector.broadcast %sub3A_646 : f32 to vector<16xf32>
      %sub3A_648 = arith.subf %get3A_5, %sub3A_647 : vector<16xf32>
      %jit3A_649 = arith.constant 0.000000e+00 : f32
      %max3A_650 = vector.broadcast %jit3A_649 : f32 to vector<16xf32>
      %max3A_651 = arith.maximumf %max3A_650, %sub3A_645 : vector<16xf32>
      %min3A_652 = arith.minimumf %sub3A_648, %max3A_651 : vector<16xf32>
      %mul3A_653 = arith.constant 5.000000e-01 : f32
      %mul3A_654 = vector.broadcast %mul3A_653 : f32 to vector<16xf32>
      %mul3A_655 = arith.mulf %mul3A_654, %mul3A_619 : vector<16xf32>
      %add3A_656 = arith.addf %add3A_615, %mul3A_655 : vector<16xf32>
      %sub3A_657 = arith.constant 1.000000e+00 : f32
      %sub3A_658 = vector.broadcast %sub3A_657 : f32 to vector<16xf32>
      %sub3A_659 = arith.subf %get3A_5, %sub3A_658 : vector<16xf32>
      %jit3A_660 = arith.constant 0.000000e+00 : f32
      %max3A_661 = vector.broadcast %jit3A_660 : f32 to vector<16xf32>
      %max3A_662 = arith.maximumf %max3A_661, %add3A_656 : vector<16xf32>
      %min3A_663 = arith.minimumf %sub3A_659, %max3A_662 : vector<16xf32>
      %sub3A_664 = arith.subf %min3A_641, %min3A_630 : vector<16xf32>
      %add3A_665 = arith.constant 1.000000e+00 : f32
      %add3A_666 = vector.broadcast %add3A_665 : f32 to vector<16xf32>
      %add3A_667 = arith.addf %sub3A_664, %add3A_666 : vector<16xf32>
      %sub3A_668 = arith.subf %min3A_663, %min3A_652 : vector<16xf32>
      %add3A_669 = arith.constant 1.000000e+00 : f32
      %add3A_670 = vector.broadcast %add3A_669 : f32 to vector<16xf32>
      %add3A_671 = arith.addf %sub3A_668, %add3A_670 : vector<16xf32>
      %ge3A_672 = arith.cmpf oge, %add3A_667, %mul3A_12 : vector<16xf32>
      %ge3A_673 = arith.cmpf oge, %add3A_671, %mul3A_12 : vector<16xf32>
      %and3A_674 = arith.andi %ge3A_672, %ge3A_673 : vector<16xi1>
      %get3A_675 = arith.index_cast %add3A_492 : i32 to index
      %get3A_676 = tpu.vector_load %arg5[%get3A_675] {strides = array<i32>} : memref<7040xf32, #tpu.memory_space<vmem>>, vector<16xf32>,
      %jit3A_677 = arith.constant -1.000000e+09 : f32
      %broadcast_in_dim3A_678 = vector.broadcast %jit3A_677 : f32 to vector<16xf32>
      %select_n3A_679 = arith.select %and3A_674, %get3A_676, %broadcast_in_dim3A_678 : vector<16xi1>, vector<16xf32>
      %lt3A_680 = arith.constant 2.250000e+04 : f32
      %lt3A_681 = vector.broadcast %lt3A_680 : f32 to vector<16xf32>
      %lt3A_682 = arith.cmpf olt, %convert_element_type3A_496, %lt3A_681 : vector<16xf32>
      %jit3A_683 = arith.constant -3.000000e+38 : f32
      %broadcast_in_dim3A_684 = vector.broadcast %jit3A_683 : f32 to vector<16xf32>
      %select_n3A_685 = arith.select %lt3A_682, %select_n3A_679, %broadcast_in_dim3A_684 : vector<16xi1>, vector<16xf32>
      %swap3A_686 = arith.index_cast %add3A_492 : i32 to index
      %swap3A_687 = tpu.vector_load %arg6[%swap3A_686] {strides = array<i32>} : memref<1408xf32, #tpu.memory_space<vmem>>, vector<16xf32>,
      tpu.vector_store %arg6[%swap3A_686], %select_n3A_685 {strides = array<i32>} : memref<1408xf32, #tpu.memory_space<vmem>>, vector<16xf32>,
      %swap3A_688 = arith.index_cast %add3A_492 : i32 to index
      %swap3A_689 = tpu.vector_load %arg7[%swap3A_688] {strides = array<i32>} : memref<1408xf32, #tpu.memory_space<vmem>>, vector<16xf32>,
      tpu.vector_store %arg7[%swap3A_688], %add3A_509 {strides = array<i32>} : memref<1408xf32, #tpu.memory_space<vmem>>, vector<16xf32>,
      %swap3A_690 = arith.index_cast %add3A_492 : i32 to index
      %swap3A_691 = tpu.vector_load %arg8[%swap3A_690] {strides = array<i32>} : memref<1408xf32, #tpu.memory_space<vmem>>, vector<16xf32>,
      tpu.vector_store %arg8[%swap3A_690], %min3A_630 {strides = array<i32>} : memref<1408xf32, #tpu.memory_space<vmem>>, vector<16xf32>,
      %swap3A_692 = arith.index_cast %add3A_492 : i32 to index
      %swap3A_693 = tpu.vector_load %arg9[%swap3A_692] {strides = array<i32>} : memref<1408xf32, #tpu.memory_space<vmem>>, vector<16xf32>,
      tpu.vector_store %arg9[%swap3A_692], %min3A_652 {strides = array<i32>} : memref<1408xf32, #tpu.memory_space<vmem>>, vector<16xf32>,
      %swap3A_694 = arith.index_cast %add3A_492 : i32 to index
      %swap3A_695 = tpu.vector_load %arg10[%swap3A_694] {strides = array<i32>} : memref<1408xf32, #tpu.memory_space<vmem>>, vector<16xf32>,
      tpu.vector_store %arg10[%swap3A_694], %min3A_641 {strides = array<i32>} : memref<1408xf32, #tpu.memory_space<vmem>>, vector<16xf32>,
      %swap3A_696 = arith.index_cast %add3A_492 : i32 to index
      %swap3A_697 = tpu.vector_load %arg11[%swap3A_696] {strides = array<i32>} : memref<1408xf32, #tpu.memory_space<vmem>>, vector<16xf32>,
      tpu.vector_store %arg11[%swap3A_696], %min3A_663 {strides = array<i32>} : memref<1408xf32, #tpu.memory_space<vmem>>, vector<16xf32>,
      %mul3A_698 = arith.constant 64 : i32
      %mul3A_699 = arith.muli %scan3A_80, %mul3A_698 : i32
      %add3A_700 = arith.constant 48 : i32
      %add3A_701 = arith.addi %mul3A_699, %add3A_700 : i32
      %add3A_702 = arith.addi %mul3A_14, %add3A_701 : i32
      %add3A_703 = vector.broadcast %add3A_702 : i32 to vector<16xi32>
      %add3A_704 = arith.addi %add3A_703, %iota3A : vector<16xi32>
      %convert_element_type3A_705 = arith.sitofp %add3A_704 : vector<16xi32> to vector<16xf32>
      %div3A_706 = arith.constant 2.500000e+03 : f32
      %div3A_707 = vector.broadcast %div3A_706 : f32 to vector<16xf32>
      %div3A_708 = arith.divf %convert_element_type3A_705, %div3A_707 : vector<16xf32>
      %convert_element_type3A_709 = arith.fptosi %div3A_708 : vector<16xf32> to vector<16xi32>
      %convert_element_type3A_710 = arith.sitofp %convert_element_type3A_709 : vector<16xi32> to vector<16xf32>
      %mul3A_711 = arith.constant 2.500000e+03 : f32
      %mul3A_712 = vector.broadcast %mul3A_711 : f32 to vector<16xf32>
      %mul3A_713 = arith.mulf %convert_element_type3A_710, %mul3A_712 : vector<16xf32>
      %sub3A_714 = arith.subf %convert_element_type3A_705, %mul3A_713 : vector<16xf32>
      %mul3A_715 = arith.constant 9.000000e+00 : f32
      %mul3A_716 = vector.broadcast %mul3A_715 : f32 to vector<16xf32>
      %mul3A_717 = arith.mulf %sub3A_714, %mul3A_716 : vector<16xf32>
      %add3A_718 = arith.addf %mul3A_717, %convert_element_type3A_710 : vector<16xf32>
      %div3A_719 = arith.constant 5.000000e+01 : f32
      %div3A_720 = vector.broadcast %div3A_719 : f32 to vector<16xf32>
      %div3A_721 = arith.divf %sub3A_714, %div3A_720 : vector<16xf32>
      %convert_element_type3A_722 = arith.fptosi %div3A_721 : vector<16xf32> to vector<16xi32>
      %convert_element_type3A_723 = arith.sitofp %convert_element_type3A_722 : vector<16xi32> to vector<16xf32>
      %mul3A_724 = arith.constant 5.000000e+01 : f32
      %mul3A_725 = vector.broadcast %mul3A_724 : f32 to vector<16xf32>
      %mul3A_726 = arith.mulf %convert_element_type3A_723, %mul3A_725 : vector<16xf32>
      %sub3A_727 = arith.subf %sub3A_714, %mul3A_726 : vector<16xf32>
      %div3A_728 = arith.constant 3.000000e+00 : f32
      %div3A_729 = vector.broadcast %div3A_728 : f32 to vector<16xf32>
      %div3A_730 = arith.divf %convert_element_type3A_710, %div3A_729 : vector<16xf32>
      %convert_element_type3A_731 = arith.fptosi %div3A_730 : vector<16xf32> to vector<16xi32>
      %convert_element_type3A_732 = arith.sitofp %convert_element_type3A_731 : vector<16xi32> to vector<16xf32>
      %mul3A_733 = arith.constant 3.000000e+00 : f32
      %mul3A_734 = vector.broadcast %mul3A_733 : f32 to vector<16xf32>
      %mul3A_735 = arith.mulf %convert_element_type3A_732, %mul3A_734 : vector<16xf32>
      %sub3A_736 = arith.subf %convert_element_type3A_710, %mul3A_735 : vector<16xf32>
      %eq3A_737 = arith.constant 0.000000e+00 : f32
      %eq3A_738 = vector.broadcast %eq3A_737 : f32 to vector<16xf32>
      %eq3A_739 = arith.cmpf oeq, %convert_element_type3A_732, %eq3A_738 : vector<16xf32>
      %eq3A_740 = arith.constant 1.000000e+00 : f32
      %eq3A_741 = vector.broadcast %eq3A_740 : f32 to vector<16xf32>
      %eq3A_742 = arith.cmpf oeq, %convert_element_type3A_732, %eq3A_741 : vector<16xf32>
      %jit3A_743 = arith.constant 1.600000e+01 : f32
      %jit3A_744 = arith.constant 1.100000e+01 : f32
      %broadcast_in_dim3A_745 = vector.broadcast %jit3A_743 : f32 to vector<16xf32>
      %broadcast_in_dim3A_746 = vector.broadcast %jit3A_744 : f32 to vector<16xf32>
      %select_n3A_747 = arith.select %eq3A_742, %broadcast_in_dim3A_745, %broadcast_in_dim3A_746 : vector<16xi1>, vector<16xf32>
      %jit3A_748 = arith.constant 2.300000e+01 : f32
      %broadcast_in_dim3A_749 = vector.broadcast %jit3A_748 : f32 to vector<16xf32>
      %select_n3A_750 = arith.select %eq3A_739, %broadcast_in_dim3A_749, %select_n3A_747 : vector<16xi1>, vector<16xf32>
      %eq3A_751 = arith.constant 0.000000e+00 : f32
      %eq3A_752 = vector.broadcast %eq3A_751 : f32 to vector<16xf32>
      %eq3A_753 = arith.cmpf oeq, %convert_element_type3A_732, %eq3A_752 : vector<16xf32>
      %eq3A_754 = arith.constant 1.000000e+00 : f32
      %eq3A_755 = vector.broadcast %eq3A_754 : f32 to vector<16xf32>
      %eq3A_756 = arith.cmpf oeq, %convert_element_type3A_732, %eq3A_755 : vector<16xf32>
      %jit3A_757 = arith.constant 1.600000e+01 : f32
      %jit3A_758 = arith.constant 2.200000e+01 : f32
      %broadcast_in_dim3A_759 = vector.broadcast %jit3A_757 : f32 to vector<16xf32>
      %broadcast_in_dim3A_760 = vector.broadcast %jit3A_758 : f32 to vector<16xf32>
      %select_n3A_761 = arith.select %eq3A_756, %broadcast_in_dim3A_759, %broadcast_in_dim3A_760 : vector<16xi1>, vector<16xf32>
      %jit3A_762 = arith.constant 1.200000e+01 : f32
      %broadcast_in_dim3A_763 = vector.broadcast %jit3A_762 : f32 to vector<16xf32>
      %select_n3A_764 = arith.select %eq3A_753, %broadcast_in_dim3A_763, %select_n3A_761 : vector<16xi1>, vector<16xf32>
      %eq3A_765 = arith.constant 0.000000e+00 : f32
      %eq3A_766 = vector.broadcast %eq3A_765 : f32 to vector<16xf32>
      %eq3A_767 = arith.cmpf oeq, %sub3A_736, %eq3A_766 : vector<16xf32>
      %eq3A_768 = arith.constant 1.000000e+00 : f32
      %eq3A_769 = vector.broadcast %eq3A_768 : f32 to vector<16xf32>
      %eq3A_770 = arith.cmpf oeq, %sub3A_736, %eq3A_769 : vector<16xf32>
      %jit3A_771 = arith.constant 1.600000e+01 : f32
      %jit3A_772 = arith.constant 3.200000e+01 : f32
      %broadcast_in_dim3A_773 = vector.broadcast %jit3A_771 : f32 to vector<16xf32>
      %broadcast_in_dim3A_774 = vector.broadcast %jit3A_772 : f32 to vector<16xf32>
      %select_n3A_775 = arith.select %eq3A_770, %broadcast_in_dim3A_773, %broadcast_in_dim3A_774 : vector<16xi1>, vector<16xf32>
      %jit3A_776 = arith.constant 8.000000e+00 : f32
      %broadcast_in_dim3A_777 = vector.broadcast %jit3A_776 : f32 to vector<16xf32>
      %select_n3A_778 = arith.select %eq3A_767, %broadcast_in_dim3A_777, %select_n3A_775 : vector<16xi1>, vector<16xf32>
      %mul3A_779 = arith.mulf %select_n3A_750, %select_n3A_778 : vector<16xf32>
      %mul3A_780 = arith.mulf %select_n3A_764, %select_n3A_778 : vector<16xf32>
      %mul3A_781 = arith.constant 1.600000e+01 : f32
      %mul3A_782 = vector.broadcast %mul3A_781 : f32 to vector<16xf32>
      %mul3A_783 = arith.mulf %sub3A_727, %mul3A_782 : vector<16xf32>
      %add3A_784 = arith.constant 8.000000e+00 : f32
      %add3A_785 = vector.broadcast %add3A_784 : f32 to vector<16xf32>
      %add3A_786 = arith.addf %add3A_785, %mul3A_783 : vector<16xf32>
      %mul3A_787 = arith.constant 1.600000e+01 : f32
      %mul3A_788 = vector.broadcast %mul3A_787 : f32 to vector<16xf32>
      %mul3A_789 = arith.mulf %convert_element_type3A_723, %mul3A_788 : vector<16xf32>
      %add3A_790 = arith.constant 8.000000e+00 : f32
      %add3A_791 = vector.broadcast %add3A_790 : f32 to vector<16xf32>
      %add3A_792 = arith.addf %add3A_791, %mul3A_789 : vector<16xf32>
      %add3A_793 = arith.constant 1408 : i32
      %add3A_794 = arith.addi %add3A_793, %add3A_701 : i32
      %get3A_795 = arith.index_cast %add3A_794 : i32 to index
      %get3A_796 = tpu.vector_load %arg5[%get3A_795] {strides = array<i32>} : memref<7040xf32, #tpu.memory_space<vmem>>, vector<16xf32>,
      %add3A_797 = arith.constant 2816 : i32
      %add3A_798 = arith.addi %add3A_797, %add3A_701 : i32
      %get3A_799 = arith.index_cast %add3A_798 : i32 to index
      %get3A_800 = tpu.vector_load %arg5[%get3A_799] {strides = array<i32>} : memref<7040xf32, #tpu.memory_space<vmem>>, vector<16xf32>,
      %add3A_801 = arith.constant 4224 : i32
      %add3A_802 = arith.addi %add3A_801, %add3A_701 : i32
      %get3A_803 = arith.index_cast %add3A_802 : i32 to index
      %get3A_804 = tpu.vector_load %arg5[%get3A_803] {strides = array<i32>} : memref<7040xf32, #tpu.memory_space<vmem>>, vector<16xf32>,
      %jit3A_805 = arith.constant -1.000000e+01 : f32
      %jit3A_806 = arith.constant 4.135000e+00 : f32
      %max3A_807 = vector.broadcast %jit3A_805 : f32 to vector<16xf32>
      %max3A_808 = arith.maximumf %max3A_807, %get3A_804 : vector<16xf32>
      %min3A_809 = vector.broadcast %jit3A_806 : f32 to vector<16xf32>
      %min3A_810 = arith.minimumf %min3A_809, %max3A_808 : vector<16xf32>
      %add3A_811 = arith.constant 5632 : i32
      %add3A_812 = arith.addi %add3A_811, %add3A_701 : i32
      %get3A_813 = arith.index_cast %add3A_812 : i32 to index
      %get3A_814 = tpu.vector_load %arg5[%get3A_813] {strides = array<i32>} : memref<7040xf32, #tpu.memory_space<vmem>>, vector<16xf32>,
      %jit3A_815 = arith.constant -1.000000e+01 : f32
      %jit3A_816 = arith.constant 4.135000e+00 : f32
      %max3A_817 = vector.broadcast %jit3A_815 : f32 to vector<16xf32>
      %max3A_818 = arith.maximumf %max3A_817, %get3A_814 : vector<16xf32>
      %min3A_819 = vector.broadcast %jit3A_816 : f32 to vector<16xf32>
      %min3A_820 = arith.minimumf %min3A_819, %max3A_818 : vector<16xf32>
      %mul3A_821 = arith.mulf %get3A_796, %mul3A_779 : vector<16xf32>
      %add3A_822 = arith.addf %mul3A_821, %add3A_786 : vector<16xf32>
      %mul3A_823 = arith.mulf %get3A_800, %mul3A_780 : vector<16xf32>
      %add3A_824 = arith.addf %mul3A_823, %add3A_792 : vector<16xf32>
      %exp3A_825 = math.exp %min3A_810 : vector<16xf32>
      %mul3A_826 = arith.mulf %exp3A_825, %mul3A_779 : vector<16xf32>
      %exp3A_827 = math.exp %min3A_820 : vector<16xf32>
      %mul3A_828 = arith.mulf %exp3A_827, %mul3A_780 : vector<16xf32>
      %mul3A_829 = arith.constant 5.000000e-01 : f32
      %mul3A_830 = vector.broadcast %mul3A_829 : f32 to vector<16xf32>
      %mul3A_831 = arith.mulf %mul3A_830, %mul3A_826 : vector<16xf32>
      %sub3A_832 = arith.subf %add3A_822, %mul3A_831 : vector<16xf32>
      %sub3A_833 = arith.constant 1.000000e+00 : f32
      %sub3A_834 = vector.broadcast %sub3A_833 : f32 to vector<16xf32>
      %sub3A_835 = arith.subf %get3A_7, %sub3A_834 : vector<16xf32>
      %jit3A_836 = arith.constant 0.000000e+00 : f32
      %max3A_837 = vector.broadcast %jit3A_836 : f32 to vector<16xf32>
      %max3A_838 = arith.maximumf %max3A_837, %sub3A_832 : vector<16xf32>
      %min3A_839 = arith.minimumf %sub3A_835, %max3A_838 : vector<16xf32>
      %mul3A_840 = arith.constant 5.000000e-01 : f32
      %mul3A_841 = vector.broadcast %mul3A_840 : f32 to vector<16xf32>
      %mul3A_842 = arith.mulf %mul3A_841, %mul3A_826 : vector<16xf32>
      %add3A_843 = arith.addf %add3A_822, %mul3A_842 : vector<16xf32>
      %sub3A_844 = arith.constant 1.000000e+00 : f32
      %sub3A_845 = vector.broadcast %sub3A_844 : f32 to vector<16xf32>
      %sub3A_846 = arith.subf %get3A_7, %sub3A_845 : vector<16xf32>
      %jit3A_847 = arith.constant 0.000000e+00 : f32
      %max3A_848 = vector.broadcast %jit3A_847 : f32 to vector<16xf32>
      %max3A_849 = arith.maximumf %max3A_848, %add3A_843 : vector<16xf32>
      %min3A_850 = arith.minimumf %sub3A_846, %max3A_849 : vector<16xf32>
      %mul3A_851 = arith.constant 5.000000e-01 : f32
      %mul3A_852 = vector.broadcast %mul3A_851 : f32 to vector<16xf32>
      %mul3A_853 = arith.mulf %mul3A_852, %mul3A_828 : vector<16xf32>
      %sub3A_854 = arith.subf %add3A_824, %mul3A_853 : vector<16xf32>
      %sub3A_855 = arith.constant 1.000000e+00 : f32
      %sub3A_856 = vector.broadcast %sub3A_855 : f32 to vector<16xf32>
      %sub3A_857 = arith.subf %get3A_5, %sub3A_856 : vector<16xf32>
      %jit3A_858 = arith.constant 0.000000e+00 : f32
      %max3A_859 = vector.broadcast %jit3A_858 : f32 to vector<16xf32>
      %max3A_860 = arith.maximumf %max3A_859, %sub3A_854 : vector<16xf32>
      %min3A_861 = arith.minimumf %sub3A_857, %max3A_860 : vector<16xf32>
      %mul3A_862 = arith.constant 5.000000e-01 : f32
      %mul3A_863 = vector.broadcast %mul3A_862 : f32 to vector<16xf32>
      %mul3A_864 = arith.mulf %mul3A_863, %mul3A_828 : vector<16xf32>
      %add3A_865 = arith.addf %add3A_824, %mul3A_864 : vector<16xf32>
      %sub3A_866 = arith.constant 1.000000e+00 : f32
      %sub3A_867 = vector.broadcast %sub3A_866 : f32 to vector<16xf32>
      %sub3A_868 = arith.subf %get3A_5, %sub3A_867 : vector<16xf32>
      %jit3A_869 = arith.constant 0.000000e+00 : f32
      %max3A_870 = vector.broadcast %jit3A_869 : f32 to vector<16xf32>
      %max3A_871 = arith.maximumf %max3A_870, %add3A_865 : vector<16xf32>
      %min3A_872 = arith.minimumf %sub3A_868, %max3A_871 : vector<16xf32>
      %sub3A_873 = arith.subf %min3A_850, %min3A_839 : vector<16xf32>
      %add3A_874 = arith.constant 1.000000e+00 : f32
      %add3A_875 = vector.broadcast %add3A_874 : f32 to vector<16xf32>
      %add3A_876 = arith.addf %sub3A_873, %add3A_875 : vector<16xf32>
      %sub3A_877 = arith.subf %min3A_872, %min3A_861 : vector<16xf32>
      %add3A_878 = arith.constant 1.000000e+00 : f32
      %add3A_879 = vector.broadcast %add3A_878 : f32 to vector<16xf32>
      %add3A_880 = arith.addf %sub3A_877, %add3A_879 : vector<16xf32>
      %ge3A_881 = arith.cmpf oge, %add3A_876, %mul3A_12 : vector<16xf32>
      %ge3A_882 = arith.cmpf oge, %add3A_880, %mul3A_12 : vector<16xf32>
      %and3A_883 = arith.andi %ge3A_881, %ge3A_882 : vector<16xi1>
      %get3A_884 = arith.index_cast %add3A_701 : i32 to index
      %get3A_885 = tpu.vector_load %arg5[%get3A_884] {strides = array<i32>} : memref<7040xf32, #tpu.memory_space<vmem>>, vector<16xf32>,
      %jit3A_886 = arith.constant -1.000000e+09 : f32
      %broadcast_in_dim3A_887 = vector.broadcast %jit3A_886 : f32 to vector<16xf32>
      %select_n3A_888 = arith.select %and3A_883, %get3A_885, %broadcast_in_dim3A_887 : vector<16xi1>, vector<16xf32>
      %lt3A_889 = arith.constant 2.250000e+04 : f32
      %lt3A_890 = vector.broadcast %lt3A_889 : f32 to vector<16xf32>
      %lt3A_891 = arith.cmpf olt, %convert_element_type3A_705, %lt3A_890 : vector<16xf32>
      %jit3A_892 = arith.constant -3.000000e+38 : f32
      %broadcast_in_dim3A_893 = vector.broadcast %jit3A_892 : f32 to vector<16xf32>
      %select_n3A_894 = arith.select %lt3A_891, %select_n3A_888, %broadcast_in_dim3A_893 : vector<16xi1>, vector<16xf32>
      %swap3A_895 = arith.index_cast %add3A_701 : i32 to index
      %swap3A_896 = tpu.vector_load %arg6[%swap3A_895] {strides = array<i32>} : memref<1408xf32, #tpu.memory_space<vmem>>, vector<16xf32>,
      tpu.vector_store %arg6[%swap3A_895], %select_n3A_894 {strides = array<i32>} : memref<1408xf32, #tpu.memory_space<vmem>>, vector<16xf32>,
      %swap3A_897 = arith.index_cast %add3A_701 : i32 to index
      %swap3A_898 = tpu.vector_load %arg7[%swap3A_897] {strides = array<i32>} : memref<1408xf32, #tpu.memory_space<vmem>>, vector<16xf32>,
      tpu.vector_store %arg7[%swap3A_897], %add3A_718 {strides = array<i32>} : memref<1408xf32, #tpu.memory_space<vmem>>, vector<16xf32>,
      %swap3A_899 = arith.index_cast %add3A_701 : i32 to index
      %swap3A_900 = tpu.vector_load %arg8[%swap3A_899] {strides = array<i32>} : memref<1408xf32, #tpu.memory_space<vmem>>, vector<16xf32>,
      tpu.vector_store %arg8[%swap3A_899], %min3A_839 {strides = array<i32>} : memref<1408xf32, #tpu.memory_space<vmem>>, vector<16xf32>,
      %swap3A_901 = arith.index_cast %add3A_701 : i32 to index
      %swap3A_902 = tpu.vector_load %arg9[%swap3A_901] {strides = array<i32>} : memref<1408xf32, #tpu.memory_space<vmem>>, vector<16xf32>,
      tpu.vector_store %arg9[%swap3A_901], %min3A_861 {strides = array<i32>} : memref<1408xf32, #tpu.memory_space<vmem>>, vector<16xf32>,
      %swap3A_903 = arith.index_cast %add3A_701 : i32 to index
      %swap3A_904 = tpu.vector_load %arg10[%swap3A_903] {strides = array<i32>} : memref<1408xf32, #tpu.memory_space<vmem>>, vector<16xf32>,
      tpu.vector_store %arg10[%swap3A_903], %min3A_850 {strides = array<i32>} : memref<1408xf32, #tpu.memory_space<vmem>>, vector<16xf32>,
      %swap3A_905 = arith.index_cast %add3A_701 : i32 to index
      %swap3A_906 = tpu.vector_load %arg11[%swap3A_905] {strides = array<i32>} : memref<1408xf32, #tpu.memory_space<vmem>>, vector<16xf32>,
      tpu.vector_store %arg11[%swap3A_905], %min3A_872 {strides = array<i32>} : memref<1408xf32, #tpu.memory_space<vmem>>, vector<16xf32>,
      %scan3A_907 = arith.constant 0 : i32
      scf.yield %scan3A_907 : i32
    }
    %scan3A_20 = arith.constant 22 : i32
    %broadcast_in_dim3A = arith.constant -3.000000e+38 : f32
    %broadcast_in_dim3A_21 = vector.broadcast %broadcast_in_dim3A : f32 to vector<16xf32>
    %swap3A = arith.constant 0 : index
    %swap3A_22 = tpu.vector_load %arg13[%swap3A] {strides = array<i32>} : memref<192xf32, #tpu.memory_space<vmem>>, vector<16xf32>,
    tpu.vector_store %arg13[%swap3A], %broadcast_in_dim3A_21 {strides = array<i32>} : memref<192xf32, #tpu.memory_space<vmem>>, vector<16xf32>,
    %broadcast_in_dim3A_23 = arith.constant -3.000000e+38 : f32
    %broadcast_in_dim3A_24 = vector.broadcast %broadcast_in_dim3A_23 : f32 to vector<16xf32>
    %swap3A_25 = arith.constant 16 : index
    %swap3A_26 = tpu.vector_load %arg13[%swap3A_25] {strides = array<i32>} : memref<192xf32, #tpu.memory_space<vmem>>, vector<16xf32>,
    tpu.vector_store %arg13[%swap3A_25], %broadcast_in_dim3A_24 {strides = array<i32>} : memref<192xf32, #tpu.memory_space<vmem>>, vector<16xf32>,
    %broadcast_in_dim3A_27 = arith.constant 0.000000e+00 : f32
    %broadcast_in_dim3A_28 = vector.broadcast %broadcast_in_dim3A_27 : f32 to vector<16xf32>
    %swap3A_29 = arith.constant 32 : index
    %swap3A_30 = tpu.vector_load %arg13[%swap3A_29] {strides = array<i32>} : memref<192xf32, #tpu.memory_space<vmem>>, vector<16xf32>,
    tpu.vector_store %arg13[%swap3A_29], %broadcast_in_dim3A_28 {strides = array<i32>} : memref<192xf32, #tpu.memory_space<vmem>>, vector<16xf32>,
    %broadcast_in_dim3A_31 = arith.constant 0.000000e+00 : f32
    %broadcast_in_dim3A_32 = vector.broadcast %broadcast_in_dim3A_31 : f32 to vector<16xf32>
    %swap3A_33 = arith.constant 48 : index
    %swap3A_34 = tpu.vector_load %arg13[%swap3A_33] {strides = array<i32>} : memref<192xf32, #tpu.memory_space<vmem>>, vector<16xf32>,
    tpu.vector_store %arg13[%swap3A_33], %broadcast_in_dim3A_32 {strides = array<i32>} : memref<192xf32, #tpu.memory_space<vmem>>, vector<16xf32>,
    %broadcast_in_dim3A_35 = arith.constant 0.000000e+00 : f32
    %broadcast_in_dim3A_36 = vector.broadcast %broadcast_in_dim3A_35 : f32 to vector<16xf32>
    %swap3A_37 = arith.constant 64 : index
    %swap3A_38 = tpu.vector_load %arg13[%swap3A_37] {strides = array<i32>} : memref<192xf32, #tpu.memory_space<vmem>>, vector<16xf32>,
    tpu.vector_store %arg13[%swap3A_37], %broadcast_in_dim3A_36 {strides = array<i32>} : memref<192xf32, #tpu.memory_space<vmem>>, vector<16xf32>,
    %broadcast_in_dim3A_39 = arith.constant 0.000000e+00 : f32
    %broadcast_in_dim3A_40 = vector.broadcast %broadcast_in_dim3A_39 : f32 to vector<16xf32>
    %swap3A_41 = arith.constant 80 : index
    %swap3A_42 = tpu.vector_load %arg13[%swap3A_41] {strides = array<i32>} : memref<192xf32, #tpu.memory_space<vmem>>, vector<16xf32>,
    tpu.vector_store %arg13[%swap3A_41], %broadcast_in_dim3A_40 {strides = array<i32>} : memref<192xf32, #tpu.memory_space<vmem>>, vector<16xf32>,
    %broadcast_in_dim3A_43 = arith.constant 0.000000e+00 : f32
    %broadcast_in_dim3A_44 = vector.broadcast %broadcast_in_dim3A_43 : f32 to vector<16xf32>
    %swap3A_45 = arith.constant 96 : index
    %swap3A_46 = tpu.vector_load %arg13[%swap3A_45] {strides = array<i32>} : memref<192xf32, #tpu.memory_space<vmem>>, vector<16xf32>,
    tpu.vector_store %arg13[%swap3A_45], %broadcast_in_dim3A_44 {strides = array<i32>} : memref<192xf32, #tpu.memory_space<vmem>>, vector<16xf32>,
    %broadcast_in_dim3A_47 = arith.constant 0.000000e+00 : f32
    %broadcast_in_dim3A_48 = vector.broadcast %broadcast_in_dim3A_47 : f32 to vector<16xf32>
    %swap3A_49 = arith.constant 112 : index
    %swap3A_50 = tpu.vector_load %arg13[%swap3A_49] {strides = array<i32>} : memref<192xf32, #tpu.memory_space<vmem>>, vector<16xf32>,
    tpu.vector_store %arg13[%swap3A_49], %broadcast_in_dim3A_48 {strides = array<i32>} : memref<192xf32, #tpu.memory_space<vmem>>, vector<16xf32>,
    %broadcast_in_dim3A_51 = arith.constant 0.000000e+00 : f32
    %broadcast_in_dim3A_52 = vector.broadcast %broadcast_in_dim3A_51 : f32 to vector<16xf32>
    %swap3A_53 = arith.constant 128 : index
    %swap3A_54 = tpu.vector_load %arg13[%swap3A_53] {strides = array<i32>} : memref<192xf32, #tpu.memory_space<vmem>>, vector<16xf32>,
    tpu.vector_store %arg13[%swap3A_53], %broadcast_in_dim3A_52 {strides = array<i32>} : memref<192xf32, #tpu.memory_space<vmem>>, vector<16xf32>,
    %broadcast_in_dim3A_55 = arith.constant 0.000000e+00 : f32
    %broadcast_in_dim3A_56 = vector.broadcast %broadcast_in_dim3A_55 : f32 to vector<16xf32>
    %swap3A_57 = arith.constant 144 : index
    %swap3A_58 = tpu.vector_load %arg13[%swap3A_57] {strides = array<i32>} : memref<192xf32, #tpu.memory_space<vmem>>, vector<16xf32>,
    tpu.vector_store %arg13[%swap3A_57], %broadcast_in_dim3A_56 {strides = array<i32>} : memref<192xf32, #tpu.memory_space<vmem>>, vector<16xf32>,
    %broadcast_in_dim3A_59 = arith.constant 0.000000e+00 : f32
    %broadcast_in_dim3A_60 = vector.broadcast %broadcast_in_dim3A_59 : f32 to vector<16xf32>
    %swap3A_61 = arith.constant 160 : index
    %swap3A_62 = tpu.vector_load %arg13[%swap3A_61] {strides = array<i32>} : memref<192xf32, #tpu.memory_space<vmem>>, vector<16xf32>,
    tpu.vector_store %arg13[%swap3A_61], %broadcast_in_dim3A_60 {strides = array<i32>} : memref<192xf32, #tpu.memory_space<vmem>>, vector<16xf32>,
    %broadcast_in_dim3A_63 = arith.constant 0.000000e+00 : f32
    %broadcast_in_dim3A_64 = vector.broadcast %broadcast_in_dim3A_63 : f32 to vector<16xf32>
    %swap3A_65 = arith.constant 176 : index
    %swap3A_66 = tpu.vector_load %arg13[%swap3A_65] {strides = array<i32>} : memref<192xf32, #tpu.memory_space<vmem>>, vector<16xf32>,
    tpu.vector_store %arg13[%swap3A_65], %broadcast_in_dim3A_64 {strides = array<i32>} : memref<192xf32, #tpu.memory_space<vmem>>, vector<16xf32>,
    %scan3A_67 = arith.constant 0 : i32
    %scan3A_68 = arith.constant 0 : i32
    %scan3A_69 = arith.constant 20 : i32
    %scan3A_70 = arith.addi %scan3A_68, %scan3A_69 : i32
    %scan3A_71 = arith.constant 1 : i32
    %scan3A_72 = scf.for %scan3A_80 = %scan3A_68 to %scan3A_70 step %scan3A_71 iter_args(%scan3A_81 = %scan3A_67) -> (i32)  : i32 {
      %broadcast_in_dim3A_82 = arith.constant -3.000000e+38 : f32
      %broadcast_in_dim3A_83 = vector.broadcast %broadcast_in_dim3A_82 : f32 to vector<16xf32>
      %broadcast_in_dim3A_84 = arith.constant 0.000000e+00 : f32
      %broadcast_in_dim3A_85 = vector.broadcast %broadcast_in_dim3A_84 : f32 to vector<16xf32>
      %get3A_86 = arith.constant 0 : index
      %get3A_87 = tpu.vector_load %arg6[%get3A_86] {strides = array<i32>} : memref<1408xf32, #tpu.memory_space<vmem>>, vector<16xf32>,
      %get3A_88 = arith.constant 0 : index
      %get3A_89 = tpu.vector_load %arg7[%get3A_88] {strides = array<i32>} : memref<1408xf32, #tpu.memory_space<vmem>>, vector<16xf32>,
      %gt3A = arith.cmpf ogt, %get3A_87, %broadcast_in_dim3A_83 : vector<16xf32>
      %eq3A_90 = arith.cmpf oeq, %get3A_87, %broadcast_in_dim3A_83 : vector<16xf32>
      %lt3A = arith.cmpf olt, %get3A_89, %broadcast_in_dim3A_85 : vector<16xf32>
      %and3A = arith.andi %eq3A_90, %lt3A : vector<16xi1>
      %or3A = arith.ori %gt3A, %and3A : vector<16xi1>
      %select_n3A = arith.select %or3A, %get3A_87, %broadcast_in_dim3A_83 : vector<16xi1>, vector<16xf32>
      %select_n3A_91 = arith.select %or3A, %get3A_89, %broadcast_in_dim3A_85 : vector<16xi1>, vector<16xf32>
      %get3A_92 = arith.constant 16 : index
      %get3A_93 = tpu.vector_load %arg6[%get3A_92] {strides = array<i32>} : memref<1408xf32, #tpu.memory_space<vmem>>, vector<16xf32>,
      %get3A_94 = arith.constant 16 : index
      %get3A_95 = tpu.vector_load %arg7[%get3A_94] {strides = array<i32>} : memref<1408xf32, #tpu.memory_space<vmem>>, vector<16xf32>,
      %gt3A_96 = arith.cmpf ogt, %get3A_93, %broadcast_in_dim3A_83 : vector<16xf32>
      %eq3A_97 = arith.cmpf oeq, %get3A_93, %broadcast_in_dim3A_83 : vector<16xf32>
      %lt3A_98 = arith.cmpf olt, %get3A_95, %broadcast_in_dim3A_85 : vector<16xf32>
      %and3A_99 = arith.andi %eq3A_97, %lt3A_98 : vector<16xi1>
      %or3A_100 = arith.ori %gt3A_96, %and3A_99 : vector<16xi1>
      %select_n3A_101 = arith.select %or3A_100, %get3A_93, %broadcast_in_dim3A_83 : vector<16xi1>, vector<16xf32>
      %select_n3A_102 = arith.select %or3A_100, %get3A_95, %broadcast_in_dim3A_85 : vector<16xi1>, vector<16xf32>
      %get3A_103 = arith.constant 32 : index
      %get3A_104 = tpu.vector_load %arg6[%get3A_103] {strides = array<i32>} : memref<1408xf32, #tpu.memory_space<vmem>>, vector<16xf32>,
      %get3A_105 = arith.constant 32 : index
      %get3A_106 = tpu.vector_load %arg7[%get3A_105] {strides = array<i32>} : memref<1408xf32, #tpu.memory_space<vmem>>, vector<16xf32>,
      %gt3A_107 = arith.cmpf ogt, %get3A_104, %broadcast_in_dim3A_83 : vector<16xf32>
      %eq3A_108 = arith.cmpf oeq, %get3A_104, %broadcast_in_dim3A_83 : vector<16xf32>
      %lt3A_109 = arith.cmpf olt, %get3A_106, %broadcast_in_dim3A_85 : vector<16xf32>
      %and3A_110 = arith.andi %eq3A_108, %lt3A_109 : vector<16xi1>
      %or3A_111 = arith.ori %gt3A_107, %and3A_110 : vector<16xi1>
      %select_n3A_112 = arith.select %or3A_111, %get3A_104, %broadcast_in_dim3A_83 : vector<16xi1>, vector<16xf32>
      %select_n3A_113 = arith.select %or3A_111, %get3A_106, %broadcast_in_dim3A_85 : vector<16xi1>, vector<16xf32>
      %get3A_114 = arith.constant 48 : index
      %get3A_115 = tpu.vector_load %arg6[%get3A_114] {strides = array<i32>} : memref<1408xf32, #tpu.memory_space<vmem>>, vector<16xf32>,
      %get3A_116 = arith.constant 48 : index
      %get3A_117 = tpu.vector_load %arg7[%get3A_116] {strides = array<i32>} : memref<1408xf32, #tpu.memory_space<vmem>>, vector<16xf32>,
      %gt3A_118 = arith.cmpf ogt, %get3A_115, %broadcast_in_dim3A_83 : vector<16xf32>
      %eq3A_119 = arith.cmpf oeq, %get3A_115, %broadcast_in_dim3A_83 : vector<16xf32>
      %lt3A_120 = arith.cmpf olt, %get3A_117, %broadcast_in_dim3A_85 : vector<16xf32>
      %and3A_121 = arith.andi %eq3A_119, %lt3A_120 : vector<16xi1>
      %or3A_122 = arith.ori %gt3A_118, %and3A_121 : vector<16xi1>
      %select_n3A_123 = arith.select %or3A_122, %get3A_115, %broadcast_in_dim3A_83 : vector<16xi1>, vector<16xf32>
      %select_n3A_124 = arith.select %or3A_122, %get3A_117, %broadcast_in_dim3A_85 : vector<16xi1>, vector<16xf32>
      %get3A_125 = arith.constant 64 : index
      %get3A_126 = tpu.vector_load %arg6[%get3A_125] {strides = array<i32>} : memref<1408xf32, #tpu.memory_space<vmem>>, vector<16xf32>,
      %get3A_127 = arith.constant 64 : index
      %get3A_128 = tpu.vector_load %arg7[%get3A_127] {strides = array<i32>} : memref<1408xf32, #tpu.memory_space<vmem>>, vector<16xf32>,
      %gt3A_129 = arith.cmpf ogt, %get3A_126, %select_n3A : vector<16xf32>
      %eq3A_130 = arith.cmpf oeq, %get3A_126, %select_n3A : vector<16xf32>
      %lt3A_131 = arith.cmpf olt, %get3A_128, %select_n3A_91 : vector<16xf32>
      %and3A_132 = arith.andi %eq3A_130, %lt3A_131 : vector<16xi1>
      %or3A_133 = arith.ori %gt3A_129, %and3A_132 : vector<16xi1>
      %select_n3A_134 = arith.select %or3A_133, %get3A_126, %select_n3A : vector<16xi1>, vector<16xf32>
      %select_n3A_135 = arith.select %or3A_133, %get3A_128, %select_n3A_91 : vector<16xi1>, vector<16xf32>
      %get3A_136 = arith.constant 80 : index
      %get3A_137 = tpu.vector_load %arg6[%get3A_136] {strides = array<i32>} : memref<1408xf32, #tpu.memory_space<vmem>>, vector<16xf32>,
      %get3A_138 = arith.constant 80 : index
      %get3A_139 = tpu.vector_load %arg7[%get3A_138] {strides = array<i32>} : memref<1408xf32, #tpu.memory_space<vmem>>, vector<16xf32>,
      %gt3A_140 = arith.cmpf ogt, %get3A_137, %select_n3A_101 : vector<16xf32>
      %eq3A_141 = arith.cmpf oeq, %get3A_137, %select_n3A_101 : vector<16xf32>
      %lt3A_142 = arith.cmpf olt, %get3A_139, %select_n3A_102 : vector<16xf32>
      %and3A_143 = arith.andi %eq3A_141, %lt3A_142 : vector<16xi1>
      %or3A_144 = arith.ori %gt3A_140, %and3A_143 : vector<16xi1>
      %select_n3A_145 = arith.select %or3A_144, %get3A_137, %select_n3A_101 : vector<16xi1>, vector<16xf32>
      %select_n3A_146 = arith.select %or3A_144, %get3A_139, %select_n3A_102 : vector<16xi1>, vector<16xf32>
      %get3A_147 = arith.constant 96 : index
      %get3A_148 = tpu.vector_load %arg6[%get3A_147] {strides = array<i32>} : memref<1408xf32, #tpu.memory_space<vmem>>, vector<16xf32>,
      %get3A_149 = arith.constant 96 : index
      %get3A_150 = tpu.vector_load %arg7[%get3A_149] {strides = array<i32>} : memref<1408xf32, #tpu.memory_space<vmem>>, vector<16xf32>,
      %gt3A_151 = arith.cmpf ogt, %get3A_148, %select_n3A_112 : vector<16xf32>
      %eq3A_152 = arith.cmpf oeq, %get3A_148, %select_n3A_112 : vector<16xf32>
      %lt3A_153 = arith.cmpf olt, %get3A_150, %select_n3A_113 : vector<16xf32>
      %and3A_154 = arith.andi %eq3A_152, %lt3A_153 : vector<16xi1>
      %or3A_155 = arith.ori %gt3A_151, %and3A_154 : vector<16xi1>
      %select_n3A_156 = arith.select %or3A_155, %get3A_148, %select_n3A_112 : vector<16xi1>, vector<16xf32>
      %select_n3A_157 = arith.select %or3A_155, %get3A_150, %select_n3A_113 : vector<16xi1>, vector<16xf32>
      %get3A_158 = arith.constant 112 : index
      %get3A_159 = tpu.vector_load %arg6[%get3A_158] {strides = array<i32>} : memref<1408xf32, #tpu.memory_space<vmem>>, vector<16xf32>,
      %get3A_160 = arith.constant 112 : index
      %get3A_161 = tpu.vector_load %arg7[%get3A_160] {strides = array<i32>} : memref<1408xf32, #tpu.memory_space<vmem>>, vector<16xf32>,
      %gt3A_162 = arith.cmpf ogt, %get3A_159, %select_n3A_123 : vector<16xf32>
      %eq3A_163 = arith.cmpf oeq, %get3A_159, %select_n3A_123 : vector<16xf32>
      %lt3A_164 = arith.cmpf olt, %get3A_161, %select_n3A_124 : vector<16xf32>
      %and3A_165 = arith.andi %eq3A_163, %lt3A_164 : vector<16xi1>
      %or3A_166 = arith.ori %gt3A_162, %and3A_165 : vector<16xi1>
      %select_n3A_167 = arith.select %or3A_166, %get3A_159, %select_n3A_123 : vector<16xi1>, vector<16xf32>
      %select_n3A_168 = arith.select %or3A_166, %get3A_161, %select_n3A_124 : vector<16xi1>, vector<16xf32>
      %get3A_169 = arith.constant 128 : index
      %get3A_170 = tpu.vector_load %arg6[%get3A_169] {strides = array<i32>} : memref<1408xf32, #tpu.memory_space<vmem>>, vector<16xf32>,
      %get3A_171 = arith.constant 128 : index
      %get3A_172 = tpu.vector_load %arg7[%get3A_171] {strides = array<i32>} : memref<1408xf32, #tpu.memory_space<vmem>>, vector<16xf32>,
      %gt3A_173 = arith.cmpf ogt, %get3A_170, %select_n3A_134 : vector<16xf32>
      %eq3A_174 = arith.cmpf oeq, %get3A_170, %select_n3A_134 : vector<16xf32>
      %lt3A_175 = arith.cmpf olt, %get3A_172, %select_n3A_135 : vector<16xf32>
      %and3A_176 = arith.andi %eq3A_174, %lt3A_175 : vector<16xi1>
      %or3A_177 = arith.ori %gt3A_173, %and3A_176 : vector<16xi1>
      %select_n3A_178 = arith.select %or3A_177, %get3A_170, %select_n3A_134 : vector<16xi1>, vector<16xf32>
      %select_n3A_179 = arith.select %or3A_177, %get3A_172, %select_n3A_135 : vector<16xi1>, vector<16xf32>
      %get3A_180 = arith.constant 144 : index
      %get3A_181 = tpu.vector_load %arg6[%get3A_180] {strides = array<i32>} : memref<1408xf32, #tpu.memory_space<vmem>>, vector<16xf32>,
      %get3A_182 = arith.constant 144 : index
      %get3A_183 = tpu.vector_load %arg7[%get3A_182] {strides = array<i32>} : memref<1408xf32, #tpu.memory_space<vmem>>, vector<16xf32>,
      %gt3A_184 = arith.cmpf ogt, %get3A_181, %select_n3A_145 : vector<16xf32>
      %eq3A_185 = arith.cmpf oeq, %get3A_181, %select_n3A_145 : vector<16xf32>
      %lt3A_186 = arith.cmpf olt, %get3A_183, %select_n3A_146 : vector<16xf32>
      %and3A_187 = arith.andi %eq3A_185, %lt3A_186 : vector<16xi1>
      %or3A_188 = arith.ori %gt3A_184, %and3A_187 : vector<16xi1>
      %select_n3A_189 = arith.select %or3A_188, %get3A_181, %select_n3A_145 : vector<16xi1>, vector<16xf32>
      %select_n3A_190 = arith.select %or3A_188, %get3A_183, %select_n3A_146 : vector<16xi1>, vector<16xf32>
      %get3A_191 = arith.constant 160 : index
      %get3A_192 = tpu.vector_load %arg6[%get3A_191] {strides = array<i32>} : memref<1408xf32, #tpu.memory_space<vmem>>, vector<16xf32>,
      %get3A_193 = arith.constant 160 : index
      %get3A_194 = tpu.vector_load %arg7[%get3A_193] {strides = array<i32>} : memref<1408xf32, #tpu.memory_space<vmem>>, vector<16xf32>,
      %gt3A_195 = arith.cmpf ogt, %get3A_192, %select_n3A_156 : vector<16xf32>
      %eq3A_196 = arith.cmpf oeq, %get3A_192, %select_n3A_156 : vector<16xf32>
      %lt3A_197 = arith.cmpf olt, %get3A_194, %select_n3A_157 : vector<16xf32>
      %and3A_198 = arith.andi %eq3A_196, %lt3A_197 : vector<16xi1>
      %or3A_199 = arith.ori %gt3A_195, %and3A_198 : vector<16xi1>
      %select_n3A_200 = arith.select %or3A_199, %get3A_192, %select_n3A_156 : vector<16xi1>, vector<16xf32>
      %select_n3A_201 = arith.select %or3A_199, %get3A_194, %select_n3A_157 : vector<16xi1>, vector<16xf32>
      %get3A_202 = arith.constant 176 : index
      %get3A_203 = tpu.vector_load %arg6[%get3A_202] {strides = array<i32>} : memref<1408xf32, #tpu.memory_space<vmem>>, vector<16xf32>,
      %get3A_204 = arith.constant 176 : index
      %get3A_205 = tpu.vector_load %arg7[%get3A_204] {strides = array<i32>} : memref<1408xf32, #tpu.memory_space<vmem>>, vector<16xf32>,
      %gt3A_206 = arith.cmpf ogt, %get3A_203, %select_n3A_167 : vector<16xf32>
      %eq3A_207 = arith.cmpf oeq, %get3A_203, %select_n3A_167 : vector<16xf32>
      %lt3A_208 = arith.cmpf olt, %get3A_205, %select_n3A_168 : vector<16xf32>
      %and3A_209 = arith.andi %eq3A_207, %lt3A_208 : vector<16xi1>
      %or3A_210 = arith.ori %gt3A_206, %and3A_209 : vector<16xi1>
      %select_n3A_211 = arith.select %or3A_210, %get3A_203, %select_n3A_167 : vector<16xi1>, vector<16xf32>
      %select_n3A_212 = arith.select %or3A_210, %get3A_205, %select_n3A_168 : vector<16xi1>, vector<16xf32>
      %get3A_213 = arith.constant 192 : index
      %get3A_214 = tpu.vector_load %arg6[%get3A_213] {strides = array<i32>} : memref<1408xf32, #tpu.memory_space<vmem>>, vector<16xf32>,
      %get3A_215 = arith.constant 192 : index
      %get3A_216 = tpu.vector_load %arg7[%get3A_215] {strides = array<i32>} : memref<1408xf32, #tpu.memory_space<vmem>>, vector<16xf32>,
      %gt3A_217 = arith.cmpf ogt, %get3A_214, %select_n3A_178 : vector<16xf32>
      %eq3A_218 = arith.cmpf oeq, %get3A_214, %select_n3A_178 : vector<16xf32>
      %lt3A_219 = arith.cmpf olt, %get3A_216, %select_n3A_179 : vector<16xf32>
      %and3A_220 = arith.andi %eq3A_218, %lt3A_219 : vector<16xi1>
      %or3A_221 = arith.ori %gt3A_217, %and3A_220 : vector<16xi1>
      %select_n3A_222 = arith.select %or3A_221, %get3A_214, %select_n3A_178 : vector<16xi1>, vector<16xf32>
      %select_n3A_223 = arith.select %or3A_221, %get3A_216, %select_n3A_179 : vector<16xi1>, vector<16xf32>
      %get3A_224 = arith.constant 208 : index
      %get3A_225 = tpu.vector_load %arg6[%get3A_224] {strides = array<i32>} : memref<1408xf32, #tpu.memory_space<vmem>>, vector<16xf32>,
      %get3A_226 = arith.constant 208 : index
      %get3A_227 = tpu.vector_load %arg7[%get3A_226] {strides = array<i32>} : memref<1408xf32, #tpu.memory_space<vmem>>, vector<16xf32>,
      %gt3A_228 = arith.cmpf ogt, %get3A_225, %select_n3A_189 : vector<16xf32>
      %eq3A_229 = arith.cmpf oeq, %get3A_225, %select_n3A_189 : vector<16xf32>
      %lt3A_230 = arith.cmpf olt, %get3A_227, %select_n3A_190 : vector<16xf32>
      %and3A_231 = arith.andi %eq3A_229, %lt3A_230 : vector<16xi1>
      %or3A_232 = arith.ori %gt3A_228, %and3A_231 : vector<16xi1>
      %select_n3A_233 = arith.select %or3A_232, %get3A_225, %select_n3A_189 : vector<16xi1>, vector<16xf32>
      %select_n3A_234 = arith.select %or3A_232, %get3A_227, %select_n3A_190 : vector<16xi1>, vector<16xf32>
      %get3A_235 = arith.constant 224 : index
      %get3A_236 = tpu.vector_load %arg6[%get3A_235] {strides = array<i32>} : memref<1408xf32, #tpu.memory_space<vmem>>, vector<16xf32>,
      %get3A_237 = arith.constant 224 : index
      %get3A_238 = tpu.vector_load %arg7[%get3A_237] {strides = array<i32>} : memref<1408xf32, #tpu.memory_space<vmem>>, vector<16xf32>,
      %gt3A_239 = arith.cmpf ogt, %get3A_236, %select_n3A_200 : vector<16xf32>
      %eq3A_240 = arith.cmpf oeq, %get3A_236, %select_n3A_200 : vector<16xf32>
      %lt3A_241 = arith.cmpf olt, %get3A_238, %select_n3A_201 : vector<16xf32>
      %and3A_242 = arith.andi %eq3A_240, %lt3A_241 : vector<16xi1>
      %or3A_243 = arith.ori %gt3A_239, %and3A_242 : vector<16xi1>
      %select_n3A_244 = arith.select %or3A_243, %get3A_236, %select_n3A_200 : vector<16xi1>, vector<16xf32>
      %select_n3A_245 = arith.select %or3A_243, %get3A_238, %select_n3A_201 : vector<16xi1>, vector<16xf32>
      %get3A_246 = arith.constant 240 : index
      %get3A_247 = tpu.vector_load %arg6[%get3A_246] {strides = array<i32>} : memref<1408xf32, #tpu.memory_space<vmem>>, vector<16xf32>,
      %get3A_248 = arith.constant 240 : index
      %get3A_249 = tpu.vector_load %arg7[%get3A_248] {strides = array<i32>} : memref<1408xf32, #tpu.memory_space<vmem>>, vector<16xf32>,
      %gt3A_250 = arith.cmpf ogt, %get3A_247, %select_n3A_211 : vector<16xf32>
      %eq3A_251 = arith.cmpf oeq, %get3A_247, %select_n3A_211 : vector<16xf32>
      %lt3A_252 = arith.cmpf olt, %get3A_249, %select_n3A_212 : vector<16xf32>
      %and3A_253 = arith.andi %eq3A_251, %lt3A_252 : vector<16xi1>
      %or3A_254 = arith.ori %gt3A_250, %and3A_253 : vector<16xi1>
      %select_n3A_255 = arith.select %or3A_254, %get3A_247, %select_n3A_211 : vector<16xi1>, vector<16xf32>
      %select_n3A_256 = arith.select %or3A_254, %get3A_249, %select_n3A_212 : vector<16xi1>, vector<16xf32>
      %get3A_257 = arith.constant 256 : index
      %get3A_258 = tpu.vector_load %arg6[%get3A_257] {strides = array<i32>} : memref<1408xf32, #tpu.memory_space<vmem>>, vector<16xf32>,
      %get3A_259 = arith.constant 256 : index
      %get3A_260 = tpu.vector_load %arg7[%get3A_259] {strides = array<i32>} : memref<1408xf32, #tpu.memory_space<vmem>>, vector<16xf32>,
      %gt3A_261 = arith.cmpf ogt, %get3A_258, %select_n3A_222 : vector<16xf32>
      %eq3A_262 = arith.cmpf oeq, %get3A_258, %select_n3A_222 : vector<16xf32>
      %lt3A_263 = arith.cmpf olt, %get3A_260, %select_n3A_223 : vector<16xf32>
      %and3A_264 = arith.andi %eq3A_262, %lt3A_263 : vector<16xi1>
      %or3A_265 = arith.ori %gt3A_261, %and3A_264 : vector<16xi1>
      %select_n3A_266 = arith.select %or3A_265, %get3A_258, %select_n3A_222 : vector<16xi1>, vector<16xf32>
      %select_n3A_267 = arith.select %or3A_265, %get3A_260, %select_n3A_223 : vector<16xi1>, vector<16xf32>
      %get3A_268 = arith.constant 272 : index
      %get3A_269 = tpu.vector_load %arg6[%get3A_268] {strides = array<i32>} : memref<1408xf32, #tpu.memory_space<vmem>>, vector<16xf32>,
      %get3A_270 = arith.constant 272 : index
      %get3A_271 = tpu.vector_load %arg7[%get3A_270] {strides = array<i32>} : memref<1408xf32, #tpu.memory_space<vmem>>, vector<16xf32>,
      %gt3A_272 = arith.cmpf ogt, %get3A_269, %select_n3A_233 : vector<16xf32>
      %eq3A_273 = arith.cmpf oeq, %get3A_269, %select_n3A_233 : vector<16xf32>
      %lt3A_274 = arith.cmpf olt, %get3A_271, %select_n3A_234 : vector<16xf32>
      %and3A_275 = arith.andi %eq3A_273, %lt3A_274 : vector<16xi1>
      %or3A_276 = arith.ori %gt3A_272, %and3A_275 : vector<16xi1>
      %select_n3A_277 = arith.select %or3A_276, %get3A_269, %select_n3A_233 : vector<16xi1>, vector<16xf32>
      %select_n3A_278 = arith.select %or3A_276, %get3A_271, %select_n3A_234 : vector<16xi1>, vector<16xf32>
      %get3A_279 = arith.constant 288 : index
      %get3A_280 = tpu.vector_load %arg6[%get3A_279] {strides = array<i32>} : memref<1408xf32, #tpu.memory_space<vmem>>, vector<16xf32>,
      %get3A_281 = arith.constant 288 : index
      %get3A_282 = tpu.vector_load %arg7[%get3A_281] {strides = array<i32>} : memref<1408xf32, #tpu.memory_space<vmem>>, vector<16xf32>,
      %gt3A_283 = arith.cmpf ogt, %get3A_280, %select_n3A_244 : vector<16xf32>
      %eq3A_284 = arith.cmpf oeq, %get3A_280, %select_n3A_244 : vector<16xf32>
      %lt3A_285 = arith.cmpf olt, %get3A_282, %select_n3A_245 : vector<16xf32>
      %and3A_286 = arith.andi %eq3A_284, %lt3A_285 : vector<16xi1>
      %or3A_287 = arith.ori %gt3A_283, %and3A_286 : vector<16xi1>
      %select_n3A_288 = arith.select %or3A_287, %get3A_280, %select_n3A_244 : vector<16xi1>, vector<16xf32>
      %select_n3A_289 = arith.select %or3A_287, %get3A_282, %select_n3A_245 : vector<16xi1>, vector<16xf32>
      %get3A_290 = arith.constant 304 : index
      %get3A_291 = tpu.vector_load %arg6[%get3A_290] {strides = array<i32>} : memref<1408xf32, #tpu.memory_space<vmem>>, vector<16xf32>,
      %get3A_292 = arith.constant 304 : index
      %get3A_293 = tpu.vector_load %arg7[%get3A_292] {strides = array<i32>} : memref<1408xf32, #tpu.memory_space<vmem>>, vector<16xf32>,
      %gt3A_294 = arith.cmpf ogt, %get3A_291, %select_n3A_255 : vector<16xf32>
      %eq3A_295 = arith.cmpf oeq, %get3A_291, %select_n3A_255 : vector<16xf32>
      %lt3A_296 = arith.cmpf olt, %get3A_293, %select_n3A_256 : vector<16xf32>
      %and3A_297 = arith.andi %eq3A_295, %lt3A_296 : vector<16xi1>
      %or3A_298 = arith.ori %gt3A_294, %and3A_297 : vector<16xi1>
      %select_n3A_299 = arith.select %or3A_298, %get3A_291, %select_n3A_255 : vector<16xi1>, vector<16xf32>
      %select_n3A_300 = arith.select %or3A_298, %get3A_293, %select_n3A_256 : vector<16xi1>, vector<16xf32>
      %get3A_301 = arith.constant 320 : index
      %get3A_302 = tpu.vector_load %arg6[%get3A_301] {strides = array<i32>} : memref<1408xf32, #tpu.memory_space<vmem>>, vector<16xf32>,
      %get3A_303 = arith.constant 320 : index
      %get3A_304 = tpu.vector_load %arg7[%get3A_303] {strides = array<i32>} : memref<1408xf32, #tpu.memory_space<vmem>>, vector<16xf32>,
      %gt3A_305 = arith.cmpf ogt, %get3A_302, %select_n3A_266 : vector<16xf32>
      %eq3A_306 = arith.cmpf oeq, %get3A_302, %select_n3A_266 : vector<16xf32>
      %lt3A_307 = arith.cmpf olt, %get3A_304, %select_n3A_267 : vector<16xf32>
      %and3A_308 = arith.andi %eq3A_306, %lt3A_307 : vector<16xi1>
      %or3A_309 = arith.ori %gt3A_305, %and3A_308 : vector<16xi1>
      %select_n3A_310 = arith.select %or3A_309, %get3A_302, %select_n3A_266 : vector<16xi1>, vector<16xf32>
      %select_n3A_311 = arith.select %or3A_309, %get3A_304, %select_n3A_267 : vector<16xi1>, vector<16xf32>
      %get3A_312 = arith.constant 336 : index
      %get3A_313 = tpu.vector_load %arg6[%get3A_312] {strides = array<i32>} : memref<1408xf32, #tpu.memory_space<vmem>>, vector<16xf32>,
      %get3A_314 = arith.constant 336 : index
      %get3A_315 = tpu.vector_load %arg7[%get3A_314] {strides = array<i32>} : memref<1408xf32, #tpu.memory_space<vmem>>, vector<16xf32>,
      %gt3A_316 = arith.cmpf ogt, %get3A_313, %select_n3A_277 : vector<16xf32>
      %eq3A_317 = arith.cmpf oeq, %get3A_313, %select_n3A_277 : vector<16xf32>
      %lt3A_318 = arith.cmpf olt, %get3A_315, %select_n3A_278 : vector<16xf32>
      %and3A_319 = arith.andi %eq3A_317, %lt3A_318 : vector<16xi1>
      %or3A_320 = arith.ori %gt3A_316, %and3A_319 : vector<16xi1>
      %select_n3A_321 = arith.select %or3A_320, %get3A_313, %select_n3A_277 : vector<16xi1>, vector<16xf32>
      %select_n3A_322 = arith.select %or3A_320, %get3A_315, %select_n3A_278 : vector<16xi1>, vector<16xf32>
      %get3A_323 = arith.constant 352 : index
      %get3A_324 = tpu.vector_load %arg6[%get3A_323] {strides = array<i32>} : memref<1408xf32, #tpu.memory_space<vmem>>, vector<16xf32>,
      %get3A_325 = arith.constant 352 : index
      %get3A_326 = tpu.vector_load %arg7[%get3A_325] {strides = array<i32>} : memref<1408xf32, #tpu.memory_space<vmem>>, vector<16xf32>,
      %gt3A_327 = arith.cmpf ogt, %get3A_324, %select_n3A_288 : vector<16xf32>
      %eq3A_328 = arith.cmpf oeq, %get3A_324, %select_n3A_288 : vector<16xf32>
      %lt3A_329 = arith.cmpf olt, %get3A_326, %select_n3A_289 : vector<16xf32>
      %and3A_330 = arith.andi %eq3A_328, %lt3A_329 : vector<16xi1>
      %or3A_331 = arith.ori %gt3A_327, %and3A_330 : vector<16xi1>
      %select_n3A_332 = arith.select %or3A_331, %get3A_324, %select_n3A_288 : vector<16xi1>, vector<16xf32>
      %select_n3A_333 = arith.select %or3A_331, %get3A_326, %select_n3A_289 : vector<16xi1>, vector<16xf32>
      %get3A_334 = arith.constant 368 : index
      %get3A_335 = tpu.vector_load %arg6[%get3A_334] {strides = array<i32>} : memref<1408xf32, #tpu.memory_space<vmem>>, vector<16xf32>,
      %get3A_336 = arith.constant 368 : index
      %get3A_337 = tpu.vector_load %arg7[%get3A_336] {strides = array<i32>} : memref<1408xf32, #tpu.memory_space<vmem>>, vector<16xf32>,
      %gt3A_338 = arith.cmpf ogt, %get3A_335, %select_n3A_299 : vector<16xf32>
      %eq3A_339 = arith.cmpf oeq, %get3A_335, %select_n3A_299 : vector<16xf32>
      %lt3A_340 = arith.cmpf olt, %get3A_337, %select_n3A_300 : vector<16xf32>
      %and3A_341 = arith.andi %eq3A_339, %lt3A_340 : vector<16xi1>
      %or3A_342 = arith.ori %gt3A_338, %and3A_341 : vector<16xi1>
      %select_n3A_343 = arith.select %or3A_342, %get3A_335, %select_n3A_299 : vector<16xi1>, vector<16xf32>
      %select_n3A_344 = arith.select %or3A_342, %get3A_337, %select_n3A_300 : vector<16xi1>, vector<16xf32>
      %get3A_345 = arith.constant 384 : index
      %get3A_346 = tpu.vector_load %arg6[%get3A_345] {strides = array<i32>} : memref<1408xf32, #tpu.memory_space<vmem>>, vector<16xf32>,
      %get3A_347 = arith.constant 384 : index
      %get3A_348 = tpu.vector_load %arg7[%get3A_347] {strides = array<i32>} : memref<1408xf32, #tpu.memory_space<vmem>>, vector<16xf32>,
      %gt3A_349 = arith.cmpf ogt, %get3A_346, %select_n3A_310 : vector<16xf32>
      %eq3A_350 = arith.cmpf oeq, %get3A_346, %select_n3A_310 : vector<16xf32>
      %lt3A_351 = arith.cmpf olt, %get3A_348, %select_n3A_311 : vector<16xf32>
      %and3A_352 = arith.andi %eq3A_350, %lt3A_351 : vector<16xi1>
      %or3A_353 = arith.ori %gt3A_349, %and3A_352 : vector<16xi1>
      %select_n3A_354 = arith.select %or3A_353, %get3A_346, %select_n3A_310 : vector<16xi1>, vector<16xf32>
      %select_n3A_355 = arith.select %or3A_353, %get3A_348, %select_n3A_311 : vector<16xi1>, vector<16xf32>
      %get3A_356 = arith.constant 400 : index
      %get3A_357 = tpu.vector_load %arg6[%get3A_356] {strides = array<i32>} : memref<1408xf32, #tpu.memory_space<vmem>>, vector<16xf32>,
      %get3A_358 = arith.constant 400 : index
      %get3A_359 = tpu.vector_load %arg7[%get3A_358] {strides = array<i32>} : memref<1408xf32, #tpu.memory_space<vmem>>, vector<16xf32>,
      %gt3A_360 = arith.cmpf ogt, %get3A_357, %select_n3A_321 : vector<16xf32>
      %eq3A_361 = arith.cmpf oeq, %get3A_357, %select_n3A_321 : vector<16xf32>
      %lt3A_362 = arith.cmpf olt, %get3A_359, %select_n3A_322 : vector<16xf32>
      %and3A_363 = arith.andi %eq3A_361, %lt3A_362 : vector<16xi1>
      %or3A_364 = arith.ori %gt3A_360, %and3A_363 : vector<16xi1>
      %select_n3A_365 = arith.select %or3A_364, %get3A_357, %select_n3A_321 : vector<16xi1>, vector<16xf32>
      %select_n3A_366 = arith.select %or3A_364, %get3A_359, %select_n3A_322 : vector<16xi1>, vector<16xf32>
      %get3A_367 = arith.constant 416 : index
      %get3A_368 = tpu.vector_load %arg6[%get3A_367] {strides = array<i32>} : memref<1408xf32, #tpu.memory_space<vmem>>, vector<16xf32>,
      %get3A_369 = arith.constant 416 : index
      %get3A_370 = tpu.vector_load %arg7[%get3A_369] {strides = array<i32>} : memref<1408xf32, #tpu.memory_space<vmem>>, vector<16xf32>,
      %gt3A_371 = arith.cmpf ogt, %get3A_368, %select_n3A_332 : vector<16xf32>
      %eq3A_372 = arith.cmpf oeq, %get3A_368, %select_n3A_332 : vector<16xf32>
      %lt3A_373 = arith.cmpf olt, %get3A_370, %select_n3A_333 : vector<16xf32>
      %and3A_374 = arith.andi %eq3A_372, %lt3A_373 : vector<16xi1>
      %or3A_375 = arith.ori %gt3A_371, %and3A_374 : vector<16xi1>
      %select_n3A_376 = arith.select %or3A_375, %get3A_368, %select_n3A_332 : vector<16xi1>, vector<16xf32>
      %select_n3A_377 = arith.select %or3A_375, %get3A_370, %select_n3A_333 : vector<16xi1>, vector<16xf32>
      %get3A_378 = arith.constant 432 : index
      %get3A_379 = tpu.vector_load %arg6[%get3A_378] {strides = array<i32>} : memref<1408xf32, #tpu.memory_space<vmem>>, vector<16xf32>,
      %get3A_380 = arith.constant 432 : index
      %get3A_381 = tpu.vector_load %arg7[%get3A_380] {strides = array<i32>} : memref<1408xf32, #tpu.memory_space<vmem>>, vector<16xf32>,
      %gt3A_382 = arith.cmpf ogt, %get3A_379, %select_n3A_343 : vector<16xf32>
      %eq3A_383 = arith.cmpf oeq, %get3A_379, %select_n3A_343 : vector<16xf32>
      %lt3A_384 = arith.cmpf olt, %get3A_381, %select_n3A_344 : vector<16xf32>
      %and3A_385 = arith.andi %eq3A_383, %lt3A_384 : vector<16xi1>
      %or3A_386 = arith.ori %gt3A_382, %and3A_385 : vector<16xi1>
      %select_n3A_387 = arith.select %or3A_386, %get3A_379, %select_n3A_343 : vector<16xi1>, vector<16xf32>
      %select_n3A_388 = arith.select %or3A_386, %get3A_381, %select_n3A_344 : vector<16xi1>, vector<16xf32>
      %get3A_389 = arith.constant 448 : index
      %get3A_390 = tpu.vector_load %arg6[%get3A_389] {strides = array<i32>} : memref<1408xf32, #tpu.memory_space<vmem>>, vector<16xf32>,
      %get3A_391 = arith.constant 448 : index
      %get3A_392 = tpu.vector_load %arg7[%get3A_391] {strides = array<i32>} : memref<1408xf32, #tpu.memory_space<vmem>>, vector<16xf32>,
      %gt3A_393 = arith.cmpf ogt, %get3A_390, %select_n3A_354 : vector<16xf32>
      %eq3A_394 = arith.cmpf oeq, %get3A_390, %select_n3A_354 : vector<16xf32>
      %lt3A_395 = arith.cmpf olt, %get3A_392, %select_n3A_355 : vector<16xf32>
      %and3A_396 = arith.andi %eq3A_394, %lt3A_395 : vector<16xi1>
      %or3A_397 = arith.ori %gt3A_393, %and3A_396 : vector<16xi1>
      %select_n3A_398 = arith.select %or3A_397, %get3A_390, %select_n3A_354 : vector<16xi1>, vector<16xf32>
      %select_n3A_399 = arith.select %or3A_397, %get3A_392, %select_n3A_355 : vector<16xi1>, vector<16xf32>
      %get3A_400 = arith.constant 464 : index
      %get3A_401 = tpu.vector_load %arg6[%get3A_400] {strides = array<i32>} : memref<1408xf32, #tpu.memory_space<vmem>>, vector<16xf32>,
      %get3A_402 = arith.constant 464 : index
      %get3A_403 = tpu.vector_load %arg7[%get3A_402] {strides = array<i32>} : memref<1408xf32, #tpu.memory_space<vmem>>, vector<16xf32>,
      %gt3A_404 = arith.cmpf ogt, %get3A_401, %select_n3A_365 : vector<16xf32>
      %eq3A_405 = arith.cmpf oeq, %get3A_401, %select_n3A_365 : vector<16xf32>
      %lt3A_406 = arith.cmpf olt, %get3A_403, %select_n3A_366 : vector<16xf32>
      %and3A_407 = arith.andi %eq3A_405, %lt3A_406 : vector<16xi1>
      %or3A_408 = arith.ori %gt3A_404, %and3A_407 : vector<16xi1>
      %select_n3A_409 = arith.select %or3A_408, %get3A_401, %select_n3A_365 : vector<16xi1>, vector<16xf32>
      %select_n3A_410 = arith.select %or3A_408, %get3A_403, %select_n3A_366 : vector<16xi1>, vector<16xf32>
      %get3A_411 = arith.constant 480 : index
      %get3A_412 = tpu.vector_load %arg6[%get3A_411] {strides = array<i32>} : memref<1408xf32, #tpu.memory_space<vmem>>, vector<16xf32>,
      %get3A_413 = arith.constant 480 : index
      %get3A_414 = tpu.vector_load %arg7[%get3A_413] {strides = array<i32>} : memref<1408xf32, #tpu.memory_space<vmem>>, vector<16xf32>,
      %gt3A_415 = arith.cmpf ogt, %get3A_412, %select_n3A_376 : vector<16xf32>
      %eq3A_416 = arith.cmpf oeq, %get3A_412, %select_n3A_376 : vector<16xf32>
      %lt3A_417 = arith.cmpf olt, %get3A_414, %select_n3A_377 : vector<16xf32>
      %and3A_418 = arith.andi %eq3A_416, %lt3A_417 : vector<16xi1>
      %or3A_419 = arith.ori %gt3A_415, %and3A_418 : vector<16xi1>
      %select_n3A_420 = arith.select %or3A_419, %get3A_412, %select_n3A_376 : vector<16xi1>, vector<16xf32>
      %select_n3A_421 = arith.select %or3A_419, %get3A_414, %select_n3A_377 : vector<16xi1>, vector<16xf32>
      %get3A_422 = arith.constant 496 : index
      %get3A_423 = tpu.vector_load %arg6[%get3A_422] {strides = array<i32>} : memref<1408xf32, #tpu.memory_space<vmem>>, vector<16xf32>,
      %get3A_424 = arith.constant 496 : index
      %get3A_425 = tpu.vector_load %arg7[%get3A_424] {strides = array<i32>} : memref<1408xf32, #tpu.memory_space<vmem>>, vector<16xf32>,
      %gt3A_426 = arith.cmpf ogt, %get3A_423, %select_n3A_387 : vector<16xf32>
      %eq3A_427 = arith.cmpf oeq, %get3A_423, %select_n3A_387 : vector<16xf32>
      %lt3A_428 = arith.cmpf olt, %get3A_425, %select_n3A_388 : vector<16xf32>
      %and3A_429 = arith.andi %eq3A_427, %lt3A_428 : vector<16xi1>
      %or3A_430 = arith.ori %gt3A_426, %and3A_429 : vector<16xi1>
      %select_n3A_431 = arith.select %or3A_430, %get3A_423, %select_n3A_387 : vector<16xi1>, vector<16xf32>
      %select_n3A_432 = arith.select %or3A_430, %get3A_425, %select_n3A_388 : vector<16xi1>, vector<16xf32>
      %get3A_433 = arith.constant 512 : index
      %get3A_434 = tpu.vector_load %arg6[%get3A_433] {strides = array<i32>} : memref<1408xf32, #tpu.memory_space<vmem>>, vector<16xf32>,
      %get3A_435 = arith.constant 512 : index
      %get3A_436 = tpu.vector_load %arg7[%get3A_435] {strides = array<i32>} : memref<1408xf32, #tpu.memory_space<vmem>>, vector<16xf32>,
      %gt3A_437 = arith.cmpf ogt, %get3A_434, %select_n3A_398 : vector<16xf32>
      %eq3A_438 = arith.cmpf oeq, %get3A_434, %select_n3A_398 : vector<16xf32>
      %lt3A_439 = arith.cmpf olt, %get3A_436, %select_n3A_399 : vector<16xf32>
      %and3A_440 = arith.andi %eq3A_438, %lt3A_439 : vector<16xi1>
      %or3A_441 = arith.ori %gt3A_437, %and3A_440 : vector<16xi1>
      %select_n3A_442 = arith.select %or3A_441, %get3A_434, %select_n3A_398 : vector<16xi1>, vector<16xf32>
      %select_n3A_443 = arith.select %or3A_441, %get3A_436, %select_n3A_399 : vector<16xi1>, vector<16xf32>
      %get3A_444 = arith.constant 528 : index
      %get3A_445 = tpu.vector_load %arg6[%get3A_444] {strides = array<i32>} : memref<1408xf32, #tpu.memory_space<vmem>>, vector<16xf32>,
      %get3A_446 = arith.constant 528 : index
      %get3A_447 = tpu.vector_load %arg7[%get3A_446] {strides = array<i32>} : memref<1408xf32, #tpu.memory_space<vmem>>, vector<16xf32>,
      %gt3A_448 = arith.cmpf ogt, %get3A_445, %select_n3A_409 : vector<16xf32>
      %eq3A_449 = arith.cmpf oeq, %get3A_445, %select_n3A_409 : vector<16xf32>
      %lt3A_450 = arith.cmpf olt, %get3A_447, %select_n3A_410 : vector<16xf32>
      %and3A_451 = arith.andi %eq3A_449, %lt3A_450 : vector<16xi1>
      %or3A_452 = arith.ori %gt3A_448, %and3A_451 : vector<16xi1>
      %select_n3A_453 = arith.select %or3A_452, %get3A_445, %select_n3A_409 : vector<16xi1>, vector<16xf32>
      %select_n3A_454 = arith.select %or3A_452, %get3A_447, %select_n3A_410 : vector<16xi1>, vector<16xf32>
      %get3A_455 = arith.constant 544 : index
      %get3A_456 = tpu.vector_load %arg6[%get3A_455] {strides = array<i32>} : memref<1408xf32, #tpu.memory_space<vmem>>, vector<16xf32>,
      %get3A_457 = arith.constant 544 : index
      %get3A_458 = tpu.vector_load %arg7[%get3A_457] {strides = array<i32>} : memref<1408xf32, #tpu.memory_space<vmem>>, vector<16xf32>,
      %gt3A_459 = arith.cmpf ogt, %get3A_456, %select_n3A_420 : vector<16xf32>
      %eq3A_460 = arith.cmpf oeq, %get3A_456, %select_n3A_420 : vector<16xf32>
      %lt3A_461 = arith.cmpf olt, %get3A_458, %select_n3A_421 : vector<16xf32>
      %and3A_462 = arith.andi %eq3A_460, %lt3A_461 : vector<16xi1>
      %or3A_463 = arith.ori %gt3A_459, %and3A_462 : vector<16xi1>
      %select_n3A_464 = arith.select %or3A_463, %get3A_456, %select_n3A_420 : vector<16xi1>, vector<16xf32>
      %select_n3A_465 = arith.select %or3A_463, %get3A_458, %select_n3A_421 : vector<16xi1>, vector<16xf32>
      %get3A_466 = arith.constant 560 : index
      %get3A_467 = tpu.vector_load %arg6[%get3A_466] {strides = array<i32>} : memref<1408xf32, #tpu.memory_space<vmem>>, vector<16xf32>,
      %get3A_468 = arith.constant 560 : index
      %get3A_469 = tpu.vector_load %arg7[%get3A_468] {strides = array<i32>} : memref<1408xf32, #tpu.memory_space<vmem>>, vector<16xf32>,
      %gt3A_470 = arith.cmpf ogt, %get3A_467, %select_n3A_431 : vector<16xf32>
      %eq3A_471 = arith.cmpf oeq, %get3A_467, %select_n3A_431 : vector<16xf32>
      %lt3A_472 = arith.cmpf olt, %get3A_469, %select_n3A_432 : vector<16xf32>
      %and3A_473 = arith.andi %eq3A_471, %lt3A_472 : vector<16xi1>
      %or3A_474 = arith.ori %gt3A_470, %and3A_473 : vector<16xi1>
      %select_n3A_475 = arith.select %or3A_474, %get3A_467, %select_n3A_431 : vector<16xi1>, vector<16xf32>
      %select_n3A_476 = arith.select %or3A_474, %get3A_469, %select_n3A_432 : vector<16xi1>, vector<16xf32>
      %get3A_477 = arith.constant 576 : index
      %get3A_478 = tpu.vector_load %arg6[%get3A_477] {strides = array<i32>} : memref<1408xf32, #tpu.memory_space<vmem>>, vector<16xf32>,
      %get3A_479 = arith.constant 576 : index
      %get3A_480 = tpu.vector_load %arg7[%get3A_479] {strides = array<i32>} : memref<1408xf32, #tpu.memory_space<vmem>>, vector<16xf32>,
      %gt3A_481 = arith.cmpf ogt, %get3A_478, %select_n3A_442 : vector<16xf32>
      %eq3A_482 = arith.cmpf oeq, %get3A_478, %select_n3A_442 : vector<16xf32>
      %lt3A_483 = arith.cmpf olt, %get3A_480, %select_n3A_443 : vector<16xf32>
      %and3A_484 = arith.andi %eq3A_482, %lt3A_483 : vector<16xi1>
      %or3A_485 = arith.ori %gt3A_481, %and3A_484 : vector<16xi1>
      %select_n3A_486 = arith.select %or3A_485, %get3A_478, %select_n3A_442 : vector<16xi1>, vector<16xf32>
      %select_n3A_487 = arith.select %or3A_485, %get3A_480, %select_n3A_443 : vector<16xi1>, vector<16xf32>
      %get3A_488 = arith.constant 592 : index
      %get3A_489 = tpu.vector_load %arg6[%get3A_488] {strides = array<i32>} : memref<1408xf32, #tpu.memory_space<vmem>>, vector<16xf32>,
      %get3A_490 = arith.constant 592 : index
      %get3A_491 = tpu.vector_load %arg7[%get3A_490] {strides = array<i32>} : memref<1408xf32, #tpu.memory_space<vmem>>, vector<16xf32>,
      %gt3A_492 = arith.cmpf ogt, %get3A_489, %select_n3A_453 : vector<16xf32>
      %eq3A_493 = arith.cmpf oeq, %get3A_489, %select_n3A_453 : vector<16xf32>
      %lt3A_494 = arith.cmpf olt, %get3A_491, %select_n3A_454 : vector<16xf32>
      %and3A_495 = arith.andi %eq3A_493, %lt3A_494 : vector<16xi1>
      %or3A_496 = arith.ori %gt3A_492, %and3A_495 : vector<16xi1>
      %select_n3A_497 = arith.select %or3A_496, %get3A_489, %select_n3A_453 : vector<16xi1>, vector<16xf32>
      %select_n3A_498 = arith.select %or3A_496, %get3A_491, %select_n3A_454 : vector<16xi1>, vector<16xf32>
      %get3A_499 = arith.constant 608 : index
      %get3A_500 = tpu.vector_load %arg6[%get3A_499] {strides = array<i32>} : memref<1408xf32, #tpu.memory_space<vmem>>, vector<16xf32>,
      %get3A_501 = arith.constant 608 : index
      %get3A_502 = tpu.vector_load %arg7[%get3A_501] {strides = array<i32>} : memref<1408xf32, #tpu.memory_space<vmem>>, vector<16xf32>,
      %gt3A_503 = arith.cmpf ogt, %get3A_500, %select_n3A_464 : vector<16xf32>
      %eq3A_504 = arith.cmpf oeq, %get3A_500, %select_n3A_464 : vector<16xf32>
      %lt3A_505 = arith.cmpf olt, %get3A_502, %select_n3A_465 : vector<16xf32>
      %and3A_506 = arith.andi %eq3A_504, %lt3A_505 : vector<16xi1>
      %or3A_507 = arith.ori %gt3A_503, %and3A_506 : vector<16xi1>
      %select_n3A_508 = arith.select %or3A_507, %get3A_500, %select_n3A_464 : vector<16xi1>, vector<16xf32>
      %select_n3A_509 = arith.select %or3A_507, %get3A_502, %select_n3A_465 : vector<16xi1>, vector<16xf32>
      %get3A_510 = arith.constant 624 : index
      %get3A_511 = tpu.vector_load %arg6[%get3A_510] {strides = array<i32>} : memref<1408xf32, #tpu.memory_space<vmem>>, vector<16xf32>,
      %get3A_512 = arith.constant 624 : index
      %get3A_513 = tpu.vector_load %arg7[%get3A_512] {strides = array<i32>} : memref<1408xf32, #tpu.memory_space<vmem>>, vector<16xf32>,
      %gt3A_514 = arith.cmpf ogt, %get3A_511, %select_n3A_475 : vector<16xf32>
      %eq3A_515 = arith.cmpf oeq, %get3A_511, %select_n3A_475 : vector<16xf32>
      %lt3A_516 = arith.cmpf olt, %get3A_513, %select_n3A_476 : vector<16xf32>
      %and3A_517 = arith.andi %eq3A_515, %lt3A_516 : vector<16xi1>
      %or3A_518 = arith.ori %gt3A_514, %and3A_517 : vector<16xi1>
      %select_n3A_519 = arith.select %or3A_518, %get3A_511, %select_n3A_475 : vector<16xi1>, vector<16xf32>
      %select_n3A_520 = arith.select %or3A_518, %get3A_513, %select_n3A_476 : vector<16xi1>, vector<16xf32>
      %get3A_521 = arith.constant 640 : index
      %get3A_522 = tpu.vector_load %arg6[%get3A_521] {strides = array<i32>} : memref<1408xf32, #tpu.memory_space<vmem>>, vector<16xf32>,
      %get3A_523 = arith.constant 640 : index
      %get3A_524 = tpu.vector_load %arg7[%get3A_523] {strides = array<i32>} : memref<1408xf32, #tpu.memory_space<vmem>>, vector<16xf32>,
      %gt3A_525 = arith.cmpf ogt, %get3A_522, %select_n3A_486 : vector<16xf32>
      %eq3A_526 = arith.cmpf oeq, %get3A_522, %select_n3A_486 : vector<16xf32>
      %lt3A_527 = arith.cmpf olt, %get3A_524, %select_n3A_487 : vector<16xf32>
      %and3A_528 = arith.andi %eq3A_526, %lt3A_527 : vector<16xi1>
      %or3A_529 = arith.ori %gt3A_525, %and3A_528 : vector<16xi1>
      %select_n3A_530 = arith.select %or3A_529, %get3A_522, %select_n3A_486 : vector<16xi1>, vector<16xf32>
      %select_n3A_531 = arith.select %or3A_529, %get3A_524, %select_n3A_487 : vector<16xi1>, vector<16xf32>
      %get3A_532 = arith.constant 656 : index
      %get3A_533 = tpu.vector_load %arg6[%get3A_532] {strides = array<i32>} : memref<1408xf32, #tpu.memory_space<vmem>>, vector<16xf32>,
      %get3A_534 = arith.constant 656 : index
      %get3A_535 = tpu.vector_load %arg7[%get3A_534] {strides = array<i32>} : memref<1408xf32, #tpu.memory_space<vmem>>, vector<16xf32>,
      %gt3A_536 = arith.cmpf ogt, %get3A_533, %select_n3A_497 : vector<16xf32>
      %eq3A_537 = arith.cmpf oeq, %get3A_533, %select_n3A_497 : vector<16xf32>
      %lt3A_538 = arith.cmpf olt, %get3A_535, %select_n3A_498 : vector<16xf32>
      %and3A_539 = arith.andi %eq3A_537, %lt3A_538 : vector<16xi1>
      %or3A_540 = arith.ori %gt3A_536, %and3A_539 : vector<16xi1>
      %select_n3A_541 = arith.select %or3A_540, %get3A_533, %select_n3A_497 : vector<16xi1>, vector<16xf32>
      %select_n3A_542 = arith.select %or3A_540, %get3A_535, %select_n3A_498 : vector<16xi1>, vector<16xf32>
      %get3A_543 = arith.constant 672 : index
      %get3A_544 = tpu.vector_load %arg6[%get3A_543] {strides = array<i32>} : memref<1408xf32, #tpu.memory_space<vmem>>, vector<16xf32>,
      %get3A_545 = arith.constant 672 : index
      %get3A_546 = tpu.vector_load %arg7[%get3A_545] {strides = array<i32>} : memref<1408xf32, #tpu.memory_space<vmem>>, vector<16xf32>,
      %gt3A_547 = arith.cmpf ogt, %get3A_544, %select_n3A_508 : vector<16xf32>
      %eq3A_548 = arith.cmpf oeq, %get3A_544, %select_n3A_508 : vector<16xf32>
      %lt3A_549 = arith.cmpf olt, %get3A_546, %select_n3A_509 : vector<16xf32>
      %and3A_550 = arith.andi %eq3A_548, %lt3A_549 : vector<16xi1>
      %or3A_551 = arith.ori %gt3A_547, %and3A_550 : vector<16xi1>
      %select_n3A_552 = arith.select %or3A_551, %get3A_544, %select_n3A_508 : vector<16xi1>, vector<16xf32>
      %select_n3A_553 = arith.select %or3A_551, %get3A_546, %select_n3A_509 : vector<16xi1>, vector<16xf32>
      %get3A_554 = arith.constant 688 : index
      %get3A_555 = tpu.vector_load %arg6[%get3A_554] {strides = array<i32>} : memref<1408xf32, #tpu.memory_space<vmem>>, vector<16xf32>,
      %get3A_556 = arith.constant 688 : index
      %get3A_557 = tpu.vector_load %arg7[%get3A_556] {strides = array<i32>} : memref<1408xf32, #tpu.memory_space<vmem>>, vector<16xf32>,
      %gt3A_558 = arith.cmpf ogt, %get3A_555, %select_n3A_519 : vector<16xf32>
      %eq3A_559 = arith.cmpf oeq, %get3A_555, %select_n3A_519 : vector<16xf32>
      %lt3A_560 = arith.cmpf olt, %get3A_557, %select_n3A_520 : vector<16xf32>
      %and3A_561 = arith.andi %eq3A_559, %lt3A_560 : vector<16xi1>
      %or3A_562 = arith.ori %gt3A_558, %and3A_561 : vector<16xi1>
      %select_n3A_563 = arith.select %or3A_562, %get3A_555, %select_n3A_519 : vector<16xi1>, vector<16xf32>
      %select_n3A_564 = arith.select %or3A_562, %get3A_557, %select_n3A_520 : vector<16xi1>, vector<16xf32>
      %get3A_565 = arith.constant 704 : index
      %get3A_566 = tpu.vector_load %arg6[%get3A_565] {strides = array<i32>} : memref<1408xf32, #tpu.memory_space<vmem>>, vector<16xf32>,
      %get3A_567 = arith.constant 704 : index
      %get3A_568 = tpu.vector_load %arg7[%get3A_567] {strides = array<i32>} : memref<1408xf32, #tpu.memory_space<vmem>>, vector<16xf32>,
      %gt3A_569 = arith.cmpf ogt, %get3A_566, %select_n3A_530 : vector<16xf32>
      %eq3A_570 = arith.cmpf oeq, %get3A_566, %select_n3A_530 : vector<16xf32>
      %lt3A_571 = arith.cmpf olt, %get3A_568, %select_n3A_531 : vector<16xf32>
      %and3A_572 = arith.andi %eq3A_570, %lt3A_571 : vector<16xi1>
      %or3A_573 = arith.ori %gt3A_569, %and3A_572 : vector<16xi1>
      %select_n3A_574 = arith.select %or3A_573, %get3A_566, %select_n3A_530 : vector<16xi1>, vector<16xf32>
      %select_n3A_575 = arith.select %or3A_573, %get3A_568, %select_n3A_531 : vector<16xi1>, vector<16xf32>
      %get3A_576 = arith.constant 720 : index
      %get3A_577 = tpu.vector_load %arg6[%get3A_576] {strides = array<i32>} : memref<1408xf32, #tpu.memory_space<vmem>>, vector<16xf32>,
      %get3A_578 = arith.constant 720 : index
      %get3A_579 = tpu.vector_load %arg7[%get3A_578] {strides = array<i32>} : memref<1408xf32, #tpu.memory_space<vmem>>, vector<16xf32>,
      %gt3A_580 = arith.cmpf ogt, %get3A_577, %select_n3A_541 : vector<16xf32>
      %eq3A_581 = arith.cmpf oeq, %get3A_577, %select_n3A_541 : vector<16xf32>
      %lt3A_582 = arith.cmpf olt, %get3A_579, %select_n3A_542 : vector<16xf32>
      %and3A_583 = arith.andi %eq3A_581, %lt3A_582 : vector<16xi1>
      %or3A_584 = arith.ori %gt3A_580, %and3A_583 : vector<16xi1>
      %select_n3A_585 = arith.select %or3A_584, %get3A_577, %select_n3A_541 : vector<16xi1>, vector<16xf32>
      %select_n3A_586 = arith.select %or3A_584, %get3A_579, %select_n3A_542 : vector<16xi1>, vector<16xf32>
      %get3A_587 = arith.constant 736 : index
      %get3A_588 = tpu.vector_load %arg6[%get3A_587] {strides = array<i32>} : memref<1408xf32, #tpu.memory_space<vmem>>, vector<16xf32>,
      %get3A_589 = arith.constant 736 : index
      %get3A_590 = tpu.vector_load %arg7[%get3A_589] {strides = array<i32>} : memref<1408xf32, #tpu.memory_space<vmem>>, vector<16xf32>,
      %gt3A_591 = arith.cmpf ogt, %get3A_588, %select_n3A_552 : vector<16xf32>
      %eq3A_592 = arith.cmpf oeq, %get3A_588, %select_n3A_552 : vector<16xf32>
      %lt3A_593 = arith.cmpf olt, %get3A_590, %select_n3A_553 : vector<16xf32>
      %and3A_594 = arith.andi %eq3A_592, %lt3A_593 : vector<16xi1>
      %or3A_595 = arith.ori %gt3A_591, %and3A_594 : vector<16xi1>
      %select_n3A_596 = arith.select %or3A_595, %get3A_588, %select_n3A_552 : vector<16xi1>, vector<16xf32>
      %select_n3A_597 = arith.select %or3A_595, %get3A_590, %select_n3A_553 : vector<16xi1>, vector<16xf32>
      %get3A_598 = arith.constant 752 : index
      %get3A_599 = tpu.vector_load %arg6[%get3A_598] {strides = array<i32>} : memref<1408xf32, #tpu.memory_space<vmem>>, vector<16xf32>,
      %get3A_600 = arith.constant 752 : index
      %get3A_601 = tpu.vector_load %arg7[%get3A_600] {strides = array<i32>} : memref<1408xf32, #tpu.memory_space<vmem>>, vector<16xf32>,
      %gt3A_602 = arith.cmpf ogt, %get3A_599, %select_n3A_563 : vector<16xf32>
      %eq3A_603 = arith.cmpf oeq, %get3A_599, %select_n3A_563 : vector<16xf32>
      %lt3A_604 = arith.cmpf olt, %get3A_601, %select_n3A_564 : vector<16xf32>
      %and3A_605 = arith.andi %eq3A_603, %lt3A_604 : vector<16xi1>
      %or3A_606 = arith.ori %gt3A_602, %and3A_605 : vector<16xi1>
      %select_n3A_607 = arith.select %or3A_606, %get3A_599, %select_n3A_563 : vector<16xi1>, vector<16xf32>
      %select_n3A_608 = arith.select %or3A_606, %get3A_601, %select_n3A_564 : vector<16xi1>, vector<16xf32>
      %get3A_609 = arith.constant 768 : index
      %get3A_610 = tpu.vector_load %arg6[%get3A_609] {strides = array<i32>} : memref<1408xf32, #tpu.memory_space<vmem>>, vector<16xf32>,
      %get3A_611 = arith.constant 768 : index
      %get3A_612 = tpu.vector_load %arg7[%get3A_611] {strides = array<i32>} : memref<1408xf32, #tpu.memory_space<vmem>>, vector<16xf32>,
      %gt3A_613 = arith.cmpf ogt, %get3A_610, %select_n3A_574 : vector<16xf32>
      %eq3A_614 = arith.cmpf oeq, %get3A_610, %select_n3A_574 : vector<16xf32>
      %lt3A_615 = arith.cmpf olt, %get3A_612, %select_n3A_575 : vector<16xf32>
      %and3A_616 = arith.andi %eq3A_614, %lt3A_615 : vector<16xi1>
      %or3A_617 = arith.ori %gt3A_613, %and3A_616 : vector<16xi1>
      %select_n3A_618 = arith.select %or3A_617, %get3A_610, %select_n3A_574 : vector<16xi1>, vector<16xf32>
      %select_n3A_619 = arith.select %or3A_617, %get3A_612, %select_n3A_575 : vector<16xi1>, vector<16xf32>
      %get3A_620 = arith.constant 784 : index
      %get3A_621 = tpu.vector_load %arg6[%get3A_620] {strides = array<i32>} : memref<1408xf32, #tpu.memory_space<vmem>>, vector<16xf32>,
      %get3A_622 = arith.constant 784 : index
      %get3A_623 = tpu.vector_load %arg7[%get3A_622] {strides = array<i32>} : memref<1408xf32, #tpu.memory_space<vmem>>, vector<16xf32>,
      %gt3A_624 = arith.cmpf ogt, %get3A_621, %select_n3A_585 : vector<16xf32>
      %eq3A_625 = arith.cmpf oeq, %get3A_621, %select_n3A_585 : vector<16xf32>
      %lt3A_626 = arith.cmpf olt, %get3A_623, %select_n3A_586 : vector<16xf32>
      %and3A_627 = arith.andi %eq3A_625, %lt3A_626 : vector<16xi1>
      %or3A_628 = arith.ori %gt3A_624, %and3A_627 : vector<16xi1>
      %select_n3A_629 = arith.select %or3A_628, %get3A_621, %select_n3A_585 : vector<16xi1>, vector<16xf32>
      %select_n3A_630 = arith.select %or3A_628, %get3A_623, %select_n3A_586 : vector<16xi1>, vector<16xf32>
      %get3A_631 = arith.constant 800 : index
      %get3A_632 = tpu.vector_load %arg6[%get3A_631] {strides = array<i32>} : memref<1408xf32, #tpu.memory_space<vmem>>, vector<16xf32>,
      %get3A_633 = arith.constant 800 : index
      %get3A_634 = tpu.vector_load %arg7[%get3A_633] {strides = array<i32>} : memref<1408xf32, #tpu.memory_space<vmem>>, vector<16xf32>,
      %gt3A_635 = arith.cmpf ogt, %get3A_632, %select_n3A_596 : vector<16xf32>
      %eq3A_636 = arith.cmpf oeq, %get3A_632, %select_n3A_596 : vector<16xf32>
      %lt3A_637 = arith.cmpf olt, %get3A_634, %select_n3A_597 : vector<16xf32>
      %and3A_638 = arith.andi %eq3A_636, %lt3A_637 : vector<16xi1>
      %or3A_639 = arith.ori %gt3A_635, %and3A_638 : vector<16xi1>
      %select_n3A_640 = arith.select %or3A_639, %get3A_632, %select_n3A_596 : vector<16xi1>, vector<16xf32>
      %select_n3A_641 = arith.select %or3A_639, %get3A_634, %select_n3A_597 : vector<16xi1>, vector<16xf32>
      %get3A_642 = arith.constant 816 : index
      %get3A_643 = tpu.vector_load %arg6[%get3A_642] {strides = array<i32>} : memref<1408xf32, #tpu.memory_space<vmem>>, vector<16xf32>,
      %get3A_644 = arith.constant 816 : index
      %get3A_645 = tpu.vector_load %arg7[%get3A_644] {strides = array<i32>} : memref<1408xf32, #tpu.memory_space<vmem>>, vector<16xf32>,
      %gt3A_646 = arith.cmpf ogt, %get3A_643, %select_n3A_607 : vector<16xf32>
      %eq3A_647 = arith.cmpf oeq, %get3A_643, %select_n3A_607 : vector<16xf32>
      %lt3A_648 = arith.cmpf olt, %get3A_645, %select_n3A_608 : vector<16xf32>
      %and3A_649 = arith.andi %eq3A_647, %lt3A_648 : vector<16xi1>
      %or3A_650 = arith.ori %gt3A_646, %and3A_649 : vector<16xi1>
      %select_n3A_651 = arith.select %or3A_650, %get3A_643, %select_n3A_607 : vector<16xi1>, vector<16xf32>
      %select_n3A_652 = arith.select %or3A_650, %get3A_645, %select_n3A_608 : vector<16xi1>, vector<16xf32>
      %get3A_653 = arith.constant 832 : index
      %get3A_654 = tpu.vector_load %arg6[%get3A_653] {strides = array<i32>} : memref<1408xf32, #tpu.memory_space<vmem>>, vector<16xf32>,
      %get3A_655 = arith.constant 832 : index
      %get3A_656 = tpu.vector_load %arg7[%get3A_655] {strides = array<i32>} : memref<1408xf32, #tpu.memory_space<vmem>>, vector<16xf32>,
      %gt3A_657 = arith.cmpf ogt, %get3A_654, %select_n3A_618 : vector<16xf32>
      %eq3A_658 = arith.cmpf oeq, %get3A_654, %select_n3A_618 : vector<16xf32>
      %lt3A_659 = arith.cmpf olt, %get3A_656, %select_n3A_619 : vector<16xf32>
      %and3A_660 = arith.andi %eq3A_658, %lt3A_659 : vector<16xi1>
      %or3A_661 = arith.ori %gt3A_657, %and3A_660 : vector<16xi1>
      %select_n3A_662 = arith.select %or3A_661, %get3A_654, %select_n3A_618 : vector<16xi1>, vector<16xf32>
      %select_n3A_663 = arith.select %or3A_661, %get3A_656, %select_n3A_619 : vector<16xi1>, vector<16xf32>
      %get3A_664 = arith.constant 848 : index
      %get3A_665 = tpu.vector_load %arg6[%get3A_664] {strides = array<i32>} : memref<1408xf32, #tpu.memory_space<vmem>>, vector<16xf32>,
      %get3A_666 = arith.constant 848 : index
      %get3A_667 = tpu.vector_load %arg7[%get3A_666] {strides = array<i32>} : memref<1408xf32, #tpu.memory_space<vmem>>, vector<16xf32>,
      %gt3A_668 = arith.cmpf ogt, %get3A_665, %select_n3A_629 : vector<16xf32>
      %eq3A_669 = arith.cmpf oeq, %get3A_665, %select_n3A_629 : vector<16xf32>
      %lt3A_670 = arith.cmpf olt, %get3A_667, %select_n3A_630 : vector<16xf32>
      %and3A_671 = arith.andi %eq3A_669, %lt3A_670 : vector<16xi1>
      %or3A_672 = arith.ori %gt3A_668, %and3A_671 : vector<16xi1>
      %select_n3A_673 = arith.select %or3A_672, %get3A_665, %select_n3A_629 : vector<16xi1>, vector<16xf32>
      %select_n3A_674 = arith.select %or3A_672, %get3A_667, %select_n3A_630 : vector<16xi1>, vector<16xf32>
      %get3A_675 = arith.constant 864 : index
      %get3A_676 = tpu.vector_load %arg6[%get3A_675] {strides = array<i32>} : memref<1408xf32, #tpu.memory_space<vmem>>, vector<16xf32>,
      %get3A_677 = arith.constant 864 : index
      %get3A_678 = tpu.vector_load %arg7[%get3A_677] {strides = array<i32>} : memref<1408xf32, #tpu.memory_space<vmem>>, vector<16xf32>,
      %gt3A_679 = arith.cmpf ogt, %get3A_676, %select_n3A_640 : vector<16xf32>
      %eq3A_680 = arith.cmpf oeq, %get3A_676, %select_n3A_640 : vector<16xf32>
      %lt3A_681 = arith.cmpf olt, %get3A_678, %select_n3A_641 : vector<16xf32>
      %and3A_682 = arith.andi %eq3A_680, %lt3A_681 : vector<16xi1>
      %or3A_683 = arith.ori %gt3A_679, %and3A_682 : vector<16xi1>
      %select_n3A_684 = arith.select %or3A_683, %get3A_676, %select_n3A_640 : vector<16xi1>, vector<16xf32>
      %select_n3A_685 = arith.select %or3A_683, %get3A_678, %select_n3A_641 : vector<16xi1>, vector<16xf32>
      %get3A_686 = arith.constant 880 : index
      %get3A_687 = tpu.vector_load %arg6[%get3A_686] {strides = array<i32>} : memref<1408xf32, #tpu.memory_space<vmem>>, vector<16xf32>,
      %get3A_688 = arith.constant 880 : index
      %get3A_689 = tpu.vector_load %arg7[%get3A_688] {strides = array<i32>} : memref<1408xf32, #tpu.memory_space<vmem>>, vector<16xf32>,
      %gt3A_690 = arith.cmpf ogt, %get3A_687, %select_n3A_651 : vector<16xf32>
      %eq3A_691 = arith.cmpf oeq, %get3A_687, %select_n3A_651 : vector<16xf32>
      %lt3A_692 = arith.cmpf olt, %get3A_689, %select_n3A_652 : vector<16xf32>
      %and3A_693 = arith.andi %eq3A_691, %lt3A_692 : vector<16xi1>
      %or3A_694 = arith.ori %gt3A_690, %and3A_693 : vector<16xi1>
      %select_n3A_695 = arith.select %or3A_694, %get3A_687, %select_n3A_651 : vector<16xi1>, vector<16xf32>
      %select_n3A_696 = arith.select %or3A_694, %get3A_689, %select_n3A_652 : vector<16xi1>, vector<16xf32>
      %get3A_697 = arith.constant 896 : index
      %get3A_698 = tpu.vector_load %arg6[%get3A_697] {strides = array<i32>} : memref<1408xf32, #tpu.memory_space<vmem>>, vector<16xf32>,
      %get3A_699 = arith.constant 896 : index
      %get3A_700 = tpu.vector_load %arg7[%get3A_699] {strides = array<i32>} : memref<1408xf32, #tpu.memory_space<vmem>>, vector<16xf32>,
      %gt3A_701 = arith.cmpf ogt, %get3A_698, %select_n3A_662 : vector<16xf32>
      %eq3A_702 = arith.cmpf oeq, %get3A_698, %select_n3A_662 : vector<16xf32>
      %lt3A_703 = arith.cmpf olt, %get3A_700, %select_n3A_663 : vector<16xf32>
      %and3A_704 = arith.andi %eq3A_702, %lt3A_703 : vector<16xi1>
      %or3A_705 = arith.ori %gt3A_701, %and3A_704 : vector<16xi1>
      %select_n3A_706 = arith.select %or3A_705, %get3A_698, %select_n3A_662 : vector<16xi1>, vector<16xf32>
      %select_n3A_707 = arith.select %or3A_705, %get3A_700, %select_n3A_663 : vector<16xi1>, vector<16xf32>
      %get3A_708 = arith.constant 912 : index
      %get3A_709 = tpu.vector_load %arg6[%get3A_708] {strides = array<i32>} : memref<1408xf32, #tpu.memory_space<vmem>>, vector<16xf32>,
      %get3A_710 = arith.constant 912 : index
      %get3A_711 = tpu.vector_load %arg7[%get3A_710] {strides = array<i32>} : memref<1408xf32, #tpu.memory_space<vmem>>, vector<16xf32>,
      %gt3A_712 = arith.cmpf ogt, %get3A_709, %select_n3A_673 : vector<16xf32>
      %eq3A_713 = arith.cmpf oeq, %get3A_709, %select_n3A_673 : vector<16xf32>
      %lt3A_714 = arith.cmpf olt, %get3A_711, %select_n3A_674 : vector<16xf32>
      %and3A_715 = arith.andi %eq3A_713, %lt3A_714 : vector<16xi1>
      %or3A_716 = arith.ori %gt3A_712, %and3A_715 : vector<16xi1>
      %select_n3A_717 = arith.select %or3A_716, %get3A_709, %select_n3A_673 : vector<16xi1>, vector<16xf32>
      %select_n3A_718 = arith.select %or3A_716, %get3A_711, %select_n3A_674 : vector<16xi1>, vector<16xf32>
      %get3A_719 = arith.constant 928 : index
      %get3A_720 = tpu.vector_load %arg6[%get3A_719] {strides = array<i32>} : memref<1408xf32, #tpu.memory_space<vmem>>, vector<16xf32>,
      %get3A_721 = arith.constant 928 : index
      %get3A_722 = tpu.vector_load %arg7[%get3A_721] {strides = array<i32>} : memref<1408xf32, #tpu.memory_space<vmem>>, vector<16xf32>,
      %gt3A_723 = arith.cmpf ogt, %get3A_720, %select_n3A_684 : vector<16xf32>
      %eq3A_724 = arith.cmpf oeq, %get3A_720, %select_n3A_684 : vector<16xf32>
      %lt3A_725 = arith.cmpf olt, %get3A_722, %select_n3A_685 : vector<16xf32>
      %and3A_726 = arith.andi %eq3A_724, %lt3A_725 : vector<16xi1>
      %or3A_727 = arith.ori %gt3A_723, %and3A_726 : vector<16xi1>
      %select_n3A_728 = arith.select %or3A_727, %get3A_720, %select_n3A_684 : vector<16xi1>, vector<16xf32>
      %select_n3A_729 = arith.select %or3A_727, %get3A_722, %select_n3A_685 : vector<16xi1>, vector<16xf32>
      %get3A_730 = arith.constant 944 : index
      %get3A_731 = tpu.vector_load %arg6[%get3A_730] {strides = array<i32>} : memref<1408xf32, #tpu.memory_space<vmem>>, vector<16xf32>,
      %get3A_732 = arith.constant 944 : index
      %get3A_733 = tpu.vector_load %arg7[%get3A_732] {strides = array<i32>} : memref<1408xf32, #tpu.memory_space<vmem>>, vector<16xf32>,
      %gt3A_734 = arith.cmpf ogt, %get3A_731, %select_n3A_695 : vector<16xf32>
      %eq3A_735 = arith.cmpf oeq, %get3A_731, %select_n3A_695 : vector<16xf32>
      %lt3A_736 = arith.cmpf olt, %get3A_733, %select_n3A_696 : vector<16xf32>
      %and3A_737 = arith.andi %eq3A_735, %lt3A_736 : vector<16xi1>
      %or3A_738 = arith.ori %gt3A_734, %and3A_737 : vector<16xi1>
      %select_n3A_739 = arith.select %or3A_738, %get3A_731, %select_n3A_695 : vector<16xi1>, vector<16xf32>
      %select_n3A_740 = arith.select %or3A_738, %get3A_733, %select_n3A_696 : vector<16xi1>, vector<16xf32>
      %get3A_741 = arith.constant 960 : index
      %get3A_742 = tpu.vector_load %arg6[%get3A_741] {strides = array<i32>} : memref<1408xf32, #tpu.memory_space<vmem>>, vector<16xf32>,
      %get3A_743 = arith.constant 960 : index
      %get3A_744 = tpu.vector_load %arg7[%get3A_743] {strides = array<i32>} : memref<1408xf32, #tpu.memory_space<vmem>>, vector<16xf32>,
      %gt3A_745 = arith.cmpf ogt, %get3A_742, %select_n3A_706 : vector<16xf32>
      %eq3A_746 = arith.cmpf oeq, %get3A_742, %select_n3A_706 : vector<16xf32>
      %lt3A_747 = arith.cmpf olt, %get3A_744, %select_n3A_707 : vector<16xf32>
      %and3A_748 = arith.andi %eq3A_746, %lt3A_747 : vector<16xi1>
      %or3A_749 = arith.ori %gt3A_745, %and3A_748 : vector<16xi1>
      %select_n3A_750 = arith.select %or3A_749, %get3A_742, %select_n3A_706 : vector<16xi1>, vector<16xf32>
      %select_n3A_751 = arith.select %or3A_749, %get3A_744, %select_n3A_707 : vector<16xi1>, vector<16xf32>
      %get3A_752 = arith.constant 976 : index
      %get3A_753 = tpu.vector_load %arg6[%get3A_752] {strides = array<i32>} : memref<1408xf32, #tpu.memory_space<vmem>>, vector<16xf32>,
      %get3A_754 = arith.constant 976 : index
      %get3A_755 = tpu.vector_load %arg7[%get3A_754] {strides = array<i32>} : memref<1408xf32, #tpu.memory_space<vmem>>, vector<16xf32>,
      %gt3A_756 = arith.cmpf ogt, %get3A_753, %select_n3A_717 : vector<16xf32>
      %eq3A_757 = arith.cmpf oeq, %get3A_753, %select_n3A_717 : vector<16xf32>
      %lt3A_758 = arith.cmpf olt, %get3A_755, %select_n3A_718 : vector<16xf32>
      %and3A_759 = arith.andi %eq3A_757, %lt3A_758 : vector<16xi1>
      %or3A_760 = arith.ori %gt3A_756, %and3A_759 : vector<16xi1>
      %select_n3A_761 = arith.select %or3A_760, %get3A_753, %select_n3A_717 : vector<16xi1>, vector<16xf32>
      %select_n3A_762 = arith.select %or3A_760, %get3A_755, %select_n3A_718 : vector<16xi1>, vector<16xf32>
      %get3A_763 = arith.constant 992 : index
      %get3A_764 = tpu.vector_load %arg6[%get3A_763] {strides = array<i32>} : memref<1408xf32, #tpu.memory_space<vmem>>, vector<16xf32>,
      %get3A_765 = arith.constant 992 : index
      %get3A_766 = tpu.vector_load %arg7[%get3A_765] {strides = array<i32>} : memref<1408xf32, #tpu.memory_space<vmem>>, vector<16xf32>,
      %gt3A_767 = arith.cmpf ogt, %get3A_764, %select_n3A_728 : vector<16xf32>
      %eq3A_768 = arith.cmpf oeq, %get3A_764, %select_n3A_728 : vector<16xf32>
      %lt3A_769 = arith.cmpf olt, %get3A_766, %select_n3A_729 : vector<16xf32>
      %and3A_770 = arith.andi %eq3A_768, %lt3A_769 : vector<16xi1>
      %or3A_771 = arith.ori %gt3A_767, %and3A_770 : vector<16xi1>
      %select_n3A_772 = arith.select %or3A_771, %get3A_764, %select_n3A_728 : vector<16xi1>, vector<16xf32>
      %select_n3A_773 = arith.select %or3A_771, %get3A_766, %select_n3A_729 : vector<16xi1>, vector<16xf32>
      %get3A_774 = arith.constant 1008 : index
      %get3A_775 = tpu.vector_load %arg6[%get3A_774] {strides = array<i32>} : memref<1408xf32, #tpu.memory_space<vmem>>, vector<16xf32>,
      %get3A_776 = arith.constant 1008 : index
      %get3A_777 = tpu.vector_load %arg7[%get3A_776] {strides = array<i32>} : memref<1408xf32, #tpu.memory_space<vmem>>, vector<16xf32>,
      %gt3A_778 = arith.cmpf ogt, %get3A_775, %select_n3A_739 : vector<16xf32>
      %eq3A_779 = arith.cmpf oeq, %get3A_775, %select_n3A_739 : vector<16xf32>
      %lt3A_780 = arith.cmpf olt, %get3A_777, %select_n3A_740 : vector<16xf32>
      %and3A_781 = arith.andi %eq3A_779, %lt3A_780 : vector<16xi1>
      %or3A_782 = arith.ori %gt3A_778, %and3A_781 : vector<16xi1>
      %select_n3A_783 = arith.select %or3A_782, %get3A_775, %select_n3A_739 : vector<16xi1>, vector<16xf32>
      %select_n3A_784 = arith.select %or3A_782, %get3A_777, %select_n3A_740 : vector<16xi1>, vector<16xf32>
      %get3A_785 = arith.constant 1024 : index
      %get3A_786 = tpu.vector_load %arg6[%get3A_785] {strides = array<i32>} : memref<1408xf32, #tpu.memory_space<vmem>>, vector<16xf32>,
      %get3A_787 = arith.constant 1024 : index
      %get3A_788 = tpu.vector_load %arg7[%get3A_787] {strides = array<i32>} : memref<1408xf32, #tpu.memory_space<vmem>>, vector<16xf32>,
      %gt3A_789 = arith.cmpf ogt, %get3A_786, %select_n3A_750 : vector<16xf32>
      %eq3A_790 = arith.cmpf oeq, %get3A_786, %select_n3A_750 : vector<16xf32>
      %lt3A_791 = arith.cmpf olt, %get3A_788, %select_n3A_751 : vector<16xf32>
      %and3A_792 = arith.andi %eq3A_790, %lt3A_791 : vector<16xi1>
      %or3A_793 = arith.ori %gt3A_789, %and3A_792 : vector<16xi1>
      %select_n3A_794 = arith.select %or3A_793, %get3A_786, %select_n3A_750 : vector<16xi1>, vector<16xf32>
      %select_n3A_795 = arith.select %or3A_793, %get3A_788, %select_n3A_751 : vector<16xi1>, vector<16xf32>
      %get3A_796 = arith.constant 1040 : index
      %get3A_797 = tpu.vector_load %arg6[%get3A_796] {strides = array<i32>} : memref<1408xf32, #tpu.memory_space<vmem>>, vector<16xf32>,
      %get3A_798 = arith.constant 1040 : index
      %get3A_799 = tpu.vector_load %arg7[%get3A_798] {strides = array<i32>} : memref<1408xf32, #tpu.memory_space<vmem>>, vector<16xf32>,
      %gt3A_800 = arith.cmpf ogt, %get3A_797, %select_n3A_761 : vector<16xf32>
      %eq3A_801 = arith.cmpf oeq, %get3A_797, %select_n3A_761 : vector<16xf32>
      %lt3A_802 = arith.cmpf olt, %get3A_799, %select_n3A_762 : vector<16xf32>
      %and3A_803 = arith.andi %eq3A_801, %lt3A_802 : vector<16xi1>
      %or3A_804 = arith.ori %gt3A_800, %and3A_803 : vector<16xi1>
      %select_n3A_805 = arith.select %or3A_804, %get3A_797, %select_n3A_761 : vector<16xi1>, vector<16xf32>
      %select_n3A_806 = arith.select %or3A_804, %get3A_799, %select_n3A_762 : vector<16xi1>, vector<16xf32>
      %get3A_807 = arith.constant 1056 : index
      %get3A_808 = tpu.vector_load %arg6[%get3A_807] {strides = array<i32>} : memref<1408xf32, #tpu.memory_space<vmem>>, vector<16xf32>,
      %get3A_809 = arith.constant 1056 : index
      %get3A_810 = tpu.vector_load %arg7[%get3A_809] {strides = array<i32>} : memref<1408xf32, #tpu.memory_space<vmem>>, vector<16xf32>,
      %gt3A_811 = arith.cmpf ogt, %get3A_808, %select_n3A_772 : vector<16xf32>
      %eq3A_812 = arith.cmpf oeq, %get3A_808, %select_n3A_772 : vector<16xf32>
      %lt3A_813 = arith.cmpf olt, %get3A_810, %select_n3A_773 : vector<16xf32>
      %and3A_814 = arith.andi %eq3A_812, %lt3A_813 : vector<16xi1>
      %or3A_815 = arith.ori %gt3A_811, %and3A_814 : vector<16xi1>
      %select_n3A_816 = arith.select %or3A_815, %get3A_808, %select_n3A_772 : vector<16xi1>, vector<16xf32>
      %select_n3A_817 = arith.select %or3A_815, %get3A_810, %select_n3A_773 : vector<16xi1>, vector<16xf32>
      %get3A_818 = arith.constant 1072 : index
      %get3A_819 = tpu.vector_load %arg6[%get3A_818] {strides = array<i32>} : memref<1408xf32, #tpu.memory_space<vmem>>, vector<16xf32>,
      %get3A_820 = arith.constant 1072 : index
      %get3A_821 = tpu.vector_load %arg7[%get3A_820] {strides = array<i32>} : memref<1408xf32, #tpu.memory_space<vmem>>, vector<16xf32>,
      %gt3A_822 = arith.cmpf ogt, %get3A_819, %select_n3A_783 : vector<16xf32>
      %eq3A_823 = arith.cmpf oeq, %get3A_819, %select_n3A_783 : vector<16xf32>
      %lt3A_824 = arith.cmpf olt, %get3A_821, %select_n3A_784 : vector<16xf32>
      %and3A_825 = arith.andi %eq3A_823, %lt3A_824 : vector<16xi1>
      %or3A_826 = arith.ori %gt3A_822, %and3A_825 : vector<16xi1>
      %select_n3A_827 = arith.select %or3A_826, %get3A_819, %select_n3A_783 : vector<16xi1>, vector<16xf32>
      %select_n3A_828 = arith.select %or3A_826, %get3A_821, %select_n3A_784 : vector<16xi1>, vector<16xf32>
      %get3A_829 = arith.constant 1088 : index
      %get3A_830 = tpu.vector_load %arg6[%get3A_829] {strides = array<i32>} : memref<1408xf32, #tpu.memory_space<vmem>>, vector<16xf32>,
      %get3A_831 = arith.constant 1088 : index
      %get3A_832 = tpu.vector_load %arg7[%get3A_831] {strides = array<i32>} : memref<1408xf32, #tpu.memory_space<vmem>>, vector<16xf32>,
      %gt3A_833 = arith.cmpf ogt, %get3A_830, %select_n3A_794 : vector<16xf32>
      %eq3A_834 = arith.cmpf oeq, %get3A_830, %select_n3A_794 : vector<16xf32>
      %lt3A_835 = arith.cmpf olt, %get3A_832, %select_n3A_795 : vector<16xf32>
      %and3A_836 = arith.andi %eq3A_834, %lt3A_835 : vector<16xi1>
      %or3A_837 = arith.ori %gt3A_833, %and3A_836 : vector<16xi1>
      %select_n3A_838 = arith.select %or3A_837, %get3A_830, %select_n3A_794 : vector<16xi1>, vector<16xf32>
      %select_n3A_839 = arith.select %or3A_837, %get3A_832, %select_n3A_795 : vector<16xi1>, vector<16xf32>
      %get3A_840 = arith.constant 1104 : index
      %get3A_841 = tpu.vector_load %arg6[%get3A_840] {strides = array<i32>} : memref<1408xf32, #tpu.memory_space<vmem>>, vector<16xf32>,
      %get3A_842 = arith.constant 1104 : index
      %get3A_843 = tpu.vector_load %arg7[%get3A_842] {strides = array<i32>} : memref<1408xf32, #tpu.memory_space<vmem>>, vector<16xf32>,
      %gt3A_844 = arith.cmpf ogt, %get3A_841, %select_n3A_805 : vector<16xf32>
      %eq3A_845 = arith.cmpf oeq, %get3A_841, %select_n3A_805 : vector<16xf32>
      %lt3A_846 = arith.cmpf olt, %get3A_843, %select_n3A_806 : vector<16xf32>
      %and3A_847 = arith.andi %eq3A_845, %lt3A_846 : vector<16xi1>
      %or3A_848 = arith.ori %gt3A_844, %and3A_847 : vector<16xi1>
      %select_n3A_849 = arith.select %or3A_848, %get3A_841, %select_n3A_805 : vector<16xi1>, vector<16xf32>
      %select_n3A_850 = arith.select %or3A_848, %get3A_843, %select_n3A_806 : vector<16xi1>, vector<16xf32>
      %get3A_851 = arith.constant 1120 : index
      %get3A_852 = tpu.vector_load %arg6[%get3A_851] {strides = array<i32>} : memref<1408xf32, #tpu.memory_space<vmem>>, vector<16xf32>,
      %get3A_853 = arith.constant 1120 : index
      %get3A_854 = tpu.vector_load %arg7[%get3A_853] {strides = array<i32>} : memref<1408xf32, #tpu.memory_space<vmem>>, vector<16xf32>,
      %gt3A_855 = arith.cmpf ogt, %get3A_852, %select_n3A_816 : vector<16xf32>
      %eq3A_856 = arith.cmpf oeq, %get3A_852, %select_n3A_816 : vector<16xf32>
      %lt3A_857 = arith.cmpf olt, %get3A_854, %select_n3A_817 : vector<16xf32>
      %and3A_858 = arith.andi %eq3A_856, %lt3A_857 : vector<16xi1>
      %or3A_859 = arith.ori %gt3A_855, %and3A_858 : vector<16xi1>
      %select_n3A_860 = arith.select %or3A_859, %get3A_852, %select_n3A_816 : vector<16xi1>, vector<16xf32>
      %select_n3A_861 = arith.select %or3A_859, %get3A_854, %select_n3A_817 : vector<16xi1>, vector<16xf32>
      %get3A_862 = arith.constant 1136 : index
      %get3A_863 = tpu.vector_load %arg6[%get3A_862] {strides = array<i32>} : memref<1408xf32, #tpu.memory_space<vmem>>, vector<16xf32>,
      %get3A_864 = arith.constant 1136 : index
      %get3A_865 = tpu.vector_load %arg7[%get3A_864] {strides = array<i32>} : memref<1408xf32, #tpu.memory_space<vmem>>, vector<16xf32>,
      %gt3A_866 = arith.cmpf ogt, %get3A_863, %select_n3A_827 : vector<16xf32>
      %eq3A_867 = arith.cmpf oeq, %get3A_863, %select_n3A_827 : vector<16xf32>
      %lt3A_868 = arith.cmpf olt, %get3A_865, %select_n3A_828 : vector<16xf32>
      %and3A_869 = arith.andi %eq3A_867, %lt3A_868 : vector<16xi1>
      %or3A_870 = arith.ori %gt3A_866, %and3A_869 : vector<16xi1>
      %select_n3A_871 = arith.select %or3A_870, %get3A_863, %select_n3A_827 : vector<16xi1>, vector<16xf32>
      %select_n3A_872 = arith.select %or3A_870, %get3A_865, %select_n3A_828 : vector<16xi1>, vector<16xf32>
      %get3A_873 = arith.constant 1152 : index
      %get3A_874 = tpu.vector_load %arg6[%get3A_873] {strides = array<i32>} : memref<1408xf32, #tpu.memory_space<vmem>>, vector<16xf32>,
      %get3A_875 = arith.constant 1152 : index
      %get3A_876 = tpu.vector_load %arg7[%get3A_875] {strides = array<i32>} : memref<1408xf32, #tpu.memory_space<vmem>>, vector<16xf32>,
      %gt3A_877 = arith.cmpf ogt, %get3A_874, %select_n3A_838 : vector<16xf32>
      %eq3A_878 = arith.cmpf oeq, %get3A_874, %select_n3A_838 : vector<16xf32>
      %lt3A_879 = arith.cmpf olt, %get3A_876, %select_n3A_839 : vector<16xf32>
      %and3A_880 = arith.andi %eq3A_878, %lt3A_879 : vector<16xi1>
      %or3A_881 = arith.ori %gt3A_877, %and3A_880 : vector<16xi1>
      %select_n3A_882 = arith.select %or3A_881, %get3A_874, %select_n3A_838 : vector<16xi1>, vector<16xf32>
      %select_n3A_883 = arith.select %or3A_881, %get3A_876, %select_n3A_839 : vector<16xi1>, vector<16xf32>
      %get3A_884 = arith.constant 1168 : index
      %get3A_885 = tpu.vector_load %arg6[%get3A_884] {strides = array<i32>} : memref<1408xf32, #tpu.memory_space<vmem>>, vector<16xf32>,
      %get3A_886 = arith.constant 1168 : index
      %get3A_887 = tpu.vector_load %arg7[%get3A_886] {strides = array<i32>} : memref<1408xf32, #tpu.memory_space<vmem>>, vector<16xf32>,
      %gt3A_888 = arith.cmpf ogt, %get3A_885, %select_n3A_849 : vector<16xf32>
      %eq3A_889 = arith.cmpf oeq, %get3A_885, %select_n3A_849 : vector<16xf32>
      %lt3A_890 = arith.cmpf olt, %get3A_887, %select_n3A_850 : vector<16xf32>
      %and3A_891 = arith.andi %eq3A_889, %lt3A_890 : vector<16xi1>
      %or3A_892 = arith.ori %gt3A_888, %and3A_891 : vector<16xi1>
      %select_n3A_893 = arith.select %or3A_892, %get3A_885, %select_n3A_849 : vector<16xi1>, vector<16xf32>
      %select_n3A_894 = arith.select %or3A_892, %get3A_887, %select_n3A_850 : vector<16xi1>, vector<16xf32>
      %get3A_895 = arith.constant 1184 : index
      %get3A_896 = tpu.vector_load %arg6[%get3A_895] {strides = array<i32>} : memref<1408xf32, #tpu.memory_space<vmem>>, vector<16xf32>,
      %get3A_897 = arith.constant 1184 : index
      %get3A_898 = tpu.vector_load %arg7[%get3A_897] {strides = array<i32>} : memref<1408xf32, #tpu.memory_space<vmem>>, vector<16xf32>,
      %gt3A_899 = arith.cmpf ogt, %get3A_896, %select_n3A_860 : vector<16xf32>
      %eq3A_900 = arith.cmpf oeq, %get3A_896, %select_n3A_860 : vector<16xf32>
      %lt3A_901 = arith.cmpf olt, %get3A_898, %select_n3A_861 : vector<16xf32>
      %and3A_902 = arith.andi %eq3A_900, %lt3A_901 : vector<16xi1>
      %or3A_903 = arith.ori %gt3A_899, %and3A_902 : vector<16xi1>
      %select_n3A_904 = arith.select %or3A_903, %get3A_896, %select_n3A_860 : vector<16xi1>, vector<16xf32>
      %select_n3A_905 = arith.select %or3A_903, %get3A_898, %select_n3A_861 : vector<16xi1>, vector<16xf32>
      %get3A_906 = arith.constant 1200 : index
      %get3A_907 = tpu.vector_load %arg6[%get3A_906] {strides = array<i32>} : memref<1408xf32, #tpu.memory_space<vmem>>, vector<16xf32>,
      %get3A_908 = arith.constant 1200 : index
      %get3A_909 = tpu.vector_load %arg7[%get3A_908] {strides = array<i32>} : memref<1408xf32, #tpu.memory_space<vmem>>, vector<16xf32>,
      %gt3A_910 = arith.cmpf ogt, %get3A_907, %select_n3A_871 : vector<16xf32>
      %eq3A_911 = arith.cmpf oeq, %get3A_907, %select_n3A_871 : vector<16xf32>
      %lt3A_912 = arith.cmpf olt, %get3A_909, %select_n3A_872 : vector<16xf32>
      %and3A_913 = arith.andi %eq3A_911, %lt3A_912 : vector<16xi1>
      %or3A_914 = arith.ori %gt3A_910, %and3A_913 : vector<16xi1>
      %select_n3A_915 = arith.select %or3A_914, %get3A_907, %select_n3A_871 : vector<16xi1>, vector<16xf32>
      %select_n3A_916 = arith.select %or3A_914, %get3A_909, %select_n3A_872 : vector<16xi1>, vector<16xf32>
      %get3A_917 = arith.constant 1216 : index
      %get3A_918 = tpu.vector_load %arg6[%get3A_917] {strides = array<i32>} : memref<1408xf32, #tpu.memory_space<vmem>>, vector<16xf32>,
      %get3A_919 = arith.constant 1216 : index
      %get3A_920 = tpu.vector_load %arg7[%get3A_919] {strides = array<i32>} : memref<1408xf32, #tpu.memory_space<vmem>>, vector<16xf32>,
      %gt3A_921 = arith.cmpf ogt, %get3A_918, %select_n3A_882 : vector<16xf32>
      %eq3A_922 = arith.cmpf oeq, %get3A_918, %select_n3A_882 : vector<16xf32>
      %lt3A_923 = arith.cmpf olt, %get3A_920, %select_n3A_883 : vector<16xf32>
      %and3A_924 = arith.andi %eq3A_922, %lt3A_923 : vector<16xi1>
      %or3A_925 = arith.ori %gt3A_921, %and3A_924 : vector<16xi1>
      %select_n3A_926 = arith.select %or3A_925, %get3A_918, %select_n3A_882 : vector<16xi1>, vector<16xf32>
      %select_n3A_927 = arith.select %or3A_925, %get3A_920, %select_n3A_883 : vector<16xi1>, vector<16xf32>
      %get3A_928 = arith.constant 1232 : index
      %get3A_929 = tpu.vector_load %arg6[%get3A_928] {strides = array<i32>} : memref<1408xf32, #tpu.memory_space<vmem>>, vector<16xf32>,
      %get3A_930 = arith.constant 1232 : index
      %get3A_931 = tpu.vector_load %arg7[%get3A_930] {strides = array<i32>} : memref<1408xf32, #tpu.memory_space<vmem>>, vector<16xf32>,
      %gt3A_932 = arith.cmpf ogt, %get3A_929, %select_n3A_893 : vector<16xf32>
      %eq3A_933 = arith.cmpf oeq, %get3A_929, %select_n3A_893 : vector<16xf32>
      %lt3A_934 = arith.cmpf olt, %get3A_931, %select_n3A_894 : vector<16xf32>
      %and3A_935 = arith.andi %eq3A_933, %lt3A_934 : vector<16xi1>
      %or3A_936 = arith.ori %gt3A_932, %and3A_935 : vector<16xi1>
      %select_n3A_937 = arith.select %or3A_936, %get3A_929, %select_n3A_893 : vector<16xi1>, vector<16xf32>
      %select_n3A_938 = arith.select %or3A_936, %get3A_931, %select_n3A_894 : vector<16xi1>, vector<16xf32>
      %get3A_939 = arith.constant 1248 : index
      %get3A_940 = tpu.vector_load %arg6[%get3A_939] {strides = array<i32>} : memref<1408xf32, #tpu.memory_space<vmem>>, vector<16xf32>,
      %get3A_941 = arith.constant 1248 : index
      %get3A_942 = tpu.vector_load %arg7[%get3A_941] {strides = array<i32>} : memref<1408xf32, #tpu.memory_space<vmem>>, vector<16xf32>,
      %gt3A_943 = arith.cmpf ogt, %get3A_940, %select_n3A_904 : vector<16xf32>
      %eq3A_944 = arith.cmpf oeq, %get3A_940, %select_n3A_904 : vector<16xf32>
      %lt3A_945 = arith.cmpf olt, %get3A_942, %select_n3A_905 : vector<16xf32>
      %and3A_946 = arith.andi %eq3A_944, %lt3A_945 : vector<16xi1>
      %or3A_947 = arith.ori %gt3A_943, %and3A_946 : vector<16xi1>
      %select_n3A_948 = arith.select %or3A_947, %get3A_940, %select_n3A_904 : vector<16xi1>, vector<16xf32>
      %select_n3A_949 = arith.select %or3A_947, %get3A_942, %select_n3A_905 : vector<16xi1>, vector<16xf32>
      %get3A_950 = arith.constant 1264 : index
      %get3A_951 = tpu.vector_load %arg6[%get3A_950] {strides = array<i32>} : memref<1408xf32, #tpu.memory_space<vmem>>, vector<16xf32>,
      %get3A_952 = arith.constant 1264 : index
      %get3A_953 = tpu.vector_load %arg7[%get3A_952] {strides = array<i32>} : memref<1408xf32, #tpu.memory_space<vmem>>, vector<16xf32>,
      %gt3A_954 = arith.cmpf ogt, %get3A_951, %select_n3A_915 : vector<16xf32>
      %eq3A_955 = arith.cmpf oeq, %get3A_951, %select_n3A_915 : vector<16xf32>
      %lt3A_956 = arith.cmpf olt, %get3A_953, %select_n3A_916 : vector<16xf32>
      %and3A_957 = arith.andi %eq3A_955, %lt3A_956 : vector<16xi1>
      %or3A_958 = arith.ori %gt3A_954, %and3A_957 : vector<16xi1>
      %select_n3A_959 = arith.select %or3A_958, %get3A_951, %select_n3A_915 : vector<16xi1>, vector<16xf32>
      %select_n3A_960 = arith.select %or3A_958, %get3A_953, %select_n3A_916 : vector<16xi1>, vector<16xf32>
      %get3A_961 = arith.constant 1280 : index
      %get3A_962 = tpu.vector_load %arg6[%get3A_961] {strides = array<i32>} : memref<1408xf32, #tpu.memory_space<vmem>>, vector<16xf32>,
      %get3A_963 = arith.constant 1280 : index
      %get3A_964 = tpu.vector_load %arg7[%get3A_963] {strides = array<i32>} : memref<1408xf32, #tpu.memory_space<vmem>>, vector<16xf32>,
      %gt3A_965 = arith.cmpf ogt, %get3A_962, %select_n3A_926 : vector<16xf32>
      %eq3A_966 = arith.cmpf oeq, %get3A_962, %select_n3A_926 : vector<16xf32>
      %lt3A_967 = arith.cmpf olt, %get3A_964, %select_n3A_927 : vector<16xf32>
      %and3A_968 = arith.andi %eq3A_966, %lt3A_967 : vector<16xi1>
      %or3A_969 = arith.ori %gt3A_965, %and3A_968 : vector<16xi1>
      %select_n3A_970 = arith.select %or3A_969, %get3A_962, %select_n3A_926 : vector<16xi1>, vector<16xf32>
      %select_n3A_971 = arith.select %or3A_969, %get3A_964, %select_n3A_927 : vector<16xi1>, vector<16xf32>
      %get3A_972 = arith.constant 1296 : index
      %get3A_973 = tpu.vector_load %arg6[%get3A_972] {strides = array<i32>} : memref<1408xf32, #tpu.memory_space<vmem>>, vector<16xf32>,
      %get3A_974 = arith.constant 1296 : index
      %get3A_975 = tpu.vector_load %arg7[%get3A_974] {strides = array<i32>} : memref<1408xf32, #tpu.memory_space<vmem>>, vector<16xf32>,
      %gt3A_976 = arith.cmpf ogt, %get3A_973, %select_n3A_937 : vector<16xf32>
      %eq3A_977 = arith.cmpf oeq, %get3A_973, %select_n3A_937 : vector<16xf32>
      %lt3A_978 = arith.cmpf olt, %get3A_975, %select_n3A_938 : vector<16xf32>
      %and3A_979 = arith.andi %eq3A_977, %lt3A_978 : vector<16xi1>
      %or3A_980 = arith.ori %gt3A_976, %and3A_979 : vector<16xi1>
      %select_n3A_981 = arith.select %or3A_980, %get3A_973, %select_n3A_937 : vector<16xi1>, vector<16xf32>
      %select_n3A_982 = arith.select %or3A_980, %get3A_975, %select_n3A_938 : vector<16xi1>, vector<16xf32>
      %get3A_983 = arith.constant 1312 : index
      %get3A_984 = tpu.vector_load %arg6[%get3A_983] {strides = array<i32>} : memref<1408xf32, #tpu.memory_space<vmem>>, vector<16xf32>,
      %get3A_985 = arith.constant 1312 : index
      %get3A_986 = tpu.vector_load %arg7[%get3A_985] {strides = array<i32>} : memref<1408xf32, #tpu.memory_space<vmem>>, vector<16xf32>,
      %gt3A_987 = arith.cmpf ogt, %get3A_984, %select_n3A_948 : vector<16xf32>
      %eq3A_988 = arith.cmpf oeq, %get3A_984, %select_n3A_948 : vector<16xf32>
      %lt3A_989 = arith.cmpf olt, %get3A_986, %select_n3A_949 : vector<16xf32>
      %and3A_990 = arith.andi %eq3A_988, %lt3A_989 : vector<16xi1>
      %or3A_991 = arith.ori %gt3A_987, %and3A_990 : vector<16xi1>
      %select_n3A_992 = arith.select %or3A_991, %get3A_984, %select_n3A_948 : vector<16xi1>, vector<16xf32>
      %select_n3A_993 = arith.select %or3A_991, %get3A_986, %select_n3A_949 : vector<16xi1>, vector<16xf32>
      %get3A_994 = arith.constant 1328 : index
      %get3A_995 = tpu.vector_load %arg6[%get3A_994] {strides = array<i32>} : memref<1408xf32, #tpu.memory_space<vmem>>, vector<16xf32>,
      %get3A_996 = arith.constant 1328 : index
      %get3A_997 = tpu.vector_load %arg7[%get3A_996] {strides = array<i32>} : memref<1408xf32, #tpu.memory_space<vmem>>, vector<16xf32>,
      %gt3A_998 = arith.cmpf ogt, %get3A_995, %select_n3A_959 : vector<16xf32>
      %eq3A_999 = arith.cmpf oeq, %get3A_995, %select_n3A_959 : vector<16xf32>
      %lt3A_1000 = arith.cmpf olt, %get3A_997, %select_n3A_960 : vector<16xf32>
      %and3A_1001 = arith.andi %eq3A_999, %lt3A_1000 : vector<16xi1>
      %or3A_1002 = arith.ori %gt3A_998, %and3A_1001 : vector<16xi1>
      %select_n3A_1003 = arith.select %or3A_1002, %get3A_995, %select_n3A_959 : vector<16xi1>, vector<16xf32>
      %select_n3A_1004 = arith.select %or3A_1002, %get3A_997, %select_n3A_960 : vector<16xi1>, vector<16xf32>
      %get3A_1005 = arith.constant 1344 : index
      %get3A_1006 = tpu.vector_load %arg6[%get3A_1005] {strides = array<i32>} : memref<1408xf32, #tpu.memory_space<vmem>>, vector<16xf32>,
      %get3A_1007 = arith.constant 1344 : index
      %get3A_1008 = tpu.vector_load %arg7[%get3A_1007] {strides = array<i32>} : memref<1408xf32, #tpu.memory_space<vmem>>, vector<16xf32>,
      %gt3A_1009 = arith.cmpf ogt, %get3A_1006, %select_n3A_970 : vector<16xf32>
      %eq3A_1010 = arith.cmpf oeq, %get3A_1006, %select_n3A_970 : vector<16xf32>
      %lt3A_1011 = arith.cmpf olt, %get3A_1008, %select_n3A_971 : vector<16xf32>
      %and3A_1012 = arith.andi %eq3A_1010, %lt3A_1011 : vector<16xi1>
      %or3A_1013 = arith.ori %gt3A_1009, %and3A_1012 : vector<16xi1>
      %select_n3A_1014 = arith.select %or3A_1013, %get3A_1006, %select_n3A_970 : vector<16xi1>, vector<16xf32>
      %select_n3A_1015 = arith.select %or3A_1013, %get3A_1008, %select_n3A_971 : vector<16xi1>, vector<16xf32>
      %get3A_1016 = arith.constant 1360 : index
      %get3A_1017 = tpu.vector_load %arg6[%get3A_1016] {strides = array<i32>} : memref<1408xf32, #tpu.memory_space<vmem>>, vector<16xf32>,
      %get3A_1018 = arith.constant 1360 : index
      %get3A_1019 = tpu.vector_load %arg7[%get3A_1018] {strides = array<i32>} : memref<1408xf32, #tpu.memory_space<vmem>>, vector<16xf32>,
      %gt3A_1020 = arith.cmpf ogt, %get3A_1017, %select_n3A_981 : vector<16xf32>
      %eq3A_1021 = arith.cmpf oeq, %get3A_1017, %select_n3A_981 : vector<16xf32>
      %lt3A_1022 = arith.cmpf olt, %get3A_1019, %select_n3A_982 : vector<16xf32>
      %and3A_1023 = arith.andi %eq3A_1021, %lt3A_1022 : vector<16xi1>
      %or3A_1024 = arith.ori %gt3A_1020, %and3A_1023 : vector<16xi1>
      %select_n3A_1025 = arith.select %or3A_1024, %get3A_1017, %select_n3A_981 : vector<16xi1>, vector<16xf32>
      %select_n3A_1026 = arith.select %or3A_1024, %get3A_1019, %select_n3A_982 : vector<16xi1>, vector<16xf32>
      %get3A_1027 = arith.constant 1376 : index
      %get3A_1028 = tpu.vector_load %arg6[%get3A_1027] {strides = array<i32>} : memref<1408xf32, #tpu.memory_space<vmem>>, vector<16xf32>,
      %get3A_1029 = arith.constant 1376 : index
      %get3A_1030 = tpu.vector_load %arg7[%get3A_1029] {strides = array<i32>} : memref<1408xf32, #tpu.memory_space<vmem>>, vector<16xf32>,
      %gt3A_1031 = arith.cmpf ogt, %get3A_1028, %select_n3A_992 : vector<16xf32>
      %eq3A_1032 = arith.cmpf oeq, %get3A_1028, %select_n3A_992 : vector<16xf32>
      %lt3A_1033 = arith.cmpf olt, %get3A_1030, %select_n3A_993 : vector<16xf32>
      %and3A_1034 = arith.andi %eq3A_1032, %lt3A_1033 : vector<16xi1>
      %or3A_1035 = arith.ori %gt3A_1031, %and3A_1034 : vector<16xi1>
      %select_n3A_1036 = arith.select %or3A_1035, %get3A_1028, %select_n3A_992 : vector<16xi1>, vector<16xf32>
      %select_n3A_1037 = arith.select %or3A_1035, %get3A_1030, %select_n3A_993 : vector<16xi1>, vector<16xf32>
      %get3A_1038 = arith.constant 1392 : index
      %get3A_1039 = tpu.vector_load %arg6[%get3A_1038] {strides = array<i32>} : memref<1408xf32, #tpu.memory_space<vmem>>, vector<16xf32>,
      %get3A_1040 = arith.constant 1392 : index
      %get3A_1041 = tpu.vector_load %arg7[%get3A_1040] {strides = array<i32>} : memref<1408xf32, #tpu.memory_space<vmem>>, vector<16xf32>,
      %gt3A_1042 = arith.cmpf ogt, %get3A_1039, %select_n3A_1003 : vector<16xf32>
      %eq3A_1043 = arith.cmpf oeq, %get3A_1039, %select_n3A_1003 : vector<16xf32>
      %lt3A_1044 = arith.cmpf olt, %get3A_1041, %select_n3A_1004 : vector<16xf32>
      %and3A_1045 = arith.andi %eq3A_1043, %lt3A_1044 : vector<16xi1>
      %or3A_1046 = arith.ori %gt3A_1042, %and3A_1045 : vector<16xi1>
      %select_n3A_1047 = arith.select %or3A_1046, %get3A_1039, %select_n3A_1003 : vector<16xi1>, vector<16xf32>
      %select_n3A_1048 = arith.select %or3A_1046, %get3A_1041, %select_n3A_1004 : vector<16xi1>, vector<16xf32>
      %gt3A_1049 = arith.cmpf ogt, %select_n3A_1025, %select_n3A_1014 : vector<16xf32>
      %eq3A_1050 = arith.cmpf oeq, %select_n3A_1025, %select_n3A_1014 : vector<16xf32>
      %lt3A_1051 = arith.cmpf olt, %select_n3A_1026, %select_n3A_1015 : vector<16xf32>
      %and3A_1052 = arith.andi %eq3A_1050, %lt3A_1051 : vector<16xi1>
      %or3A_1053 = arith.ori %gt3A_1049, %and3A_1052 : vector<16xi1>
      %select_n3A_1054 = arith.select %or3A_1053, %select_n3A_1025, %select_n3A_1014 : vector<16xi1>, vector<16xf32>
      %select_n3A_1055 = arith.select %or3A_1053, %select_n3A_1026, %select_n3A_1015 : vector<16xi1>, vector<16xf32>
      %gt3A_1056 = arith.cmpf ogt, %select_n3A_1036, %select_n3A_1054 : vector<16xf32>
      %eq3A_1057 = arith.cmpf oeq, %select_n3A_1036, %select_n3A_1054 : vector<16xf32>
      %lt3A_1058 = arith.cmpf olt, %select_n3A_1037, %select_n3A_1055 : vector<16xf32>
      %and3A_1059 = arith.andi %eq3A_1057, %lt3A_1058 : vector<16xi1>
      %or3A_1060 = arith.ori %gt3A_1056, %and3A_1059 : vector<16xi1>
      %select_n3A_1061 = arith.select %or3A_1060, %select_n3A_1036, %select_n3A_1054 : vector<16xi1>, vector<16xf32>
      %select_n3A_1062 = arith.select %or3A_1060, %select_n3A_1037, %select_n3A_1055 : vector<16xi1>, vector<16xf32>
      %gt3A_1063 = arith.cmpf ogt, %select_n3A_1047, %select_n3A_1061 : vector<16xf32>
      %eq3A_1064 = arith.cmpf oeq, %select_n3A_1047, %select_n3A_1061 : vector<16xf32>
      %lt3A_1065 = arith.cmpf olt, %select_n3A_1048, %select_n3A_1062 : vector<16xf32>
      %and3A_1066 = arith.andi %eq3A_1064, %lt3A_1065 : vector<16xi1>
      %or3A_1067 = arith.ori %gt3A_1063, %and3A_1066 : vector<16xi1>
      %select_n3A_1068 = arith.select %or3A_1067, %select_n3A_1047, %select_n3A_1061 : vector<16xi1>, vector<16xf32>
      %select_n3A_1069 = arith.select %or3A_1067, %select_n3A_1048, %select_n3A_1062 : vector<16xi1>, vector<16xf32>
      %iota3A_1070 = tpu.iota {dimensions = array<i32: 0>} : vector<16xi32>
      %xor3A = arith.constant 1 : i32
      %xor3A_1071 = vector.broadcast %xor3A : i32 to vector<16xi32>
      %xor3A_1072 = arith.xori %iota3A_1070, %xor3A_1071 : vector<16xi32>
      %lt3A_1073 = arith.constant 0 : i32
      %lt3A_1074 = vector.broadcast %lt3A_1073 : i32 to vector<16xi32>
      %lt3A_1075 = arith.cmpi slt, %xor3A_1072, %lt3A_1074 : vector<16xi32>
      %add3A = arith.constant 16 : i32
      %add3A_1076 = vector.broadcast %add3A : i32 to vector<16xi32>
      %add3A_1077 = arith.addi %xor3A_1072, %add3A_1076 : vector<16xi32>
      %select_n3A_1078 = arith.select %lt3A_1075, %add3A_1077, %xor3A_1072 : vector<16xi1>, vector<16xi32>
      %broadcast_in_dim3A_1079 = vector.shape_cast %select_n3A_1078 : vector<16xi32> to vector<16x1xi32>
      %gather3A = vector.shape_cast %broadcast_in_dim3A_1079 : vector<16x1xi32> to vector<16xi32>
      %gather3A_1080 = tpu.dynamic_gather %select_n3A_1068[%gather3A] in [0] : vector<16xf32>, vector<16xi32> -> vector<16xf32>
      %max3A = arith.maximumf %select_n3A_1068, %gather3A_1080 : vector<16xf32>
      %xor3A_1081 = arith.constant 2 : i32
      %xor3A_1082 = vector.broadcast %xor3A_1081 : i32 to vector<16xi32>
      %xor3A_1083 = arith.xori %iota3A_1070, %xor3A_1082 : vector<16xi32>
      %lt3A_1084 = arith.constant 0 : i32
      %lt3A_1085 = vector.broadcast %lt3A_1084 : i32 to vector<16xi32>
      %lt3A_1086 = arith.cmpi slt, %xor3A_1083, %lt3A_1085 : vector<16xi32>
      %add3A_1087 = arith.constant 16 : i32
      %add3A_1088 = vector.broadcast %add3A_1087 : i32 to vector<16xi32>
      %add3A_1089 = arith.addi %xor3A_1083, %add3A_1088 : vector<16xi32>
      %select_n3A_1090 = arith.select %lt3A_1086, %add3A_1089, %xor3A_1083 : vector<16xi1>, vector<16xi32>
      %broadcast_in_dim3A_1091 = vector.shape_cast %select_n3A_1090 : vector<16xi32> to vector<16x1xi32>
      %gather3A_1092 = vector.shape_cast %broadcast_in_dim3A_1091 : vector<16x1xi32> to vector<16xi32>
      %gather3A_1093 = tpu.dynamic_gather %max3A[%gather3A_1092] in [0] : vector<16xf32>, vector<16xi32> -> vector<16xf32>
      %max3A_1094 = arith.maximumf %max3A, %gather3A_1093 : vector<16xf32>
      %xor3A_1095 = arith.constant 4 : i32
      %xor3A_1096 = vector.broadcast %xor3A_1095 : i32 to vector<16xi32>
      %xor3A_1097 = arith.xori %iota3A_1070, %xor3A_1096 : vector<16xi32>
      %lt3A_1098 = arith.constant 0 : i32
      %lt3A_1099 = vector.broadcast %lt3A_1098 : i32 to vector<16xi32>
      %lt3A_1100 = arith.cmpi slt, %xor3A_1097, %lt3A_1099 : vector<16xi32>
      %add3A_1101 = arith.constant 16 : i32
      %add3A_1102 = vector.broadcast %add3A_1101 : i32 to vector<16xi32>
      %add3A_1103 = arith.addi %xor3A_1097, %add3A_1102 : vector<16xi32>
      %select_n3A_1104 = arith.select %lt3A_1100, %add3A_1103, %xor3A_1097 : vector<16xi1>, vector<16xi32>
      %broadcast_in_dim3A_1105 = vector.shape_cast %select_n3A_1104 : vector<16xi32> to vector<16x1xi32>
      %gather3A_1106 = vector.shape_cast %broadcast_in_dim3A_1105 : vector<16x1xi32> to vector<16xi32>
      %gather3A_1107 = tpu.dynamic_gather %max3A_1094[%gather3A_1106] in [0] : vector<16xf32>, vector<16xi32> -> vector<16xf32>
      %max3A_1108 = arith.maximumf %max3A_1094, %gather3A_1107 : vector<16xf32>
      %xor3A_1109 = arith.constant 8 : i32
      %xor3A_1110 = vector.broadcast %xor3A_1109 : i32 to vector<16xi32>
      %xor3A_1111 = arith.xori %iota3A_1070, %xor3A_1110 : vector<16xi32>
      %lt3A_1112 = arith.constant 0 : i32
      %lt3A_1113 = vector.broadcast %lt3A_1112 : i32 to vector<16xi32>
      %lt3A_1114 = arith.cmpi slt, %xor3A_1111, %lt3A_1113 : vector<16xi32>
      %add3A_1115 = arith.constant 16 : i32
      %add3A_1116 = vector.broadcast %add3A_1115 : i32 to vector<16xi32>
      %add3A_1117 = arith.addi %xor3A_1111, %add3A_1116 : vector<16xi32>
      %select_n3A_1118 = arith.select %lt3A_1114, %add3A_1117, %xor3A_1111 : vector<16xi1>, vector<16xi32>
      %broadcast_in_dim3A_1119 = vector.shape_cast %select_n3A_1118 : vector<16xi32> to vector<16x1xi32>
      %gather3A_1120 = vector.shape_cast %broadcast_in_dim3A_1119 : vector<16x1xi32> to vector<16xi32>
      %gather3A_1121 = tpu.dynamic_gather %max3A_1108[%gather3A_1120] in [0] : vector<16xf32>, vector<16xi32> -> vector<16xf32>
      %max3A_1122 = arith.maximumf %max3A_1108, %gather3A_1121 : vector<16xf32>
      %eq3A_1123 = arith.cmpf oeq, %select_n3A_1068, %max3A_1122 : vector<16xf32>
      %jit3A = arith.constant 3.000000e+38 : f32
      %broadcast_in_dim3A_1124 = vector.broadcast %jit3A : f32 to vector<16xf32>
      %select_n3A_1125 = arith.select %eq3A_1123, %select_n3A_1069, %broadcast_in_dim3A_1124 : vector<16xi1>, vector<16xf32>
      %iota3A_1126 = tpu.iota {dimensions = array<i32: 0>} : vector<16xi32>
      %xor3A_1127 = arith.constant 1 : i32
      %xor3A_1128 = vector.broadcast %xor3A_1127 : i32 to vector<16xi32>
      %xor3A_1129 = arith.xori %iota3A_1126, %xor3A_1128 : vector<16xi32>
      %lt3A_1130 = arith.constant 0 : i32
      %lt3A_1131 = vector.broadcast %lt3A_1130 : i32 to vector<16xi32>
      %lt3A_1132 = arith.cmpi slt, %xor3A_1129, %lt3A_1131 : vector<16xi32>
      %add3A_1133 = arith.constant 16 : i32
      %add3A_1134 = vector.broadcast %add3A_1133 : i32 to vector<16xi32>
      %add3A_1135 = arith.addi %xor3A_1129, %add3A_1134 : vector<16xi32>
      %select_n3A_1136 = arith.select %lt3A_1132, %add3A_1135, %xor3A_1129 : vector<16xi1>, vector<16xi32>
      %broadcast_in_dim3A_1137 = vector.shape_cast %select_n3A_1136 : vector<16xi32> to vector<16x1xi32>
      %gather3A_1138 = vector.shape_cast %broadcast_in_dim3A_1137 : vector<16x1xi32> to vector<16xi32>
      %gather3A_1139 = tpu.dynamic_gather %select_n3A_1125[%gather3A_1138] in [0] : vector<16xf32>, vector<16xi32> -> vector<16xf32>
      %min3A = arith.minimumf %select_n3A_1125, %gather3A_1139 : vector<16xf32>
      %xor3A_1140 = arith.constant 2 : i32
      %xor3A_1141 = vector.broadcast %xor3A_1140 : i32 to vector<16xi32>
      %xor3A_1142 = arith.xori %iota3A_1126, %xor3A_1141 : vector<16xi32>
      %lt3A_1143 = arith.constant 0 : i32
      %lt3A_1144 = vector.broadcast %lt3A_1143 : i32 to vector<16xi32>
      %lt3A_1145 = arith.cmpi slt, %xor3A_1142, %lt3A_1144 : vector<16xi32>
      %add3A_1146 = arith.constant 16 : i32
      %add3A_1147 = vector.broadcast %add3A_1146 : i32 to vector<16xi32>
      %add3A_1148 = arith.addi %xor3A_1142, %add3A_1147 : vector<16xi32>
      %select_n3A_1149 = arith.select %lt3A_1145, %add3A_1148, %xor3A_1142 : vector<16xi1>, vector<16xi32>
      %broadcast_in_dim3A_1150 = vector.shape_cast %select_n3A_1149 : vector<16xi32> to vector<16x1xi32>
      %gather3A_1151 = vector.shape_cast %broadcast_in_dim3A_1150 : vector<16x1xi32> to vector<16xi32>
      %gather3A_1152 = tpu.dynamic_gather %min3A[%gather3A_1151] in [0] : vector<16xf32>, vector<16xi32> -> vector<16xf32>
      %min3A_1153 = arith.minimumf %min3A, %gather3A_1152 : vector<16xf32>
      %xor3A_1154 = arith.constant 4 : i32
      %xor3A_1155 = vector.broadcast %xor3A_1154 : i32 to vector<16xi32>
      %xor3A_1156 = arith.xori %iota3A_1126, %xor3A_1155 : vector<16xi32>
      %lt3A_1157 = arith.constant 0 : i32
      %lt3A_1158 = vector.broadcast %lt3A_1157 : i32 to vector<16xi32>
      %lt3A_1159 = arith.cmpi slt, %xor3A_1156, %lt3A_1158 : vector<16xi32>
      %add3A_1160 = arith.constant 16 : i32
      %add3A_1161 = vector.broadcast %add3A_1160 : i32 to vector<16xi32>
      %add3A_1162 = arith.addi %xor3A_1156, %add3A_1161 : vector<16xi32>
      %select_n3A_1163 = arith.select %lt3A_1159, %add3A_1162, %xor3A_1156 : vector<16xi1>, vector<16xi32>
      %broadcast_in_dim3A_1164 = vector.shape_cast %select_n3A_1163 : vector<16xi32> to vector<16x1xi32>
      %gather3A_1165 = vector.shape_cast %broadcast_in_dim3A_1164 : vector<16x1xi32> to vector<16xi32>
      %gather3A_1166 = tpu.dynamic_gather %min3A_1153[%gather3A_1165] in [0] : vector<16xf32>, vector<16xi32> -> vector<16xf32>
      %min3A_1167 = arith.minimumf %min3A_1153, %gather3A_1166 : vector<16xf32>
      %xor3A_1168 = arith.constant 8 : i32
      %xor3A_1169 = vector.broadcast %xor3A_1168 : i32 to vector<16xi32>
      %xor3A_1170 = arith.xori %iota3A_1126, %xor3A_1169 : vector<16xi32>
      %lt3A_1171 = arith.constant 0 : i32
      %lt3A_1172 = vector.broadcast %lt3A_1171 : i32 to vector<16xi32>
      %lt3A_1173 = arith.cmpi slt, %xor3A_1170, %lt3A_1172 : vector<16xi32>
      %add3A_1174 = arith.constant 16 : i32
      %add3A_1175 = vector.broadcast %add3A_1174 : i32 to vector<16xi32>
      %add3A_1176 = arith.addi %xor3A_1170, %add3A_1175 : vector<16xi32>
      %select_n3A_1177 = arith.select %lt3A_1173, %add3A_1176, %xor3A_1170 : vector<16xi1>, vector<16xi32>
      %broadcast_in_dim3A_1178 = vector.shape_cast %select_n3A_1177 : vector<16xi32> to vector<16x1xi32>
      %gather3A_1179 = vector.shape_cast %broadcast_in_dim3A_1178 : vector<16x1xi32> to vector<16xi32>
      %gather3A_1180 = tpu.dynamic_gather %min3A_1167[%gather3A_1179] in [0] : vector<16xf32>, vector<16xi32> -> vector<16xf32>
      %min3A_1181 = arith.minimumf %min3A_1167, %gather3A_1180 : vector<16xf32>
      %div3A = arith.constant 9.000000e+00 : f32
      %div3A_1182 = vector.broadcast %div3A : f32 to vector<16xf32>
      %div3A_1183 = arith.divf %min3A_1181, %div3A_1182 : vector<16xf32>
      %convert_element_type3A_1184 = arith.fptosi %div3A_1183 : vector<16xf32> to vector<16xi32>
      %convert_element_type3A_1185 = arith.sitofp %convert_element_type3A_1184 : vector<16xi32> to vector<16xf32>
      %mul3A_1186 = arith.constant 9.000000e+00 : f32
      %mul3A_1187 = vector.broadcast %mul3A_1186 : f32 to vector<16xf32>
      %mul3A_1188 = arith.mulf %convert_element_type3A_1185, %mul3A_1187 : vector<16xf32>
      %sub3A = arith.subf %min3A_1181, %mul3A_1188 : vector<16xf32>
      %mul3A_1189 = arith.constant 2.500000e+03 : f32
      %mul3A_1190 = vector.broadcast %mul3A_1189 : f32 to vector<16xf32>
      %mul3A_1191 = arith.mulf %sub3A, %mul3A_1190 : vector<16xf32>
      %add3A_1192 = arith.addf %mul3A_1191, %convert_element_type3A_1185 : vector<16xf32>
      %sub3A_1193 = vector.broadcast %convert_element_type3A : f32 to vector<16xf32>
      %sub3A_1194 = arith.subf %add3A_1192, %sub3A_1193 : vector<16xf32>
      %convert_element_type3A_1195 = arith.fptosi %sub3A_1194 : vector<16xf32> to vector<16xi32>
      %broadcast_in_dim3A_1196 = arith.constant -3.000000e+38 : f32
      %broadcast_in_dim3A_1197 = vector.broadcast %broadcast_in_dim3A_1196 : f32 to vector<16xf32>
      tpu.vector_store_idx %arg6[%convert_element_type3A_1195], %broadcast_in_dim3A_1197 masked %eq3A_1 : memref<1408xf32, #tpu.memory_space<vmem>>[vector<16xi32>], vector<16xf32>, vector<16xi1>
      %broadcast_in_dim3A_1198 = vector.broadcast %scan3A_80 : i32 to vector<16xi32>
      tpu.vector_store_idx %arg13[%broadcast_in_dim3A_1198], %max3A_1122 masked %eq3A_1 : memref<192xf32, #tpu.memory_space<vmem>>[vector<16xi32>], vector<16xf32>, vector<16xi1>
      %add3A_1199 = arith.constant 32 : i32
      %add3A_1200 = vector.broadcast %add3A_1199 : i32 to vector<16xi32>
      %add3A_1201 = arith.addi %broadcast_in_dim3A_1198, %add3A_1200 : vector<16xi32>
      tpu.vector_store_idx %arg13[%add3A_1201], %min3A_1181 masked %eq3A_1 : memref<192xf32, #tpu.memory_space<vmem>>[vector<16xi32>], vector<16xf32>, vector<16xi1>
      %add3A_1202 = arith.constant 64 : i32
      %add3A_1203 = vector.broadcast %add3A_1202 : i32 to vector<16xi32>
      %add3A_1204 = arith.addi %broadcast_in_dim3A_1198, %add3A_1203 : vector<16xi32>
      %gather3A_1205 = tpu.vector_load_idx %arg8[%convert_element_type3A_1195] : memref<1408xf32, #tpu.memory_space<vmem>>[vector<16xi32>], vector<16xf32>,
      tpu.vector_store_idx %arg13[%add3A_1204], %gather3A_1205 masked %eq3A_1 : memref<192xf32, #tpu.memory_space<vmem>>[vector<16xi32>], vector<16xf32>, vector<16xi1>
      %add3A_1206 = arith.constant 96 : i32
      %add3A_1207 = vector.broadcast %add3A_1206 : i32 to vector<16xi32>
      %add3A_1208 = arith.addi %broadcast_in_dim3A_1198, %add3A_1207 : vector<16xi32>
      %gather3A_1209 = tpu.vector_load_idx %arg9[%convert_element_type3A_1195] : memref<1408xf32, #tpu.memory_space<vmem>>[vector<16xi32>], vector<16xf32>,
      tpu.vector_store_idx %arg13[%add3A_1208], %gather3A_1209 masked %eq3A_1 : memref<192xf32, #tpu.memory_space<vmem>>[vector<16xi32>], vector<16xf32>, vector<16xi1>
      %add3A_1210 = arith.constant 128 : i32
      %add3A_1211 = vector.broadcast %add3A_1210 : i32 to vector<16xi32>
      %add3A_1212 = arith.addi %broadcast_in_dim3A_1198, %add3A_1211 : vector<16xi32>
      %gather3A_1213 = tpu.vector_load_idx %arg10[%convert_element_type3A_1195] : memref<1408xf32, #tpu.memory_space<vmem>>[vector<16xi32>], vector<16xf32>,
      tpu.vector_store_idx %arg13[%add3A_1212], %gather3A_1213 masked %eq3A_1 : memref<192xf32, #tpu.memory_space<vmem>>[vector<16xi32>], vector<16xf32>, vector<16xi1>
      %add3A_1214 = arith.constant 160 : i32
      %add3A_1215 = vector.broadcast %add3A_1214 : i32 to vector<16xi32>
      %add3A_1216 = arith.addi %broadcast_in_dim3A_1198, %add3A_1215 : vector<16xi32>
      %gather3A_1217 = tpu.vector_load_idx %arg11[%convert_element_type3A_1195] : memref<1408xf32, #tpu.memory_space<vmem>>[vector<16xi32>], vector<16xf32>,
      tpu.vector_store_idx %arg13[%add3A_1216], %gather3A_1217 masked %eq3A_1 : memref<192xf32, #tpu.memory_space<vmem>>[vector<16xi32>], vector<16xf32>, vector<16xi1>
      %scan3A_1218 = arith.constant 0 : i32
      scf.yield %scan3A_1218 : i32
    }
    %scan3A_73 = arith.constant 20 : i32
    %mul3A_74 = arith.constant 192 : i32
    %mul3A_75 = arith.muli %arg1, %mul3A_74 : i32
    "tpu.region"() ({
      %run_scoped3A = tpu.sem_alloc : memref<!tpu.dma_semaphore, #tpu.memory_space<semaphore_mem>>
      %dma_start3A_80 = tpu.memref_slice %arg14[%mul3A_75] : memref<3072xf32, #tpu.memory_space<vmem_shared>> -> memref<192xf32, #tpu.memory_space<vmem_shared>>
      %dma_start3A_81 = tpu.memref_slice %arg14[%mul3A_75] : memref<3072xf32, #tpu.memory_space<vmem_shared>> -> memref<192xf32, #tpu.memory_space<vmem_shared>>
      tpu.enqueue_dma source(%arg13 : memref<192xf32, #tpu.memory_space<vmem>>) target(%dma_start3A_81 : memref<192xf32, #tpu.memory_space<vmem_shared>>) target_semaphore(%run_scoped3A : memref<!tpu.dma_semaphore, #tpu.memory_space<semaphore_mem>>)
      %dma_wait3A_82 = tpu.memref_slice %arg14[%mul3A_75] : memref<3072xf32, #tpu.memory_space<vmem_shared>> -> memref<192xf32, #tpu.memory_space<vmem_shared>>
      %dma_wait3A_83 = tpu.memref_slice %arg14[%mul3A_75] : memref<3072xf32, #tpu.memory_space<vmem_shared>> -> memref<192xf32, #tpu.memory_space<vmem_shared>>
      tpu.wait_dma2 semaphore(%run_scoped3A : memref<!tpu.dma_semaphore, #tpu.memory_space<semaphore_mem>>) src(%arg13 : memref<192xf32, #tpu.memory_space<vmem>>) dst(%dma_wait3A_83 : memref<192xf32, #tpu.memory_space<vmem_shared>>)
      tpu.yield
    }) : () -> ()
    %barrier3A = arith.constant 0 : index
    tpu.barrier barrier_id(%barrier3A)
    %eq3A_76 = arith.constant 0 : i32
    %eq3A_77 = arith.cmpi eq, %arg1, %eq3A_76 : i32
    %convert_element_type3A_78 = arith.extui %eq3A_77 : i1 to i32
    %cond3A = arith.constant 0 : i32
    %cond3A_79 = arith.cmpi ne, %convert_element_type3A_78, %cond3A : i32
    scf.if %cond3A_79 {
      "tpu.region"() ({
        %run_scoped3A = tpu.sem_alloc : memref<!tpu.dma_semaphore, #tpu.memory_space<semaphore_mem>>
        tpu.enqueue_dma source(%arg14 : memref<3072xf32, #tpu.memory_space<vmem_shared>>) target(%arg15 : memref<3072xf32, #tpu.memory_space<vmem>>) target_semaphore(%run_scoped3A : memref<!tpu.dma_semaphore, #tpu.memory_space<semaphore_mem>>)
        tpu.wait_dma2 semaphore(%run_scoped3A : memref<!tpu.dma_semaphore, #tpu.memory_space<semaphore_mem>>) src(%arg14 : memref<3072xf32, #tpu.memory_space<vmem_shared>>) dst(%arg15 : memref<3072xf32, #tpu.memory_space<vmem>>)
        tpu.yield
      }) : () -> ()
      %broadcast_in_dim3A_80 = arith.constant -3.000000e+38 : f32
      %broadcast_in_dim3A_81 = vector.broadcast %broadcast_in_dim3A_80 : f32 to vector<16xf32>
      %swap3A_82 = arith.constant 0 : index
      %swap3A_83 = tpu.vector_load %arg16[%swap3A_82] {strides = array<i32>} : memref<32xf32, #tpu.memory_space<vmem>>, vector<16xf32>,
      tpu.vector_store %arg16[%swap3A_82], %broadcast_in_dim3A_81 {strides = array<i32>} : memref<32xf32, #tpu.memory_space<vmem>>, vector<16xf32>,
      %broadcast_in_dim3A_84 = arith.constant 0.000000e+00 : f32
      %broadcast_in_dim3A_85 = vector.broadcast %broadcast_in_dim3A_84 : f32 to vector<16xf32>
      %swap3A_86 = arith.constant 0 : index
      %swap3A_87 = tpu.vector_load %arg17[%swap3A_86] {strides = array<i32>} : memref<32xf32, #tpu.memory_space<vmem>>, vector<16xf32>,
      tpu.vector_store %arg17[%swap3A_86], %broadcast_in_dim3A_85 {strides = array<i32>} : memref<32xf32, #tpu.memory_space<vmem>>, vector<16xf32>,
      %broadcast_in_dim3A_88 = arith.constant 0.000000e+00 : f32
      %broadcast_in_dim3A_89 = vector.broadcast %broadcast_in_dim3A_88 : f32 to vector<16xf32>
      %swap3A_90 = arith.constant 0 : index
      %swap3A_91 = tpu.vector_load %arg18[%swap3A_90] {strides = array<i32>} : memref<32xf32, #tpu.memory_space<vmem>>, vector<16xf32>,
      tpu.vector_store %arg18[%swap3A_90], %broadcast_in_dim3A_89 {strides = array<i32>} : memref<32xf32, #tpu.memory_space<vmem>>, vector<16xf32>,
      %broadcast_in_dim3A_92 = arith.constant 0.000000e+00 : f32
      %broadcast_in_dim3A_93 = vector.broadcast %broadcast_in_dim3A_92 : f32 to vector<16xf32>
      %swap3A_94 = arith.constant 0 : index
      %swap3A_95 = tpu.vector_load %arg19[%swap3A_94] {strides = array<i32>} : memref<32xf32, #tpu.memory_space<vmem>>, vector<16xf32>,
      tpu.vector_store %arg19[%swap3A_94], %broadcast_in_dim3A_93 {strides = array<i32>} : memref<32xf32, #tpu.memory_space<vmem>>, vector<16xf32>,
      %broadcast_in_dim3A_96 = arith.constant 0.000000e+00 : f32
      %broadcast_in_dim3A_97 = vector.broadcast %broadcast_in_dim3A_96 : f32 to vector<16xf32>
      %swap3A_98 = arith.constant 0 : index
      %swap3A_99 = tpu.vector_load %arg20[%swap3A_98] {strides = array<i32>} : memref<32xf32, #tpu.memory_space<vmem>>, vector<16xf32>,
      tpu.vector_store %arg20[%swap3A_98], %broadcast_in_dim3A_97 {strides = array<i32>} : memref<32xf32, #tpu.memory_space<vmem>>, vector<16xf32>,
      %broadcast_in_dim3A_100 = arith.constant 0.000000e+00 : f32
      %broadcast_in_dim3A_101 = vector.broadcast %broadcast_in_dim3A_100 : f32 to vector<16xf32>
      %swap3A_102 = arith.constant 0 : index
      %swap3A_103 = tpu.vector_load %arg21[%swap3A_102] {strides = array<i32>} : memref<32xf32, #tpu.memory_space<vmem>>, vector<16xf32>,
      tpu.vector_store %arg21[%swap3A_102], %broadcast_in_dim3A_101 {strides = array<i32>} : memref<32xf32, #tpu.memory_space<vmem>>, vector<16xf32>,
      %broadcast_in_dim3A_104 = arith.constant -3.000000e+38 : f32
      %broadcast_in_dim3A_105 = vector.broadcast %broadcast_in_dim3A_104 : f32 to vector<16xf32>
      %swap3A_106 = arith.constant 16 : index
      %swap3A_107 = tpu.vector_load %arg16[%swap3A_106] {strides = array<i32>} : memref<32xf32, #tpu.memory_space<vmem>>, vector<16xf32>,
      tpu.vector_store %arg16[%swap3A_106], %broadcast_in_dim3A_105 {strides = array<i32>} : memref<32xf32, #tpu.memory_space<vmem>>, vector<16xf32>,
      %broadcast_in_dim3A_108 = arith.constant 0.000000e+00 : f32
      %broadcast_in_dim3A_109 = vector.broadcast %broadcast_in_dim3A_108 : f32 to vector<16xf32>
      %swap3A_110 = arith.constant 16 : index
      %swap3A_111 = tpu.vector_load %arg17[%swap3A_110] {strides = array<i32>} : memref<32xf32, #tpu.memory_space<vmem>>, vector<16xf32>,
      tpu.vector_store %arg17[%swap3A_110], %broadcast_in_dim3A_109 {strides = array<i32>} : memref<32xf32, #tpu.memory_space<vmem>>, vector<16xf32>,
      %broadcast_in_dim3A_112 = arith.constant 0.000000e+00 : f32
      %broadcast_in_dim3A_113 = vector.broadcast %broadcast_in_dim3A_112 : f32 to vector<16xf32>
      %swap3A_114 = arith.constant 16 : index
      %swap3A_115 = tpu.vector_load %arg18[%swap3A_114] {strides = array<i32>} : memref<32xf32, #tpu.memory_space<vmem>>, vector<16xf32>,
      tpu.vector_store %arg18[%swap3A_114], %broadcast_in_dim3A_113 {strides = array<i32>} : memref<32xf32, #tpu.memory_space<vmem>>, vector<16xf32>,
      %broadcast_in_dim3A_116 = arith.constant 0.000000e+00 : f32
      %broadcast_in_dim3A_117 = vector.broadcast %broadcast_in_dim3A_116 : f32 to vector<16xf32>
      %swap3A_118 = arith.constant 16 : index
      %swap3A_119 = tpu.vector_load %arg19[%swap3A_118] {strides = array<i32>} : memref<32xf32, #tpu.memory_space<vmem>>, vector<16xf32>,
      tpu.vector_store %arg19[%swap3A_118], %broadcast_in_dim3A_117 {strides = array<i32>} : memref<32xf32, #tpu.memory_space<vmem>>, vector<16xf32>,
      %broadcast_in_dim3A_120 = arith.constant 0.000000e+00 : f32
      %broadcast_in_dim3A_121 = vector.broadcast %broadcast_in_dim3A_120 : f32 to vector<16xf32>
      %swap3A_122 = arith.constant 16 : index
      %swap3A_123 = tpu.vector_load %arg20[%swap3A_122] {strides = array<i32>} : memref<32xf32, #tpu.memory_space<vmem>>, vector<16xf32>,
      tpu.vector_store %arg20[%swap3A_122], %broadcast_in_dim3A_121 {strides = array<i32>} : memref<32xf32, #tpu.memory_space<vmem>>, vector<16xf32>,
      %broadcast_in_dim3A_124 = arith.constant 0.000000e+00 : f32
      %broadcast_in_dim3A_125 = vector.broadcast %broadcast_in_dim3A_124 : f32 to vector<16xf32>
      %swap3A_126 = arith.constant 16 : index
      %swap3A_127 = tpu.vector_load %arg21[%swap3A_126] {strides = array<i32>} : memref<32xf32, #tpu.memory_space<vmem>>, vector<16xf32>,
      tpu.vector_store %arg21[%swap3A_126], %broadcast_in_dim3A_125 {strides = array<i32>} : memref<32xf32, #tpu.memory_space<vmem>>, vector<16xf32>,
      %scan3A_128 = arith.constant 0 : i32
      %scan3A_129 = arith.constant 0 : i32
      %scan3A_130 = arith.constant 20 : i32
      %scan3A_131 = arith.addi %scan3A_129, %scan3A_130 : i32
      %scan3A_132 = arith.constant 1 : i32
      %scan3A_133 = scf.for %scan3A_219 = %scan3A_129 to %scan3A_131 step %scan3A_132 iter_args(%scan3A_220 = %scan3A_128) -> (i32)  : i32 {
        %broadcast_in_dim3A_221 = arith.constant -3.000000e+38 : f32
        %broadcast_in_dim3A_222 = vector.broadcast %broadcast_in_dim3A_221 : f32 to vector<16xf32>
        %broadcast_in_dim3A_223 = arith.constant 0.000000e+00 : f32
        %broadcast_in_dim3A_224 = vector.broadcast %broadcast_in_dim3A_223 : f32 to vector<16xf32>
        %broadcast_in_dim3A_225 = arith.constant 0 : i32
        %broadcast_in_dim3A_226 = vector.broadcast %broadcast_in_dim3A_225 : i32 to vector<16xi32>
        %get3A_227 = arith.constant 0 : index
        %get3A_228 = tpu.vector_load %arg15[%get3A_227] {strides = array<i32>} : memref<3072xf32, #tpu.memory_space<vmem>>, vector<16xf32>,
        %get3A_229 = arith.constant 32 : index
        %get3A_230 = tpu.vector_load %arg15[%get3A_229] {strides = array<i32>} : memref<3072xf32, #tpu.memory_space<vmem>>, vector<16xf32>,
        %broadcast_in_dim3A_231 = arith.constant 0 : i32
        %broadcast_in_dim3A_232 = vector.broadcast %broadcast_in_dim3A_231 : i32 to vector<16xi32>
        %add3A_233 = arith.addi %broadcast_in_dim3A_232, %iota3A : vector<16xi32>
        %gt3A_234 = arith.cmpf ogt, %get3A_228, %broadcast_in_dim3A_222 : vector<16xf32>
        %eq3A_235 = arith.cmpf oeq, %get3A_228, %broadcast_in_dim3A_222 : vector<16xf32>
        %lt3A_236 = arith.cmpf olt, %get3A_230, %broadcast_in_dim3A_224 : vector<16xf32>
        %and3A = arith.andi %eq3A_235, %lt3A_236 : vector<16xi1>
        %or3A = arith.ori %gt3A_234, %and3A : vector<16xi1>
        %select_n3A_237 = arith.select %or3A, %get3A_228, %broadcast_in_dim3A_222 : vector<16xi1>, vector<16xf32>
        %select_n3A_238 = arith.select %or3A, %get3A_230, %broadcast_in_dim3A_224 : vector<16xi1>, vector<16xf32>
        %select_n3A_239 = arith.select %or3A, %add3A_233, %broadcast_in_dim3A_226 : vector<16xi1>, vector<16xi32>
        %get3A_240 = arith.constant 16 : index
        %get3A_241 = tpu.vector_load %arg15[%get3A_240] {strides = array<i32>} : memref<3072xf32, #tpu.memory_space<vmem>>, vector<16xf32>,
        %get3A_242 = arith.constant 48 : index
        %get3A_243 = tpu.vector_load %arg15[%get3A_242] {strides = array<i32>} : memref<3072xf32, #tpu.memory_space<vmem>>, vector<16xf32>,
        %broadcast_in_dim3A_244 = arith.constant 16 : i32
        %broadcast_in_dim3A_245 = vector.broadcast %broadcast_in_dim3A_244 : i32 to vector<16xi32>
        %add3A_246 = arith.addi %broadcast_in_dim3A_245, %iota3A : vector<16xi32>
        %gt3A_247 = arith.cmpf ogt, %get3A_241, %broadcast_in_dim3A_222 : vector<16xf32>
        %eq3A_248 = arith.cmpf oeq, %get3A_241, %broadcast_in_dim3A_222 : vector<16xf32>
        %lt3A_249 = arith.cmpf olt, %get3A_243, %broadcast_in_dim3A_224 : vector<16xf32>
        %and3A_250 = arith.andi %eq3A_248, %lt3A_249 : vector<16xi1>
        %or3A_251 = arith.ori %gt3A_247, %and3A_250 : vector<16xi1>
        %select_n3A_252 = arith.select %or3A_251, %get3A_241, %broadcast_in_dim3A_222 : vector<16xi1>, vector<16xf32>
        %select_n3A_253 = arith.select %or3A_251, %get3A_243, %broadcast_in_dim3A_224 : vector<16xi1>, vector<16xf32>
        %select_n3A_254 = arith.select %or3A_251, %add3A_246, %broadcast_in_dim3A_226 : vector<16xi1>, vector<16xi32>
        %get3A_255 = arith.constant 192 : index
        %get3A_256 = tpu.vector_load %arg15[%get3A_255] {strides = array<i32>} : memref<3072xf32, #tpu.memory_space<vmem>>, vector<16xf32>,
        %get3A_257 = arith.constant 224 : index
        %get3A_258 = tpu.vector_load %arg15[%get3A_257] {strides = array<i32>} : memref<3072xf32, #tpu.memory_space<vmem>>, vector<16xf32>,
        %broadcast_in_dim3A_259 = arith.constant 192 : i32
        %broadcast_in_dim3A_260 = vector.broadcast %broadcast_in_dim3A_259 : i32 to vector<16xi32>
        %add3A_261 = arith.addi %broadcast_in_dim3A_260, %iota3A : vector<16xi32>
        %gt3A_262 = arith.cmpf ogt, %get3A_256, %broadcast_in_dim3A_222 : vector<16xf32>
        %eq3A_263 = arith.cmpf oeq, %get3A_256, %broadcast_in_dim3A_222 : vector<16xf32>
        %lt3A_264 = arith.cmpf olt, %get3A_258, %broadcast_in_dim3A_224 : vector<16xf32>
        %and3A_265 = arith.andi %eq3A_263, %lt3A_264 : vector<16xi1>
        %or3A_266 = arith.ori %gt3A_262, %and3A_265 : vector<16xi1>
        %select_n3A_267 = arith.select %or3A_266, %get3A_256, %broadcast_in_dim3A_222 : vector<16xi1>, vector<16xf32>
        %select_n3A_268 = arith.select %or3A_266, %get3A_258, %broadcast_in_dim3A_224 : vector<16xi1>, vector<16xf32>
        %select_n3A_269 = arith.select %or3A_266, %add3A_261, %broadcast_in_dim3A_226 : vector<16xi1>, vector<16xi32>
        %get3A_270 = arith.constant 208 : index
        %get3A_271 = tpu.vector_load %arg15[%get3A_270] {strides = array<i32>} : memref<3072xf32, #tpu.memory_space<vmem>>, vector<16xf32>,
        %get3A_272 = arith.constant 240 : index
        %get3A_273 = tpu.vector_load %arg15[%get3A_272] {strides = array<i32>} : memref<3072xf32, #tpu.memory_space<vmem>>, vector<16xf32>,
        %broadcast_in_dim3A_274 = arith.constant 208 : i32
        %broadcast_in_dim3A_275 = vector.broadcast %broadcast_in_dim3A_274 : i32 to vector<16xi32>
        %add3A_276 = arith.addi %broadcast_in_dim3A_275, %iota3A : vector<16xi32>
        %gt3A_277 = arith.cmpf ogt, %get3A_271, %broadcast_in_dim3A_222 : vector<16xf32>
        %eq3A_278 = arith.cmpf oeq, %get3A_271, %broadcast_in_dim3A_222 : vector<16xf32>
        %lt3A_279 = arith.cmpf olt, %get3A_273, %broadcast_in_dim3A_224 : vector<16xf32>
        %and3A_280 = arith.andi %eq3A_278, %lt3A_279 : vector<16xi1>
        %or3A_281 = arith.ori %gt3A_277, %and3A_280 : vector<16xi1>
        %select_n3A_282 = arith.select %or3A_281, %get3A_271, %broadcast_in_dim3A_222 : vector<16xi1>, vector<16xf32>
        %select_n3A_283 = arith.select %or3A_281, %get3A_273, %broadcast_in_dim3A_224 : vector<16xi1>, vector<16xf32>
        %select_n3A_284 = arith.select %or3A_281, %add3A_276, %broadcast_in_dim3A_226 : vector<16xi1>, vector<16xi32>
        %get3A_285 = arith.constant 384 : index
        %get3A_286 = tpu.vector_load %arg15[%get3A_285] {strides = array<i32>} : memref<3072xf32, #tpu.memory_space<vmem>>, vector<16xf32>,
        %get3A_287 = arith.constant 416 : index
        %get3A_288 = tpu.vector_load %arg15[%get3A_287] {strides = array<i32>} : memref<3072xf32, #tpu.memory_space<vmem>>, vector<16xf32>,
        %broadcast_in_dim3A_289 = arith.constant 384 : i32
        %broadcast_in_dim3A_290 = vector.broadcast %broadcast_in_dim3A_289 : i32 to vector<16xi32>
        %add3A_291 = arith.addi %broadcast_in_dim3A_290, %iota3A : vector<16xi32>
        %gt3A_292 = arith.cmpf ogt, %get3A_286, %select_n3A_237 : vector<16xf32>
        %eq3A_293 = arith.cmpf oeq, %get3A_286, %select_n3A_237 : vector<16xf32>
        %lt3A_294 = arith.cmpf olt, %get3A_288, %select_n3A_238 : vector<16xf32>
        %and3A_295 = arith.andi %eq3A_293, %lt3A_294 : vector<16xi1>
        %or3A_296 = arith.ori %gt3A_292, %and3A_295 : vector<16xi1>
        %select_n3A_297 = arith.select %or3A_296, %get3A_286, %select_n3A_237 : vector<16xi1>, vector<16xf32>
        %select_n3A_298 = arith.select %or3A_296, %get3A_288, %select_n3A_238 : vector<16xi1>, vector<16xf32>
        %select_n3A_299 = arith.select %or3A_296, %add3A_291, %select_n3A_239 : vector<16xi1>, vector<16xi32>
        %get3A_300 = arith.constant 400 : index
        %get3A_301 = tpu.vector_load %arg15[%get3A_300] {strides = array<i32>} : memref<3072xf32, #tpu.memory_space<vmem>>, vector<16xf32>,
        %get3A_302 = arith.constant 432 : index
        %get3A_303 = tpu.vector_load %arg15[%get3A_302] {strides = array<i32>} : memref<3072xf32, #tpu.memory_space<vmem>>, vector<16xf32>,
        %broadcast_in_dim3A_304 = arith.constant 400 : i32
        %broadcast_in_dim3A_305 = vector.broadcast %broadcast_in_dim3A_304 : i32 to vector<16xi32>
        %add3A_306 = arith.addi %broadcast_in_dim3A_305, %iota3A : vector<16xi32>
        %gt3A_307 = arith.cmpf ogt, %get3A_301, %select_n3A_252 : vector<16xf32>
        %eq3A_308 = arith.cmpf oeq, %get3A_301, %select_n3A_252 : vector<16xf32>
        %lt3A_309 = arith.cmpf olt, %get3A_303, %select_n3A_253 : vector<16xf32>
        %and3A_310 = arith.andi %eq3A_308, %lt3A_309 : vector<16xi1>
        %or3A_311 = arith.ori %gt3A_307, %and3A_310 : vector<16xi1>
        %select_n3A_312 = arith.select %or3A_311, %get3A_301, %select_n3A_252 : vector<16xi1>, vector<16xf32>
        %select_n3A_313 = arith.select %or3A_311, %get3A_303, %select_n3A_253 : vector<16xi1>, vector<16xf32>
        %select_n3A_314 = arith.select %or3A_311, %add3A_306, %select_n3A_254 : vector<16xi1>, vector<16xi32>
        %get3A_315 = arith.constant 576 : index
        %get3A_316 = tpu.vector_load %arg15[%get3A_315] {strides = array<i32>} : memref<3072xf32, #tpu.memory_space<vmem>>, vector<16xf32>,
        %get3A_317 = arith.constant 608 : index
        %get3A_318 = tpu.vector_load %arg15[%get3A_317] {strides = array<i32>} : memref<3072xf32, #tpu.memory_space<vmem>>, vector<16xf32>,
        %broadcast_in_dim3A_319 = arith.constant 576 : i32
        %broadcast_in_dim3A_320 = vector.broadcast %broadcast_in_dim3A_319 : i32 to vector<16xi32>
        %add3A_321 = arith.addi %broadcast_in_dim3A_320, %iota3A : vector<16xi32>
        %gt3A_322 = arith.cmpf ogt, %get3A_316, %select_n3A_267 : vector<16xf32>
        %eq3A_323 = arith.cmpf oeq, %get3A_316, %select_n3A_267 : vector<16xf32>
        %lt3A_324 = arith.cmpf olt, %get3A_318, %select_n3A_268 : vector<16xf32>
        %and3A_325 = arith.andi %eq3A_323, %lt3A_324 : vector<16xi1>
        %or3A_326 = arith.ori %gt3A_322, %and3A_325 : vector<16xi1>
        %select_n3A_327 = arith.select %or3A_326, %get3A_316, %select_n3A_267 : vector<16xi1>, vector<16xf32>
        %select_n3A_328 = arith.select %or3A_326, %get3A_318, %select_n3A_268 : vector<16xi1>, vector<16xf32>
        %select_n3A_329 = arith.select %or3A_326, %add3A_321, %select_n3A_269 : vector<16xi1>, vector<16xi32>
        %get3A_330 = arith.constant 592 : index
        %get3A_331 = tpu.vector_load %arg15[%get3A_330] {strides = array<i32>} : memref<3072xf32, #tpu.memory_space<vmem>>, vector<16xf32>,
        %get3A_332 = arith.constant 624 : index
        %get3A_333 = tpu.vector_load %arg15[%get3A_332] {strides = array<i32>} : memref<3072xf32, #tpu.memory_space<vmem>>, vector<16xf32>,
        %broadcast_in_dim3A_334 = arith.constant 592 : i32
        %broadcast_in_dim3A_335 = vector.broadcast %broadcast_in_dim3A_334 : i32 to vector<16xi32>
        %add3A_336 = arith.addi %broadcast_in_dim3A_335, %iota3A : vector<16xi32>
        %gt3A_337 = arith.cmpf ogt, %get3A_331, %select_n3A_282 : vector<16xf32>
        %eq3A_338 = arith.cmpf oeq, %get3A_331, %select_n3A_282 : vector<16xf32>
        %lt3A_339 = arith.cmpf olt, %get3A_333, %select_n3A_283 : vector<16xf32>
        %and3A_340 = arith.andi %eq3A_338, %lt3A_339 : vector<16xi1>
        %or3A_341 = arith.ori %gt3A_337, %and3A_340 : vector<16xi1>
        %select_n3A_342 = arith.select %or3A_341, %get3A_331, %select_n3A_282 : vector<16xi1>, vector<16xf32>
        %select_n3A_343 = arith.select %or3A_341, %get3A_333, %select_n3A_283 : vector<16xi1>, vector<16xf32>
        %select_n3A_344 = arith.select %or3A_341, %add3A_336, %select_n3A_284 : vector<16xi1>, vector<16xi32>
        %get3A_345 = arith.constant 768 : index
        %get3A_346 = tpu.vector_load %arg15[%get3A_345] {strides = array<i32>} : memref<3072xf32, #tpu.memory_space<vmem>>, vector<16xf32>,
        %get3A_347 = arith.constant 800 : index
        %get3A_348 = tpu.vector_load %arg15[%get3A_347] {strides = array<i32>} : memref<3072xf32, #tpu.memory_space<vmem>>, vector<16xf32>,
        %broadcast_in_dim3A_349 = arith.constant 768 : i32
        %broadcast_in_dim3A_350 = vector.broadcast %broadcast_in_dim3A_349 : i32 to vector<16xi32>
        %add3A_351 = arith.addi %broadcast_in_dim3A_350, %iota3A : vector<16xi32>
        %gt3A_352 = arith.cmpf ogt, %get3A_346, %select_n3A_297 : vector<16xf32>
        %eq3A_353 = arith.cmpf oeq, %get3A_346, %select_n3A_297 : vector<16xf32>
        %lt3A_354 = arith.cmpf olt, %get3A_348, %select_n3A_298 : vector<16xf32>
        %and3A_355 = arith.andi %eq3A_353, %lt3A_354 : vector<16xi1>
        %or3A_356 = arith.ori %gt3A_352, %and3A_355 : vector<16xi1>
        %select_n3A_357 = arith.select %or3A_356, %get3A_346, %select_n3A_297 : vector<16xi1>, vector<16xf32>
        %select_n3A_358 = arith.select %or3A_356, %get3A_348, %select_n3A_298 : vector<16xi1>, vector<16xf32>
        %select_n3A_359 = arith.select %or3A_356, %add3A_351, %select_n3A_299 : vector<16xi1>, vector<16xi32>
        %get3A_360 = arith.constant 784 : index
        %get3A_361 = tpu.vector_load %arg15[%get3A_360] {strides = array<i32>} : memref<3072xf32, #tpu.memory_space<vmem>>, vector<16xf32>,
        %get3A_362 = arith.constant 816 : index
        %get3A_363 = tpu.vector_load %arg15[%get3A_362] {strides = array<i32>} : memref<3072xf32, #tpu.memory_space<vmem>>, vector<16xf32>,
        %broadcast_in_dim3A_364 = arith.constant 784 : i32
        %broadcast_in_dim3A_365 = vector.broadcast %broadcast_in_dim3A_364 : i32 to vector<16xi32>
        %add3A_366 = arith.addi %broadcast_in_dim3A_365, %iota3A : vector<16xi32>
        %gt3A_367 = arith.cmpf ogt, %get3A_361, %select_n3A_312 : vector<16xf32>
        %eq3A_368 = arith.cmpf oeq, %get3A_361, %select_n3A_312 : vector<16xf32>
        %lt3A_369 = arith.cmpf olt, %get3A_363, %select_n3A_313 : vector<16xf32>
        %and3A_370 = arith.andi %eq3A_368, %lt3A_369 : vector<16xi1>
        %or3A_371 = arith.ori %gt3A_367, %and3A_370 : vector<16xi1>
        %select_n3A_372 = arith.select %or3A_371, %get3A_361, %select_n3A_312 : vector<16xi1>, vector<16xf32>
        %select_n3A_373 = arith.select %or3A_371, %get3A_363, %select_n3A_313 : vector<16xi1>, vector<16xf32>
        %select_n3A_374 = arith.select %or3A_371, %add3A_366, %select_n3A_314 : vector<16xi1>, vector<16xi32>
        %get3A_375 = arith.constant 960 : index
        %get3A_376 = tpu.vector_load %arg15[%get3A_375] {strides = array<i32>} : memref<3072xf32, #tpu.memory_space<vmem>>, vector<16xf32>,
        %get3A_377 = arith.constant 992 : index
        %get3A_378 = tpu.vector_load %arg15[%get3A_377] {strides = array<i32>} : memref<3072xf32, #tpu.memory_space<vmem>>, vector<16xf32>,
        %broadcast_in_dim3A_379 = arith.constant 960 : i32
        %broadcast_in_dim3A_380 = vector.broadcast %broadcast_in_dim3A_379 : i32 to vector<16xi32>
        %add3A_381 = arith.addi %broadcast_in_dim3A_380, %iota3A : vector<16xi32>
        %gt3A_382 = arith.cmpf ogt, %get3A_376, %select_n3A_327 : vector<16xf32>
        %eq3A_383 = arith.cmpf oeq, %get3A_376, %select_n3A_327 : vector<16xf32>
        %lt3A_384 = arith.cmpf olt, %get3A_378, %select_n3A_328 : vector<16xf32>
        %and3A_385 = arith.andi %eq3A_383, %lt3A_384 : vector<16xi1>
        %or3A_386 = arith.ori %gt3A_382, %and3A_385 : vector<16xi1>
        %select_n3A_387 = arith.select %or3A_386, %get3A_376, %select_n3A_327 : vector<16xi1>, vector<16xf32>
        %select_n3A_388 = arith.select %or3A_386, %get3A_378, %select_n3A_328 : vector<16xi1>, vector<16xf32>
        %select_n3A_389 = arith.select %or3A_386, %add3A_381, %select_n3A_329 : vector<16xi1>, vector<16xi32>
        %get3A_390 = arith.constant 976 : index
        %get3A_391 = tpu.vector_load %arg15[%get3A_390] {strides = array<i32>} : memref<3072xf32, #tpu.memory_space<vmem>>, vector<16xf32>,
        %get3A_392 = arith.constant 1008 : index
        %get3A_393 = tpu.vector_load %arg15[%get3A_392] {strides = array<i32>} : memref<3072xf32, #tpu.memory_space<vmem>>, vector<16xf32>,
        %broadcast_in_dim3A_394 = arith.constant 976 : i32
        %broadcast_in_dim3A_395 = vector.broadcast %broadcast_in_dim3A_394 : i32 to vector<16xi32>
        %add3A_396 = arith.addi %broadcast_in_dim3A_395, %iota3A : vector<16xi32>
        %gt3A_397 = arith.cmpf ogt, %get3A_391, %select_n3A_342 : vector<16xf32>
        %eq3A_398 = arith.cmpf oeq, %get3A_391, %select_n3A_342 : vector<16xf32>
        %lt3A_399 = arith.cmpf olt, %get3A_393, %select_n3A_343 : vector<16xf32>
        %and3A_400 = arith.andi %eq3A_398, %lt3A_399 : vector<16xi1>
        %or3A_401 = arith.ori %gt3A_397, %and3A_400 : vector<16xi1>
        %select_n3A_402 = arith.select %or3A_401, %get3A_391, %select_n3A_342 : vector<16xi1>, vector<16xf32>
        %select_n3A_403 = arith.select %or3A_401, %get3A_393, %select_n3A_343 : vector<16xi1>, vector<16xf32>
        %select_n3A_404 = arith.select %or3A_401, %add3A_396, %select_n3A_344 : vector<16xi1>, vector<16xi32>
        %get3A_405 = arith.constant 1152 : index
        %get3A_406 = tpu.vector_load %arg15[%get3A_405] {strides = array<i32>} : memref<3072xf32, #tpu.memory_space<vmem>>, vector<16xf32>,
        %get3A_407 = arith.constant 1184 : index
        %get3A_408 = tpu.vector_load %arg15[%get3A_407] {strides = array<i32>} : memref<3072xf32, #tpu.memory_space<vmem>>, vector<16xf32>,
        %broadcast_in_dim3A_409 = arith.constant 1152 : i32
        %broadcast_in_dim3A_410 = vector.broadcast %broadcast_in_dim3A_409 : i32 to vector<16xi32>
        %add3A_411 = arith.addi %broadcast_in_dim3A_410, %iota3A : vector<16xi32>
        %gt3A_412 = arith.cmpf ogt, %get3A_406, %select_n3A_357 : vector<16xf32>
        %eq3A_413 = arith.cmpf oeq, %get3A_406, %select_n3A_357 : vector<16xf32>
        %lt3A_414 = arith.cmpf olt, %get3A_408, %select_n3A_358 : vector<16xf32>
        %and3A_415 = arith.andi %eq3A_413, %lt3A_414 : vector<16xi1>
        %or3A_416 = arith.ori %gt3A_412, %and3A_415 : vector<16xi1>
        %select_n3A_417 = arith.select %or3A_416, %get3A_406, %select_n3A_357 : vector<16xi1>, vector<16xf32>
        %select_n3A_418 = arith.select %or3A_416, %get3A_408, %select_n3A_358 : vector<16xi1>, vector<16xf32>
        %select_n3A_419 = arith.select %or3A_416, %add3A_411, %select_n3A_359 : vector<16xi1>, vector<16xi32>
        %get3A_420 = arith.constant 1168 : index
        %get3A_421 = tpu.vector_load %arg15[%get3A_420] {strides = array<i32>} : memref<3072xf32, #tpu.memory_space<vmem>>, vector<16xf32>,
        %get3A_422 = arith.constant 1200 : index
        %get3A_423 = tpu.vector_load %arg15[%get3A_422] {strides = array<i32>} : memref<3072xf32, #tpu.memory_space<vmem>>, vector<16xf32>,
        %broadcast_in_dim3A_424 = arith.constant 1168 : i32
        %broadcast_in_dim3A_425 = vector.broadcast %broadcast_in_dim3A_424 : i32 to vector<16xi32>
        %add3A_426 = arith.addi %broadcast_in_dim3A_425, %iota3A : vector<16xi32>
        %gt3A_427 = arith.cmpf ogt, %get3A_421, %select_n3A_372 : vector<16xf32>
        %eq3A_428 = arith.cmpf oeq, %get3A_421, %select_n3A_372 : vector<16xf32>
        %lt3A_429 = arith.cmpf olt, %get3A_423, %select_n3A_373 : vector<16xf32>
        %and3A_430 = arith.andi %eq3A_428, %lt3A_429 : vector<16xi1>
        %or3A_431 = arith.ori %gt3A_427, %and3A_430 : vector<16xi1>
        %select_n3A_432 = arith.select %or3A_431, %get3A_421, %select_n3A_372 : vector<16xi1>, vector<16xf32>
        %select_n3A_433 = arith.select %or3A_431, %get3A_423, %select_n3A_373 : vector<16xi1>, vector<16xf32>
        %select_n3A_434 = arith.select %or3A_431, %add3A_426, %select_n3A_374 : vector<16xi1>, vector<16xi32>
        %get3A_435 = arith.constant 1344 : index
        %get3A_436 = tpu.vector_load %arg15[%get3A_435] {strides = array<i32>} : memref<3072xf32, #tpu.memory_space<vmem>>, vector<16xf32>,
        %get3A_437 = arith.constant 1376 : index
        %get3A_438 = tpu.vector_load %arg15[%get3A_437] {strides = array<i32>} : memref<3072xf32, #tpu.memory_space<vmem>>, vector<16xf32>,
        %broadcast_in_dim3A_439 = arith.constant 1344 : i32
        %broadcast_in_dim3A_440 = vector.broadcast %broadcast_in_dim3A_439 : i32 to vector<16xi32>
        %add3A_441 = arith.addi %broadcast_in_dim3A_440, %iota3A : vector<16xi32>
        %gt3A_442 = arith.cmpf ogt, %get3A_436, %select_n3A_387 : vector<16xf32>
        %eq3A_443 = arith.cmpf oeq, %get3A_436, %select_n3A_387 : vector<16xf32>
        %lt3A_444 = arith.cmpf olt, %get3A_438, %select_n3A_388 : vector<16xf32>
        %and3A_445 = arith.andi %eq3A_443, %lt3A_444 : vector<16xi1>
        %or3A_446 = arith.ori %gt3A_442, %and3A_445 : vector<16xi1>
        %select_n3A_447 = arith.select %or3A_446, %get3A_436, %select_n3A_387 : vector<16xi1>, vector<16xf32>
        %select_n3A_448 = arith.select %or3A_446, %get3A_438, %select_n3A_388 : vector<16xi1>, vector<16xf32>
        %select_n3A_449 = arith.select %or3A_446, %add3A_441, %select_n3A_389 : vector<16xi1>, vector<16xi32>
        %get3A_450 = arith.constant 1360 : index
        %get3A_451 = tpu.vector_load %arg15[%get3A_450] {strides = array<i32>} : memref<3072xf32, #tpu.memory_space<vmem>>, vector<16xf32>,
        %get3A_452 = arith.constant 1392 : index
        %get3A_453 = tpu.vector_load %arg15[%get3A_452] {strides = array<i32>} : memref<3072xf32, #tpu.memory_space<vmem>>, vector<16xf32>,
        %broadcast_in_dim3A_454 = arith.constant 1360 : i32
        %broadcast_in_dim3A_455 = vector.broadcast %broadcast_in_dim3A_454 : i32 to vector<16xi32>
        %add3A_456 = arith.addi %broadcast_in_dim3A_455, %iota3A : vector<16xi32>
        %gt3A_457 = arith.cmpf ogt, %get3A_451, %select_n3A_402 : vector<16xf32>
        %eq3A_458 = arith.cmpf oeq, %get3A_451, %select_n3A_402 : vector<16xf32>
        %lt3A_459 = arith.cmpf olt, %get3A_453, %select_n3A_403 : vector<16xf32>
        %and3A_460 = arith.andi %eq3A_458, %lt3A_459 : vector<16xi1>
        %or3A_461 = arith.ori %gt3A_457, %and3A_460 : vector<16xi1>
        %select_n3A_462 = arith.select %or3A_461, %get3A_451, %select_n3A_402 : vector<16xi1>, vector<16xf32>
        %select_n3A_463 = arith.select %or3A_461, %get3A_453, %select_n3A_403 : vector<16xi1>, vector<16xf32>
        %select_n3A_464 = arith.select %or3A_461, %add3A_456, %select_n3A_404 : vector<16xi1>, vector<16xi32>
        %get3A_465 = arith.constant 1536 : index
        %get3A_466 = tpu.vector_load %arg15[%get3A_465] {strides = array<i32>} : memref<3072xf32, #tpu.memory_space<vmem>>, vector<16xf32>,
        %get3A_467 = arith.constant 1568 : index
        %get3A_468 = tpu.vector_load %arg15[%get3A_467] {strides = array<i32>} : memref<3072xf32, #tpu.memory_space<vmem>>, vector<16xf32>,
        %broadcast_in_dim3A_469 = arith.constant 1536 : i32
        %broadcast_in_dim3A_470 = vector.broadcast %broadcast_in_dim3A_469 : i32 to vector<16xi32>
        %add3A_471 = arith.addi %broadcast_in_dim3A_470, %iota3A : vector<16xi32>
        %gt3A_472 = arith.cmpf ogt, %get3A_466, %select_n3A_417 : vector<16xf32>
        %eq3A_473 = arith.cmpf oeq, %get3A_466, %select_n3A_417 : vector<16xf32>
        %lt3A_474 = arith.cmpf olt, %get3A_468, %select_n3A_418 : vector<16xf32>
        %and3A_475 = arith.andi %eq3A_473, %lt3A_474 : vector<16xi1>
        %or3A_476 = arith.ori %gt3A_472, %and3A_475 : vector<16xi1>
        %select_n3A_477 = arith.select %or3A_476, %get3A_466, %select_n3A_417 : vector<16xi1>, vector<16xf32>
        %select_n3A_478 = arith.select %or3A_476, %get3A_468, %select_n3A_418 : vector<16xi1>, vector<16xf32>
        %select_n3A_479 = arith.select %or3A_476, %add3A_471, %select_n3A_419 : vector<16xi1>, vector<16xi32>
        %get3A_480 = arith.constant 1552 : index
        %get3A_481 = tpu.vector_load %arg15[%get3A_480] {strides = array<i32>} : memref<3072xf32, #tpu.memory_space<vmem>>, vector<16xf32>,
        %get3A_482 = arith.constant 1584 : index
        %get3A_483 = tpu.vector_load %arg15[%get3A_482] {strides = array<i32>} : memref<3072xf32, #tpu.memory_space<vmem>>, vector<16xf32>,
        %broadcast_in_dim3A_484 = arith.constant 1552 : i32
        %broadcast_in_dim3A_485 = vector.broadcast %broadcast_in_dim3A_484 : i32 to vector<16xi32>
        %add3A_486 = arith.addi %broadcast_in_dim3A_485, %iota3A : vector<16xi32>
        %gt3A_487 = arith.cmpf ogt, %get3A_481, %select_n3A_432 : vector<16xf32>
        %eq3A_488 = arith.cmpf oeq, %get3A_481, %select_n3A_432 : vector<16xf32>
        %lt3A_489 = arith.cmpf olt, %get3A_483, %select_n3A_433 : vector<16xf32>
        %and3A_490 = arith.andi %eq3A_488, %lt3A_489 : vector<16xi1>
        %or3A_491 = arith.ori %gt3A_487, %and3A_490 : vector<16xi1>
        %select_n3A_492 = arith.select %or3A_491, %get3A_481, %select_n3A_432 : vector<16xi1>, vector<16xf32>
        %select_n3A_493 = arith.select %or3A_491, %get3A_483, %select_n3A_433 : vector<16xi1>, vector<16xf32>
        %select_n3A_494 = arith.select %or3A_491, %add3A_486, %select_n3A_434 : vector<16xi1>, vector<16xi32>
        %get3A_495 = arith.constant 1728 : index
        %get3A_496 = tpu.vector_load %arg15[%get3A_495] {strides = array<i32>} : memref<3072xf32, #tpu.memory_space<vmem>>, vector<16xf32>,
        %get3A_497 = arith.constant 1760 : index
        %get3A_498 = tpu.vector_load %arg15[%get3A_497] {strides = array<i32>} : memref<3072xf32, #tpu.memory_space<vmem>>, vector<16xf32>,
        %broadcast_in_dim3A_499 = arith.constant 1728 : i32
        %broadcast_in_dim3A_500 = vector.broadcast %broadcast_in_dim3A_499 : i32 to vector<16xi32>
        %add3A_501 = arith.addi %broadcast_in_dim3A_500, %iota3A : vector<16xi32>
        %gt3A_502 = arith.cmpf ogt, %get3A_496, %select_n3A_447 : vector<16xf32>
        %eq3A_503 = arith.cmpf oeq, %get3A_496, %select_n3A_447 : vector<16xf32>
        %lt3A_504 = arith.cmpf olt, %get3A_498, %select_n3A_448 : vector<16xf32>
        %and3A_505 = arith.andi %eq3A_503, %lt3A_504 : vector<16xi1>
        %or3A_506 = arith.ori %gt3A_502, %and3A_505 : vector<16xi1>
        %select_n3A_507 = arith.select %or3A_506, %get3A_496, %select_n3A_447 : vector<16xi1>, vector<16xf32>
        %select_n3A_508 = arith.select %or3A_506, %get3A_498, %select_n3A_448 : vector<16xi1>, vector<16xf32>
        %select_n3A_509 = arith.select %or3A_506, %add3A_501, %select_n3A_449 : vector<16xi1>, vector<16xi32>
        %get3A_510 = arith.constant 1744 : index
        %get3A_511 = tpu.vector_load %arg15[%get3A_510] {strides = array<i32>} : memref<3072xf32, #tpu.memory_space<vmem>>, vector<16xf32>,
        %get3A_512 = arith.constant 1776 : index
        %get3A_513 = tpu.vector_load %arg15[%get3A_512] {strides = array<i32>} : memref<3072xf32, #tpu.memory_space<vmem>>, vector<16xf32>,
        %broadcast_in_dim3A_514 = arith.constant 1744 : i32
        %broadcast_in_dim3A_515 = vector.broadcast %broadcast_in_dim3A_514 : i32 to vector<16xi32>
        %add3A_516 = arith.addi %broadcast_in_dim3A_515, %iota3A : vector<16xi32>
        %gt3A_517 = arith.cmpf ogt, %get3A_511, %select_n3A_462 : vector<16xf32>
        %eq3A_518 = arith.cmpf oeq, %get3A_511, %select_n3A_462 : vector<16xf32>
        %lt3A_519 = arith.cmpf olt, %get3A_513, %select_n3A_463 : vector<16xf32>
        %and3A_520 = arith.andi %eq3A_518, %lt3A_519 : vector<16xi1>
        %or3A_521 = arith.ori %gt3A_517, %and3A_520 : vector<16xi1>
        %select_n3A_522 = arith.select %or3A_521, %get3A_511, %select_n3A_462 : vector<16xi1>, vector<16xf32>
        %select_n3A_523 = arith.select %or3A_521, %get3A_513, %select_n3A_463 : vector<16xi1>, vector<16xf32>
        %select_n3A_524 = arith.select %or3A_521, %add3A_516, %select_n3A_464 : vector<16xi1>, vector<16xi32>
        %get3A_525 = arith.constant 1920 : index
        %get3A_526 = tpu.vector_load %arg15[%get3A_525] {strides = array<i32>} : memref<3072xf32, #tpu.memory_space<vmem>>, vector<16xf32>,
        %get3A_527 = arith.constant 1952 : index
        %get3A_528 = tpu.vector_load %arg15[%get3A_527] {strides = array<i32>} : memref<3072xf32, #tpu.memory_space<vmem>>, vector<16xf32>,
        %broadcast_in_dim3A_529 = arith.constant 1920 : i32
        %broadcast_in_dim3A_530 = vector.broadcast %broadcast_in_dim3A_529 : i32 to vector<16xi32>
        %add3A_531 = arith.addi %broadcast_in_dim3A_530, %iota3A : vector<16xi32>
        %gt3A_532 = arith.cmpf ogt, %get3A_526, %select_n3A_477 : vector<16xf32>
        %eq3A_533 = arith.cmpf oeq, %get3A_526, %select_n3A_477 : vector<16xf32>
        %lt3A_534 = arith.cmpf olt, %get3A_528, %select_n3A_478 : vector<16xf32>
        %and3A_535 = arith.andi %eq3A_533, %lt3A_534 : vector<16xi1>
        %or3A_536 = arith.ori %gt3A_532, %and3A_535 : vector<16xi1>
        %select_n3A_537 = arith.select %or3A_536, %get3A_526, %select_n3A_477 : vector<16xi1>, vector<16xf32>
        %select_n3A_538 = arith.select %or3A_536, %get3A_528, %select_n3A_478 : vector<16xi1>, vector<16xf32>
        %select_n3A_539 = arith.select %or3A_536, %add3A_531, %select_n3A_479 : vector<16xi1>, vector<16xi32>
        %get3A_540 = arith.constant 1936 : index
        %get3A_541 = tpu.vector_load %arg15[%get3A_540] {strides = array<i32>} : memref<3072xf32, #tpu.memory_space<vmem>>, vector<16xf32>,
        %get3A_542 = arith.constant 1968 : index
        %get3A_543 = tpu.vector_load %arg15[%get3A_542] {strides = array<i32>} : memref<3072xf32, #tpu.memory_space<vmem>>, vector<16xf32>,
        %broadcast_in_dim3A_544 = arith.constant 1936 : i32
        %broadcast_in_dim3A_545 = vector.broadcast %broadcast_in_dim3A_544 : i32 to vector<16xi32>
        %add3A_546 = arith.addi %broadcast_in_dim3A_545, %iota3A : vector<16xi32>
        %gt3A_547 = arith.cmpf ogt, %get3A_541, %select_n3A_492 : vector<16xf32>
        %eq3A_548 = arith.cmpf oeq, %get3A_541, %select_n3A_492 : vector<16xf32>
        %lt3A_549 = arith.cmpf olt, %get3A_543, %select_n3A_493 : vector<16xf32>
        %and3A_550 = arith.andi %eq3A_548, %lt3A_549 : vector<16xi1>
        %or3A_551 = arith.ori %gt3A_547, %and3A_550 : vector<16xi1>
        %select_n3A_552 = arith.select %or3A_551, %get3A_541, %select_n3A_492 : vector<16xi1>, vector<16xf32>
        %select_n3A_553 = arith.select %or3A_551, %get3A_543, %select_n3A_493 : vector<16xi1>, vector<16xf32>
        %select_n3A_554 = arith.select %or3A_551, %add3A_546, %select_n3A_494 : vector<16xi1>, vector<16xi32>
        %get3A_555 = arith.constant 2112 : index
        %get3A_556 = tpu.vector_load %arg15[%get3A_555] {strides = array<i32>} : memref<3072xf32, #tpu.memory_space<vmem>>, vector<16xf32>,
        %get3A_557 = arith.constant 2144 : index
        %get3A_558 = tpu.vector_load %arg15[%get3A_557] {strides = array<i32>} : memref<3072xf32, #tpu.memory_space<vmem>>, vector<16xf32>,
        %broadcast_in_dim3A_559 = arith.constant 2112 : i32
        %broadcast_in_dim3A_560 = vector.broadcast %broadcast_in_dim3A_559 : i32 to vector<16xi32>
        %add3A_561 = arith.addi %broadcast_in_dim3A_560, %iota3A : vector<16xi32>
        %gt3A_562 = arith.cmpf ogt, %get3A_556, %select_n3A_507 : vector<16xf32>
        %eq3A_563 = arith.cmpf oeq, %get3A_556, %select_n3A_507 : vector<16xf32>
        %lt3A_564 = arith.cmpf olt, %get3A_558, %select_n3A_508 : vector<16xf32>
        %and3A_565 = arith.andi %eq3A_563, %lt3A_564 : vector<16xi1>
        %or3A_566 = arith.ori %gt3A_562, %and3A_565 : vector<16xi1>
        %select_n3A_567 = arith.select %or3A_566, %get3A_556, %select_n3A_507 : vector<16xi1>, vector<16xf32>
        %select_n3A_568 = arith.select %or3A_566, %get3A_558, %select_n3A_508 : vector<16xi1>, vector<16xf32>
        %select_n3A_569 = arith.select %or3A_566, %add3A_561, %select_n3A_509 : vector<16xi1>, vector<16xi32>
        %get3A_570 = arith.constant 2128 : index
        %get3A_571 = tpu.vector_load %arg15[%get3A_570] {strides = array<i32>} : memref<3072xf32, #tpu.memory_space<vmem>>, vector<16xf32>,
        %get3A_572 = arith.constant 2160 : index
        %get3A_573 = tpu.vector_load %arg15[%get3A_572] {strides = array<i32>} : memref<3072xf32, #tpu.memory_space<vmem>>, vector<16xf32>,
        %broadcast_in_dim3A_574 = arith.constant 2128 : i32
        %broadcast_in_dim3A_575 = vector.broadcast %broadcast_in_dim3A_574 : i32 to vector<16xi32>
        %add3A_576 = arith.addi %broadcast_in_dim3A_575, %iota3A : vector<16xi32>
        %gt3A_577 = arith.cmpf ogt, %get3A_571, %select_n3A_522 : vector<16xf32>
        %eq3A_578 = arith.cmpf oeq, %get3A_571, %select_n3A_522 : vector<16xf32>
        %lt3A_579 = arith.cmpf olt, %get3A_573, %select_n3A_523 : vector<16xf32>
        %and3A_580 = arith.andi %eq3A_578, %lt3A_579 : vector<16xi1>
        %or3A_581 = arith.ori %gt3A_577, %and3A_580 : vector<16xi1>
        %select_n3A_582 = arith.select %or3A_581, %get3A_571, %select_n3A_522 : vector<16xi1>, vector<16xf32>
        %select_n3A_583 = arith.select %or3A_581, %get3A_573, %select_n3A_523 : vector<16xi1>, vector<16xf32>
        %select_n3A_584 = arith.select %or3A_581, %add3A_576, %select_n3A_524 : vector<16xi1>, vector<16xi32>
        %get3A_585 = arith.constant 2304 : index
        %get3A_586 = tpu.vector_load %arg15[%get3A_585] {strides = array<i32>} : memref<3072xf32, #tpu.memory_space<vmem>>, vector<16xf32>,
        %get3A_587 = arith.constant 2336 : index
        %get3A_588 = tpu.vector_load %arg15[%get3A_587] {strides = array<i32>} : memref<3072xf32, #tpu.memory_space<vmem>>, vector<16xf32>,
        %broadcast_in_dim3A_589 = arith.constant 2304 : i32
        %broadcast_in_dim3A_590 = vector.broadcast %broadcast_in_dim3A_589 : i32 to vector<16xi32>
        %add3A_591 = arith.addi %broadcast_in_dim3A_590, %iota3A : vector<16xi32>
        %gt3A_592 = arith.cmpf ogt, %get3A_586, %select_n3A_537 : vector<16xf32>
        %eq3A_593 = arith.cmpf oeq, %get3A_586, %select_n3A_537 : vector<16xf32>
        %lt3A_594 = arith.cmpf olt, %get3A_588, %select_n3A_538 : vector<16xf32>
        %and3A_595 = arith.andi %eq3A_593, %lt3A_594 : vector<16xi1>
        %or3A_596 = arith.ori %gt3A_592, %and3A_595 : vector<16xi1>
        %select_n3A_597 = arith.select %or3A_596, %get3A_586, %select_n3A_537 : vector<16xi1>, vector<16xf32>
        %select_n3A_598 = arith.select %or3A_596, %get3A_588, %select_n3A_538 : vector<16xi1>, vector<16xf32>
        %select_n3A_599 = arith.select %or3A_596, %add3A_591, %select_n3A_539 : vector<16xi1>, vector<16xi32>
        %get3A_600 = arith.constant 2320 : index
        %get3A_601 = tpu.vector_load %arg15[%get3A_600] {strides = array<i32>} : memref<3072xf32, #tpu.memory_space<vmem>>, vector<16xf32>,
        %get3A_602 = arith.constant 2352 : index
        %get3A_603 = tpu.vector_load %arg15[%get3A_602] {strides = array<i32>} : memref<3072xf32, #tpu.memory_space<vmem>>, vector<16xf32>,
        %broadcast_in_dim3A_604 = arith.constant 2320 : i32
        %broadcast_in_dim3A_605 = vector.broadcast %broadcast_in_dim3A_604 : i32 to vector<16xi32>
        %add3A_606 = arith.addi %broadcast_in_dim3A_605, %iota3A : vector<16xi32>
        %gt3A_607 = arith.cmpf ogt, %get3A_601, %select_n3A_552 : vector<16xf32>
        %eq3A_608 = arith.cmpf oeq, %get3A_601, %select_n3A_552 : vector<16xf32>
        %lt3A_609 = arith.cmpf olt, %get3A_603, %select_n3A_553 : vector<16xf32>
        %and3A_610 = arith.andi %eq3A_608, %lt3A_609 : vector<16xi1>
        %or3A_611 = arith.ori %gt3A_607, %and3A_610 : vector<16xi1>
        %select_n3A_612 = arith.select %or3A_611, %get3A_601, %select_n3A_552 : vector<16xi1>, vector<16xf32>
        %select_n3A_613 = arith.select %or3A_611, %get3A_603, %select_n3A_553 : vector<16xi1>, vector<16xf32>
        %select_n3A_614 = arith.select %or3A_611, %add3A_606, %select_n3A_554 : vector<16xi1>, vector<16xi32>
        %get3A_615 = arith.constant 2496 : index
        %get3A_616 = tpu.vector_load %arg15[%get3A_615] {strides = array<i32>} : memref<3072xf32, #tpu.memory_space<vmem>>, vector<16xf32>,
        %get3A_617 = arith.constant 2528 : index
        %get3A_618 = tpu.vector_load %arg15[%get3A_617] {strides = array<i32>} : memref<3072xf32, #tpu.memory_space<vmem>>, vector<16xf32>,
        %broadcast_in_dim3A_619 = arith.constant 2496 : i32
        %broadcast_in_dim3A_620 = vector.broadcast %broadcast_in_dim3A_619 : i32 to vector<16xi32>
        %add3A_621 = arith.addi %broadcast_in_dim3A_620, %iota3A : vector<16xi32>
        %gt3A_622 = arith.cmpf ogt, %get3A_616, %select_n3A_567 : vector<16xf32>
        %eq3A_623 = arith.cmpf oeq, %get3A_616, %select_n3A_567 : vector<16xf32>
        %lt3A_624 = arith.cmpf olt, %get3A_618, %select_n3A_568 : vector<16xf32>
        %and3A_625 = arith.andi %eq3A_623, %lt3A_624 : vector<16xi1>
        %or3A_626 = arith.ori %gt3A_622, %and3A_625 : vector<16xi1>
        %select_n3A_627 = arith.select %or3A_626, %get3A_616, %select_n3A_567 : vector<16xi1>, vector<16xf32>
        %select_n3A_628 = arith.select %or3A_626, %get3A_618, %select_n3A_568 : vector<16xi1>, vector<16xf32>
        %select_n3A_629 = arith.select %or3A_626, %add3A_621, %select_n3A_569 : vector<16xi1>, vector<16xi32>
        %get3A_630 = arith.constant 2512 : index
        %get3A_631 = tpu.vector_load %arg15[%get3A_630] {strides = array<i32>} : memref<3072xf32, #tpu.memory_space<vmem>>, vector<16xf32>,
        %get3A_632 = arith.constant 2544 : index
        %get3A_633 = tpu.vector_load %arg15[%get3A_632] {strides = array<i32>} : memref<3072xf32, #tpu.memory_space<vmem>>, vector<16xf32>,
        %broadcast_in_dim3A_634 = arith.constant 2512 : i32
        %broadcast_in_dim3A_635 = vector.broadcast %broadcast_in_dim3A_634 : i32 to vector<16xi32>
        %add3A_636 = arith.addi %broadcast_in_dim3A_635, %iota3A : vector<16xi32>
        %gt3A_637 = arith.cmpf ogt, %get3A_631, %select_n3A_582 : vector<16xf32>
        %eq3A_638 = arith.cmpf oeq, %get3A_631, %select_n3A_582 : vector<16xf32>
        %lt3A_639 = arith.cmpf olt, %get3A_633, %select_n3A_583 : vector<16xf32>
        %and3A_640 = arith.andi %eq3A_638, %lt3A_639 : vector<16xi1>
        %or3A_641 = arith.ori %gt3A_637, %and3A_640 : vector<16xi1>
        %select_n3A_642 = arith.select %or3A_641, %get3A_631, %select_n3A_582 : vector<16xi1>, vector<16xf32>
        %select_n3A_643 = arith.select %or3A_641, %get3A_633, %select_n3A_583 : vector<16xi1>, vector<16xf32>
        %select_n3A_644 = arith.select %or3A_641, %add3A_636, %select_n3A_584 : vector<16xi1>, vector<16xi32>
        %get3A_645 = arith.constant 2688 : index
        %get3A_646 = tpu.vector_load %arg15[%get3A_645] {strides = array<i32>} : memref<3072xf32, #tpu.memory_space<vmem>>, vector<16xf32>,
        %get3A_647 = arith.constant 2720 : index
        %get3A_648 = tpu.vector_load %arg15[%get3A_647] {strides = array<i32>} : memref<3072xf32, #tpu.memory_space<vmem>>, vector<16xf32>,
        %broadcast_in_dim3A_649 = arith.constant 2688 : i32
        %broadcast_in_dim3A_650 = vector.broadcast %broadcast_in_dim3A_649 : i32 to vector<16xi32>
        %add3A_651 = arith.addi %broadcast_in_dim3A_650, %iota3A : vector<16xi32>
        %gt3A_652 = arith.cmpf ogt, %get3A_646, %select_n3A_597 : vector<16xf32>
        %eq3A_653 = arith.cmpf oeq, %get3A_646, %select_n3A_597 : vector<16xf32>
        %lt3A_654 = arith.cmpf olt, %get3A_648, %select_n3A_598 : vector<16xf32>
        %and3A_655 = arith.andi %eq3A_653, %lt3A_654 : vector<16xi1>
        %or3A_656 = arith.ori %gt3A_652, %and3A_655 : vector<16xi1>
        %select_n3A_657 = arith.select %or3A_656, %get3A_646, %select_n3A_597 : vector<16xi1>, vector<16xf32>
        %select_n3A_658 = arith.select %or3A_656, %get3A_648, %select_n3A_598 : vector<16xi1>, vector<16xf32>
        %select_n3A_659 = arith.select %or3A_656, %add3A_651, %select_n3A_599 : vector<16xi1>, vector<16xi32>
        %get3A_660 = arith.constant 2704 : index
        %get3A_661 = tpu.vector_load %arg15[%get3A_660] {strides = array<i32>} : memref<3072xf32, #tpu.memory_space<vmem>>, vector<16xf32>,
        %get3A_662 = arith.constant 2736 : index
        %get3A_663 = tpu.vector_load %arg15[%get3A_662] {strides = array<i32>} : memref<3072xf32, #tpu.memory_space<vmem>>, vector<16xf32>,
        %broadcast_in_dim3A_664 = arith.constant 2704 : i32
        %broadcast_in_dim3A_665 = vector.broadcast %broadcast_in_dim3A_664 : i32 to vector<16xi32>
        %add3A_666 = arith.addi %broadcast_in_dim3A_665, %iota3A : vector<16xi32>
        %gt3A_667 = arith.cmpf ogt, %get3A_661, %select_n3A_612 : vector<16xf32>
        %eq3A_668 = arith.cmpf oeq, %get3A_661, %select_n3A_612 : vector<16xf32>
        %lt3A_669 = arith.cmpf olt, %get3A_663, %select_n3A_613 : vector<16xf32>
        %and3A_670 = arith.andi %eq3A_668, %lt3A_669 : vector<16xi1>
        %or3A_671 = arith.ori %gt3A_667, %and3A_670 : vector<16xi1>
        %select_n3A_672 = arith.select %or3A_671, %get3A_661, %select_n3A_612 : vector<16xi1>, vector<16xf32>
        %select_n3A_673 = arith.select %or3A_671, %get3A_663, %select_n3A_613 : vector<16xi1>, vector<16xf32>
        %select_n3A_674 = arith.select %or3A_671, %add3A_666, %select_n3A_614 : vector<16xi1>, vector<16xi32>
        %get3A_675 = arith.constant 2880 : index
        %get3A_676 = tpu.vector_load %arg15[%get3A_675] {strides = array<i32>} : memref<3072xf32, #tpu.memory_space<vmem>>, vector<16xf32>,
        %get3A_677 = arith.constant 2912 : index
        %get3A_678 = tpu.vector_load %arg15[%get3A_677] {strides = array<i32>} : memref<3072xf32, #tpu.memory_space<vmem>>, vector<16xf32>,
        %broadcast_in_dim3A_679 = arith.constant 2880 : i32
        %broadcast_in_dim3A_680 = vector.broadcast %broadcast_in_dim3A_679 : i32 to vector<16xi32>
        %add3A_681 = arith.addi %broadcast_in_dim3A_680, %iota3A : vector<16xi32>
        %gt3A_682 = arith.cmpf ogt, %get3A_676, %select_n3A_627 : vector<16xf32>
        %eq3A_683 = arith.cmpf oeq, %get3A_676, %select_n3A_627 : vector<16xf32>
        %lt3A_684 = arith.cmpf olt, %get3A_678, %select_n3A_628 : vector<16xf32>
        %and3A_685 = arith.andi %eq3A_683, %lt3A_684 : vector<16xi1>
        %or3A_686 = arith.ori %gt3A_682, %and3A_685 : vector<16xi1>
        %select_n3A_687 = arith.select %or3A_686, %get3A_676, %select_n3A_627 : vector<16xi1>, vector<16xf32>
        %select_n3A_688 = arith.select %or3A_686, %get3A_678, %select_n3A_628 : vector<16xi1>, vector<16xf32>
        %select_n3A_689 = arith.select %or3A_686, %add3A_681, %select_n3A_629 : vector<16xi1>, vector<16xi32>
        %get3A_690 = arith.constant 2896 : index
        %get3A_691 = tpu.vector_load %arg15[%get3A_690] {strides = array<i32>} : memref<3072xf32, #tpu.memory_space<vmem>>, vector<16xf32>,
        %get3A_692 = arith.constant 2928 : index
        %get3A_693 = tpu.vector_load %arg15[%get3A_692] {strides = array<i32>} : memref<3072xf32, #tpu.memory_space<vmem>>, vector<16xf32>,
        %broadcast_in_dim3A_694 = arith.constant 2896 : i32
        %broadcast_in_dim3A_695 = vector.broadcast %broadcast_in_dim3A_694 : i32 to vector<16xi32>
        %add3A_696 = arith.addi %broadcast_in_dim3A_695, %iota3A : vector<16xi32>
        %gt3A_697 = arith.cmpf ogt, %get3A_691, %select_n3A_642 : vector<16xf32>
        %eq3A_698 = arith.cmpf oeq, %get3A_691, %select_n3A_642 : vector<16xf32>
        %lt3A_699 = arith.cmpf olt, %get3A_693, %select_n3A_643 : vector<16xf32>
        %and3A_700 = arith.andi %eq3A_698, %lt3A_699 : vector<16xi1>
        %or3A_701 = arith.ori %gt3A_697, %and3A_700 : vector<16xi1>
        %select_n3A_702 = arith.select %or3A_701, %get3A_691, %select_n3A_642 : vector<16xi1>, vector<16xf32>
        %select_n3A_703 = arith.select %or3A_701, %get3A_693, %select_n3A_643 : vector<16xi1>, vector<16xf32>
        %select_n3A_704 = arith.select %or3A_701, %add3A_696, %select_n3A_644 : vector<16xi1>, vector<16xi32>
        %gt3A_705 = arith.cmpf ogt, %select_n3A_672, %select_n3A_657 : vector<16xf32>
        %eq3A_706 = arith.cmpf oeq, %select_n3A_672, %select_n3A_657 : vector<16xf32>
        %lt3A_707 = arith.cmpf olt, %select_n3A_673, %select_n3A_658 : vector<16xf32>
        %and3A_708 = arith.andi %eq3A_706, %lt3A_707 : vector<16xi1>
        %or3A_709 = arith.ori %gt3A_705, %and3A_708 : vector<16xi1>
        %select_n3A_710 = arith.select %or3A_709, %select_n3A_672, %select_n3A_657 : vector<16xi1>, vector<16xf32>
        %select_n3A_711 = arith.select %or3A_709, %select_n3A_673, %select_n3A_658 : vector<16xi1>, vector<16xf32>
        %select_n3A_712 = arith.select %or3A_709, %select_n3A_674, %select_n3A_659 : vector<16xi1>, vector<16xi32>
        %gt3A_713 = arith.cmpf ogt, %select_n3A_687, %select_n3A_710 : vector<16xf32>
        %eq3A_714 = arith.cmpf oeq, %select_n3A_687, %select_n3A_710 : vector<16xf32>
        %lt3A_715 = arith.cmpf olt, %select_n3A_688, %select_n3A_711 : vector<16xf32>
        %and3A_716 = arith.andi %eq3A_714, %lt3A_715 : vector<16xi1>
        %or3A_717 = arith.ori %gt3A_713, %and3A_716 : vector<16xi1>
        %select_n3A_718 = arith.select %or3A_717, %select_n3A_687, %select_n3A_710 : vector<16xi1>, vector<16xf32>
        %select_n3A_719 = arith.select %or3A_717, %select_n3A_688, %select_n3A_711 : vector<16xi1>, vector<16xf32>
        %select_n3A_720 = arith.select %or3A_717, %select_n3A_689, %select_n3A_712 : vector<16xi1>, vector<16xi32>
        %gt3A_721 = arith.cmpf ogt, %select_n3A_702, %select_n3A_718 : vector<16xf32>
        %eq3A_722 = arith.cmpf oeq, %select_n3A_702, %select_n3A_718 : vector<16xf32>
        %lt3A_723 = arith.cmpf olt, %select_n3A_703, %select_n3A_719 : vector<16xf32>
        %and3A_724 = arith.andi %eq3A_722, %lt3A_723 : vector<16xi1>
        %or3A_725 = arith.ori %gt3A_721, %and3A_724 : vector<16xi1>
        %select_n3A_726 = arith.select %or3A_725, %select_n3A_702, %select_n3A_718 : vector<16xi1>, vector<16xf32>
        %select_n3A_727 = arith.select %or3A_725, %select_n3A_703, %select_n3A_719 : vector<16xi1>, vector<16xf32>
        %select_n3A_728 = arith.select %or3A_725, %select_n3A_704, %select_n3A_720 : vector<16xi1>, vector<16xi32>
        %iota3A_729 = tpu.iota {dimensions = array<i32: 0>} : vector<16xi32>
        %xor3A = arith.constant 1 : i32
        %xor3A_730 = vector.broadcast %xor3A : i32 to vector<16xi32>
        %xor3A_731 = arith.xori %iota3A_729, %xor3A_730 : vector<16xi32>
        %lt3A_732 = arith.constant 0 : i32
        %lt3A_733 = vector.broadcast %lt3A_732 : i32 to vector<16xi32>
        %lt3A_734 = arith.cmpi slt, %xor3A_731, %lt3A_733 : vector<16xi32>
        %add3A_735 = arith.constant 16 : i32
        %add3A_736 = vector.broadcast %add3A_735 : i32 to vector<16xi32>
        %add3A_737 = arith.addi %xor3A_731, %add3A_736 : vector<16xi32>
        %select_n3A_738 = arith.select %lt3A_734, %add3A_737, %xor3A_731 : vector<16xi1>, vector<16xi32>
        %broadcast_in_dim3A_739 = vector.shape_cast %select_n3A_738 : vector<16xi32> to vector<16x1xi32>
        %gather3A = vector.shape_cast %broadcast_in_dim3A_739 : vector<16x1xi32> to vector<16xi32>
        %gather3A_740 = tpu.dynamic_gather %select_n3A_726[%gather3A] in [0] : vector<16xf32>, vector<16xi32> -> vector<16xf32>
        %max3A = arith.maximumf %select_n3A_726, %gather3A_740 : vector<16xf32>
        %xor3A_741 = arith.constant 2 : i32
        %xor3A_742 = vector.broadcast %xor3A_741 : i32 to vector<16xi32>
        %xor3A_743 = arith.xori %iota3A_729, %xor3A_742 : vector<16xi32>
        %lt3A_744 = arith.constant 0 : i32
        %lt3A_745 = vector.broadcast %lt3A_744 : i32 to vector<16xi32>
        %lt3A_746 = arith.cmpi slt, %xor3A_743, %lt3A_745 : vector<16xi32>
        %add3A_747 = arith.constant 16 : i32
        %add3A_748 = vector.broadcast %add3A_747 : i32 to vector<16xi32>
        %add3A_749 = arith.addi %xor3A_743, %add3A_748 : vector<16xi32>
        %select_n3A_750 = arith.select %lt3A_746, %add3A_749, %xor3A_743 : vector<16xi1>, vector<16xi32>
        %broadcast_in_dim3A_751 = vector.shape_cast %select_n3A_750 : vector<16xi32> to vector<16x1xi32>
        %gather3A_752 = vector.shape_cast %broadcast_in_dim3A_751 : vector<16x1xi32> to vector<16xi32>
        %gather3A_753 = tpu.dynamic_gather %max3A[%gather3A_752] in [0] : vector<16xf32>, vector<16xi32> -> vector<16xf32>
        %max3A_754 = arith.maximumf %max3A, %gather3A_753 : vector<16xf32>
        %xor3A_755 = arith.constant 4 : i32
        %xor3A_756 = vector.broadcast %xor3A_755 : i32 to vector<16xi32>
        %xor3A_757 = arith.xori %iota3A_729, %xor3A_756 : vector<16xi32>
        %lt3A_758 = arith.constant 0 : i32
        %lt3A_759 = vector.broadcast %lt3A_758 : i32 to vector<16xi32>
        %lt3A_760 = arith.cmpi slt, %xor3A_757, %lt3A_759 : vector<16xi32>
        %add3A_761 = arith.constant 16 : i32
        %add3A_762 = vector.broadcast %add3A_761 : i32 to vector<16xi32>
        %add3A_763 = arith.addi %xor3A_757, %add3A_762 : vector<16xi32>
        %select_n3A_764 = arith.select %lt3A_760, %add3A_763, %xor3A_757 : vector<16xi1>, vector<16xi32>
        %broadcast_in_dim3A_765 = vector.shape_cast %select_n3A_764 : vector<16xi32> to vector<16x1xi32>
        %gather3A_766 = vector.shape_cast %broadcast_in_dim3A_765 : vector<16x1xi32> to vector<16xi32>
        %gather3A_767 = tpu.dynamic_gather %max3A_754[%gather3A_766] in [0] : vector<16xf32>, vector<16xi32> -> vector<16xf32>
        %max3A_768 = arith.maximumf %max3A_754, %gather3A_767 : vector<16xf32>
        %xor3A_769 = arith.constant 8 : i32
        %xor3A_770 = vector.broadcast %xor3A_769 : i32 to vector<16xi32>
        %xor3A_771 = arith.xori %iota3A_729, %xor3A_770 : vector<16xi32>
        %lt3A_772 = arith.constant 0 : i32
        %lt3A_773 = vector.broadcast %lt3A_772 : i32 to vector<16xi32>
        %lt3A_774 = arith.cmpi slt, %xor3A_771, %lt3A_773 : vector<16xi32>
        %add3A_775 = arith.constant 16 : i32
        %add3A_776 = vector.broadcast %add3A_775 : i32 to vector<16xi32>
        %add3A_777 = arith.addi %xor3A_771, %add3A_776 : vector<16xi32>
        %select_n3A_778 = arith.select %lt3A_774, %add3A_777, %xor3A_771 : vector<16xi1>, vector<16xi32>
        %broadcast_in_dim3A_779 = vector.shape_cast %select_n3A_778 : vector<16xi32> to vector<16x1xi32>
        %gather3A_780 = vector.shape_cast %broadcast_in_dim3A_779 : vector<16x1xi32> to vector<16xi32>
        %gather3A_781 = tpu.dynamic_gather %max3A_768[%gather3A_780] in [0] : vector<16xf32>, vector<16xi32> -> vector<16xf32>
        %max3A_782 = arith.maximumf %max3A_768, %gather3A_781 : vector<16xf32>
        %eq3A_783 = arith.cmpf oeq, %select_n3A_726, %max3A_782 : vector<16xf32>
        %jit3A_784 = arith.constant 3.000000e+38 : f32
        %broadcast_in_dim3A_785 = vector.broadcast %jit3A_784 : f32 to vector<16xf32>
        %select_n3A_786 = arith.select %eq3A_783, %select_n3A_727, %broadcast_in_dim3A_785 : vector<16xi1>, vector<16xf32>
        %iota3A_787 = tpu.iota {dimensions = array<i32: 0>} : vector<16xi32>
        %xor3A_788 = arith.constant 1 : i32
        %xor3A_789 = vector.broadcast %xor3A_788 : i32 to vector<16xi32>
        %xor3A_790 = arith.xori %iota3A_787, %xor3A_789 : vector<16xi32>
        %lt3A_791 = arith.constant 0 : i32
        %lt3A_792 = vector.broadcast %lt3A_791 : i32 to vector<16xi32>
        %lt3A_793 = arith.cmpi slt, %xor3A_790, %lt3A_792 : vector<16xi32>
        %add3A_794 = arith.constant 16 : i32
        %add3A_795 = vector.broadcast %add3A_794 : i32 to vector<16xi32>
        %add3A_796 = arith.addi %xor3A_790, %add3A_795 : vector<16xi32>
        %select_n3A_797 = arith.select %lt3A_793, %add3A_796, %xor3A_790 : vector<16xi1>, vector<16xi32>
        %broadcast_in_dim3A_798 = vector.shape_cast %select_n3A_797 : vector<16xi32> to vector<16x1xi32>
        %gather3A_799 = vector.shape_cast %broadcast_in_dim3A_798 : vector<16x1xi32> to vector<16xi32>
        %gather3A_800 = tpu.dynamic_gather %select_n3A_786[%gather3A_799] in [0] : vector<16xf32>, vector<16xi32> -> vector<16xf32>
        %min3A = arith.minimumf %select_n3A_786, %gather3A_800 : vector<16xf32>
        %xor3A_801 = arith.constant 2 : i32
        %xor3A_802 = vector.broadcast %xor3A_801 : i32 to vector<16xi32>
        %xor3A_803 = arith.xori %iota3A_787, %xor3A_802 : vector<16xi32>
        %lt3A_804 = arith.constant 0 : i32
        %lt3A_805 = vector.broadcast %lt3A_804 : i32 to vector<16xi32>
        %lt3A_806 = arith.cmpi slt, %xor3A_803, %lt3A_805 : vector<16xi32>
        %add3A_807 = arith.constant 16 : i32
        %add3A_808 = vector.broadcast %add3A_807 : i32 to vector<16xi32>
        %add3A_809 = arith.addi %xor3A_803, %add3A_808 : vector<16xi32>
        %select_n3A_810 = arith.select %lt3A_806, %add3A_809, %xor3A_803 : vector<16xi1>, vector<16xi32>
        %broadcast_in_dim3A_811 = vector.shape_cast %select_n3A_810 : vector<16xi32> to vector<16x1xi32>
        %gather3A_812 = vector.shape_cast %broadcast_in_dim3A_811 : vector<16x1xi32> to vector<16xi32>
        %gather3A_813 = tpu.dynamic_gather %min3A[%gather3A_812] in [0] : vector<16xf32>, vector<16xi32> -> vector<16xf32>
        %min3A_814 = arith.minimumf %min3A, %gather3A_813 : vector<16xf32>
        %xor3A_815 = arith.constant 4 : i32
        %xor3A_816 = vector.broadcast %xor3A_815 : i32 to vector<16xi32>
        %xor3A_817 = arith.xori %iota3A_787, %xor3A_816 : vector<16xi32>
        %lt3A_818 = arith.constant 0 : i32
        %lt3A_819 = vector.broadcast %lt3A_818 : i32 to vector<16xi32>
        %lt3A_820 = arith.cmpi slt, %xor3A_817, %lt3A_819 : vector<16xi32>
        %add3A_821 = arith.constant 16 : i32
        %add3A_822 = vector.broadcast %add3A_821 : i32 to vector<16xi32>
        %add3A_823 = arith.addi %xor3A_817, %add3A_822 : vector<16xi32>
        %select_n3A_824 = arith.select %lt3A_820, %add3A_823, %xor3A_817 : vector<16xi1>, vector<16xi32>
        %broadcast_in_dim3A_825 = vector.shape_cast %select_n3A_824 : vector<16xi32> to vector<16x1xi32>
        %gather3A_826 = vector.shape_cast %broadcast_in_dim3A_825 : vector<16x1xi32> to vector<16xi32>
        %gather3A_827 = tpu.dynamic_gather %min3A_814[%gather3A_826] in [0] : vector<16xf32>, vector<16xi32> -> vector<16xf32>
        %min3A_828 = arith.minimumf %min3A_814, %gather3A_827 : vector<16xf32>
        %xor3A_829 = arith.constant 8 : i32
        %xor3A_830 = vector.broadcast %xor3A_829 : i32 to vector<16xi32>
        %xor3A_831 = arith.xori %iota3A_787, %xor3A_830 : vector<16xi32>
        %lt3A_832 = arith.constant 0 : i32
        %lt3A_833 = vector.broadcast %lt3A_832 : i32 to vector<16xi32>
        %lt3A_834 = arith.cmpi slt, %xor3A_831, %lt3A_833 : vector<16xi32>
        %add3A_835 = arith.constant 16 : i32
        %add3A_836 = vector.broadcast %add3A_835 : i32 to vector<16xi32>
        %add3A_837 = arith.addi %xor3A_831, %add3A_836 : vector<16xi32>
        %select_n3A_838 = arith.select %lt3A_834, %add3A_837, %xor3A_831 : vector<16xi1>, vector<16xi32>
        %broadcast_in_dim3A_839 = vector.shape_cast %select_n3A_838 : vector<16xi32> to vector<16x1xi32>
        %gather3A_840 = vector.shape_cast %broadcast_in_dim3A_839 : vector<16x1xi32> to vector<16xi32>
        %gather3A_841 = tpu.dynamic_gather %min3A_828[%gather3A_840] in [0] : vector<16xf32>, vector<16xi32> -> vector<16xf32>
        %min3A_842 = arith.minimumf %min3A_828, %gather3A_841 : vector<16xf32>
        %eq3A_843 = arith.cmpf oeq, %select_n3A_726, %max3A_782 : vector<16xf32>
        %eq3A_844 = arith.cmpf oeq, %select_n3A_727, %min3A_842 : vector<16xf32>
        %and3A_845 = arith.andi %eq3A_843, %eq3A_844 : vector<16xi1>
        %jit3A_846 = arith.constant 2147483647 : i32
        %broadcast_in_dim3A_847 = vector.broadcast %jit3A_846 : i32 to vector<16xi32>
        %select_n3A_848 = arith.select %and3A_845, %select_n3A_728, %broadcast_in_dim3A_847 : vector<16xi1>, vector<16xi32>
        %iota3A_849 = tpu.iota {dimensions = array<i32: 0>} : vector<16xi32>
        %xor3A_850 = arith.constant 1 : i32
        %xor3A_851 = vector.broadcast %xor3A_850 : i32 to vector<16xi32>
        %xor3A_852 = arith.xori %iota3A_849, %xor3A_851 : vector<16xi32>
        %lt3A_853 = arith.constant 0 : i32
        %lt3A_854 = vector.broadcast %lt3A_853 : i32 to vector<16xi32>
        %lt3A_855 = arith.cmpi slt, %xor3A_852, %lt3A_854 : vector<16xi32>
        %add3A_856 = arith.constant 16 : i32
        %add3A_857 = vector.broadcast %add3A_856 : i32 to vector<16xi32>
        %add3A_858 = arith.addi %xor3A_852, %add3A_857 : vector<16xi32>
        %select_n3A_859 = arith.select %lt3A_855, %add3A_858, %xor3A_852 : vector<16xi1>, vector<16xi32>
        %broadcast_in_dim3A_860 = vector.shape_cast %select_n3A_859 : vector<16xi32> to vector<16x1xi32>
        %gather3A_861 = vector.shape_cast %broadcast_in_dim3A_860 : vector<16x1xi32> to vector<16xi32>
        %gather3A_862 = tpu.dynamic_gather %select_n3A_848[%gather3A_861] in [0] : vector<16xi32>, vector<16xi32> -> vector<16xi32>
        %min3A_863 = arith.minsi %select_n3A_848, %gather3A_862 : vector<16xi32>
        %xor3A_864 = arith.constant 2 : i32
        %xor3A_865 = vector.broadcast %xor3A_864 : i32 to vector<16xi32>
        %xor3A_866 = arith.xori %iota3A_849, %xor3A_865 : vector<16xi32>
        %lt3A_867 = arith.constant 0 : i32
        %lt3A_868 = vector.broadcast %lt3A_867 : i32 to vector<16xi32>
        %lt3A_869 = arith.cmpi slt, %xor3A_866, %lt3A_868 : vector<16xi32>
        %add3A_870 = arith.constant 16 : i32
        %add3A_871 = vector.broadcast %add3A_870 : i32 to vector<16xi32>
        %add3A_872 = arith.addi %xor3A_866, %add3A_871 : vector<16xi32>
        %select_n3A_873 = arith.select %lt3A_869, %add3A_872, %xor3A_866 : vector<16xi1>, vector<16xi32>
        %broadcast_in_dim3A_874 = vector.shape_cast %select_n3A_873 : vector<16xi32> to vector<16x1xi32>
        %gather3A_875 = vector.shape_cast %broadcast_in_dim3A_874 : vector<16x1xi32> to vector<16xi32>
        %gather3A_876 = tpu.dynamic_gather %min3A_863[%gather3A_875] in [0] : vector<16xi32>, vector<16xi32> -> vector<16xi32>
        %min3A_877 = arith.minsi %min3A_863, %gather3A_876 : vector<16xi32>
        %xor3A_878 = arith.constant 4 : i32
        %xor3A_879 = vector.broadcast %xor3A_878 : i32 to vector<16xi32>
        %xor3A_880 = arith.xori %iota3A_849, %xor3A_879 : vector<16xi32>
        %lt3A_881 = arith.constant 0 : i32
        %lt3A_882 = vector.broadcast %lt3A_881 : i32 to vector<16xi32>
        %lt3A_883 = arith.cmpi slt, %xor3A_880, %lt3A_882 : vector<16xi32>
        %add3A_884 = arith.constant 16 : i32
        %add3A_885 = vector.broadcast %add3A_884 : i32 to vector<16xi32>
        %add3A_886 = arith.addi %xor3A_880, %add3A_885 : vector<16xi32>
        %select_n3A_887 = arith.select %lt3A_883, %add3A_886, %xor3A_880 : vector<16xi1>, vector<16xi32>
        %broadcast_in_dim3A_888 = vector.shape_cast %select_n3A_887 : vector<16xi32> to vector<16x1xi32>
        %gather3A_889 = vector.shape_cast %broadcast_in_dim3A_888 : vector<16x1xi32> to vector<16xi32>
        %gather3A_890 = tpu.dynamic_gather %min3A_877[%gather3A_889] in [0] : vector<16xi32>, vector<16xi32> -> vector<16xi32>
        %min3A_891 = arith.minsi %min3A_877, %gather3A_890 : vector<16xi32>
        %xor3A_892 = arith.constant 8 : i32
        %xor3A_893 = vector.broadcast %xor3A_892 : i32 to vector<16xi32>
        %xor3A_894 = arith.xori %iota3A_849, %xor3A_893 : vector<16xi32>
        %lt3A_895 = arith.constant 0 : i32
        %lt3A_896 = vector.broadcast %lt3A_895 : i32 to vector<16xi32>
        %lt3A_897 = arith.cmpi slt, %xor3A_894, %lt3A_896 : vector<16xi32>
        %add3A_898 = arith.constant 16 : i32
        %add3A_899 = vector.broadcast %add3A_898 : i32 to vector<16xi32>
        %add3A_900 = arith.addi %xor3A_894, %add3A_899 : vector<16xi32>
        %select_n3A_901 = arith.select %lt3A_897, %add3A_900, %xor3A_894 : vector<16xi1>, vector<16xi32>
        %broadcast_in_dim3A_902 = vector.shape_cast %select_n3A_901 : vector<16xi32> to vector<16x1xi32>
        %gather3A_903 = vector.shape_cast %broadcast_in_dim3A_902 : vector<16x1xi32> to vector<16xi32>
        %gather3A_904 = tpu.dynamic_gather %min3A_891[%gather3A_903] in [0] : vector<16xi32>, vector<16xi32> -> vector<16xi32>
        %min3A_905 = arith.minsi %min3A_891, %gather3A_904 : vector<16xi32>
        %broadcast_in_dim3A_906 = arith.constant -3.000000e+38 : f32
        %broadcast_in_dim3A_907 = vector.broadcast %broadcast_in_dim3A_906 : f32 to vector<16xf32>
        tpu.vector_store_idx %arg15[%min3A_905], %broadcast_in_dim3A_907 masked %eq3A_1 : memref<3072xf32, #tpu.memory_space<vmem>>[vector<16xi32>], vector<16xf32>, vector<16xi1>
        %broadcast_in_dim3A_908 = vector.broadcast %scan3A_219 : i32 to vector<16xi32>
        %add3A_909 = arith.constant 64 : i32
        %add3A_910 = vector.broadcast %add3A_909 : i32 to vector<16xi32>
        %add3A_911 = arith.addi %min3A_905, %add3A_910 : vector<16xi32>
        %gather3A_912 = tpu.vector_load_idx %arg15[%add3A_911] : memref<3072xf32, #tpu.memory_space<vmem>>[vector<16xi32>], vector<16xf32>,
        %add3A_913 = arith.constant 96 : i32
        %add3A_914 = vector.broadcast %add3A_913 : i32 to vector<16xi32>
        %add3A_915 = arith.addi %min3A_905, %add3A_914 : vector<16xi32>
        %gather3A_916 = tpu.vector_load_idx %arg15[%add3A_915] : memref<3072xf32, #tpu.memory_space<vmem>>[vector<16xi32>], vector<16xf32>,
        %add3A_917 = arith.constant 128 : i32
        %add3A_918 = vector.broadcast %add3A_917 : i32 to vector<16xi32>
        %add3A_919 = arith.addi %min3A_905, %add3A_918 : vector<16xi32>
        %gather3A_920 = tpu.vector_load_idx %arg15[%add3A_919] : memref<3072xf32, #tpu.memory_space<vmem>>[vector<16xi32>], vector<16xf32>,
        %add3A_921 = arith.constant 160 : i32
        %add3A_922 = vector.broadcast %add3A_921 : i32 to vector<16xi32>
        %add3A_923 = arith.addi %min3A_905, %add3A_922 : vector<16xi32>
        %gather3A_924 = tpu.vector_load_idx %arg15[%add3A_923] : memref<3072xf32, #tpu.memory_space<vmem>>[vector<16xi32>], vector<16xf32>,
        tpu.vector_store_idx %arg16[%broadcast_in_dim3A_908], %max3A_782 masked %eq3A_1 : memref<32xf32, #tpu.memory_space<vmem>>[vector<16xi32>], vector<16xf32>, vector<16xi1>
        tpu.vector_store_idx %arg17[%broadcast_in_dim3A_908], %gather3A_912 masked %eq3A_1 : memref<32xf32, #tpu.memory_space<vmem>>[vector<16xi32>], vector<16xf32>, vector<16xi1>
        tpu.vector_store_idx %arg18[%broadcast_in_dim3A_908], %gather3A_916 masked %eq3A_1 : memref<32xf32, #tpu.memory_space<vmem>>[vector<16xi32>], vector<16xf32>, vector<16xi1>
        tpu.vector_store_idx %arg19[%broadcast_in_dim3A_908], %gather3A_920 masked %eq3A_1 : memref<32xf32, #tpu.memory_space<vmem>>[vector<16xi32>], vector<16xf32>, vector<16xi1>
        tpu.vector_store_idx %arg20[%broadcast_in_dim3A_908], %gather3A_924 masked %eq3A_1 : memref<32xf32, #tpu.memory_space<vmem>>[vector<16xi32>], vector<16xf32>, vector<16xi1>
        %sub3A = arith.subf %gather3A_920, %gather3A_912 : vector<16xf32>
        %add3A_925 = arith.constant 1.000000e+00 : f32
        %add3A_926 = vector.broadcast %add3A_925 : f32 to vector<16xf32>
        %add3A_927 = arith.addf %sub3A, %add3A_926 : vector<16xf32>
        %sub3A_928 = arith.subf %gather3A_924, %gather3A_916 : vector<16xf32>
        %add3A_929 = arith.constant 1.000000e+00 : f32
        %add3A_930 = vector.broadcast %add3A_929 : f32 to vector<16xf32>
        %add3A_931 = arith.addf %sub3A_928, %add3A_930 : vector<16xf32>
        %mul3A_932 = arith.mulf %add3A_927, %add3A_931 : vector<16xf32>
        tpu.vector_store_idx %arg21[%broadcast_in_dim3A_908], %mul3A_932 masked %eq3A_1 : memref<32xf32, #tpu.memory_space<vmem>>[vector<16xi32>], vector<16xf32>, vector<16xi1>
        %scan3A_933 = arith.constant 0 : i32
        scf.yield %scan3A_933 : i32
      }
      %scan3A_134 = arith.constant 20 : i32
      %broadcast_in_dim3A_135 = arith.constant 1.000000e+00 : f32
      %broadcast_in_dim3A_136 = vector.broadcast %broadcast_in_dim3A_135 : f32 to vector<16xf32>
      %swap3A_137 = arith.constant 0 : index
      %swap3A_138 = tpu.vector_load %arg22[%swap3A_137] {strides = array<i32>} : memref<32xf32, #tpu.memory_space<vmem>>, vector<16xf32>,
      tpu.vector_store %arg22[%swap3A_137], %broadcast_in_dim3A_136 {strides = array<i32>} : memref<32xf32, #tpu.memory_space<vmem>>, vector<16xf32>,
      %add3A = arith.constant 16 : i32
      %add3A_139 = vector.broadcast %add3A : i32 to vector<16xi32>
      %add3A_140 = arith.addi %iota3A, %add3A_139 : vector<16xi32>
      %lt3A = arith.constant 20 : i32
      %lt3A_141 = vector.broadcast %lt3A : i32 to vector<16xi32>
      %lt3A_142 = arith.cmpi slt, %add3A_140, %lt3A_141 : vector<16xi32>
      %jit3A = arith.constant 1.000000e+00 : f32
      %jit3A_143 = arith.constant 0.000000e+00 : f32
      %broadcast_in_dim3A_144 = vector.broadcast %jit3A : f32 to vector<16xf32>
      %broadcast_in_dim3A_145 = vector.broadcast %jit3A_143 : f32 to vector<16xf32>
      %select_n3A = arith.select %lt3A_142, %broadcast_in_dim3A_144, %broadcast_in_dim3A_145 : vector<16xi1>, vector<16xf32>
      %swap3A_146 = arith.constant 16 : index
      %swap3A_147 = tpu.vector_load %arg22[%swap3A_146] {strides = array<i32>} : memref<32xf32, #tpu.memory_space<vmem>>, vector<16xf32>,
      tpu.vector_store %arg22[%swap3A_146], %select_n3A {strides = array<i32>} : memref<32xf32, #tpu.memory_space<vmem>>, vector<16xf32>,
      %scan3A_148 = arith.constant 0 : i32
      %scan3A_149 = arith.constant 0 : i32
      %scan3A_150 = arith.constant 20 : i32
      %scan3A_151 = arith.addi %scan3A_149, %scan3A_150 : i32
      %scan3A_152 = arith.constant 1 : i32
      %scan3A_153 = scf.for %scan3A_219 = %scan3A_149 to %scan3A_151 step %scan3A_152 iter_args(%scan3A_220 = %scan3A_148) -> (i32)  : i32 {
        %broadcast_in_dim3A_221 = vector.broadcast %scan3A_219 : i32 to vector<16xi32>
        %gather3A = tpu.vector_load_idx %arg22[%broadcast_in_dim3A_221] : memref<32xf32, #tpu.memory_space<vmem>>[vector<16xi32>], vector<16xf32>,
        %gather3A_222 = tpu.vector_load_idx %arg21[%broadcast_in_dim3A_221] : memref<32xf32, #tpu.memory_space<vmem>>[vector<16xi32>], vector<16xf32>,
        %gather3A_223 = tpu.vector_load_idx %arg17[%broadcast_in_dim3A_221] : memref<32xf32, #tpu.memory_space<vmem>>[vector<16xi32>], vector<16xf32>,
        %gather3A_224 = tpu.vector_load_idx %arg18[%broadcast_in_dim3A_221] : memref<32xf32, #tpu.memory_space<vmem>>[vector<16xi32>], vector<16xf32>,
        %gather3A_225 = tpu.vector_load_idx %arg19[%broadcast_in_dim3A_221] : memref<32xf32, #tpu.memory_space<vmem>>[vector<16xi32>], vector<16xf32>,
        %gather3A_226 = tpu.vector_load_idx %arg20[%broadcast_in_dim3A_221] : memref<32xf32, #tpu.memory_space<vmem>>[vector<16xi32>], vector<16xf32>,
        %broadcast_in_dim3A_227 = arith.constant 0 : i32
        %broadcast_in_dim3A_228 = vector.broadcast %broadcast_in_dim3A_227 : i32 to vector<16xi32>
        %add3A_229 = arith.addi %broadcast_in_dim3A_228, %iota3A : vector<16xi32>
        %get3A_230 = arith.constant 0 : index
        %get3A_231 = tpu.vector_load %arg17[%get3A_230] {strides = array<i32>} : memref<32xf32, #tpu.memory_space<vmem>>, vector<16xf32>,
        %get3A_232 = arith.constant 0 : index
        %get3A_233 = tpu.vector_load %arg18[%get3A_232] {strides = array<i32>} : memref<32xf32, #tpu.memory_space<vmem>>, vector<16xf32>,
        %get3A_234 = arith.constant 0 : index
        %get3A_235 = tpu.vector_load %arg19[%get3A_234] {strides = array<i32>} : memref<32xf32, #tpu.memory_space<vmem>>, vector<16xf32>,
        %get3A_236 = arith.constant 0 : index
        %get3A_237 = tpu.vector_load %arg20[%get3A_236] {strides = array<i32>} : memref<32xf32, #tpu.memory_space<vmem>>, vector<16xf32>,
        %get3A_238 = arith.constant 0 : index
        %get3A_239 = tpu.vector_load %arg21[%get3A_238] {strides = array<i32>} : memref<32xf32, #tpu.memory_space<vmem>>, vector<16xf32>,
        %max3A = arith.maximumf %gather3A_223, %get3A_231 : vector<16xf32>
        %max3A_240 = arith.maximumf %gather3A_224, %get3A_233 : vector<16xf32>
        %min3A = arith.minimumf %gather3A_225, %get3A_235 : vector<16xf32>
        %min3A_241 = arith.minimumf %gather3A_226, %get3A_237 : vector<16xf32>
        %sub3A = arith.subf %min3A, %max3A : vector<16xf32>
        %add3A_242 = arith.constant 1.000000e+00 : f32
        %add3A_243 = vector.broadcast %add3A_242 : f32 to vector<16xf32>
        %add3A_244 = arith.addf %sub3A, %add3A_243 : vector<16xf32>
        %max3A_245 = arith.constant 0.000000e+00 : f32
        %max3A_246 = vector.broadcast %max3A_245 : f32 to vector<16xf32>
        %max3A_247 = arith.maximumf %add3A_244, %max3A_246 : vector<16xf32>
        %sub3A_248 = arith.subf %min3A_241, %max3A_240 : vector<16xf32>
        %add3A_249 = arith.constant 1.000000e+00 : f32
        %add3A_250 = vector.broadcast %add3A_249 : f32 to vector<16xf32>
        %add3A_251 = arith.addf %sub3A_248, %add3A_250 : vector<16xf32>
        %max3A_252 = arith.constant 0.000000e+00 : f32
        %max3A_253 = vector.broadcast %max3A_252 : f32 to vector<16xf32>
        %max3A_254 = arith.maximumf %add3A_251, %max3A_253 : vector<16xf32>
        %mul3A_255 = arith.mulf %max3A_247, %max3A_254 : vector<16xf32>
        %add3A_256 = arith.addf %gather3A_222, %get3A_239 : vector<16xf32>
        %sub3A_257 = arith.subf %add3A_256, %mul3A_255 : vector<16xf32>
        %div3A = arith.divf %mul3A_255, %sub3A_257 : vector<16xf32>
        %get3A_258 = arith.constant 0 : index
        %get3A_259 = tpu.vector_load %arg22[%get3A_258] {strides = array<i32>} : memref<32xf32, #tpu.memory_space<vmem>>, vector<16xf32>,
        %gt3A_260 = arith.constant 0.699999988 : f32
        %gt3A_261 = vector.broadcast %gt3A_260 : f32 to vector<16xf32>
        %gt3A_262 = arith.cmpf ogt, %div3A, %gt3A_261 : vector<16xf32>
        %gt3A_263 = arith.cmpi sgt, %add3A_229, %broadcast_in_dim3A_221 : vector<16xi32>
        %and3A = arith.andi %gt3A_262, %gt3A_263 : vector<16xi1>
        %gt3A_264 = arith.constant 0.000000e+00 : f32
        %gt3A_265 = vector.broadcast %gt3A_264 : f32 to vector<16xf32>
        %gt3A_266 = arith.cmpf ogt, %gather3A, %gt3A_265 : vector<16xf32>
        %and3A_267 = arith.andi %and3A, %gt3A_266 : vector<16xi1>
        %jit3A_268 = arith.constant 0.000000e+00 : f32
        %broadcast_in_dim3A_269 = vector.broadcast %jit3A_268 : f32 to vector<16xf32>
        %select_n3A_270 = arith.select %and3A_267, %broadcast_in_dim3A_269, %get3A_259 : vector<16xi1>, vector<16xf32>
        %swap3A_271 = arith.constant 0 : index
        %swap3A_272 = tpu.vector_load %arg22[%swap3A_271] {strides = array<i32>} : memref<32xf32, #tpu.memory_space<vmem>>, vector<16xf32>,
        tpu.vector_store %arg22[%swap3A_271], %select_n3A_270 {strides = array<i32>} : memref<32xf32, #tpu.memory_space<vmem>>, vector<16xf32>,
        %broadcast_in_dim3A_273 = arith.constant 16 : i32
        %broadcast_in_dim3A_274 = vector.broadcast %broadcast_in_dim3A_273 : i32 to vector<16xi32>
        %add3A_275 = arith.addi %broadcast_in_dim3A_274, %iota3A : vector<16xi32>
        %get3A_276 = arith.constant 16 : index
        %get3A_277 = tpu.vector_load %arg17[%get3A_276] {strides = array<i32>} : memref<32xf32, #tpu.memory_space<vmem>>, vector<16xf32>,
        %get3A_278 = arith.constant 16 : index
        %get3A_279 = tpu.vector_load %arg18[%get3A_278] {strides = array<i32>} : memref<32xf32, #tpu.memory_space<vmem>>, vector<16xf32>,
        %get3A_280 = arith.constant 16 : index
        %get3A_281 = tpu.vector_load %arg19[%get3A_280] {strides = array<i32>} : memref<32xf32, #tpu.memory_space<vmem>>, vector<16xf32>,
        %get3A_282 = arith.constant 16 : index
        %get3A_283 = tpu.vector_load %arg20[%get3A_282] {strides = array<i32>} : memref<32xf32, #tpu.memory_space<vmem>>, vector<16xf32>,
        %get3A_284 = arith.constant 16 : index
        %get3A_285 = tpu.vector_load %arg21[%get3A_284] {strides = array<i32>} : memref<32xf32, #tpu.memory_space<vmem>>, vector<16xf32>,
        %max3A_286 = arith.maximumf %gather3A_223, %get3A_277 : vector<16xf32>
        %max3A_287 = arith.maximumf %gather3A_224, %get3A_279 : vector<16xf32>
        %min3A_288 = arith.minimumf %gather3A_225, %get3A_281 : vector<16xf32>
        %min3A_289 = arith.minimumf %gather3A_226, %get3A_283 : vector<16xf32>
        %sub3A_290 = arith.subf %min3A_288, %max3A_286 : vector<16xf32>
        %add3A_291 = arith.constant 1.000000e+00 : f32
        %add3A_292 = vector.broadcast %add3A_291 : f32 to vector<16xf32>
        %add3A_293 = arith.addf %sub3A_290, %add3A_292 : vector<16xf32>
        %max3A_294 = arith.constant 0.000000e+00 : f32
        %max3A_295 = vector.broadcast %max3A_294 : f32 to vector<16xf32>
        %max3A_296 = arith.maximumf %add3A_293, %max3A_295 : vector<16xf32>
        %sub3A_297 = arith.subf %min3A_289, %max3A_287 : vector<16xf32>
        %add3A_298 = arith.constant 1.000000e+00 : f32
        %add3A_299 = vector.broadcast %add3A_298 : f32 to vector<16xf32>
        %add3A_300 = arith.addf %sub3A_297, %add3A_299 : vector<16xf32>
        %max3A_301 = arith.constant 0.000000e+00 : f32
        %max3A_302 = vector.broadcast %max3A_301 : f32 to vector<16xf32>
        %max3A_303 = arith.maximumf %add3A_300, %max3A_302 : vector<16xf32>
        %mul3A_304 = arith.mulf %max3A_296, %max3A_303 : vector<16xf32>
        %add3A_305 = arith.addf %gather3A_222, %get3A_285 : vector<16xf32>
        %sub3A_306 = arith.subf %add3A_305, %mul3A_304 : vector<16xf32>
        %div3A_307 = arith.divf %mul3A_304, %sub3A_306 : vector<16xf32>
        %get3A_308 = arith.constant 16 : index
        %get3A_309 = tpu.vector_load %arg22[%get3A_308] {strides = array<i32>} : memref<32xf32, #tpu.memory_space<vmem>>, vector<16xf32>,
        %gt3A_310 = arith.constant 0.699999988 : f32
        %gt3A_311 = vector.broadcast %gt3A_310 : f32 to vector<16xf32>
        %gt3A_312 = arith.cmpf ogt, %div3A_307, %gt3A_311 : vector<16xf32>
        %gt3A_313 = arith.cmpi sgt, %add3A_275, %broadcast_in_dim3A_221 : vector<16xi32>
        %and3A_314 = arith.andi %gt3A_312, %gt3A_313 : vector<16xi1>
        %gt3A_315 = arith.constant 0.000000e+00 : f32
        %gt3A_316 = vector.broadcast %gt3A_315 : f32 to vector<16xf32>
        %gt3A_317 = arith.cmpf ogt, %gather3A, %gt3A_316 : vector<16xf32>
        %and3A_318 = arith.andi %and3A_314, %gt3A_317 : vector<16xi1>
        %jit3A_319 = arith.constant 0.000000e+00 : f32
        %broadcast_in_dim3A_320 = vector.broadcast %jit3A_319 : f32 to vector<16xf32>
        %select_n3A_321 = arith.select %and3A_318, %broadcast_in_dim3A_320, %get3A_309 : vector<16xi1>, vector<16xf32>
        %swap3A_322 = arith.constant 16 : index
        %swap3A_323 = tpu.vector_load %arg22[%swap3A_322] {strides = array<i32>} : memref<32xf32, #tpu.memory_space<vmem>>, vector<16xf32>,
        tpu.vector_store %arg22[%swap3A_322], %select_n3A_321 {strides = array<i32>} : memref<32xf32, #tpu.memory_space<vmem>>, vector<16xf32>,
        %scan3A_324 = arith.constant 0 : i32
        scf.yield %scan3A_324 : i32
      }
      %scan3A_154 = arith.constant 20 : i32
      %broadcast_in_dim3A_155 = arith.constant 0 : i32
      %broadcast_in_dim3A_156 = vector.broadcast %broadcast_in_dim3A_155 : i32 to vector<16xi32>
      %add3A_157 = arith.addi %broadcast_in_dim3A_156, %iota3A : vector<16xi32>
      %get3A_158 = arith.constant 0 : index
      %get3A_159 = tpu.vector_load %arg22[%get3A_158] {strides = array<i32>} : memref<32xf32, #tpu.memory_space<vmem>>, vector<16xf32>,
      %gt3A = arith.constant 0.000000e+00 : f32
      %gt3A_160 = vector.broadcast %gt3A : f32 to vector<16xf32>
      %gt3A_161 = arith.cmpf ogt, %get3A_159, %gt3A_160 : vector<16xf32>
      %get3A_162 = arith.constant 0 : index
      %get3A_163 = tpu.vector_load %arg16[%get3A_162] {strides = array<i32>} : memref<32xf32, #tpu.memory_space<vmem>>, vector<16xf32>,
      %jit3A_164 = arith.constant -1.000000e+09 : f32
      %broadcast_in_dim3A_165 = vector.broadcast %jit3A_164 : f32 to vector<16xf32>
      %select_n3A_166 = arith.select %gt3A_161, %get3A_163, %broadcast_in_dim3A_165 : vector<16xi1>, vector<16xf32>
      %lt3A_167 = arith.constant 20 : i32
      %lt3A_168 = vector.broadcast %lt3A_167 : i32 to vector<16xi32>
      %lt3A_169 = arith.cmpi slt, %add3A_157, %lt3A_168 : vector<16xi32>
      %jit3A_170 = arith.constant -3.000000e+38 : f32
      %broadcast_in_dim3A_171 = vector.broadcast %jit3A_170 : f32 to vector<16xf32>
      %select_n3A_172 = arith.select %lt3A_169, %select_n3A_166, %broadcast_in_dim3A_171 : vector<16xi1>, vector<16xf32>
      %swap3A_173 = arith.constant 0 : index
      %swap3A_174 = tpu.vector_load %arg23[%swap3A_173] {strides = array<i32>} : memref<32xf32, #tpu.memory_space<vmem>>, vector<16xf32>,
      tpu.vector_store %arg23[%swap3A_173], %select_n3A_172 {strides = array<i32>} : memref<32xf32, #tpu.memory_space<vmem>>, vector<16xf32>,
      %broadcast_in_dim3A_175 = arith.constant 16 : i32
      %broadcast_in_dim3A_176 = vector.broadcast %broadcast_in_dim3A_175 : i32 to vector<16xi32>
      %add3A_177 = arith.addi %broadcast_in_dim3A_176, %iota3A : vector<16xi32>
      %get3A_178 = arith.constant 16 : index
      %get3A_179 = tpu.vector_load %arg22[%get3A_178] {strides = array<i32>} : memref<32xf32, #tpu.memory_space<vmem>>, vector<16xf32>,
      %gt3A_180 = arith.constant 0.000000e+00 : f32
      %gt3A_181 = vector.broadcast %gt3A_180 : f32 to vector<16xf32>
      %gt3A_182 = arith.cmpf ogt, %get3A_179, %gt3A_181 : vector<16xf32>
      %get3A_183 = arith.constant 16 : index
      %get3A_184 = tpu.vector_load %arg16[%get3A_183] {strides = array<i32>} : memref<32xf32, #tpu.memory_space<vmem>>, vector<16xf32>,
      %jit3A_185 = arith.constant -1.000000e+09 : f32
      %broadcast_in_dim3A_186 = vector.broadcast %jit3A_185 : f32 to vector<16xf32>
      %select_n3A_187 = arith.select %gt3A_182, %get3A_184, %broadcast_in_dim3A_186 : vector<16xi1>, vector<16xf32>
      %lt3A_188 = arith.constant 20 : i32
      %lt3A_189 = vector.broadcast %lt3A_188 : i32 to vector<16xi32>
      %lt3A_190 = arith.cmpi slt, %add3A_177, %lt3A_189 : vector<16xi32>
      %jit3A_191 = arith.constant -3.000000e+38 : f32
      %broadcast_in_dim3A_192 = vector.broadcast %jit3A_191 : f32 to vector<16xf32>
      %select_n3A_193 = arith.select %lt3A_190, %select_n3A_187, %broadcast_in_dim3A_192 : vector<16xi1>, vector<16xf32>
      %swap3A_194 = arith.constant 16 : index
      %swap3A_195 = tpu.vector_load %arg23[%swap3A_194] {strides = array<i32>} : memref<32xf32, #tpu.memory_space<vmem>>, vector<16xf32>,
      tpu.vector_store %arg23[%swap3A_194], %select_n3A_193 {strides = array<i32>} : memref<32xf32, #tpu.memory_space<vmem>>, vector<16xf32>,
      %broadcast_in_dim3A_196 = arith.constant 0.000000e+00 : f32
      %broadcast_in_dim3A_197 = vector.broadcast %broadcast_in_dim3A_196 : f32 to vector<16xf32>
      %swap3A_198 = arith.constant 0 : index
      %swap3A_199 = tpu.vector_load %arg24[%swap3A_198] {strides = array<i32>} : memref<64xf32, #tpu.memory_space<vmem>>, vector<16xf32>,
      tpu.vector_store %arg24[%swap3A_198], %broadcast_in_dim3A_197 {strides = array<i32>} : memref<64xf32, #tpu.memory_space<vmem>>, vector<16xf32>,
      %broadcast_in_dim3A_200 = arith.constant 0.000000e+00 : f32
      %broadcast_in_dim3A_201 = vector.broadcast %broadcast_in_dim3A_200 : f32 to vector<16xf32>
      %swap3A_202 = arith.constant 16 : index
      %swap3A_203 = tpu.vector_load %arg24[%swap3A_202] {strides = array<i32>} : memref<64xf32, #tpu.memory_space<vmem>>, vector<16xf32>,
      tpu.vector_store %arg24[%swap3A_202], %broadcast_in_dim3A_201 {strides = array<i32>} : memref<64xf32, #tpu.memory_space<vmem>>, vector<16xf32>,
      %broadcast_in_dim3A_204 = arith.constant 0.000000e+00 : f32
      %broadcast_in_dim3A_205 = vector.broadcast %broadcast_in_dim3A_204 : f32 to vector<16xf32>
      %swap3A_206 = arith.constant 32 : index
      %swap3A_207 = tpu.vector_load %arg24[%swap3A_206] {strides = array<i32>} : memref<64xf32, #tpu.memory_space<vmem>>, vector<16xf32>,
      tpu.vector_store %arg24[%swap3A_206], %broadcast_in_dim3A_205 {strides = array<i32>} : memref<64xf32, #tpu.memory_space<vmem>>, vector<16xf32>,
      %broadcast_in_dim3A_208 = arith.constant 0.000000e+00 : f32
      %broadcast_in_dim3A_209 = vector.broadcast %broadcast_in_dim3A_208 : f32 to vector<16xf32>
      %swap3A_210 = arith.constant 48 : index
      %swap3A_211 = tpu.vector_load %arg24[%swap3A_210] {strides = array<i32>} : memref<64xf32, #tpu.memory_space<vmem>>, vector<16xf32>,
      tpu.vector_store %arg24[%swap3A_210], %broadcast_in_dim3A_209 {strides = array<i32>} : memref<64xf32, #tpu.memory_space<vmem>>, vector<16xf32>,
      %scan3A_212 = arith.constant 0 : i32
      %scan3A_213 = arith.constant 0 : i32
      %scan3A_214 = arith.constant 10 : i32
      %scan3A_215 = arith.addi %scan3A_213, %scan3A_214 : i32
      %scan3A_216 = arith.constant 1 : i32
      %scan3A_217 = scf.for %scan3A_219 = %scan3A_213 to %scan3A_215 step %scan3A_216 iter_args(%scan3A_220 = %scan3A_212) -> (i32)  : i32 {
        %broadcast_in_dim3A_221 = arith.constant -3.000000e+38 : f32
        %broadcast_in_dim3A_222 = vector.broadcast %broadcast_in_dim3A_221 : f32 to vector<16xf32>
        %broadcast_in_dim3A_223 = arith.constant 0 : i32
        %broadcast_in_dim3A_224 = vector.broadcast %broadcast_in_dim3A_223 : i32 to vector<16xi32>
        %get3A_225 = arith.constant 0 : index
        %get3A_226 = tpu.vector_load %arg23[%get3A_225] {strides = array<i32>} : memref<32xf32, #tpu.memory_space<vmem>>, vector<16xf32>,
        %broadcast_in_dim3A_227 = arith.constant 0 : i32
        %broadcast_in_dim3A_228 = vector.broadcast %broadcast_in_dim3A_227 : i32 to vector<16xi32>
        %add3A_229 = arith.addi %broadcast_in_dim3A_228, %iota3A : vector<16xi32>
        %gt3A_230 = arith.cmpf ogt, %get3A_226, %broadcast_in_dim3A_222 : vector<16xf32>
        %eq3A_231 = arith.cmpf oeq, %get3A_226, %broadcast_in_dim3A_222 : vector<16xf32>
        %lt3A_232 = arith.cmpi slt, %add3A_229, %broadcast_in_dim3A_224 : vector<16xi32>
        %and3A = arith.andi %eq3A_231, %lt3A_232 : vector<16xi1>
        %or3A = arith.ori %gt3A_230, %and3A : vector<16xi1>
        %select_n3A_233 = arith.select %or3A, %get3A_226, %broadcast_in_dim3A_222 : vector<16xi1>, vector<16xf32>
        %select_n3A_234 = arith.select %or3A, %add3A_229, %broadcast_in_dim3A_224 : vector<16xi1>, vector<16xi32>
        %get3A_235 = arith.constant 16 : index
        %get3A_236 = tpu.vector_load %arg23[%get3A_235] {strides = array<i32>} : memref<32xf32, #tpu.memory_space<vmem>>, vector<16xf32>,
        %broadcast_in_dim3A_237 = arith.constant 16 : i32
        %broadcast_in_dim3A_238 = vector.broadcast %broadcast_in_dim3A_237 : i32 to vector<16xi32>
        %add3A_239 = arith.addi %broadcast_in_dim3A_238, %iota3A : vector<16xi32>
        %gt3A_240 = arith.cmpf ogt, %get3A_236, %select_n3A_233 : vector<16xf32>
        %eq3A_241 = arith.cmpf oeq, %get3A_236, %select_n3A_233 : vector<16xf32>
        %lt3A_242 = arith.cmpi slt, %add3A_239, %select_n3A_234 : vector<16xi32>
        %and3A_243 = arith.andi %eq3A_241, %lt3A_242 : vector<16xi1>
        %or3A_244 = arith.ori %gt3A_240, %and3A_243 : vector<16xi1>
        %select_n3A_245 = arith.select %or3A_244, %get3A_236, %select_n3A_233 : vector<16xi1>, vector<16xf32>
        %select_n3A_246 = arith.select %or3A_244, %add3A_239, %select_n3A_234 : vector<16xi1>, vector<16xi32>
        %iota3A_247 = tpu.iota {dimensions = array<i32: 0>} : vector<16xi32>
        %xor3A = arith.constant 1 : i32
        %xor3A_248 = vector.broadcast %xor3A : i32 to vector<16xi32>
        %xor3A_249 = arith.xori %iota3A_247, %xor3A_248 : vector<16xi32>
        %lt3A_250 = arith.constant 0 : i32
        %lt3A_251 = vector.broadcast %lt3A_250 : i32 to vector<16xi32>
        %lt3A_252 = arith.cmpi slt, %xor3A_249, %lt3A_251 : vector<16xi32>
        %add3A_253 = arith.constant 16 : i32
        %add3A_254 = vector.broadcast %add3A_253 : i32 to vector<16xi32>
        %add3A_255 = arith.addi %xor3A_249, %add3A_254 : vector<16xi32>
        %select_n3A_256 = arith.select %lt3A_252, %add3A_255, %xor3A_249 : vector<16xi1>, vector<16xi32>
        %broadcast_in_dim3A_257 = vector.shape_cast %select_n3A_256 : vector<16xi32> to vector<16x1xi32>
        %gather3A = vector.shape_cast %broadcast_in_dim3A_257 : vector<16x1xi32> to vector<16xi32>
        %gather3A_258 = tpu.dynamic_gather %select_n3A_245[%gather3A] in [0] : vector<16xf32>, vector<16xi32> -> vector<16xf32>
        %max3A = arith.maximumf %select_n3A_245, %gather3A_258 : vector<16xf32>
        %xor3A_259 = arith.constant 2 : i32
        %xor3A_260 = vector.broadcast %xor3A_259 : i32 to vector<16xi32>
        %xor3A_261 = arith.xori %iota3A_247, %xor3A_260 : vector<16xi32>
        %lt3A_262 = arith.constant 0 : i32
        %lt3A_263 = vector.broadcast %lt3A_262 : i32 to vector<16xi32>
        %lt3A_264 = arith.cmpi slt, %xor3A_261, %lt3A_263 : vector<16xi32>
        %add3A_265 = arith.constant 16 : i32
        %add3A_266 = vector.broadcast %add3A_265 : i32 to vector<16xi32>
        %add3A_267 = arith.addi %xor3A_261, %add3A_266 : vector<16xi32>
        %select_n3A_268 = arith.select %lt3A_264, %add3A_267, %xor3A_261 : vector<16xi1>, vector<16xi32>
        %broadcast_in_dim3A_269 = vector.shape_cast %select_n3A_268 : vector<16xi32> to vector<16x1xi32>
        %gather3A_270 = vector.shape_cast %broadcast_in_dim3A_269 : vector<16x1xi32> to vector<16xi32>
        %gather3A_271 = tpu.dynamic_gather %max3A[%gather3A_270] in [0] : vector<16xf32>, vector<16xi32> -> vector<16xf32>
        %max3A_272 = arith.maximumf %max3A, %gather3A_271 : vector<16xf32>
        %xor3A_273 = arith.constant 4 : i32
        %xor3A_274 = vector.broadcast %xor3A_273 : i32 to vector<16xi32>
        %xor3A_275 = arith.xori %iota3A_247, %xor3A_274 : vector<16xi32>
        %lt3A_276 = arith.constant 0 : i32
        %lt3A_277 = vector.broadcast %lt3A_276 : i32 to vector<16xi32>
        %lt3A_278 = arith.cmpi slt, %xor3A_275, %lt3A_277 : vector<16xi32>
        %add3A_279 = arith.constant 16 : i32
        %add3A_280 = vector.broadcast %add3A_279 : i32 to vector<16xi32>
        %add3A_281 = arith.addi %xor3A_275, %add3A_280 : vector<16xi32>
        %select_n3A_282 = arith.select %lt3A_278, %add3A_281, %xor3A_275 : vector<16xi1>, vector<16xi32>
        %broadcast_in_dim3A_283 = vector.shape_cast %select_n3A_282 : vector<16xi32> to vector<16x1xi32>
        %gather3A_284 = vector.shape_cast %broadcast_in_dim3A_283 : vector<16x1xi32> to vector<16xi32>
        %gather3A_285 = tpu.dynamic_gather %max3A_272[%gather3A_284] in [0] : vector<16xf32>, vector<16xi32> -> vector<16xf32>
        %max3A_286 = arith.maximumf %max3A_272, %gather3A_285 : vector<16xf32>
        %xor3A_287 = arith.constant 8 : i32
        %xor3A_288 = vector.broadcast %xor3A_287 : i32 to vector<16xi32>
        %xor3A_289 = arith.xori %iota3A_247, %xor3A_288 : vector<16xi32>
        %lt3A_290 = arith.constant 0 : i32
        %lt3A_291 = vector.broadcast %lt3A_290 : i32 to vector<16xi32>
        %lt3A_292 = arith.cmpi slt, %xor3A_289, %lt3A_291 : vector<16xi32>
        %add3A_293 = arith.constant 16 : i32
        %add3A_294 = vector.broadcast %add3A_293 : i32 to vector<16xi32>
        %add3A_295 = arith.addi %xor3A_289, %add3A_294 : vector<16xi32>
        %select_n3A_296 = arith.select %lt3A_292, %add3A_295, %xor3A_289 : vector<16xi1>, vector<16xi32>
        %broadcast_in_dim3A_297 = vector.shape_cast %select_n3A_296 : vector<16xi32> to vector<16x1xi32>
        %gather3A_298 = vector.shape_cast %broadcast_in_dim3A_297 : vector<16x1xi32> to vector<16xi32>
        %gather3A_299 = tpu.dynamic_gather %max3A_286[%gather3A_298] in [0] : vector<16xf32>, vector<16xi32> -> vector<16xf32>
        %max3A_300 = arith.maximumf %max3A_286, %gather3A_299 : vector<16xf32>
        %eq3A_301 = arith.cmpf oeq, %select_n3A_245, %max3A_300 : vector<16xf32>
        %jit3A_302 = arith.constant 2147483647 : i32
        %broadcast_in_dim3A_303 = vector.broadcast %jit3A_302 : i32 to vector<16xi32>
        %select_n3A_304 = arith.select %eq3A_301, %select_n3A_246, %broadcast_in_dim3A_303 : vector<16xi1>, vector<16xi32>
        %iota3A_305 = tpu.iota {dimensions = array<i32: 0>} : vector<16xi32>
        %xor3A_306 = arith.constant 1 : i32
        %xor3A_307 = vector.broadcast %xor3A_306 : i32 to vector<16xi32>
        %xor3A_308 = arith.xori %iota3A_305, %xor3A_307 : vector<16xi32>
        %lt3A_309 = arith.constant 0 : i32
        %lt3A_310 = vector.broadcast %lt3A_309 : i32 to vector<16xi32>
        %lt3A_311 = arith.cmpi slt, %xor3A_308, %lt3A_310 : vector<16xi32>
        %add3A_312 = arith.constant 16 : i32
        %add3A_313 = vector.broadcast %add3A_312 : i32 to vector<16xi32>
        %add3A_314 = arith.addi %xor3A_308, %add3A_313 : vector<16xi32>
        %select_n3A_315 = arith.select %lt3A_311, %add3A_314, %xor3A_308 : vector<16xi1>, vector<16xi32>
        %broadcast_in_dim3A_316 = vector.shape_cast %select_n3A_315 : vector<16xi32> to vector<16x1xi32>
        %gather3A_317 = vector.shape_cast %broadcast_in_dim3A_316 : vector<16x1xi32> to vector<16xi32>
        %gather3A_318 = tpu.dynamic_gather %select_n3A_304[%gather3A_317] in [0] : vector<16xi32>, vector<16xi32> -> vector<16xi32>
        %min3A = arith.minsi %select_n3A_304, %gather3A_318 : vector<16xi32>
        %xor3A_319 = arith.constant 2 : i32
        %xor3A_320 = vector.broadcast %xor3A_319 : i32 to vector<16xi32>
        %xor3A_321 = arith.xori %iota3A_305, %xor3A_320 : vector<16xi32>
        %lt3A_322 = arith.constant 0 : i32
        %lt3A_323 = vector.broadcast %lt3A_322 : i32 to vector<16xi32>
        %lt3A_324 = arith.cmpi slt, %xor3A_321, %lt3A_323 : vector<16xi32>
        %add3A_325 = arith.constant 16 : i32
        %add3A_326 = vector.broadcast %add3A_325 : i32 to vector<16xi32>
        %add3A_327 = arith.addi %xor3A_321, %add3A_326 : vector<16xi32>
        %select_n3A_328 = arith.select %lt3A_324, %add3A_327, %xor3A_321 : vector<16xi1>, vector<16xi32>
        %broadcast_in_dim3A_329 = vector.shape_cast %select_n3A_328 : vector<16xi32> to vector<16x1xi32>
        %gather3A_330 = vector.shape_cast %broadcast_in_dim3A_329 : vector<16x1xi32> to vector<16xi32>
        %gather3A_331 = tpu.dynamic_gather %min3A[%gather3A_330] in [0] : vector<16xi32>, vector<16xi32> -> vector<16xi32>
        %min3A_332 = arith.minsi %min3A, %gather3A_331 : vector<16xi32>
        %xor3A_333 = arith.constant 4 : i32
        %xor3A_334 = vector.broadcast %xor3A_333 : i32 to vector<16xi32>
        %xor3A_335 = arith.xori %iota3A_305, %xor3A_334 : vector<16xi32>
        %lt3A_336 = arith.constant 0 : i32
        %lt3A_337 = vector.broadcast %lt3A_336 : i32 to vector<16xi32>
        %lt3A_338 = arith.cmpi slt, %xor3A_335, %lt3A_337 : vector<16xi32>
        %add3A_339 = arith.constant 16 : i32
        %add3A_340 = vector.broadcast %add3A_339 : i32 to vector<16xi32>
        %add3A_341 = arith.addi %xor3A_335, %add3A_340 : vector<16xi32>
        %select_n3A_342 = arith.select %lt3A_338, %add3A_341, %xor3A_335 : vector<16xi1>, vector<16xi32>
        %broadcast_in_dim3A_343 = vector.shape_cast %select_n3A_342 : vector<16xi32> to vector<16x1xi32>
        %gather3A_344 = vector.shape_cast %broadcast_in_dim3A_343 : vector<16x1xi32> to vector<16xi32>
        %gather3A_345 = tpu.dynamic_gather %min3A_332[%gather3A_344] in [0] : vector<16xi32>, vector<16xi32> -> vector<16xi32>
        %min3A_346 = arith.minsi %min3A_332, %gather3A_345 : vector<16xi32>
        %xor3A_347 = arith.constant 8 : i32
        %xor3A_348 = vector.broadcast %xor3A_347 : i32 to vector<16xi32>
        %xor3A_349 = arith.xori %iota3A_305, %xor3A_348 : vector<16xi32>
        %lt3A_350 = arith.constant 0 : i32
        %lt3A_351 = vector.broadcast %lt3A_350 : i32 to vector<16xi32>
        %lt3A_352 = arith.cmpi slt, %xor3A_349, %lt3A_351 : vector<16xi32>
        %add3A_353 = arith.constant 16 : i32
        %add3A_354 = vector.broadcast %add3A_353 : i32 to vector<16xi32>
        %add3A_355 = arith.addi %xor3A_349, %add3A_354 : vector<16xi32>
        %select_n3A_356 = arith.select %lt3A_352, %add3A_355, %xor3A_349 : vector<16xi1>, vector<16xi32>
        %broadcast_in_dim3A_357 = vector.shape_cast %select_n3A_356 : vector<16xi32> to vector<16x1xi32>
        %gather3A_358 = vector.shape_cast %broadcast_in_dim3A_357 : vector<16x1xi32> to vector<16xi32>
        %gather3A_359 = tpu.dynamic_gather %min3A_346[%gather3A_358] in [0] : vector<16xi32>, vector<16xi32> -> vector<16xi32>
        %min3A_360 = arith.minsi %min3A_346, %gather3A_359 : vector<16xi32>
        %broadcast_in_dim3A_361 = arith.constant -3.000000e+38 : f32
        %broadcast_in_dim3A_362 = vector.broadcast %broadcast_in_dim3A_361 : f32 to vector<16xf32>
        tpu.vector_store_idx %arg23[%min3A_360], %broadcast_in_dim3A_362 masked %eq3A_1 : memref<32xf32, #tpu.memory_space<vmem>>[vector<16xi32>], vector<16xf32>, vector<16xi1>
        %gather3A_363 = tpu.vector_load_idx %arg17[%min3A_360] : memref<32xf32, #tpu.memory_space<vmem>>[vector<16xi32>], vector<16xf32>,
        %gather3A_364 = tpu.vector_load_idx %arg18[%min3A_360] : memref<32xf32, #tpu.memory_space<vmem>>[vector<16xi32>], vector<16xf32>,
        %gather3A_365 = tpu.vector_load_idx %arg19[%min3A_360] : memref<32xf32, #tpu.memory_space<vmem>>[vector<16xi32>], vector<16xf32>,
        %gather3A_366 = tpu.vector_load_idx %arg20[%min3A_360] : memref<32xf32, #tpu.memory_space<vmem>>[vector<16xi32>], vector<16xf32>,
        %eq3A_367 = arith.constant 0 : i32
        %eq3A_368 = vector.broadcast %eq3A_367 : i32 to vector<16xi32>
        %eq3A_369 = arith.cmpi eq, %iota3A, %eq3A_368 : vector<16xi32>
        %eq3A_370 = arith.constant 1 : i32
        %eq3A_371 = vector.broadcast %eq3A_370 : i32 to vector<16xi32>
        %eq3A_372 = arith.cmpi eq, %iota3A, %eq3A_371 : vector<16xi32>
        %eq3A_373 = arith.constant 2 : i32
        %eq3A_374 = vector.broadcast %eq3A_373 : i32 to vector<16xi32>
        %eq3A_375 = arith.cmpi eq, %iota3A, %eq3A_374 : vector<16xi32>
        %select_n3A_376 = arith.select %eq3A_375, %gather3A_365, %gather3A_366 : vector<16xi1>, vector<16xf32>
        %select_n3A_377 = arith.select %eq3A_372, %gather3A_364, %select_n3A_376 : vector<16xi1>, vector<16xf32>
        %select_n3A_378 = arith.select %eq3A_369, %gather3A_363, %select_n3A_377 : vector<16xi1>, vector<16xf32>
        %mul3A_379 = arith.constant 4 : i32
        %mul3A_380 = arith.muli %mul3A_379, %scan3A_219 : i32
        %broadcast_in_dim3A_381 = vector.broadcast %mul3A_380 : i32 to vector<16xi32>
        %add3A_382 = arith.addi %broadcast_in_dim3A_381, %iota3A : vector<16xi32>
        %lt3A_383 = arith.constant 4 : i32
        %lt3A_384 = vector.broadcast %lt3A_383 : i32 to vector<16xi32>
        %lt3A_385 = arith.cmpi slt, %iota3A, %lt3A_384 : vector<16xi32>
        tpu.vector_store_idx %arg24[%add3A_382], %select_n3A_378 masked %lt3A_385 : memref<64xf32, #tpu.memory_space<vmem>>[vector<16xi32>], vector<16xf32>, vector<16xi1>
        %scan3A_386 = arith.constant 0 : i32
        scf.yield %scan3A_386 : i32
      }
      %scan3A_218 = arith.constant 10 : i32
      "tpu.region"() ({
        %run_scoped3A = tpu.sem_alloc : memref<!tpu.dma_semaphore, #tpu.memory_space<semaphore_mem>>
        tpu.enqueue_dma source(%arg24 : memref<64xf32, #tpu.memory_space<vmem>>) target(%arg4 : memref<64xf32, #tpu.memory_space<hbm>>) target_semaphore(%run_scoped3A : memref<!tpu.dma_semaphore, #tpu.memory_space<semaphore_mem>>)
        tpu.wait_dma2 semaphore(%run_scoped3A : memref<!tpu.dma_semaphore, #tpu.memory_space<semaphore_mem>>) src(%arg24 : memref<64xf32, #tpu.memory_space<vmem>>) dst(%arg4 : memref<64xf32, #tpu.memory_space<hbm>>)
        tpu.yield
      }) : () -> ()
    } else {
    }
    return
  }
}

</mosaic_0001>

<sc_bundles>
// kernel: kernel.3.cloned.1.call-start
scs
__scs_entry_jumppad:
0x0: {  	(pc) =	sbr.rel $0x88, $3  }
0x1: {  	(tag) =	ssettag $0x0;
	lr =	simm.s32 $0x1  }
0x2: {  	[smem:$0x3F9E] =	sst lr;
	_ =	strace $0xD0000000  }
0x3: {  	_ = 	snop  }
0x4: {  	_ = 	snop  }
0x5: {  	_ = 	snop  }
0x6: {  	_ = 	snop  }
0x7: {  	_ = 	snop  }
__scs_overlays_trampoline_lowered:
0x8: {  	[smem:$0x3FAD] =	sst s0  }
0x9: {  	[smem:$0x3FAE] =	sst s1  }
0xa: {  	[smem:$0x3FAF] =	sst s2  }
0xb: {  	[smem:$0x3FB0] =	sst s3  }
0xc: {  	[smem:$0x3FB1] =	sst s4  }
0xd: {  	[smem:$0x3FB2] =	sst s5  }
0xe: {  	[smem:$0x3FB3] =	sst s6  }
0xf: {  	[smem:$0x3FB4] =	sst s7  }
0x10: {  	[smem:$0x3FB5] =	sst s8  }
0x11: {  	[smem:$0x3FB6] =	sst s9;
	s0 =	simm.s32 @!p0 $0x0  }
0x12: {  	s1 =	sld [smem:$0x3F9C];
	s0 =	simm.s32 @p0 $0x1  }
0x13: {  	[smem:$0x3FB7] =	sst s0;
	s0 =	simm.s32 @!p1 $0x0  }
0x14: {  	s2 =	sld [smem:$0x3F9B];
	s0 =	simm.s32 @p1 $0x1  }
0x15: {  	[smem:$0x3FB8] =	sst s0;
	s0 =	simm.s32 @!p2 $0x0  }
0x16: {  	s3 =	sld [smem:$0x3FDB];
	s0 =	simm.s32 @p2 $0x1  }
0x17: {  	s4 =	simm.s32 $0x1BF5;
	[smem:$0x3FBA] =	sst s0  }
0x18: {  	s0 =	sld [smem:$0x3F9D];
	_ =	swait.ge [sflag:s4], $0x0  }
0x19: {  	s7 =	sld [smem:$0x3F9E]  }
0x1a: {  	s8 =	sadd.s32 $0xFFFFE003, lr  }
0x1b: {  	s9 =	sadd.s32 $0xFFFFFEF7, lr;
	s5 =	simm.s32 $0xFFFFFFFF;
	p2 =	slt.u32 s8, $0xFFFFF086  }
0x1c: {  	p1 =	slt.u32 s9, $0xF7A;
	s5 =	simm.s32 @!p2 $0x0  }
0x1d: {  	s5 =	simm.s32 @p1 $0x1;
	p0 =	seq.s32 s7, s2  }
0x1e: {  	s7 =	smul.u32 @!p0 $0xF7A, s2;
	p2 =	seq.s32 @!p0 s5, $0x0  }
0x1f: {  	s9 =	smul.u32 $0xF7A, s1;
	s8 =	simm.s32 @!p0 $0x1BF5;
	p2 =	por !p2, p0  }
0x20: {  	[sflag:s8] =	ssyncset.s32 @!p0 $0xFFFFF086;
	s6 =	sadd.s32 @!p0 s3, s7;
	s7 =	simm.s32 @!p0 $0x108  }
0x21: {  	s3 =	sadd.s32 s3, s9;
	s6 =	sadd.s32 @!p0 $0x88, s6;
	s7 =	simm.s32 @p2 $0x1082  }
0x22: {  	[simem:s7], [sflag:s8] =	dma.local @!p0 [hbm:s6], $0xF7A  }
0x23: {  	s9 =	sor.u32 $0xD0000000, s2;
	s6 =	simm.s32 $0x108;
	_ =	swait.ge @!p0 [sflag:s8], $0x0  }
0x24: {  	s3 =	sadd.s32 $0x88, s3;
	s6 =	simm.s32 @!p1 $0x1082;
	[sflag:s4] =	ssyncset.s32 $0xFFFFF086  }
0x25: {  	[simem:s6], [sflag:s4] =	dma.local [hbm:s3], $0xF7A  }
0x26: {  	[smem:$0x3F9E] =	sst s1;
	(tag) =	ssettag s2;
	_ =	strace s9  }
0x27: {  	s1 =	sld [smem:$0x3FAE]  }
0x28: {  	s2 =	sld [smem:$0x3FAF]  }
0x29: {  	s4 =	sld [smem:$0x3FB1]  }
0x2a: {  	p0 =	seq.s32 s5, $0x0;
	s5 =	sld [smem:$0x3FB2]  }
0x2b: {  	s6 =	sld [smem:$0x3FB3]  }
0x2c: {  	s7 =	sld [smem:$0x3FB4]  }
0x2d: {  	s3 =	simm.s32 $0x108;
	s8 =	sld [smem:$0x3FB5]  }
0x2e: {  	s3 =	simm.s32 @!p0 $0x1082;
	s9 =	sld [smem:$0x3FB6]  }
0x2f: {  	lr =	sadd.s32 s0, s3;
	s0 =	sld [smem:$0x3FAD]  }
0x30: {  	s3 =	sld [smem:$0x3FB0]  }
0x31: {  	[smem:$0x3FB9] =	sst s10  }
0x32: {  	s10 =	sld [smem:$0x3FB7];
	_ =	sdelay $0x3  }
0x33: {  	p0 =	seq.s32 s10, $0x1;
	s10 =	sld [smem:$0x3FB9];
	_ =	sdelay $0x3  }
0x34: {  	[smem:$0x3FB9] =	sst s10  }
0x35: {  	s10 =	sld [smem:$0x3FB8];
	_ =	sdelay $0x3  }
0x36: {  	p1 =	seq.s32 s10, $0x1;
	s10 =	sld [smem:$0x3FB9];
	_ =	sdelay $0x3  }
0x37: {  	[smem:$0x3FB9] =	sst s10  }
0x38: {  	s10 =	sld [smem:$0x3FBA]  }
0x39: {  	_ = 	snop;
	(pc) =	sbr.ind lr, $3  }
0x3a: {  	_ = 	snop  }
0x3b: {  	_ = 	snop  }
0x3c: {  	p2 =	seq.s32 s10, $0x1;
	s10 =	sld [smem:$0x3FB9]  }
0x3d: {  	_ =	shalt  }
0x3e: {  	_ =	shalt  }
0x3f: {  	_ =	shalt  }
0x40: {  	_ =	shalt  }
0x41: {  	_ =	shalt  }
0x42: {  	_ =	shalt  }
0x43: {  	_ =	shalt  }
0x44: {  	_ =	shalt  }
0x45: {  	_ =	shalt  }
0x46: {  	_ =	shalt  }
0x47: {  	_ =	shalt  }
0x48: {  	_ =	shalt  }
0x49: {  	_ =	shalt  }
0x4a: {  	_ =	shalt  }
0x4b: {  	_ =	shalt  }
0x4c: {  	_ =	shalt  }
0x4d: {  	_ =	shalt  }
0x4e: {  	_ =	shalt  }
0x4f: {  	_ =	shalt  }
0x50: {  	_ =	shalt  }
0x51: {  	_ =	shalt  }
0x52: {  	_ =	shalt  }
0x53: {  	_ =	shalt  }
0x54: {  	_ =	shalt  }
0x55: {  	_ =	shalt  }
0x56: {  	_ =	shalt  }
0x57: {  	_ =	shalt  }
0x58: {  	_ =	shalt  }
0x59: {  	_ =	shalt  }
0x5a: {  	_ =	shalt  }
0x5b: {  	_ =	shalt  }
0x5c: {  	_ =	shalt  }
0x5d: {  	_ =	shalt  }
0x5e: {  	_ =	shalt  }
0x5f: {  	_ =	shalt  }
0x60: {  	_ =	shalt  }
0x61: {  	_ =	shalt  }
0x62: {  	_ =	shalt  }
0x63: {  	_ =	shalt  }
0x64: {  	_ =	shalt  }
0x65: {  	_ =	shalt  }
0x66: {  	_ =	shalt  }
0x67: {  	_ =	shalt  }
0x68: {  	_ =	shalt  }
0x69: {  	_ =	shalt  }
0x6a: {  	_ =	shalt  }
0x6b: {  	_ =	shalt  }
0x6c: {  	_ =	shalt  }
0x6d: {  	_ =	shalt  }
0x6e: {  	_ =	shalt  }
0x6f: {  	_ =	shalt  }
0x70: {  	_ =	shalt  }
0x71: {  	_ =	shalt  }
0x72: {  	_ =	shalt  }
0x73: {  	_ =	shalt  }
0x74: {  	_ =	shalt  }
0x75: {  	_ =	shalt  }
0x76: {  	_ =	shalt  }
0x77: {  	_ =	shalt  }
0x78: {  	_ =	shalt  }
0x79: {  	_ =	shalt  }
0x7a: {  	_ =	shalt  }
0x7b: {  	_ =	shalt  }
0x7c: {  	_ =	shalt  }
0x7d: {  	_ =	shalt  }
0x7e: {  	_ =	shalt  }
0x7f: {  	_ =	shalt  }
0x80: {  	_ =	shalt  }
0x81: {  	_ =	shalt  }
0x82: {  	_ =	shalt  }
0x83: {  	_ =	shalt  }
0x84: {  	_ =	shalt  }
0x85: {  	_ =	shalt  }
0x86: {  	_ =	shalt  }
0x87: {  	_ =	shalt  }
.Lfunc_end0:
.L_simem_size_0:
called_computation_lowered:
.L_overlay_start_0:
0x88: {  	s0 =	sld [smem:$0x3FD9]  }
0x89: {  	s1 =	sld [smem:$0x3FFE];
	_ =	sdelay $0x3  }
0x8a: {  	s0 =	sadd.s32 s1, s0  }
0x8b: {  	[smem:$0x3FC5] =	sst s0  }
0x8c: {  	_ = 	snop  }
0x8d: {  	s0 =	sld [smem:$0x3FD0];
	(tm) =	ssettm $0x1  }
0x8e: {  	s16 =	sld [smem:$0x3FFB];
	_ =	sdelay $0x3  }
0x8f: {  	_ =	strace s16  }
0x90: {  	s1 =	sld [smem:$0x3FFC];
	_ =	sdelay $0x3  }
0x91: {  	_ =	strace s1  }
0x92: {  	s1 =	sld [smem:$0x3FFD];
	_ =	sdelay $0x3  }
0x93: {  	_ =	strace s1  }
0x94: {  	_ =	strace $0x8FFFFFFF  }
0x95: {  	s17 =	sld [smem:$0x3FDB];
	_ =	sdelay $0x1  }
0x96: {  	s2 =	simm.s32 $_scs_section_size  }
0x97: {  	s3 =	simm.s32 $_size__tile_overlayer_lowered;
	s4 =	simm.s32 $_tile_overlayer_lowered  }
0x98: {  	s20 =	simm.s32 $0x1BFF;
	s19 =	sshll.u32 s4, $0x1;
	s1 =	sadd.s32 s2, s17  }
0x99: {  	s5 =	simm.s32 $0x0;
	s18 =	sshll.u32 s3, $0x1;
	s3 =	sadd.s32 s19, s1  }
0x9a: {  	[timem:s5], [sflag:s20] =	dma.local [hbm:s3], s18  }
0x9b: {  	_ =	swait.ge [sflag:s20], s18  }
0x9c: {  	s2 =	ssub.s32 $0x0, s18;
	[sflag:s20] =	ssyncset.done $0x0  }
0x9d: {  	[sflag:s20] =	ssyncadd.s32 s2;
	_ =	sdelay $0x1  }
0x9e: {  	s21 =	simm.s32 $0x1B8B  }
0x9f: {  	_ =	swait.ge [sflag:s21], $0x1  }
0xa0: {  	[sflag:s21] =	ssyncset.done $0x0  }
0xa1: {  	s23 =	simm.s32 $0x1B8E;
	s22 =	sld [smem:$0x3FFE];
	[sflag:s21] =	ssyncadd.s32 $0xFFFFFFFF  }
0xa2: {  	s24 =	simm.s32 $execute0_lowered;
	[smem:$0x3FD2] =	sst s23  }
0xa3: {  	s3 =	sshll.u32 s24, $0x1;
	_ =	strace $0x80000046;
	[dreg:$0x1] =	wrdreg $0xFFFFFFFF  }
0xa4: {  	s25 =	simm.s32 $_size_execute0_lowered;
	s1 =	sadd.s32 s1, s3;
	[dreg:$0x0] =	wrdreg $0x0  }
0xa5: {  	s3 =	sshll.u32 s25, $0x1;
	[dreg:$0x2] =	wrdreg s1  }
0xa6: {  	[dreg:$0x3] =	wrdreg s3  }
0xa7: {  	[dreg:$0x4] =	wrdreg $0xC0  }
0xa8: {  	_ =	task [dreg:s5], $0x5FFFF  }
0xa9: {  	[dreg:$0x1] =	wrdreg $0xFFFFFFFF  }
0xaa: {  	[dreg:$0x0] =	wrdreg $0x60  }
0xab: {  	[dreg:$0x2] =	wrdreg s22  }
0xac: {  	[dreg:$0x3] =	wrdreg s0  }
0xad: {  	[dreg:$0x4] =	wrdreg $0x3E000  }
0xae: {  	[dreg:$0x5] =	wrdreg $0x9  }
0xaf: {  	_ =	task.clear_ibuf [dreg:s5], $0x6FFFF;
	_ =	strace $0x90000046  }
0xb0: {  	s26 =	simm.s32 $0x9;
	_ =	strace $0x80000048  }
0xb1: {  	_ =	swait.ge [sflag:s26], $0x1  }
0xb2: {  	[sflag:s26] =	ssyncadd.s32 $0xFFFFFFFF  }
0xb3: {  	_ =	strace $0x90000048  }
0xb4: {  	_ =	sfence  }
0xb5: {  	s28 =	sld [smem:$0x0];
	_ =	sdelay $0x1  }
0xb6: {  	s29 =	srdreg.scid  }
0xb7: {  	s30 =	sshll.u32 s29, $0xD;
	s31 =	sshrl.u32 s29, $0x2  }
0xb8: {  	s2 =	sand.u32 $0x4000, s30;
	s1 =	sand.u32 $0x1, s29;
	s0 =	sadd.s32 s31, s28  }
0xb9: {  	s1 =	sor.u32 s2, s1;
	s0 =	sshll.u32 s0, $0x11  }
0xba: {  	s0 =	sor.u32 s0, s1  }
0xbb: {  	s0 =	sadd.s32 $0x8F2B, s0  }
0xbc: {  	[sflag:s0] =	ssyncadd.remote.s32 $0x1  }
0xbd: {  	_ =	sfence.sel $0xFFFF  }
0xbe: {  	[dreg:$0x0] =	wrdreg $0xFFFFFFFF;
	(pc) =	sbr.abs _section_cstart, $3  }
0xbf: {  	[dreg:$0x1] =	wrdreg $0xFFFFFFFF  }
0xc0: {  	_ =	task.clear_ibuf [dreg:s5], $0x2FFFF;
	_ =	strace $0x9FFFFFFF  }
0xc1: {  	(tm) =	ssettm $0x7FFFFFFF  }
tec
execute0_lowered:
.L_overlay_start_1:
0x0: {  	(tag) =	ssettag $0x1  }
0x1: {  	s1 =	rddreg [dreg:$0x0]  }
0x2: {  	s4 =	rddreg [dreg:$0x1];
	s3 =	stileid.u32  }
0x3: {  	s2 =	rddreg [dreg:$0x2];
	s5 =	simm.s32 $0x0;
	s6 =	smul.u32 $0x370, s3  }
0x4: {  	[smem:$0x7FF] =	sst s5  }
0x5: {  	s0 =	rddreg [dreg:$0x3];
	v0 =	vimm.f32 $2.500000000e+03;
	_ =	strace $0x80000047;
	s6 =	sadd.s32 s1, s6  }
0x6: {  	(erf) = vrcp.f32 v0;
	v0 =	vimm.f32 $5.000000000e+01;
	[tilespmem:s5], [sflag:$0x1] =	stream.linear.gather [hbm4b:s6+s5], $0x1B80, $0x38;
	[tilespmem:$0x4F40] =	vst v63  }
0x7: {  	s25 =	simm.s32 $0x3C80;
	(erf) = vrcp.f32 v0;
	v0 =	vimm.f32 $3.000000000e+00  }
0x8: {  	(erf) = vrcp.f32 v0;
	[tilespmem:s25], [sflag:$0x2] =	stream.linear.gather [hbm4b:s4+s5], $0x80, $0x38;
	[tilespmem:$0x4F40] =	vst v63  }
0x9: {  	s4 =	smul.u32 $0x580, s3;
	_ =	sdelay $0x1  }
0xa: {  	s29 =	sadd.s32 $0x0, s4  }
0xb: {  	v3 =	vlaneseq.u32;
	s7 =	sadd.s32 $0x10, s29;
	s8 =	sadd.s32 $0x20, s29  }
0xc: {  	s30 =	sadd.s32 $0x30, s29;
	v5 =	vor.u32 s29, v3;
	v13 =	vor.u32 s7, v3;
	v23 =	vor.u32 s8, v3  }
0xd: {  	v16 =	vor.u32 s30, v3;
	v15 =	vcvt.s32.f32 v13;
	v17 =	vcvt.s32.f32 v23  }
0xe: {  	v19 =	vcvt.s32.f32 v5;
	v20 =	vcvt.s32.f32 v16;
	v0 =	vpop (erf)  }
0xf: {  	v1 =	vpop (erf);
	v8 =	vmul.f32 v15, v0;
	v9 =	vmul.f32 v17, v0  }
0x10: {  	s26 =	simm.s32 $0x2;
	v10 =	vmul.f32 v20, v0;
	v22 =	vmul.f32 v19, v0;
	v2 =	vpop (erf)  }
0x11: {  	_ =	swait.ge [sflag:s26], $0x80;
	v8 =	vtrunc.f32 v8;
	v9 =	vtrunc.f32 v9  }
0x12: {  	v10 =	vtrunc.f32 v10;
	v22 =	vtrunc.f32 v22;
	[sflag:s26] =	ssyncset.done $0x0  }
0x13: {  	s28 =	simm.s32 $0x1;
	v11 =	vcvt.f32.s32 v8;
	v12 =	vcvt.f32.s32 v9;
	[sflag:s26] =	ssyncadd.s32 $0xFFFFFF80  }
0x14: {  	v21 =	vcvt.f32.s32 v10;
	v22 =	vcvt.f32.s32 v22;
	_ =	swait.ge [sflag:s28], $0x1B80  }
0x15: {  	v11 =	vcvt.s32.f32 v11;
	v14 =	vcvt.s32.f32 v12;
	[sflag:s28] =	ssyncset.done $0x0  }
0x16: {  	v12 =	vcvt.s32.f32 v21;
	v22 =	vcvt.s32.f32 v22;
	[sflag:s28] =	ssyncadd.s32 $0xFFFFE480  }
0x17: {  	vm0 =	vlt.u32 v23, $0x57E4;
	v46 =	vmul.f32 $2.500000000e+03, v11;
	v47 =	vmul.f32 $2.500000000e+03, v14;
	v4 =	vld [tilespmem:$0x3CA0]  }
0x18: {  	vm7 =	vlt.u32 v16, $0x57E4;
	v26 =	vmul.f32 v11, v2;
	v48 =	vmul.f32 v12, v2;
	v6 =	vld [tilespmem:$0x3C90]  }
0x19: {  	s31 =	sand.u32 $0x7C0, s5;
	v8 =	vimm.f32 $1.100000000e+01;
	v27 =	vmul.f32 $2.500000000e+03, v12;
	v28 =	vmul.f32 v14, v2;
	v7 =	vld [tilespmem:$0x3C80]  }
0x1a: {  	v18 =	vld [tilespmem:s31+$0x1080];
	v15 =	vsub.f32 v15, v46;
	v26 =	vtrunc.f32 v26;
	v50 =	vtrunc.f32 v48  }
0x1b: {  	s5 =	simm.s32 $0x0;
	v9 =	vimm.f32 $2.200000000e+01;
	v24 =	vld [tilespmem:s31+$0x1600];
	v26 =	vcvt.f32.s32 v26;
	v51 =	vcvt.f32.s32 v50  }
0x1c: {  	v10 =	vimm.f32 $3.200000000e+01;
	v35 =	vld [tilespmem:s5+$0x10A0];
	v53 =	vtrunc.f32 v28;
	v29 =	vmul.f32 v15, v1  }
0x1d: {  	v36 =	vld [tilespmem:s5+$0x1090];
	vm2 =	veq.s32 v51, $0x1;
	vm1 =	veq.s32 v26, $0x1;
	v55 =	vcvt.s32.f32 v51  }
0x1e: {  	v38 =	vld [tilespmem:s5+$0x1620];
	vm4 =	veq.s32 v51, $0x0;
	v30 =	vcvt.s32.f32 v26;
	vm10 =	veq.s32 v26, $0x0  }
0x1f: {  	v4 =	vmul.f32 $5.000000000e+00, v4;
	v6 =	vadd.f32 $-1.000000000e+00, v6;
	v7 =	vadd.f32 $-1.000000000e+00, v7  }
0x20: {  	v25 =	vmax.f32 v18, $-1.000000000e+01;
	v18 =	vsub.f32 v17, v47;
	v24 =	vmax.f32 v24, $-1.000000000e+01  }
0x21: {  	v17 =	vsub.f32 v20, v27;
	v29 =	vtrunc.f32 v29;
	v56 =	vsel vm1, $0x41800000, v9  }
0x22: {  	v57 =	vsel vm2, $0x41800000, v9;
	v27 =	vcvt.f32.s32 v53;
	v33 =	vsel vm2, $0x41800000, v8  }
0x23: {  	v35 =	vmax.f32 v35, $-1.000000000e+01;
	v36 =	vmax.f32 v36, $-1.000000000e+01;
	v38 =	vmax.f32 v38, $-1.000000000e+01  }
0x24: {  	v20 =	vmin.f32 v25, $4.135000230e+00;
	v21 =	vmin.f32 v24, $4.135000230e+00;
	v54 =	vcvt.f32.s32 v29  }
0x25: {  	v29 =	vsel vm4, $0x41400000, v57;
	v30 =	vmul.f32 $3.000000000e+00, v30;
	v28 =	vmul.f32 $3.000000000e+00, v55  }
0x26: {  	v33 =	vsel vm4, $0x41B80000, v33;
	v24 =	vsel vm10, $0x41400000, v56;
	v62 =	vmin.f32 v36, $4.135000230e+00  }
0x27: {  	v59 =	vld [tilespmem:s5+$0x1630];
	v35 =	vmin.f32 v35, $4.135000230e+00;
	v49 =	vmul.f32 v18, v1;
	v32 =	vmul.f32 v17, v1  }
0x28: {  	v39 =	vld [tilespmem:s5+$0x1610];
	v38 =	vmin.f32 v38, $4.135000230e+00;
	v34 =	vcvt.s32.f32 v27;
	v45 =	vmul.f32 $1.442695020e+00, v35  }
0x29: {  	vm3 =	veq.s32 v27, $0x1;
	v46 =	vmul.f32 $1.442695020e+00, v38;
	v20 =	vmul.f32 $1.442695020e+00, v20  }
0x2a: {  	vm15 =	veq.s32 v27, $0x0;
	v21 =	vmul.f32 $1.442695020e+00, v21;
	v23 =	vcvt.s32.f32 v54  }
0x2b: {  	v30 =	vsub.f32 v11, v30;
	v28 =	vsub.f32 v12, v28;
	v55 =	vsel vm3, $0x41800000, v9  }
0x2c: {  	v57 =	vsel vm3, $0x41800000, v8;
	v52 =	vtrunc.f32 v49;
	v58 =	vmul.f32 $3.000000000e+00, v34  }
0x2d: {  	v32 =	vtrunc.f32 v32;
	v34 =	vmax.f32 v59, $-1.000000000e+01;
	v49 =	vmax.f32 v39, $-1.000000000e+01  }
0x2e: {  	v27 =	vsel vm15, $0x41B80000, v57;
	v25 =	vcvt.f32.s32 v52;
	v31 =	vmul.f32 $5.000000000e+01, v23  }
0x2f: {  	vm11 =	veq.f32 v30, $1.000000000e+00;
	vm12 =	veq.f32 v28, $1.000000000e+00;
	v32 =	vcvt.f32.s32 v32  }
0x30: {  	vm5 =	veq.f32 v30, $0.0e+00;
	vm6 =	veq.f32 v28, $0.0e+00;
	v61 =	vmin.f32 v34, $4.135000230e+00  }
0x31: {  	v34 =	vmul.f32 $1.442695020e+00, v62;
	v23 =	vmul.f32 $1.600000000e+01, v23;
	v26 =	vsub.f32 v14, v58  }
0x32: {  	v37 =	vsel vm11, $0x41800000, v10;
	v60 =	vsel vm12, $0x41800000, v10;
	v28 =	vmul.f32 $1.442695020e+00, v61  }
0x33: {  	vm12 =	vlt.u32 v13, $0x57E4;
	v31 =	vsub.f32 v15, v31;
	v32 =	vcvt.s32.f32 v32  }
0x34: {  	v54 =	vld [tilespmem:s5+$0x10B0];
	v30 =	vsel vm6, $0x41000000, v60;
	v25 =	vcvt.s32.f32 v25;
	v35 =	vsel vm5, $0x41000000, v37  }
0x35: {  	v40 =	vld [tilespmem:s5+$0xB30];
	v23 =	vadd.f32 $8.000000000e+00, v23;
	v15 =	vmul.f32 $9.000000000e+00, v15;
	(erf) = vpow2.f32 v28  }
0x36: {  	v51 =	vld [tilespmem:s5+$0xB10];
	vm13 =	veq.f32 v26, $0.0e+00;
	v29 =	vmul.f32 v30, v29;
	v30 =	vmul.f32 v30, v33  }
0x37: {  	v56 =	vld [tilespmem:s5+$0x5B0];
	vm14 =	veq.f32 v26, $1.000000000e+00;
	v24 =	vmul.f32 v35, v24;
	v31 =	vmul.f32 $1.600000000e+01, v31  }
0x38: {  	v33 =	vmin.f32 v49, $4.135000230e+00;
	v63 =	vmul.f32 $1.600000000e+01, v32;
	v32 =	vmul.f32 $5.000000000e+01, v32  }
0x39: {  	v59 =	vmax.f32 v54, $-1.000000000e+01;
	(erf) = vpow2.f32 v45;
	v53 =	vmul.f32 $1.600000000e+01, v25  }
0x3a: {  	v48 =	vsel vm14, $0x41800000, v10;
	v25 =	vmul.f32 $5.000000000e+01, v25;
	v33 =	vmul.f32 $1.442695020e+00, v33  }
0x3b: {  	v11 =	vadd.f32 v11, v15;
	v52 =	vmul.f32 v40, v29;
	(erf) = vpow2.f32 v46  }
0x3c: {  	v28 =	vmul.f32 v51, v24;
	v61 =	vmul.f32 v56, v30;
	v46 =	vsel vm1, $0x41800000, v8  }
0x3d: {  	v40 =	vmul.f32 $2.500000000e+03, v22;
	v31 =	vadd.f32 $8.000000000e+00, v31;
	v47 =	vsub.f32 v17, v32  }
0x3e: {  	(erf) = vpow2.f32 v34;
	v25 =	vsub.f32 v18, v25;
	v32 =	vsel vm13, $0x41000000, v48  }
0x3f: {  	v41 =	vld [tilespmem:s5+$0xB20];
	v37 =	vadd.f32 $8.000000000e+00, v53;
	v34 =	vsel vm15, $0x41400000, v55;
	v18 =	vmul.f32 $9.000000000e+00, v18  }
0x40: {  	v36 =	vadd.f32 $8.000000000e+00, v63;
	v17 =	vmul.f32 $9.000000000e+00, v17;
	(erf) = vpow2.f32 v33  }
0x41: {  	v42 =	vld [tilespmem:s5+$0x5A0];
	v27 =	vmul.f32 v32, v27;
	v32 =	vmul.f32 v32, v34;
	v33 =	vmin.f32 v59, $4.135000230e+00  }
0x42: {  	v23 =	vadd.f32 v28, v23;
	v19 =	vsub.f32 v19, v40;
	v50 =	vmul.f32 $1.600000000e+01, v47  }
0x43: {  	v25 =	vmul.f32 $1.600000000e+01, v25;
	v36 =	vadd.f32 v52, v36;
	v33 =	vmul.f32 $1.442695020e+00, v33  }
0x44: {  	v14 =	vadd.f32 v14, v18;
	v12 =	vadd.f32 v12, v17;
	v62 =	vmul.f32 v41, v32;
	v58 =	vpop (erf)  }
0x45: {  	v26 =	vadd.f32 $8.000000000e+00, v50;
	v29 =	vmul.f32 v58, v29;
	v60 =	vpop (erf);
	(erf) = vpow2.f32 v33  }
0x46: {  	v33 =	vsel vm10, $0x41B80000, v46;
	v34 =	vmul.f32 v60, v27;
	v27 =	vmul.f32 v42, v27  }
0x47: {  	v25 =	vadd.f32 $8.000000000e+00, v25;
	v50 =	vld [tilespmem:s5+$0x590];
	v33 =	vmul.f32 v35, v33;
	v42 =	vmul.f32 v22, v2  }
0x48: {  	v47 =	vadd.f32 v62, v37;
	v63 =	vpop (erf);
	(erf) = vpow2.f32 v20;
	v29 =	vmul.f32 $5.000000000e-01, v29  }
0x49: {  	v26 =	vadd.f32 v61, v26;
	v32 =	vmul.f32 v63, v32;
	v45 =	vpop (erf);
	v34 =	vmul.f32 $5.000000000e-01, v34  }
0x4a: {  	v25 =	vadd.f32 v27, v25;
	v48 =	vpop (erf);
	v27 =	vmul.f32 v45, v33;
	v45 =	vmul.f32 v19, v1  }
0x4b: {  	v44 =	vsub.f32 v36, v29;
	v32 =	vmul.f32 $5.000000000e-01, v32;
	v24 =	vmul.f32 v48, v24  }
0x4c: {  	v49 =	vsub.f32 v25, v34;
	v25 =	vadd.f32 v34, v25;
	v34 =	vmul.f32 v50, v33  }
0x4d: {  	v29 =	vadd.f32 v29, v36;
	v27 =	vmul.f32 $5.000000000e-01, v27;
	v16 =	vtrunc.f32 v45  }
0x4e: {  	v51 =	vsub.f32 v47, v32;
	v32 =	vadd.f32 v32, v47;
	v24 =	vmul.f32 $5.000000000e-01, v24  }
0x4f: {  	v61 =	vmax.f32 v44, $0.0e+00;
	v29 =	vmax.f32 v29, $0.0e+00;
	v47 =	vmul.f32 $9.000000000e+00, v19  }
0x50: {  	v16 =	vcvt.f32.s32 v16;
	v52 =	vmax.f32 v49, $0.0e+00;
	v25 =	vmax.f32 v25, $0.0e+00  }
0x51: {  	v31 =	vadd.f32 v34, v31;
	v39 =	vmin.f32 v7, v61;
	v29 =	vmin.f32 v7, v29  }
0x52: {  	v53 =	vmin.f32 v6, v52;
	v54 =	vmax.f32 v51, $0.0e+00;
	v55 =	vsub.f32 v23, v24  }
0x53: {  	v23 =	vadd.f32 v24, v23;
	v56 =	vmin.f32 v6, v25;
	v32 =	vmax.f32 v32, $0.0e+00  }
0x54: {  	v20 =	vadd.f32 v22, v47;
	v16 =	vcvt.s32.f32 v16;
	v36 =	vmin.f32 v7, v54  }
0x55: {  	v57 =	vsub.f32 v56, v53;
	v32 =	vmin.f32 v7, v32;
	v34 =	vsub.f32 v31, v27  }
0x56: {  	v59 =	vpop (erf);
	v27 =	vadd.f32 v27, v31;
	v23 =	vmax.f32 v23, $0.0e+00;
	v58 =	vmax.f32 v55, $0.0e+00  }
0x57: {  	v30 =	vmul.f32 v59, v30;
	v60 =	vsub.f32 v32, v36;
	v13 =	vmul.f32 $5.000000000e+01, v16  }
0x58: {  	v16 =	vmul.f32 $1.600000000e+01, v16;
	v23 =	vmin.f32 v7, v23;
	v28 =	vmin.f32 v7, v58  }
0x59: {  	v37 =	vld [tilespmem:s31+$0x580];
	v62 =	vmax.f32 v34, $0.0e+00;
	v27 =	vmax.f32 v27, $0.0e+00;
	v24 =	vadd.f32 $1.000000000e+00, v60  }
0x5a: {  	v25 =	vld [tilespmem:s31+$0xB00];
	[tilespmem:s5+$0x2C20] =	vst v36;
	v33 =	vadd.f32 $1.000000000e+00, v57;
	v63 =	vmin.f32 v6, v62;
	v27 =	vmin.f32 v6, v27  }
0x5b: {  	[tilespmem:s5+$0x3190] =	vst v27;
	vm5 =	vge.f32 v24, v4;
	v24 =	vsub.f32 v27, v63;
	v27 =	vtrunc.f32 v42  }
0x5c: {  	v36 =	vld [tilespmem:s5+$0x20];
	v30 =	vmul.f32 $5.000000000e-01, v30;
	[tilespmem:s5+$0x3710] =	vst v23;
	v23 =	vsub.f32 v23, v28;
	v46 =	vcvt.f32.s32 v27  }
0x5d: {  	(erf) = vpow2.f32 v21;
	v13 =	vsub.f32 v19, v13;
	v16 =	vadd.f32 $8.000000000e+00, v16  }
0x5e: {  	v23 =	vadd.f32 $1.000000000e+00, v23;
	v38 =	vsub.f32 v26, v30;
	v50 =	vcvt.s32.f32 v46  }
0x5f: {  	vm4 =	vge.f32 v33, v4;
	v26 =	vadd.f32 v30, v26;
	v30 =	vsub.f32 v29, v39  }
0x60: {  	v13 =	vmul.f32 $1.600000000e+01, v13;
	vm1 =	vmand vm4, vm5;
	v52 =	vmul.f32 $3.000000000e+00, v50  }
0x61: {  	[tilespmem:s5+$0x2C10] =	vst v28;
	v31 =	vmax.f32 v38, $0.0e+00;
	v26 =	vmax.f32 v26, $0.0e+00;
	v28 =	vnsel vm1, $0xCE6E6B28, v36  }
0x62: {  	v41 =	vadd.f32 $1.000000000e+00, v30;
	vm6 =	vge.f32 v23, v4;
	v22 =	vsub.f32 v22, v52  }
0x63: {  	[tilespmem:s5+$0x2C30] =	vst v39;
	v24 =	vadd.f32 $1.000000000e+00, v24;
	v13 =	vadd.f32 $8.000000000e+00, v13;
	v31 =	vmin.f32 v6, v31  }
0x64: {  	[tilespmem:s5+$0x26A0] =	vst v53;
	vm11 =	veq.s32 v46, $0x1;
	vm13 =	veq.s32 v46, $0x0;
	vm14 =	veq.f32 v22, $1.000000000e+00  }
0x65: {  	[tilespmem:s5+$0x31A0] =	vst v56;
	v53 =	vsel vm11, $0x41800000, v8;
	vm15 =	veq.f32 v22, $0.0e+00;
	v56 =	vsel vm14, $0x41800000, v10  }
0x66: {  	v48 =	vld [tilespmem:s5+$0x10];
	[tilespmem:s5+$0x3730] =	vst v29;
	v54 =	vsel vm11, $0x41800000, v9;
	v57 =	vsel vm13, $0x41B80000, v53;
	v22 =	vsel vm15, $0x41000000, v56  }
0x67: {  	[tilespmem:s5+$0x2120] =	vst v14;
	v26 =	vmin.f32 v6, v26;
	v23 =	vsel vm13, $0x41400000, v54;
	v19 =	vmul.f32 v22, v57  }
0x68: {  	v58 =	vpop (erf);
	v28 =	vnsel vm0, $0xFF61B1E6, v28;
	[tilespmem:s5+$0x26B0] =	vst v31;
	v31 =	vsub.f32 v26, v31;
	v22 =	vmul.f32 v22, v23  }
0x69: {  	[tilespmem:s5+$0x2130] =	vst v12;
	vm10 =	vge.f32 v24, v4;
	v59 =	vpop (erf);
	v60 =	vmul.f32 v37, v19;
	v19 =	vmul.f32 v58, v19  }
0x6a: {  	v44 =	vld [tilespmem:s5+$0x30];
	[tilespmem:s5+$0x2110] =	vst v11;
	vm0 =	vmand vm10, vm6;
	v25 =	vmul.f32 v25, v22;
	v22 =	vmul.f32 v59, v22  }
0x6b: {  	[tilespmem:s5+$0x3720] =	vst v32;
	v43 =	vadd.f32 $1.000000000e+00, v31;
	v55 =	vnsel vm0, $0xCE6E6B28, v48;
	v13 =	vadd.f32 v60, v13  }
0x6c: {  	[tilespmem:s5+$0x2100] =	vst v20;
	v61 =	vmul.f32 $5.000000000e-01, v19;
	v62 =	vmul.f32 $5.000000000e-01, v22;
	v16 =	vadd.f32 v25, v16  }
0x6d: {  	[tilespmem:s5+$0x2690] =	vst v63;
	vm9 =	vge.f32 v41, v4;
	v24 =	vnsel vm12, $0xFF61B1E6, v55;
	vm8 =	vge.f32 v43, v4  }
0x6e: {  	[tilespmem:s5+$0x31B0] =	vst v26;
	vm2 =	vmand vm8, vm9;
	v63 =	vsub.f32 v13, v61;
	v14 =	vsub.f32 v16, v62  }
0x6f: {  	[tilespmem:s5+$0x1BA0] =	vst v28;
	v49 =	vnsel vm2, $0xCE6E6B28, v44;
	v12 =	vadd.f32 v61, v13;
	v13 =	vadd.f32 v62, v16  }
0x70: {  	[tilespmem:s5+$0x1B90] =	vst v24;
	v51 =	vnsel vm7, $0xFF61B1E6, v49;
	v15 =	vmax.f32 v63, $0.0e+00;
	v14 =	vmax.f32 v14, $0.0e+00  }
0x71: {  	[tilespmem:s5+$0x1BB0] =	vst v51;
	v12 =	vmax.f32 v12, $0.0e+00;
	v13 =	vmax.f32 v13, $0.0e+00;
	v11 =	vmin.f32 v6, v15  }
0x72: {  	v14 =	vmin.f32 v7, v14;
	v12 =	vmin.f32 v6, v12;
	v15 =	vmin.f32 v7, v13;
	[tilespmem:s5+$0x2680] =	vst v11  }
0x73: {  	[tilespmem:s5+$0x2C00] =	vst v14;
	v13 =	vsub.f32 v12, v11;
	v14 =	vsub.f32 v15, v14  }
0x74: {  	[tilespmem:s5+$0x3180] =	vst v12  }
0x75: {  	s1 =	sadd.s32 $0x3800, s1;
	s6 =	simm.s32 $0x100;
	s7 =	simm.s32 $0x40;
	v11 =	vld [tilespmem:s5+$0x0];
	[tilespmem:s5+$0x3700] =	vst v15;
	v12 =	vadd.f32 $1.000000000e+00, v13;
	v13 =	vadd.f32 $1.000000000e+00, v14  }
.LBB2_1:
0x76: {  	s8 =	sadd.s32 s7, s4  }
0x77: {  	p0 =	sne.s32 s6, $0x1500;
	vm0 =	vlt.u32 v5, $0x57E4;
	s9 =	smov.u32 s6;
	s6 =	sadd.s32 $0x100, s6  }
0x78: {  	v5 =	vor.u32 s8, v3;
	s10 =	sadd.s32 $0x10, s8;
	s11 =	sadd.s32 $0x20, s8;
	s8 =	sadd.s32 $0x30, s8;
	vm1 =	vge.f32 v12, v4;
	vm2 =	vge.f32 v13, v4  }
0x79: {  	v12 =	vor.u32 s10, v3;
	v23 =	vor.u32 s11, v3;
	vm1 =	vmand vm1, vm2  }
0x7a: {  	v16 =	vor.u32 s8, v3;
	v13 =	vcvt.s32.f32 v12;
	v17 =	vcvt.s32.f32 v23  }
0x7b: {  	v19 =	vcvt.s32.f32 v5;
	v18 =	vcvt.s32.f32 v16;
	v11 =	vnsel vm1, $0xCE6E6B28, v11  }
0x7c: {  	v14 =	vmul.f32 v13, v0;
	v15 =	vmul.f32 v17, v0;
	v11 =	vnsel vm0, $0xFF61B1E6, v11  }
0x7d: {  	s8 =	sand.u32 $0x7C0, s7;
	v20 =	vmul.f32 v19, v0;
	v21 =	vmul.f32 v18, v0;
	[tilespmem:s5+$0x1B80] =	vst v11  }
0x7e: {  	v24 =	vld [tilespmem:s8+$0x1080];
	v11 =	vtrunc.f32 v14;
	v14 =	vtrunc.f32 v15  }
0x7f: {  	v15 =	vtrunc.f32 v21;
	v25 =	vld [tilespmem:s8+$0x1600];
	v11 =	vcvt.f32.s32 v11  }
0x80: {  	v14 =	vcvt.f32.s32 v14;
	v21 =	vcvt.f32.s32 v15  }
0x81: {  	v22 =	vtrunc.f32 v20;
	v11 =	vcvt.s32.f32 v11  }
0x82: {  	v15 =	vcvt.s32.f32 v14;
	v14 =	vcvt.s32.f32 v21  }
0x83: {  	v20 =	vmax.f32 v24, $-1.000000000e+01;
	v21 =	vmul.f32 $2.500000000e+03, v11;
	v24 =	vmul.f32 v11, v2  }
0x84: {  	v26 =	vmul.f32 $2.500000000e+03, v15;
	v27 =	vmul.f32 $2.500000000e+03, v14;
	v25 =	vmax.f32 v25, $-1.000000000e+01  }
0x85: {  	v28 =	vmul.f32 v15, v2;
	v29 =	vmul.f32 v14, v2;
	v13 =	vsub.f32 v13, v21  }
0x86: {  	v24 =	vtrunc.f32 v24;
	v17 =	vsub.f32 v17, v26;
	v18 =	vsub.f32 v18, v27  }
0x87: {  	v21 =	vmin.f32 v20, $4.135000230e+00;
	v24 =	vcvt.f32.s32 v24;
	v26 =	vmul.f32 v13, v1  }
0x88: {  	v20 =	vmin.f32 v25, $4.135000230e+00;
	v27 =	vtrunc.f32 v29;
	v25 =	vmul.f32 v17, v1  }
0x89: {  	v27 =	vcvt.f32.s32 v27;
	v26 =	vtrunc.f32 v26  }
0x8a: {  	vm0 =	vlt.u32 v23, $0x57E4;
	v28 =	vtrunc.f32 v28;
	v25 =	vtrunc.f32 v25  }
0x8b: {  	vm2 =	veq.s32 v27, $0x1;
	v23 =	vcvt.f32.s32 v26;
	v26 =	vcvt.f32.s32 v25  }
0x8c: {  	vm1 =	veq.s32 v24, $0x1;
	vm4 =	veq.s32 v27, $0x0;
	v25 =	vcvt.s32.f32 v27  }
0x8d: {  	v29 =	vsel vm2, $0x41800000, v9;
	v27 =	vsel vm1, $0x41800000, v9;
	v23 =	vcvt.s32.f32 v23  }
0x8e: {  	v28 =	vcvt.f32.s32 v28;
	v30 =	vcvt.s32.f32 v24;
	v29 =	vsel vm4, $0x41400000, v29  }
0x8f: {  	v32 =	vmul.f32 v18, v1;
	v33 =	vsel vm2, $0x41800000, v8;
	v31 =	vmul.f32 $5.000000000e+01, v23  }
0x90: {  	s5 =	sshra.s32 s9, $0x2;
	v34 =	vcvt.s32.f32 v28;
	vm3 =	veq.s32 v28, $0x1;
	v30 =	vmul.f32 $3.000000000e+00, v30  }
0x91: {  	v33 =	vsel vm4, $0x41B80000, v33;
	v25 =	vmul.f32 $3.000000000e+00, v25;
	v31 =	vsub.f32 v13, v31;
	v35 =	vld [tilespmem:s5+$0x10A0]  }
0x92: {  	vm2 =	veq.s32 v24, $0x0;
	v24 =	vmul.f32 $3.000000000e+00, v34;
	v30 =	vsub.f32 v11, v30;
	v34 =	vld [tilespmem:s5+$0xB30]  }
0x93: {  	v32 =	vtrunc.f32 v32;
	v36 =	vsub.f32 v14, v25;
	v31 =	vmul.f32 $1.600000000e+01, v31;
	v37 =	vld [tilespmem:s5+$0x1630]  }
0x94: {  	v27 =	vsel vm2, $0x41400000, v27;
	v24 =	vsub.f32 v15, v24;
	vm4 =	veq.f32 v30, $1.000000000e+00;
	v38 =	vld [tilespmem:s5+$0x1090]  }
0x95: {  	v39 =	vsel vm4, $0x41800000, v10;
	vm4 =	veq.f32 v36, $1.000000000e+00;
	v25 =	vadd.f32 $8.000000000e+00, v31;
	v31 =	vld [tilespmem:s5+$0x10B0]  }
0x96: {  	v32 =	vcvt.f32.s32 v32;
	vm5 =	veq.f32 v30, $0.0e+00;
	v40 =	vsel vm4, $0x41800000, v10;
	v30 =	vld [tilespmem:s5+$0x1620]  }
0x97: {  	vm6 =	veq.f32 v24, $1.000000000e+00;
	vm4 =	veq.f32 v24, $0.0e+00;
	v24 =	vmax.f32 v35, $-1.000000000e+01  }
0x98: {  	v32 =	vcvt.s32.f32 v32;
	v35 =	vsel vm6, $0x41800000, v10;
	v37 =	vmax.f32 v37, $-1.000000000e+01  }
0x99: {  	vm6 =	veq.f32 v36, $0.0e+00;
	v38 =	vmax.f32 v38, $-1.000000000e+01;
	v36 =	vmin.f32 v37, $4.135000230e+00  }
0x9a: {  	v41 =	vmul.f32 $1.600000000e+01, v32;
	v24 =	vmin.f32 v24, $4.135000230e+00;
	v37 =	vmin.f32 v38, $4.135000230e+00;
	v38 =	vld [tilespmem:s5+$0x1610]  }
0x9b: {  	v36 =	vmul.f32 $1.442695020e+00, v36;
	v37 =	vmul.f32 $1.442695020e+00, v37;
	v30 =	vmax.f32 v30, $-1.000000000e+01  }
0x9c: {  	v32 =	vmul.f32 $5.000000000e+01, v32;
	v24 =	vmul.f32 $1.442695020e+00, v24;
	v30 =	vmin.f32 v30, $4.135000230e+00  }
0x9d: {  	v40 =	vsel vm6, $0x41000000, v40;
	v30 =	vmul.f32 $1.442695020e+00, v30;
	(erf) = vpow2.f32 v36  }
0x9e: {  	v26 =	vcvt.s32.f32 v26;
	v32 =	vsub.f32 v18, v32;
	v29 =	vmul.f32 v40, v29  }
0x9f: {  	v33 =	vmul.f32 v40, v33;
	v36 =	vmax.f32 v38, $-1.000000000e+01;
	(erf) = vpow2.f32 v24  }
0xa0: {  	v32 =	vmul.f32 $1.600000000e+01, v32;
	v34 =	vmul.f32 v34, v29;
	v24 =	vld [tilespmem:s5+$0xB10];
	v36 =	vmin.f32 v36, $4.135000230e+00  }
0xa1: {  	v38 =	vsel vm5, $0x41000000, v39;
	v39 =	vmul.f32 $1.600000000e+01, v26;
	(erf) = vpow2.f32 v30  }
0xa2: {  	v26 =	vmul.f32 $5.000000000e+01, v26;
	v30 =	vadd.f32 $8.000000000e+00, v32;
	(erf) = vpow2.f32 v37  }
0xa3: {  	v27 =	vmul.f32 v38, v27;
	v42 =	vmul.f32 $1.442695020e+00, v36;
	v36 =	vsel vm3, $0x41800000, v9;
	v37 =	vld [tilespmem:s5+$0x5B0]  }
0xa4: {  	v35 =	vsel vm4, $0x41000000, v35;
	v26 =	vsub.f32 v17, v26;
	v39 =	vadd.f32 $8.000000000e+00, v39;
	v40 =	vld [tilespmem:s5+$0xB20]  }
0xa5: {  	vm4 =	veq.s32 v28, $0x0;
	v28 =	vsel vm3, $0x41800000, v8;
	v24 =	vmul.f32 v24, v27  }
0xa6: {  	v28 =	vsel vm4, $0x41B80000, v28;
	v36 =	vsel vm4, $0x41400000, v36;
	(erf) = vpow2.f32 v42;
	v32 =	vpop (erf)  }
0xa7: {  	v41 =	vadd.f32 $8.000000000e+00, v41;
	v28 =	vmul.f32 v35, v28;
	v42 =	vld [tilespmem:s5+$0x5A0];
	v29 =	vmul.f32 v32, v29  }
0xa8: {  	v31 =	vmax.f32 v31, $-1.000000000e+01;
	v26 =	vmul.f32 $1.600000000e+01, v26;
	v32 =	vmul.f32 v35, v36;
	v35 =	vpop (erf)  }
0xa9: {  	v34 =	vadd.f32 v34, v41;
	v43 =	vmul.f32 v37, v33;
	v29 =	vmul.f32 $5.000000000e-01, v29  }
0xaa: {  	v31 =	vmin.f32 v31, $4.135000230e+00;
	v37 =	vmul.f32 v40, v32;
	v35 =	vmul.f32 v35, v28;
	v40 =	vpop (erf)  }
0xab: {  	v31 =	vmul.f32 $1.442695020e+00, v31;
	v30 =	vadd.f32 v43, v30;
	v32 =	vmul.f32 v40, v32;
	v36 =	vpop (erf)  }
0xac: {  	v26 =	vadd.f32 $8.000000000e+00, v26;
	v40 =	vsub.f32 v34, v29;
	v28 =	vmul.f32 v42, v28  }
0xad: {  	v23 =	vmul.f32 $1.600000000e+01, v23;
	v35 =	vmul.f32 $5.000000000e-01, v35;
	v29 =	vadd.f32 v29, v34  }
0xae: {  	v26 =	vadd.f32 v28, v26;
	v28 =	vmul.f32 $5.000000000e-01, v32;
	(erf) = vpow2.f32 v31  }
0xaf: {  	v31 =	vsel vm1, $0x41800000, v8;
	v32 =	vadd.f32 $8.000000000e+00, v23;
	v23 =	vadd.f32 v37, v39;
	v34 =	vpop (erf)  }
0xb0: {  	v27 =	vmul.f32 v34, v27;
	v34 =	vsub.f32 v26, v35;
	v26 =	vadd.f32 v35, v26  }
0xb1: {  	v31 =	vsel vm2, $0x41B80000, v31;
	v37 =	vsub.f32 v23, v28;
	v28 =	vadd.f32 v28, v23;
	v35 =	vld [tilespmem:s5+$0x590]  }
0xb2: {  	v32 =	vadd.f32 v24, v32;
	v23 =	vld [tilespmem:s8+$0xB00];
	v27 =	vmul.f32 $5.000000000e-01, v27;
	v34 =	vmax.f32 v34, $0.0e+00  }
0xb3: {  	v26 =	vmax.f32 v26, $0.0e+00;
	v37 =	vmax.f32 v37, $0.0e+00;
	v24 =	vld [tilespmem:s8+$0x580];
	v34 =	vmin.f32 v6, v34  }
0xb4: {  	v31 =	vmul.f32 v38, v31;
	v38 =	vsub.f32 v32, v27;
	v27 =	vadd.f32 v27, v32;
	[tilespmem:s5+$0x26A0] =	vst v34  }
0xb5: {  	v28 =	vmax.f32 v28, $0.0e+00;
	v39 =	vmin.f32 v6, v26;
	v32 =	vmin.f32 v7, v37  }
0xb6: {  	v34 =	vsub.f32 v39, v34;
	v35 =	vmul.f32 v35, v31;
	v31 =	vmul.f32 v36, v31;
	[tilespmem:s5+$0x2C20] =	vst v32  }
0xb7: {  	v28 =	vmin.f32 v7, v28;
	v36 =	vmax.f32 v38, $0.0e+00;
	v27 =	vmax.f32 v27, $0.0e+00;
	[tilespmem:s5+$0x31A0] =	vst v39;
	v26 =	vpop (erf)  }
0xb8: {  	v32 =	vsub.f32 v28, v32;
	v27 =	vmin.f32 v7, v27;
	[tilespmem:s5+$0x3720] =	vst v28;
	v26 =	vmul.f32 v26, v33  }
0xb9: {  	v25 =	vadd.f32 v35, v25;
	v28 =	vmul.f32 $5.000000000e-01, v31;
	v31 =	vmin.f32 v7, v36;
	[tilespmem:s5+$0x3710] =	vst v27  }
0xba: {  	v33 =	vadd.f32 $1.000000000e+00, v34;
	v34 =	vmax.f32 v40, $0.0e+00;
	[tilespmem:s5+$0x2C10] =	vst v31;
	v26 =	vmul.f32 $5.000000000e-01, v26  }
0xbb: {  	v29 =	vmax.f32 v29, $0.0e+00;
	v32 =	vadd.f32 $1.000000000e+00, v32;
	v35 =	vsub.f32 v25, v28  }
0xbc: {  	v27 =	vsub.f32 v27, v31;
	v25 =	vadd.f32 v28, v25;
	vm1 =	vge.f32 v33, v4  }
0xbd: {  	v22 =	vcvt.f32.s32 v22;
	vm2 =	vge.f32 v32, v4;
	v28 =	vmax.f32 v35, $0.0e+00  }
0xbe: {  	v27 =	vadd.f32 $1.000000000e+00, v27;
	v32 =	vsub.f32 v30, v26;
	v28 =	vmin.f32 v6, v28;
	v31 =	vld [tilespmem:s5+$0x20]  }
0xbf: {  	vm1 =	vmand vm1, vm2;
	v25 =	vmax.f32 v25, $0.0e+00;
	v26 =	vadd.f32 v26, v30;
	[tilespmem:s5+$0x2690] =	vst v28  }
0xc0: {  	v29 =	vmin.f32 v7, v29;
	v30 =	vmin.f32 v7, v34;
	v25 =	vmin.f32 v6, v25  }
0xc1: {  	v33 =	vsub.f32 v29, v30;
	v32 =	vmax.f32 v32, $0.0e+00;
	v26 =	vmax.f32 v26, $0.0e+00;
	[tilespmem:s5+$0x3190] =	vst v25  }
0xc2: {  	v22 =	vcvt.s32.f32 v22;
	v32 =	vmin.f32 v6, v32;
	v26 =	vmin.f32 v6, v26;
	[tilespmem:s5+$0x2C30] =	vst v30  }
0xc3: {  	v25 =	vsub.f32 v25, v28;
	v30 =	vsub.f32 v26, v32;
	v28 =	vnsel vm1, $0xCE6E6B28, v31;
	[tilespmem:s5+$0x26B0] =	vst v32  }
0xc4: {  	v31 =	vmul.f32 $2.500000000e+03, v22;
	v32 =	vadd.f32 $1.000000000e+00, v33;
	v28 =	vnsel vm0, $0xFF61B1E6, v28;
	[tilespmem:s5+$0x31B0] =	vst v26  }
0xc5: {  	v26 =	vmul.f32 v22, v2;
	vm0 =	vge.f32 v27, v4;
	v27 =	vadd.f32 $1.000000000e+00, v30;
	[tilespmem:s5+$0x1BA0] =	vst v28;
	v28 =	vld [tilespmem:s5+$0x30]  }
0xc6: {  	v21 =	vmul.f32 $1.442695020e+00, v21;
	v25 =	vadd.f32 $1.000000000e+00, v25;
	v19 =	vsub.f32 v19, v31;
	[tilespmem:s5+$0x3730] =	vst v29  }
0xc7: {  	v20 =	vmul.f32 $1.442695020e+00, v20;
	vm1 =	vlt.u32 v16, $0x57E4;
	v26 =	vtrunc.f32 v26  }
0xc8: {  	vm3 =	vge.f32 v32, v4;
	vm2 =	vge.f32 v27, v4;
	(erf) = vpow2.f32 v21  }
0xc9: {  	v16 =	vmul.f32 v19, v1;
	vm2 =	vmand vm2, vm3;
	v21 =	vcvt.f32.s32 v26;
	v26 =	vld [tilespmem:s5+$0x10]  }
0xca: {  	v27 =	vmul.f32 $9.000000000e+00, v19;
	v28 =	vnsel vm2, $0xCE6E6B28, v28;
	(erf) = vpow2.f32 v20  }
0xcb: {  	v16 =	vtrunc.f32 v16;
	v20 =	vcvt.s32.f32 v21;
	v28 =	vnsel vm1, $0xFF61B1E6, v28  }
0xcc: {  	v27 =	vadd.f32 v22, v27;
	vm2 =	vge.f32 v25, v4;
	vm1 =	veq.s32 v21, $0x1;
	[tilespmem:s5+$0x1BB0] =	vst v28  }
0xcd: {  	v16 =	vcvt.f32.s32 v16;
	vm0 =	vmand vm2, vm0;
	v20 =	vmul.f32 $3.000000000e+00, v20  }
0xce: {  	v25 =	vsel vm1, $0x41800000, v8;
	v28 =	vsel vm1, $0x41800000, v9;
	[tilespmem:s5+$0x2100] =	vst v27;
	v26 =	vnsel vm0, $0xCE6E6B28, v26  }
0xcf: {  	v16 =	vcvt.s32.f32 v16;
	v20 =	vsub.f32 v22, v20;
	vm0 =	vlt.u32 v12, $0x57E4  }
0xd0: {  	v18 =	vmul.f32 $9.000000000e+00, v18;
	v17 =	vmul.f32 $9.000000000e+00, v17;
	v26 =	vnsel vm0, $0xFF61B1E6, v26  }
0xd1: {  	v22 =	vmul.f32 $5.000000000e+01, v16;
	vm0 =	veq.s32 v21, $0x0;
	vm1 =	veq.f32 v20, $1.000000000e+00;
	[tilespmem:s5+$0x1B90] =	vst v26;
	v12 =	vpop (erf)  }
0xd2: {  	v21 =	vsel vm0, $0x41400000, v28;
	vm2 =	veq.f32 v20, $0.0e+00;
	v20 =	vsel vm1, $0x41800000, v10  }
0xd3: {  	v19 =	vsub.f32 v19, v22;
	v22 =	vsel vm0, $0x41B80000, v25;
	v20 =	vsel vm2, $0x41000000, v20;
	v25 =	vpop (erf)  }
0xd4: {  	v15 =	vadd.f32 v15, v17;
	v22 =	vmul.f32 v20, v22;
	v20 =	vmul.f32 v20, v21  }
0xd5: {  	v14 =	vadd.f32 v14, v18;
	v16 =	vmul.f32 $1.600000000e+01, v16;
	v17 =	vmul.f32 $1.600000000e+01, v19  }
0xd6: {  	v18 =	vmul.f32 v24, v22;
	v19 =	vmul.f32 v23, v20;
	[tilespmem:s5+$0x2120] =	vst v15  }
0xd7: {  	v12 =	vmul.f32 v12, v22;
	v15 =	vadd.f32 $8.000000000e+00, v17;
	v17 =	vmul.f32 v25, v20;
	[tilespmem:s5+$0x2130] =	vst v14  }
0xd8: {  	v13 =	vmul.f32 $9.000000000e+00, v13;
	v14 =	vadd.f32 $8.000000000e+00, v16  }
0xd9: {  	v12 =	vmul.f32 $5.000000000e-01, v12;
	v15 =	vadd.f32 v18, v15;
	v16 =	vmul.f32 $5.000000000e-01, v17  }
0xda: {  	v11 =	vadd.f32 v11, v13;
	v14 =	vadd.f32 v19, v14  }
0xdb: {  	v13 =	vsub.f32 v15, v12;
	v12 =	vadd.f32 v12, v15  }
0xdc: {  	v15 =	vsub.f32 v14, v16;
	v14 =	vadd.f32 v16, v14;
	[tilespmem:s5+$0x2110] =	vst v11  }
0xdd: {  	v11 =	vmax.f32 v13, $0.0e+00;
	v12 =	vmax.f32 v12, $0.0e+00  }
.Ltmp0:
0xde: {  	v11 =	vmin.f32 v6, v11;
	v13 =	vmax.f32 v15, $0.0e+00;
	v14 =	vmax.f32 v14, $0.0e+00;
	(pc) =	sbr.rel @p0 .LBB2_1-.Ltmp0, $4  }
0xdf: {  	v12 =	vmin.f32 v6, v12;
	v13 =	vmin.f32 v7, v13;
	v14 =	vmin.f32 v7, v14;
	[tilespmem:s5+$0x2680] =	vst v11  }
0xe0: {  	v11 =	vsub.f32 v12, v11;
	v15 =	vsub.f32 v14, v13;
	[tilespmem:s5+$0x2C00] =	vst v13  }
0xe1: {  	[tilespmem:s5+$0x3180] =	vst v12  }
0xe2: {  	s7 =	sadd.s32 $0x40, s7;
	v12 =	vadd.f32 $1.000000000e+00, v11;
	v13 =	vadd.f32 $1.000000000e+00, v15;
	v11 =	vld [tilespmem:s5+$0x0];
	[tilespmem:s5+$0x3700] =	vst v14  }
0xe3: {  	_ =	sdelay $0x1  }
0xe4: {  	vm0 =	vge.f32 v12, v4;
	vm1 =	vge.f32 v13, v4  }
0xe5: {  	vm0 =	vmand vm0, vm1  }
0xe6: {  	vm15 =	vlt.u32 v5, $0x57E4;
	v0 =	vnsel vm0, $0xCE6E6B28, v11  }
0xe7: {  	v1 =	vimm.s32 $0xEFCDAB89;
	v0 =	vnsel vm15, $0xFF61B1E6, v0  }
0xe8: {  	v3 =	vimm.s32 $0x67452301;
	[tilespmem:s5+$0x1B80] =	vst v0;
	v0 =	vimm.f32 $-3.000000010e+38  }
0xe9: {  	v2 =	vimm.f32 $0.0e+00;
	v6 =	vimm.s32 $0xBA98FEDC;
	v7 =	vimm.s32 $0x32107654;
	[tilespmem:$0x3D00] =	vst v0  }
0xea: {  	v5 =	vimm.f32 $9.000000000e+00;
	v8 =	vimm.s32 $0xFEDCBA98;
	v9 =	vimm.s32 $0x76543210;
	[tilespmem:$0x3D20] =	vst v2  }
0xeb: {  	v1 =	vunpack.c.l.s4.s8 v1;
	v4 =	vimm.s32 $0xDCFE98BA;
	(erf) = vrcp.f32 v5;
	[tilespmem:$0x3D30] =	vst v2  }
0xec: {  	v3 =	vunpack.c.l.s4.s8 v3;
	v5 =	vimm.s32 $0x54761032;
	v6 =	vunpack.c.l.s4.s8 v6;
	[tilespmem:$0x3D40] =	vst v2  }
0xed: {  	v7 =	vunpack.c.l.s4.s8 v7;
	v8 =	vunpack.c.l.s4.s8 v8;
	v4 =	vunpack.c.l.s4.s8 v4;
	[tilespmem:$0x3D50] =	vst v2  }
0xee: {  	v5 =	vunpack.c.l.s4.s8 v5;
	v1 =	vunpack.c.0.s8.s32 v1;
	v3 =	vunpack.c.0.s8.s32 v3;
	[tilespmem:$0x3D60] =	vst v2  }
0xef: {  	v9 =	vunpack.c.l.s4.s8 v9;
	v6 =	vunpack.c.0.s8.s32 v6;
	v7 =	vunpack.c.0.s8.s32 v7;
	[tilespmem:$0x3D70] =	vst v2  }
0xf0: {  	v4 =	vunpack.c.0.s8.s32 v4;
	v5 =	vunpack.c.0.s8.s32 v5;
	v3 =	vcombine.low v3, v1;
	[tilespmem:$0x3D80] =	vst v2  }
0xf1: {  	s31 =	scvt.s32.f32 s4;
	v8 =	vunpack.c.0.s8.s32 v8;
	[tilespmem:$0x3D90] =	vst v2  }
0xf2: {  	s4 =	simm.s32 $0x0;
	v4 =	vcombine.low v5, v4;
	v5 =	vcombine.low v7, v6;
	v6 =	vunpack.c.0.s8.s32 v9;
	[tilespmem:$0x3DA0] =	vst v2  }
0xf3: {  	s6 =	simm.s32 $0x3D00;
	s7 =	simm.s32 $0x2680;
	s8 =	simm.s32 $0x2C00;
	v1 =	vmov s31;
	v7 =	vand.u32 $0xF, v8;
	[tilespmem:$0x3DB0] =	vst v2;
	v2 =	vand.u32 $0xF, v3  }
0xf4: {  	s9 =	simm.s32 $0x3180;
	s10 =	simm.s32 $0x3700;
	s5 =	simm.s32 $0x1B80;
	[tilespmem:$0x3D10] =	vst v0;
	v4 =	vand.u32 $0xF, v4;
	v5 =	vand.u32 $0xF, v5;
	v6 =	vcombine.low v7, v6;
	v3 =	vpop (erf)  }
.LBB2_3:
0xf5: {  	v7 =	vld [tilespmem:$0x1B80]  }
0xf6: {  	v8 =	vld [tilespmem:$0x2100]  }
0xf7: {  	v9 =	vld [tilespmem:$0x1B90]  }
0xf8: {  	v10 =	vld [tilespmem:$0x2110]  }
0xf9: {  	v11 =	vld [tilespmem:$0x1BA0]  }
0xfa: {  	v12 =	vld [tilespmem:$0x2120]  }
0xfb: {  	v13 =	vld [tilespmem:$0x1BB0]  }
0xfc: {  	v14 =	vld [tilespmem:$0x2130]  }
0xfd: {  	vm0 =	veq.f32 v7, $-3.000000010e+38  }
0xfe: {  	vm1 =	vlt.f32 v8, $0.0e+00;
	vm2 =	vgt.f32 v7, $-3.000000010e+38;
	vm9 =	vgt.f32 v9, $-3.000000010e+38  }
0xff: {  	v15 =	vld [tilespmem:$0x1BC0];
	vm10 =	veq.f32 v9, $-3.000000010e+38;
	vm11 =	vlt.f32 v10, $0.0e+00;
	vm12 =	veq.f32 v11, $-3.000000010e+38  }
0x100: {  	v16 =	vld [tilespmem:$0x2140];
	vm3 =	vlt.f32 v12, $0.0e+00;
	vm13 =	vgt.f32 v11, $-3.000000010e+38;
	vm14 =	veq.f32 v13, $-3.000000010e+38  }
0x101: {  	v17 =	vld [tilespmem:$0x1BD0];
	vm15 =	vlt.f32 v14, $0.0e+00;
	vm6 =	vgt.f32 v13, $-3.000000010e+38;
	vm0 =	vmand vm0, vm1  }
0x102: {  	v18 =	vld [tilespmem:$0x2150];
	vm1 =	vmand vm10, vm11;
	vm0 =	vmor vm2, vm0;
	vm2 =	vmand vm12, vm3  }
0x103: {  	v19 =	vld [tilespmem:$0x1BE0];
	v7 =	vnsel vm0, $0xFF61B1E6, v7;
	v8 =	vnsel vm0, $0x0, v8;
	vm0 =	vmor vm9, vm1  }
0x104: {  	v20 =	vld [tilespmem:$0x2160];
	vm1 =	vmor vm13, vm2;
	vm2 =	vmand vm14, vm15;
	v9 =	vnsel vm0, $0xFF61B1E6, v9  }
0x105: {  	v21 =	vld [tilespmem:$0x1BF0];
	v10 =	vnsel vm0, $0x0, v10;
	v11 =	vnsel vm1, $0xFF61B1E6, v11;
	vm7 =	vmor vm6, vm2  }
0x106: {  	v22 =	vld [tilespmem:$0x2170];
	v12 =	vnsel vm1, $0x0, v12;
	vm8 =	vgt.f32 v15, v7;
	vm9 =	veq.f32 v15, v7  }
0x107: {  	vm10 =	vlt.f32 v16, v8;
	v13 =	vnsel vm7, $0xFF61B1E6, v13;
	v14 =	vnsel vm7, $0x0, v14  }
0x108: {  	vm1 =	vmand vm9, vm10;
	vm11 =	veq.f32 v17, v9;
	vm12 =	vlt.f32 v18, v10  }
0x109: {  	v23 =	vld [tilespmem:$0x1C00];
	vm13 =	vgt.f32 v17, v9;
	vm14 =	veq.f32 v19, v11;
	vm15 =	vlt.f32 v20, v12  }
0x10a: {  	v24 =	vld [tilespmem:$0x2180];
	vm6 =	vgt.f32 v19, v11;
	vm0 =	vmor vm8, vm1;
	vm2 =	vmand vm11, vm12  }
0x10b: {  	v43 =	vld [tilespmem:$0x1C10];
	vm8 =	vgt.f32 v21, v13;
	vm9 =	veq.f32 v21, v13;
	vm10 =	vlt.f32 v22, v14  }
0x10c: {  	v44 =	vld [tilespmem:$0x2190];
	vm1 =	vmor vm13, vm2;
	v7 =	vsel vm0, v15, v7;
	vm2 =	vmand vm14, vm15  }
0x10d: {  	v8 =	vsel vm0, v16, v8;
	v9 =	vsel vm1, v17, v9;
	vm7 =	vmor vm6, vm2  }
0x10e: {  	v45 =	vld [tilespmem:$0x1C20];
	v10 =	vsel vm1, v18, v10;
	vm1 =	vmand vm9, vm10;
	vm11 =	veq.f32 v23, v7  }
0x10f: {  	v46 =	vld [tilespmem:$0x21A0];
	vm12 =	vlt.f32 v24, v8;
	vm13 =	vgt.f32 v23, v7;
	v11 =	vsel vm7, v19, v11  }
0x110: {  	v47 =	vld [tilespmem:$0x1C30];
	v12 =	vsel vm7, v20, v12;
	vm0 =	vmor vm8, vm1;
	vm2 =	vmand vm11, vm12  }
0x111: {  	v48 =	vld [tilespmem:$0x21B0];
	vm14 =	veq.f32 v43, v9;
	vm15 =	vlt.f32 v44, v10;
	vm6 =	vgt.f32 v43, v9  }
0x112: {  	v49 =	vld [tilespmem:$0x1C40];
	vm1 =	vmor vm13, vm2;
	v13 =	vsel vm0, v21, v13;
	vm2 =	vmand vm14, vm15  }
0x113: {  	v50 =	vld [tilespmem:$0x21C0];
	v14 =	vsel vm0, v22, v14;
	vm8 =	vgt.f32 v45, v11;
	vm9 =	veq.f32 v45, v11  }
0x114: {  	vm10 =	vlt.f32 v46, v12;
	v7 =	vsel vm1, v23, v7;
	vm7 =	vmor vm6, vm2  }
0x115: {  	v51 =	vld [tilespmem:$0x1C50];
	v8 =	vsel vm1, v24, v8;
	vm1 =	vmand vm9, vm10;
	vm11 =	veq.f32 v47, v13  }
0x116: {  	v52 =	vld [tilespmem:$0x21D0];
	vm12 =	vlt.f32 v48, v14;
	vm13 =	vgt.f32 v47, v13;
	v9 =	vsel vm7, v43, v9  }
0x117: {  	v53 =	vld [tilespmem:$0x1C60];
	v10 =	vsel vm7, v44, v10;
	vm0 =	vmor vm8, vm1;
	vm2 =	vmand vm11, vm12  }
0x118: {  	v54 =	vld [tilespmem:$0x21E0];
	vm14 =	veq.f32 v49, v7;
	vm15 =	vlt.f32 v50, v8;
	vm6 =	vgt.f32 v49, v7  }
0x119: {  	v55 =	vld [tilespmem:$0x1C70];
	vm1 =	vmor vm13, vm2;
	v11 =	vsel vm0, v45, v11;
	vm2 =	vmand vm14, vm15  }
0x11a: {  	v56 =	vld [tilespmem:$0x21F0];
	v12 =	vsel vm0, v46, v12;
	vm8 =	vgt.f32 v51, v9;
	vm9 =	veq.f32 v51, v9  }
0x11b: {  	vm10 =	vlt.f32 v52, v10;
	v13 =	vsel vm1, v47, v13;
	vm7 =	vmor vm6, vm2  }
0x11c: {  	v57 =	vld [tilespmem:$0x1C80];
	v14 =	vsel vm1, v48, v14;
	vm1 =	vmand vm9, vm10;
	vm11 =	veq.f32 v53, v11  }
0x11d: {  	v58 =	vld [tilespmem:$0x2200];
	vm12 =	vlt.f32 v54, v12;
	vm13 =	vgt.f32 v53, v11;
	v7 =	vsel vm7, v49, v7  }
0x11e: {  	v59 =	vld [tilespmem:$0x1C90];
	v8 =	vsel vm7, v50, v8;
	vm0 =	vmor vm8, vm1;
	vm2 =	vmand vm11, vm12  }
0x11f: {  	v60 =	vld [tilespmem:$0x2210];
	vm14 =	veq.f32 v55, v13;
	vm15 =	vlt.f32 v56, v14;
	vm6 =	vgt.f32 v55, v13  }
0x120: {  	v61 =	vld [tilespmem:$0x1CA0];
	vm1 =	vmor vm13, vm2;
	v9 =	vsel vm0, v51, v9;
	vm2 =	vmand vm14, vm15  }
0x121: {  	v62 =	vld [tilespmem:$0x2220];
	v10 =	vsel vm0, v52, v10;
	vm8 =	vgt.f32 v57, v7;
	vm9 =	veq.f32 v57, v7  }
0x122: {  	vm10 =	vlt.f32 v58, v8;
	v11 =	vsel vm1, v53, v11;
	vm7 =	vmor vm6, vm2  }
0x123: {  	v63 =	vld [tilespmem:$0x1CB0];
	v12 =	vsel vm1, v54, v12;
	vm1 =	vmand vm9, vm10;
	vm11 =	veq.f32 v59, v9  }
0x124: {  	v28 =	vld [tilespmem:$0x2230];
	vm12 =	vlt.f32 v60, v10;
	vm13 =	vgt.f32 v59, v9;
	v13 =	vsel vm7, v55, v13  }
0x125: {  	v29 =	vld [tilespmem:$0x1CC0];
	v14 =	vsel vm7, v56, v14;
	vm0 =	vmor vm8, vm1;
	vm2 =	vmand vm11, vm12  }
0x126: {  	v30 =	vld [tilespmem:$0x2240];
	vm14 =	veq.f32 v61, v11;
	vm15 =	vlt.f32 v62, v12;
	vm6 =	vgt.f32 v61, v11  }
0x127: {  	v31 =	vld [tilespmem:$0x1CD0];
	vm1 =	vmor vm13, vm2;
	v7 =	vsel vm0, v57, v7;
	vm2 =	vmand vm14, vm15  }
0x128: {  	v32 =	vld [tilespmem:$0x2250];
	v8 =	vsel vm0, v58, v8;
	vm8 =	vgt.f32 v63, v13;
	vm9 =	veq.f32 v63, v13  }
0x129: {  	vm10 =	vlt.f32 v28, v14;
	v9 =	vsel vm1, v59, v9;
	vm7 =	vmor vm6, vm2  }
0x12a: {  	v33 =	vld [tilespmem:$0x1CE0];
	v10 =	vsel vm1, v60, v10;
	vm1 =	vmand vm9, vm10;
	vm11 =	veq.f32 v29, v7  }
0x12b: {  	v34 =	vld [tilespmem:$0x2260];
	vm12 =	vlt.f32 v30, v8;
	vm13 =	vgt.f32 v29, v7;
	v11 =	vsel vm7, v61, v11  }
0x12c: {  	v35 =	vld [tilespmem:$0x1CF0];
	v12 =	vsel vm7, v62, v12;
	vm0 =	vmor vm8, vm1;
	vm2 =	vmand vm11, vm12  }
0x12d: {  	v36 =	vld [tilespmem:$0x2270];
	vm14 =	veq.f32 v31, v9;
	vm15 =	vlt.f32 v32, v10;
	vm6 =	vgt.f32 v31, v9  }
0x12e: {  	v37 =	vld [tilespmem:$0x1D00];
	vm1 =	vmor vm13, vm2;
	v13 =	vsel vm0, v63, v13;
	vm2 =	vmand vm14, vm15  }
0x12f: {  	v38 =	vld [tilespmem:$0x2280];
	v14 =	vsel vm0, v28, v14;
	vm8 =	vgt.f32 v33, v11;
	vm9 =	veq.f32 v33, v11  }
0x130: {  	vm10 =	vlt.f32 v34, v12;
	v7 =	vsel vm1, v29, v7;
	vm7 =	vmor vm6, vm2  }
0x131: {  	v39 =	vld [tilespmem:$0x1D10];
	v8 =	vsel vm1, v30, v8;
	vm1 =	vmand vm9, vm10;
	vm11 =	veq.f32 v35, v13  }
0x132: {  	v40 =	vld [tilespmem:$0x2290];
	vm12 =	vlt.f32 v36, v14;
	vm13 =	vgt.f32 v35, v13;
	v9 =	vsel vm7, v31, v9  }
0x133: {  	v41 =	vld [tilespmem:$0x1D20];
	v10 =	vsel vm7, v32, v10;
	vm0 =	vmor vm8, vm1;
	vm2 =	vmand vm11, vm12  }
0x134: {  	v42 =	vld [tilespmem:$0x22A0];
	vm14 =	veq.f32 v37, v7;
	vm15 =	vlt.f32 v38, v8;
	vm6 =	vgt.f32 v37, v7  }
0x135: {  	v43 =	vld [tilespmem:$0x1D30];
	vm1 =	vmor vm13, vm2;
	v11 =	vsel vm0, v33, v11;
	vm2 =	vmand vm14, vm15  }
0x136: {  	v44 =	vld [tilespmem:$0x22B0];
	v12 =	vsel vm0, v34, v12;
	vm8 =	vgt.f32 v39, v9;
	vm9 =	veq.f32 v39, v9  }
0x137: {  	vm10 =	vlt.f32 v40, v10;
	v13 =	vsel vm1, v35, v13;
	vm7 =	vmor vm6, vm2  }
0x138: {  	v45 =	vld [tilespmem:$0x1D40];
	v14 =	vsel vm1, v36, v14;
	vm1 =	vmand vm9, vm10;
	vm11 =	veq.f32 v41, v11  }
0x139: {  	v46 =	vld [tilespmem:$0x22C0];
	vm12 =	vlt.f32 v42, v12;
	vm13 =	vgt.f32 v41, v11;
	v7 =	vsel vm7, v37, v7  }
0x13a: {  	v47 =	vld [tilespmem:$0x1D50];
	v8 =	vsel vm7, v38, v8;
	vm0 =	vmor vm8, vm1;
	vm2 =	vmand vm11, vm12  }
0x13b: {  	v48 =	vld [tilespmem:$0x22D0];
	vm14 =	veq.f32 v43, v13;
	vm15 =	vlt.f32 v44, v14;
	vm6 =	vgt.f32 v43, v13  }
0x13c: {  	v49 =	vld [tilespmem:$0x1D60];
	vm1 =	vmor vm13, vm2;
	v9 =	vsel vm0, v39, v9;
	vm2 =	vmand vm14, vm15  }
0x13d: {  	v50 =	vld [tilespmem:$0x22E0];
	v10 =	vsel vm0, v40, v10;
	vm8 =	vgt.f32 v45, v7;
	vm9 =	veq.f32 v45, v7  }
0x13e: {  	vm10 =	vlt.f32 v46, v8;
	v11 =	vsel vm1, v41, v11;
	vm7 =	vmor vm6, vm2  }
0x13f: {  	v51 =	vld [tilespmem:$0x1D70];
	v12 =	vsel vm1, v42, v12;
	vm1 =	vmand vm9, vm10;
	vm11 =	veq.f32 v47, v9  }
0x140: {  	v52 =	vld [tilespmem:$0x22F0];
	vm12 =	vlt.f32 v48, v10;
	vm13 =	vgt.f32 v47, v9;
	v13 =	vsel vm7, v43, v13  }
0x141: {  	v53 =	vld [tilespmem:$0x1D80];
	v14 =	vsel vm7, v44, v14;
	vm0 =	vmor vm8, vm1;
	vm2 =	vmand vm11, vm12  }
0x142: {  	v54 =	vld [tilespmem:$0x2300];
	vm14 =	veq.f32 v49, v11;
	vm15 =	vlt.f32 v50, v12;
	vm6 =	vgt.f32 v49, v11  }
0x143: {  	v55 =	vld [tilespmem:$0x1D90];
	vm1 =	vmor vm13, vm2;
	v7 =	vsel vm0, v45, v7;
	vm2 =	vmand vm14, vm15  }
0x144: {  	v56 =	vld [tilespmem:$0x2310];
	v8 =	vsel vm0, v46, v8;
	vm8 =	vgt.f32 v51, v13;
	vm9 =	veq.f32 v51, v13  }
0x145: {  	vm10 =	vlt.f32 v52, v14;
	v9 =	vsel vm1, v47, v9;
	vm7 =	vmor vm6, vm2  }
0x146: {  	v57 =	vld [tilespmem:$0x1DA0];
	v10 =	vsel vm1, v48, v10;
	vm1 =	vmand vm9, vm10;
	vm11 =	veq.f32 v53, v7  }
0x147: {  	v58 =	vld [tilespmem:$0x2320];
	vm12 =	vlt.f32 v54, v8;
	vm13 =	vgt.f32 v53, v7;
	v11 =	vsel vm7, v49, v11  }
0x148: {  	v59 =	vld [tilespmem:$0x1DB0];
	v12 =	vsel vm7, v50, v12;
	vm0 =	vmor vm8, vm1;
	vm2 =	vmand vm11, vm12  }
0x149: {  	v60 =	vld [tilespmem:$0x2330];
	vm14 =	veq.f32 v55, v9;
	vm15 =	vlt.f32 v56, v10;
	vm6 =	vgt.f32 v55, v9  }
0x14a: {  	v61 =	vld [tilespmem:$0x1DC0];
	vm1 =	vmor vm13, vm2;
	v13 =	vsel vm0, v51, v13;
	vm2 =	vmand vm14, vm15  }
0x14b: {  	v62 =	vld [tilespmem:$0x2340];
	v14 =	vsel vm0, v52, v14;
	vm8 =	vgt.f32 v57, v11;
	vm9 =	veq.f32 v57, v11  }
0x14c: {  	vm10 =	vlt.f32 v58, v12;
	v7 =	vsel vm1, v53, v7;
	vm7 =	vmor vm6, vm2  }
0x14d: {  	v63 =	vld [tilespmem:$0x1DD0];
	v8 =	vsel vm1, v54, v8;
	vm1 =	vmand vm9, vm10;
	vm11 =	veq.f32 v59, v13  }
0x14e: {  	v28 =	vld [tilespmem:$0x2350];
	vm12 =	vlt.f32 v60, v14;
	vm13 =	vgt.f32 v59, v13;
	v9 =	vsel vm7, v55, v9  }
0x14f: {  	v29 =	vld [tilespmem:$0x1DE0];
	v10 =	vsel vm7, v56, v10;
	vm0 =	vmor vm8, vm1;
	vm2 =	vmand vm11, vm12  }
0x150: {  	v30 =	vld [tilespmem:$0x2360];
	vm14 =	veq.f32 v61, v7;
	vm15 =	vlt.f32 v62, v8;
	vm6 =	vgt.f32 v61, v7  }
0x151: {  	v31 =	vld [tilespmem:$0x1DF0];
	vm1 =	vmor vm13, vm2;
	v11 =	vsel vm0, v57, v11;
	vm2 =	vmand vm14, vm15  }
0x152: {  	v32 =	vld [tilespmem:$0x2370];
	v12 =	vsel vm0, v58, v12;
	vm8 =	vgt.f32 v63, v9;
	vm9 =	veq.f32 v63, v9  }
0x153: {  	vm10 =	vlt.f32 v28, v10;
	v13 =	vsel vm1, v59, v13;
	vm7 =	vmor vm6, vm2  }
0x154: {  	v33 =	vld [tilespmem:$0x1E00];
	v14 =	vsel vm1, v60, v14;
	vm1 =	vmand vm9, vm10;
	vm11 =	veq.f32 v29, v11  }
0x155: {  	v34 =	vld [tilespmem:$0x2380];
	vm12 =	vlt.f32 v30, v12;
	vm13 =	vgt.f32 v29, v11;
	v7 =	vsel vm7, v61, v7  }
0x156: {  	v35 =	vld [tilespmem:$0x1E10];
	v8 =	vsel vm7, v62, v8;
	vm0 =	vmor vm8, vm1;
	vm2 =	vmand vm11, vm12  }
0x157: {  	v36 =	vld [tilespmem:$0x2390];
	vm14 =	veq.f32 v31, v13;
	vm15 =	vlt.f32 v32, v14;
	vm6 =	vgt.f32 v31, v13  }
0x158: {  	v37 =	vld [tilespmem:$0x1E20];
	vm1 =	vmor vm13, vm2;
	v9 =	vsel vm0, v63, v9;
	vm2 =	vmand vm14, vm15  }
0x159: {  	v38 =	vld [tilespmem:$0x23A0];
	v10 =	vsel vm0, v28, v10;
	vm8 =	vgt.f32 v33, v7;
	vm9 =	veq.f32 v33, v7  }
0x15a: {  	vm10 =	vlt.f32 v34, v8;
	v11 =	vsel vm1, v29, v11;
	vm7 =	vmor vm6, vm2  }
0x15b: {  	v39 =	vld [tilespmem:$0x1E30];
	v12 =	vsel vm1, v30, v12;
	vm1 =	vmand vm9, vm10;
	vm11 =	veq.f32 v35, v9  }
0x15c: {  	v40 =	vld [tilespmem:$0x23B0];
	vm12 =	vlt.f32 v36, v10;
	vm13 =	vgt.f32 v35, v9;
	v13 =	vsel vm7, v31, v13  }
0x15d: {  	v41 =	vld [tilespmem:$0x1E40];
	v14 =	vsel vm7, v32, v14;
	vm0 =	vmor vm8, vm1;
	vm2 =	vmand vm11, vm12  }
0x15e: {  	v42 =	vld [tilespmem:$0x23C0];
	vm14 =	veq.f32 v37, v11;
	vm15 =	vlt.f32 v38, v12;
	vm6 =	vgt.f32 v37, v11  }
0x15f: {  	v43 =	vld [tilespmem:$0x1E50];
	vm1 =	vmor vm13, vm2;
	v7 =	vsel vm0, v33, v7;
	vm2 =	vmand vm14, vm15  }
0x160: {  	v44 =	vld [tilespmem:$0x23D0];
	v8 =	vsel vm0, v34, v8;
	vm8 =	vgt.f32 v39, v13;
	vm9 =	veq.f32 v39, v13  }
0x161: {  	vm10 =	vlt.f32 v40, v14;
	v9 =	vsel vm1, v35, v9;
	vm7 =	vmor vm6, vm2  }
0x162: {  	v45 =	vld [tilespmem:$0x1E60];
	v10 =	vsel vm1, v36, v10;
	vm1 =	vmand vm9, vm10;
	vm11 =	veq.f32 v41, v7  }
0x163: {  	v46 =	vld [tilespmem:$0x23E0];
	vm12 =	vlt.f32 v42, v8;
	vm13 =	vgt.f32 v41, v7;
	v11 =	vsel vm7, v37, v11  }
0x164: {  	v47 =	vld [tilespmem:$0x1E70];
	v12 =	vsel vm7, v38, v12;
	vm0 =	vmor vm8, vm1;
	vm2 =	vmand vm11, vm12  }
0x165: {  	v48 =	vld [tilespmem:$0x23F0];
	vm14 =	veq.f32 v43, v9;
	vm15 =	vlt.f32 v44, v10;
	vm6 =	vgt.f32 v43, v9  }
0x166: {  	v49 =	vld [tilespmem:$0x1E80];
	vm1 =	vmor vm13, vm2;
	v13 =	vsel vm0, v39, v13;
	vm2 =	vmand vm14, vm15  }
0x167: {  	v50 =	vld [tilespmem:$0x2400];
	v14 =	vsel vm0, v40, v14;
	vm8 =	vgt.f32 v45, v11;
	vm9 =	veq.f32 v45, v11  }
0x168: {  	vm10 =	vlt.f32 v46, v12;
	v7 =	vsel vm1, v41, v7;
	vm7 =	vmor vm6, vm2  }
0x169: {  	v51 =	vld [tilespmem:$0x1E90];
	v8 =	vsel vm1, v42, v8;
	vm1 =	vmand vm9, vm10;
	vm11 =	veq.f32 v47, v13  }
0x16a: {  	v52 =	vld [tilespmem:$0x2410];
	vm12 =	vlt.f32 v48, v14;
	vm13 =	vgt.f32 v47, v13;
	v9 =	vsel vm7, v43, v9  }
0x16b: {  	v53 =	vld [tilespmem:$0x1EA0];
	v10 =	vsel vm7, v44, v10;
	vm0 =	vmor vm8, vm1;
	vm2 =	vmand vm11, vm12  }
0x16c: {  	v54 =	vld [tilespmem:$0x2420];
	vm14 =	veq.f32 v49, v7;
	vm15 =	vlt.f32 v50, v8;
	vm6 =	vgt.f32 v49, v7  }
0x16d: {  	v55 =	vld [tilespmem:$0x1EB0];
	vm1 =	vmor vm13, vm2;
	v11 =	vsel vm0, v45, v11;
	vm2 =	vmand vm14, vm15  }
0x16e: {  	v56 =	vld [tilespmem:$0x2430];
	v12 =	vsel vm0, v46, v12;
	vm8 =	vgt.f32 v51, v9;
	vm9 =	veq.f32 v51, v9  }
0x16f: {  	vm10 =	vlt.f32 v52, v10;
	v13 =	vsel vm1, v47, v13;
	vm7 =	vmor vm6, vm2  }
0x170: {  	v57 =	vld [tilespmem:$0x1EC0];
	v14 =	vsel vm1, v48, v14;
	vm1 =	vmand vm9, vm10;
	vm11 =	veq.f32 v53, v11  }
0x171: {  	v58 =	vld [tilespmem:$0x2440];
	vm12 =	vlt.f32 v54, v12;
	vm13 =	vgt.f32 v53, v11;
	v7 =	vsel vm7, v49, v7  }
0x172: {  	v59 =	vld [tilespmem:$0x1ED0];
	v8 =	vsel vm7, v50, v8;
	vm0 =	vmor vm8, vm1;
	vm2 =	vmand vm11, vm12  }
0x173: {  	v60 =	vld [tilespmem:$0x2450];
	vm14 =	veq.f32 v55, v13;
	vm15 =	vlt.f32 v56, v14;
	vm6 =	vgt.f32 v55, v13  }
0x174: {  	v61 =	vld [tilespmem:$0x1EE0];
	vm1 =	vmor vm13, vm2;
	v9 =	vsel vm0, v51, v9;
	vm2 =	vmand vm14, vm15  }
0x175: {  	v62 =	vld [tilespmem:$0x2460];
	v10 =	vsel vm0, v52, v10;
	vm8 =	vgt.f32 v57, v7;
	vm9 =	veq.f32 v57, v7  }
0x176: {  	vm10 =	vlt.f32 v58, v8;
	v11 =	vsel vm1, v53, v11;
	vm7 =	vmor vm6, vm2  }
0x177: {  	v63 =	vld [tilespmem:$0x1EF0];
	v12 =	vsel vm1, v54, v12;
	vm1 =	vmand vm9, vm10;
	vm11 =	veq.f32 v59, v9  }
0x178: {  	v28 =	vld [tilespmem:$0x2470];
	vm12 =	vlt.f32 v60, v10;
	vm13 =	vgt.f32 v59, v9;
	v13 =	vsel vm7, v55, v13  }
0x179: {  	v29 =	vld [tilespmem:$0x1F00];
	v14 =	vsel vm7, v56, v14;
	vm0 =	vmor vm8, vm1;
	vm2 =	vmand vm11, vm12  }
0x17a: {  	v30 =	vld [tilespmem:$0x2480];
	vm14 =	veq.f32 v61, v11;
	vm15 =	vlt.f32 v62, v12;
	vm6 =	vgt.f32 v61, v11  }
0x17b: {  	v31 =	vld [tilespmem:$0x1F10];
	vm1 =	vmor vm13, vm2;
	v7 =	vsel vm0, v57, v7;
	vm2 =	vmand vm14, vm15  }
0x17c: {  	v32 =	vld [tilespmem:$0x2490];
	v8 =	vsel vm0, v58, v8;
	vm8 =	vgt.f32 v63, v13;
	vm9 =	veq.f32 v63, v13  }
0x17d: {  	vm10 =	vlt.f32 v28, v14;
	v9 =	vsel vm1, v59, v9;
	vm7 =	vmor vm6, vm2  }
0x17e: {  	v33 =	vld [tilespmem:$0x1F20];
	v10 =	vsel vm1, v60, v10;
	vm1 =	vmand vm9, vm10;
	vm11 =	veq.f32 v29, v7  }
0x17f: {  	v34 =	vld [tilespmem:$0x24A0];
	vm12 =	vlt.f32 v30, v8;
	vm13 =	vgt.f32 v29, v7;
	v11 =	vsel vm7, v61, v11  }
0x180: {  	v35 =	vld [tilespmem:$0x1F30];
	v12 =	vsel vm7, v62, v12;
	vm0 =	vmor vm8, vm1;
	vm2 =	vmand vm11, vm12  }
0x181: {  	v36 =	vld [tilespmem:$0x24B0];
	vm14 =	veq.f32 v31, v9;
	vm15 =	vlt.f32 v32, v10;
	vm6 =	vgt.f32 v31, v9  }
0x182: {  	v37 =	vld [tilespmem:$0x1F40];
	vm1 =	vmor vm13, vm2;
	v13 =	vsel vm0, v63, v13;
	vm2 =	vmand vm14, vm15  }
0x183: {  	v38 =	vld [tilespmem:$0x24C0];
	v14 =	vsel vm0, v28, v14;
	vm8 =	vgt.f32 v33, v11;
	vm9 =	veq.f32 v33, v11  }
0x184: {  	vm10 =	vlt.f32 v34, v12;
	v7 =	vsel vm1, v29, v7;
	vm7 =	vmor vm6, vm2  }
0x185: {  	v39 =	vld [tilespmem:$0x1F50];
	v8 =	vsel vm1, v30, v8;
	vm1 =	vmand vm9, vm10;
	vm11 =	veq.f32 v35, v13  }
0x186: {  	v40 =	vld [tilespmem:$0x24D0];
	vm12 =	vlt.f32 v36, v14;
	vm13 =	vgt.f32 v35, v13;
	v9 =	vsel vm7, v31, v9  }
0x187: {  	v41 =	vld [tilespmem:$0x1F60];
	v10 =	vsel vm7, v32, v10;
	vm0 =	vmor vm8, vm1;
	vm2 =	vmand vm11, vm12  }
0x188: {  	v42 =	vld [tilespmem:$0x24E0];
	vm14 =	veq.f32 v37, v7;
	vm15 =	vlt.f32 v38, v8;
	vm6 =	vgt.f32 v37, v7  }
0x189: {  	v43 =	vld [tilespmem:$0x1F70];
	vm1 =	vmor vm13, vm2;
	v11 =	vsel vm0, v33, v11;
	vm2 =	vmand vm14, vm15  }
0x18a: {  	v44 =	vld [tilespmem:$0x24F0];
	v12 =	vsel vm0, v34, v12;
	vm8 =	vgt.f32 v39, v9;
	vm9 =	veq.f32 v39, v9  }
0x18b: {  	vm10 =	vlt.f32 v40, v10;
	v13 =	vsel vm1, v35, v13;
	vm7 =	vmor vm6, vm2  }
0x18c: {  	v45 =	vld [tilespmem:$0x1F80];
	v14 =	vsel vm1, v36, v14;
	vm1 =	vmand vm9, vm10;
	vm11 =	veq.f32 v41, v11  }
0x18d: {  	v46 =	vld [tilespmem:$0x2500];
	vm12 =	vlt.f32 v42, v12;
	vm13 =	vgt.f32 v41, v11;
	v7 =	vsel vm7, v37, v7  }
0x18e: {  	v47 =	vld [tilespmem:$0x1F90];
	v8 =	vsel vm7, v38, v8;
	vm0 =	vmor vm8, vm1;
	vm2 =	vmand vm11, vm12  }
0x18f: {  	v48 =	vld [tilespmem:$0x2510];
	vm14 =	veq.f32 v43, v13;
	vm15 =	vlt.f32 v44, v14;
	vm6 =	vgt.f32 v43, v13  }
0x190: {  	v49 =	vld [tilespmem:$0x1FA0];
	vm1 =	vmor vm13, vm2;
	v9 =	vsel vm0, v39, v9;
	vm2 =	vmand vm14, vm15  }
0x191: {  	v50 =	vld [tilespmem:$0x2520];
	v10 =	vsel vm0, v40, v10;
	vm8 =	vgt.f32 v45, v7;
	vm9 =	veq.f32 v45, v7  }
0x192: {  	vm10 =	vlt.f32 v46, v8;
	v11 =	vsel vm1, v41, v11;
	vm7 =	vmor vm6, vm2  }
0x193: {  	v51 =	vld [tilespmem:$0x1FB0];
	v12 =	vsel vm1, v42, v12;
	vm1 =	vmand vm9, vm10;
	vm11 =	veq.f32 v47, v9  }
0x194: {  	v52 =	vld [tilespmem:$0x2530];
	vm12 =	vlt.f32 v48, v10;
	vm13 =	vgt.f32 v47, v9;
	v13 =	vsel vm7, v43, v13  }
0x195: {  	v53 =	vld [tilespmem:$0x1FC0];
	v14 =	vsel vm7, v44, v14;
	vm0 =	vmor vm8, vm1;
	vm2 =	vmand vm11, vm12  }
0x196: {  	v54 =	vld [tilespmem:$0x2540];
	vm14 =	veq.f32 v49, v11;
	vm15 =	vlt.f32 v50, v12;
	vm6 =	vgt.f32 v49, v11  }
0x197: {  	v55 =	vld [tilespmem:$0x1FD0];
	vm1 =	vmor vm13, vm2;
	v7 =	vsel vm0, v45, v7;
	vm2 =	vmand vm14, vm15  }
0x198: {  	v56 =	vld [tilespmem:$0x2550];
	v8 =	vsel vm0, v46, v8;
	vm8 =	vgt.f32 v51, v13;
	vm9 =	veq.f32 v51, v13  }
0x199: {  	vm10 =	vlt.f32 v52, v14;
	v9 =	vsel vm1, v47, v9;
	vm7 =	vmor vm6, vm2  }
0x19a: {  	v57 =	vld [tilespmem:$0x1FE0];
	v10 =	vsel vm1, v48, v10;
	vm1 =	vmand vm9, vm10;
	vm11 =	veq.f32 v53, v7  }
0x19b: {  	v58 =	vld [tilespmem:$0x2560];
	vm12 =	vlt.f32 v54, v8;
	vm13 =	vgt.f32 v53, v7;
	v11 =	vsel vm7, v49, v11  }
0x19c: {  	v59 =	vld [tilespmem:$0x1FF0];
	v12 =	vsel vm7, v50, v12;
	vm0 =	vmor vm8, vm1;
	vm2 =	vmand vm11, vm12  }
0x19d: {  	v60 =	vld [tilespmem:$0x2570];
	vm14 =	veq.f32 v55, v9;
	vm15 =	vlt.f32 v56, v10;
	vm6 =	vgt.f32 v55, v9  }
0x19e: {  	v61 =	vld [tilespmem:$0x2000];
	vm1 =	vmor vm13, vm2;
	v13 =	vsel vm0, v51, v13;
	vm2 =	vmand vm14, vm15  }
0x19f: {  	v62 =	vld [tilespmem:$0x2580];
	v14 =	vsel vm0, v52, v14;
	vm8 =	vgt.f32 v57, v11;
	vm9 =	veq.f32 v57, v11  }
0x1a0: {  	vm10 =	vlt.f32 v58, v12;
	v7 =	vsel vm1, v53, v7;
	vm7 =	vmor vm6, vm2  }
0x1a1: {  	v63 =	vld [tilespmem:$0x2010];
	v8 =	vsel vm1, v54, v8;
	vm1 =	vmand vm9, vm10;
	vm11 =	veq.f32 v59, v13  }
0x1a2: {  	v28 =	vld [tilespmem:$0x2590];
	vm12 =	vlt.f32 v60, v14;
	vm13 =	vgt.f32 v59, v13;
	v9 =	vsel vm7, v55, v9  }
0x1a3: {  	v29 =	vld [tilespmem:$0x2020];
	v10 =	vsel vm7, v56, v10;
	vm0 =	vmor vm8, vm1;
	vm2 =	vmand vm11, vm12  }
0x1a4: {  	v30 =	vld [tilespmem:$0x25A0];
	vm14 =	veq.f32 v61, v7;
	vm15 =	vlt.f32 v62, v8;
	vm6 =	vgt.f32 v61, v7  }
0x1a5: {  	v31 =	vld [tilespmem:$0x2030];
	vm1 =	vmor vm13, vm2;
	v11 =	vsel vm0, v57, v11;
	vm2 =	vmand vm14, vm15  }
0x1a6: {  	v32 =	vld [tilespmem:$0x25B0];
	v12 =	vsel vm0, v58, v12;
	vm8 =	vgt.f32 v63, v9;
	vm9 =	veq.f32 v63, v9  }
0x1a7: {  	vm10 =	vlt.f32 v28, v10;
	v13 =	vsel vm1, v59, v13;
	vm7 =	vmor vm6, vm2  }
0x1a8: {  	v33 =	vld [tilespmem:$0x2040];
	v14 =	vsel vm1, v60, v14;
	vm1 =	vmand vm9, vm10;
	vm11 =	veq.f32 v29, v11  }
0x1a9: {  	v34 =	vld [tilespmem:$0x25C0];
	vm12 =	vlt.f32 v30, v12;
	vm13 =	vgt.f32 v29, v11;
	v7 =	vsel vm7, v61, v7  }
0x1aa: {  	v35 =	vld [tilespmem:$0x2050];
	v8 =	vsel vm7, v62, v8;
	vm0 =	vmor vm8, vm1;
	vm2 =	vmand vm11, vm12  }
0x1ab: {  	v36 =	vld [tilespmem:$0x25D0];
	vm14 =	veq.f32 v31, v13;
	vm15 =	vlt.f32 v32, v14;
	vm6 =	vgt.f32 v31, v13  }
0x1ac: {  	v37 =	vld [tilespmem:$0x2060];
	vm1 =	vmor vm13, vm2;
	v9 =	vsel vm0, v63, v9;
	vm2 =	vmand vm14, vm15  }
0x1ad: {  	v38 =	vld [tilespmem:$0x25E0];
	v10 =	vsel vm0, v28, v10;
	vm8 =	vgt.f32 v33, v7;
	vm9 =	veq.f32 v33, v7  }
0x1ae: {  	vm10 =	vlt.f32 v34, v8;
	v11 =	vsel vm1, v29, v11;
	vm7 =	vmor vm6, vm2  }
0x1af: {  	v39 =	vld [tilespmem:$0x2070];
	v12 =	vsel vm1, v30, v12;
	vm1 =	vmand vm9, vm10;
	vm11 =	veq.f32 v35, v9  }
0x1b0: {  	v40 =	vld [tilespmem:$0x25F0];
	vm12 =	vlt.f32 v36, v10;
	vm13 =	vgt.f32 v35, v9;
	v13 =	vsel vm7, v31, v13  }
0x1b1: {  	v41 =	vld [tilespmem:$0x2080];
	v14 =	vsel vm7, v32, v14;
	vm0 =	vmor vm8, vm1;
	vm2 =	vmand vm11, vm12  }
0x1b2: {  	v42 =	vld [tilespmem:$0x2600];
	vm14 =	veq.f32 v37, v11;
	vm15 =	vlt.f32 v38, v12;
	vm6 =	vgt.f32 v37, v11  }
0x1b3: {  	v43 =	vld [tilespmem:$0x2090];
	vm1 =	vmor vm13, vm2;
	v7 =	vsel vm0, v33, v7;
	vm2 =	vmand vm14, vm15  }
0x1b4: {  	v44 =	vld [tilespmem:$0x2610];
	v8 =	vsel vm0, v34, v8;
	vm8 =	vgt.f32 v39, v13;
	vm9 =	veq.f32 v39, v13  }
0x1b5: {  	vm10 =	vlt.f32 v40, v14;
	v9 =	vsel vm1, v35, v9;
	vm7 =	vmor vm6, vm2  }
0x1b6: {  	v45 =	vld [tilespmem:$0x20A0];
	v10 =	vsel vm1, v36, v10;
	vm1 =	vmand vm9, vm10;
	vm11 =	veq.f32 v41, v7  }
0x1b7: {  	v46 =	vld [tilespmem:$0x2620];
	vm12 =	vlt.f32 v42, v8;
	vm13 =	vgt.f32 v41, v7;
	v11 =	vsel vm7, v37, v11  }
0x1b8: {  	v47 =	vld [tilespmem:$0x20B0];
	v12 =	vsel vm7, v38, v12;
	vm0 =	vmor vm8, vm1;
	vm2 =	vmand vm11, vm12  }
0x1b9: {  	v48 =	vld [tilespmem:$0x2630];
	vm14 =	veq.f32 v43, v9;
	vm15 =	vlt.f32 v44, v10;
	vm6 =	vgt.f32 v43, v9  }
0x1ba: {  	v49 =	vld [tilespmem:$0x20C0];
	vm1 =	vmor vm13, vm2;
	v13 =	vsel vm0, v39, v13;
	vm2 =	vmand vm14, vm15  }
0x1bb: {  	v50 =	vld [tilespmem:$0x2640];
	v14 =	vsel vm0, v40, v14;
	vm8 =	vgt.f32 v45, v11;
	vm9 =	veq.f32 v45, v11  }
0x1bc: {  	vm10 =	vlt.f32 v46, v12;
	v7 =	vsel vm1, v41, v7;
	vm7 =	vmor vm6, vm2  }
0x1bd: {  	v51 =	vld [tilespmem:$0x20D0];
	v8 =	vsel vm1, v42, v8;
	vm1 =	vmand vm9, vm10;
	vm11 =	veq.f32 v47, v13  }
0x1be: {  	v52 =	vld [tilespmem:$0x2650];
	vm12 =	vlt.f32 v48, v14;
	vm13 =	vgt.f32 v47, v13;
	v9 =	vsel vm7, v43, v9  }
0x1bf: {  	v53 =	vld [tilespmem:$0x20E0];
	v10 =	vsel vm7, v44, v10;
	vm0 =	vmor vm8, vm1;
	vm2 =	vmand vm11, vm12  }
0x1c0: {  	v54 =	vld [tilespmem:$0x2660];
	vm14 =	veq.f32 v49, v7;
	vm15 =	vlt.f32 v50, v8;
	vm6 =	vgt.f32 v49, v7  }
0x1c1: {  	vm1 =	vmor vm13, vm2;
	v11 =	vsel vm0, v45, v11;
	vm2 =	vmand vm14, vm15  }
0x1c2: {  	v55 =	vld [tilespmem:$0x20F0];
	v12 =	vsel vm0, v46, v12;
	vm8 =	vgt.f32 v51, v9;
	vm9 =	veq.f32 v51, v9  }
0x1c3: {  	vm10 =	vlt.f32 v52, v10;
	v13 =	vsel vm1, v47, v13;
	vm7 =	vmor vm6, vm2  }
0x1c4: {  	v14 =	vsel vm1, v48, v14;
	vm1 =	vmand vm9, vm10;
	vm11 =	veq.f32 v53, v11  }
0x1c5: {  	v56 =	vld [tilespmem:$0x2670];
	vm12 =	vlt.f32 v54, v12;
	vm13 =	vgt.f32 v53, v11;
	v7 =	vsel vm7, v49, v7  }
0x1c6: {  	v8 =	vsel vm7, v50, v8;
	vm0 =	vmor vm8, vm1;
	vm2 =	vmand vm11, vm12  }
0x1c7: {  	vm6 =	vgt.f32 v55, v13;
	v9 =	vsel vm0, v51, v9;
	v10 =	vsel vm0, v52, v10  }
0x1c8: {  	vm7 =	veq.f32 v55, v13;
	vm15 =	veq.f32 v9, v7;
	vm4 =	vlt.f32 v10, v8  }
0x1c9: {  	vm14 =	vmor vm13, vm2;
	vm5 =	vgt.f32 v9, v7;
	vm1 =	vmand vm15, vm4  }
0x1ca: {  	vm8 =	vlt.f32 v56, v14;
	v11 =	vsel vm14, v53, v11;
	vm0 =	vmor vm5, vm1  }
0x1cb: {  	v12 =	vsel vm14, v54, v12;
	v7 =	vsel vm0, v9, v7;
	v8 =	vsel vm0, v10, v8  }
0x1cc: {  	vm9 =	vmand vm7, vm8;
	vm10 =	veq.f32 v11, v7;
	vm11 =	vlt.f32 v12, v8  }
0x1cd: {  	vm0 =	vmor vm6, vm9;
	vm12 =	vgt.f32 v11, v7;
	vm1 =	vmand vm10, vm11  }
0x1ce: {  	v57 =	vsel vm0, v55, v13;
	vm1 =	vmor vm12, vm1  }
0x1cf: {  	v58 =	vsel vm0, v56, v14;
	v7 =	vsel vm1, v11, v7;
	v8 =	vsel vm1, v12, v8  }
0x1d0: {  	vm13 =	veq.f32 v57, v7;
	vm1 =	vlt.f32 v58, v8  }
0x1d1: {  	vm14 =	vgt.f32 v57, v7;
	vm0 =	vmand vm13, vm1  }
0x1d2: {  	vm0 =	vmor vm14, vm0  }
0x1d3: {  	v7 =	vsel vm0, v57, v7  }
0x1d4: {  	v9 =	vperm.xlane v7, v2;
	_ =	sdelay $0x1  }
0x1d5: {  	v9 =	vmax.f32 v7, v9  }
0x1d6: {  	v59 =	vperm.xlane v9, v4;
	_ =	sdelay $0x1  }
0x1d7: {  	v9 =	vmax.f32 v9, v59  }
0x1d8: {  	v11 =	vperm.xlane v9, v5;
	_ =	sdelay $0x1  }
0x1d9: {  	v9 =	vmax.f32 v9, v11  }
0x1da: {  	v11 =	vperm.xlane v9, v6;
	_ =	sdelay $0x1  }
0x1db: {  	v9 =	vmax.f32 v9, v11  }
0x1dc: {  	v8 =	vsel vm0, v58, v8;
	vm15 =	veq.f32 v7, v9  }
0x1dd: {  	v7 =	vnsel vm15, $0x7F61B1E6, v8  }
0x1de: {  	v8 =	vperm.xlane v7, v2;
	_ =	sdelay $0x1  }
0x1df: {  	v7 =	vmin.f32 v7, v8  }
0x1e0: {  	v8 =	vperm.xlane v7, v4;
	_ =	sdelay $0x1  }
0x1e1: {  	v7 =	vmin.f32 v7, v8  }
0x1e2: {  	v8 =	vperm.xlane v7, v5;
	_ =	sdelay $0x1  }
0x1e3: {  	v7 =	vmin.f32 v7, v8  }
0x1e4: {  	v8 =	vperm.xlane v7, v6;
	_ =	sdelay $0x1  }
0x1e5: {  	v7 =	vmin.f32 v7, v8  }
0x1e6: {  	v8 =	vmul.f32 v7, v3;
	_ =	sdelay $0x1  }
0x1e7: {  	v8 =	vtrunc.f32 v8  }
0x1e8: {  	v8 =	vcvt.f32.s32 v8;
	_ =	sdelay $0x1  }
0x1e9: {  	v8 =	vcvt.s32.f32 v8;
	_ =	sdelay $0x1  }
0x1ea: {  	v60 =	vmul.f32 $-9.000000000e+00, v8;
	_ =	sdelay $0x1  }
0x1eb: {  	v10 =	vadd.f32 v60, v7;
	_ =	sdelay $0x1  }
0x1ec: {  	v10 =	vmul.f32 $2.500000000e+03, v10;
	_ =	sdelay $0x1  }
0x1ed: {  	v8 =	vadd.f32 v8, v10;
	_ =	sdelay $0x1  }
0x1ee: {  	v8 =	vsub.f32 v8, v1;
	_ =	sdelay $0x1  }
0x1ef: {  	v8 =	vtrunc.f32 v8  }
0x1f0: {  	v8 =	vcvt.f32.s32 v8;
	_ =	sdelay $0x1  }
0x1f1: {  	v61 =	vmov s4  }
0x1f2: {  	v62 =	vor.u32 $0x20, v61;
	_ =	sdelay $0x2  }
0x1f3: {  	[tilespmem:v8+s5+$0x0] =	vst.idx.msk $0x1, v0  }
0x1f4: {  	[tilespmem:v61+s6+$0x0] =	vst.idx.msk $0x1, v9  }
0x1f5: {  	[tilespmem:v62+s6+$0x0] =	vst.idx.msk $0x1, v7  }
0x1f6: {  	v7 =	vor.u32 $0x40, v61;
	v9 =	vld.idx.msk [tilespmem:v8+s7+$0x0], $0xffff;
	_ =	sdelay $0x4  }
0x1f7: {  	[tilespmem:v7+s6+$0x0] =	vst.idx.msk $0x1, v9  }
0x1f8: {  	v7 =	vor.u32 $0x60, v61;
	v9 =	vld.idx.msk [tilespmem:v8+s8+$0x0], $0xffff;
	_ =	sdelay $0x4  }
0x1f9: {  	[tilespmem:v7+s6+$0x0] =	vst.idx.msk $0x1, v9  }
0x1fa: {  	v63 =	vor.u32 $0x80, v61;
	v7 =	vld.idx.msk [tilespmem:v8+s9+$0x0], $0xffff;
	_ =	sdelay $0x4  }
0x1fb: {  	[tilespmem:v63+s6+$0x0] =	vst.idx.msk $0x1, v7  }
0x1fc: {  	p0 =	sne.s32 s4, $0x13;
	v7 =	vor.u32 $0xA0, v61;
	v8 =	vld.idx.msk [tilespmem:v8+s10+$0x0], $0xffff  }
.Ltmp1:
0x1fd: {  	_ = 	snop;
	(pc) =	sbr.rel @p0 .LBB2_3-.Ltmp1, $2  }
0x1fe: {  	_ =	sdelay $0x2  }
0x1ff: {  	s4 =	sadd.s32 $0x1, s4;
	[tilespmem:v7+s6+$0x0] =	vst.idx.msk $0x1, v8  }
0x200: {  	s4 =	smul.u32 $0x300, s3;
	_ =	sdelay $0x1  }
0x201: {  	s4 =	sshrl.u32 s4, $0x2  }
0x202: {  	s5 =	simm.s32 $0x3D00;
	s4 =	sadd.s32 s4, s2  }
0x203: {  	[spmem:s4] =	stream.linear.scatter [tilespmem:s5], [sflag:$0x2], $0xC0, $0x38;
	[tilespmem:$0x4F40] =	vst v63  }
0x204: {  	s4 =	simm.s32 $0x2  }
0x205: {  	_ =	swait.ge [sflag:s4], $0xC0  }
0x206: {  	[sflag:s4] =	ssyncset.done $0x0  }
0x207: {  	[sflag:s4] =	ssyncadd.s32 $0xFFFFFF40  }
0x208: {  	p0 =	sne.s32 s3, $0x0;
	[bflag:$0x0] =	sbarrier.arrive $0xFFFF  }
0x209: {  	_ =	sfence.sel @p0 $0x180000  }
0x20a: {  	[bflag:$0x0] =	sbarrier.arrive @p0 $0xFFFF  }
0x20b: {  	_ =	strace @p0 $0x90000047  }
0x20c: {  	[bflag:$0x2] =	sbarrier.arrive @p0 $0xFFFF  }
0x20d: {  	_ =	shalt @p0  }
.LBB2_5:
0x20e: {  	v0 =	vimm.f32 $-3.000000010e+38;
	v32 =	vimm.f32 $0.0e+00;
	v1 =	vlaneseq.u32  }
0x20f: {  	v25 =	vimm.s32 $0xEFCDAB89;
	v26 =	vimm.s32 $0x67452301;
	v29 =	vimm.s32 $0xDCFE98BA  }
0x210: {  	v63 =	vimm.s32 $0xBA98FEDC;
	v35 =	vimm.s32 $0x32107654;
	v36 =	vimm.s32 $0xFEDCBA98  }
0x211: {  	v37 =	vimm.s32 $0x76543210;
	v2 =	vor.u32 $0x10, v1;
	v3 =	vor.u32 $0xC0, v1  }
0x212: {  	s3 =	simm.s32 $0x3EC0;
	v4 =	vor.u32 $0xD0, v1;
	v5 =	vor.u32 $0x180, v1;
	v6 =	vor.u32 $0x190, v1  }
0x213: {  	v7 =	vor.u32 $0x240, v1;
	v8 =	vor.u32 $0x250, v1;
	v9 =	vor.u32 $0x300, v1;
	[tilespmem:s3], [sflag:$0x2] =	stream.linear.gather [spmem:s2], $0xC00, $0x38;
	[tilespmem:$0x4F40] =	vst v63  }
0x214: {  	v10 =	vor.u32 $0x310, v1;
	v11 =	vor.u32 $0x3C0, v1;
	v12 =	vor.u32 $0x3D0, v1;
	_ =	swait.ge [sflag:s4], $0xC00  }
0x215: {  	v13 =	vor.u32 $0x480, v1;
	v14 =	vor.u32 $0x490, v1;
	v15 =	vor.u32 $0x540, v1;
	[sflag:s4] =	ssyncset.done $0x0  }
0x216: {  	v16 =	vor.u32 $0x550, v1;
	v17 =	vor.u32 $0x600, v1;
	v18 =	vor.u32 $0x610, v1;
	[sflag:s4] =	ssyncadd.s32 $0xFFFFF400  }
0x217: {  	v19 =	vor.u32 $0x6C0, v1;
	v20 =	vor.u32 $0x6D0, v1;
	v21 =	vor.u32 $0x780, v1;
	[tilespmem:$0x4B40] =	vst v32  }
0x218: {  	v22 =	vor.u32 $0x790, v1;
	v27 =	vunpack.c.l.s4.s8 v25;
	v28 =	vunpack.c.l.s4.s8 v26;
	[tilespmem:$0x4BC0] =	vst v32  }
0x219: {  	v23 =	vor.u32 $0x840, v1;
	v24 =	vor.u32 $0x850, v1;
	v25 =	vor.u32 $0x900, v1;
	[tilespmem:$0x4C40] =	vst v32  }
0x21a: {  	v26 =	vor.u32 $0x910, v1;
	v30 =	vunpack.c.0.s8.s32 v27;
	v31 =	vunpack.c.0.s8.s32 v28;
	[tilespmem:$0x4CC0] =	vst v32  }
0x21b: {  	v33 =	vunpack.c.l.s4.s8 v29;
	v29 =	vor.u32 $0xA80, v1;
	v35 =	vunpack.c.l.s4.s8 v35;
	[tilespmem:$0x4D40] =	vst v32  }
0x21c: {  	v36 =	vunpack.c.l.s4.s8 v36;
	v34 =	vcombine.low v31, v30;
	v31 =	vimm.s32 $0x54761032;
	[tilespmem:$0x4B50] =	vst v32  }
0x21d: {  	v30 =	vunpack.c.0.s8.s32 v33;
	v33 =	vunpack.c.l.s4.s8 v63;
	[tilespmem:$0x4BD0] =	vst v32;
	v31 =	vunpack.c.l.s4.s8 v31  }
0x21e: {  	v37 =	vunpack.c.l.s4.s8 v37;
	v27 =	vor.u32 $0x9C0, v1;
	v35 =	vunpack.c.0.s8.s32 v35;
	[tilespmem:$0x4C50] =	vst v32  }
0x21f: {  	v36 =	vunpack.c.0.s8.s32 v36;
	[tilespmem:$0x4CD0] =	vst v32;
	v33 =	vunpack.c.0.s8.s32 v33;
	v31 =	vunpack.c.0.s8.s32 v31  }
0x220: {  	v28 =	vor.u32 $0x9D0, v1;
	v37 =	vunpack.c.0.s8.s32 v37;
	[tilespmem:$0x4D50] =	vst v32;
	v32 =	vor.u32 $0xB50, v1  }
0x221: {  	s5 =	simm.s32 $0x4B40;
	v36 =	vand.u32 $0xF, v36;
	v35 =	vcombine.low v35, v33;
	v38 =	vcombine.low v31, v30  }
0x222: {  	s6 =	simm.s32 $0x4BC0;
	s7 =	simm.s32 $0x4C40;
	s8 =	simm.s32 $0x4CC0;
	[tilespmem:$0x4AC0] =	vst v0;
	v36 =	vcombine.low v36, v37;
	v33 =	vand.u32 $0xF, v34;
	v30 =	vor.u32 $0xA90, v1  }
0x223: {  	s9 =	simm.s32 $0x4D40;
	s2 =	simm.s32 $0x0;
	s4 =	simm.s32 $0x4AC0;
	[tilespmem:$0x4AD0] =	vst v0;
	v31 =	vor.u32 $0xB40, v1;
	v35 =	vand.u32 $0xF, v35;
	v34 =	vand.u32 $0xF, v38  }
.LBB2_6:
0x224: {  	v37 =	vld [tilespmem:$0x3EC0]  }
0x225: {  	v38 =	vld [tilespmem:$0x3EE0]  }
0x226: {  	v39 =	vld [tilespmem:$0x3ED0]  }
0x227: {  	v40 =	vld [tilespmem:$0x3EF0]  }
0x228: {  	v41 =	vld [tilespmem:$0x3F80]  }
0x229: {  	v42 =	vld [tilespmem:$0x3FA0]  }
0x22a: {  	v43 =	vld [tilespmem:$0x3F90];
	v45 =	vimm.s32 $0x0;
	v47 =	vimm.s32 $0x0  }
0x22b: {  	v44 =	vld [tilespmem:$0x3FB0];
	v48 =	vimm.s32 $0x0;
	v51 =	vimm.s32 $0x0;
	v53 =	vimm.s32 $0x0  }
0x22c: {  	v59 =	vimm.s32 $0x0;
	v60 =	vimm.s32 $0x0;
	v55 =	vimm.s32 $0x0  }
0x22d: {  	vm0 =	veq.f32 v37, $-3.000000010e+38;
	vm1 =	vlt.f32 v38, $0.0e+00;
	vm2 =	vgt.f32 v37, $-3.000000010e+38  }
0x22e: {  	vm14 =	vgt.f32 v39, $-3.000000010e+38;
	vm15 =	veq.f32 v39, $-3.000000010e+38;
	vm8 =	vlt.f32 v40, $0.0e+00  }
0x22f: {  	vm3 =	veq.f32 v41, $-3.000000010e+38;
	vm4 =	vlt.f32 v42, $0.0e+00;
	vm9 =	vgt.f32 v41, $-3.000000010e+38  }
0x230: {  	v62 =	vld [tilespmem:$0x4040];
	vm10 =	vgt.f32 v43, $-3.000000010e+38;
	vm11 =	veq.f32 v43, $-3.000000010e+38;
	vm12 =	vlt.f32 v44, $0.0e+00  }
0x231: {  	v46 =	vld [tilespmem:$0x4060];
	vm0 =	vmand vm0, vm1;
	vm1 =	vmand vm15, vm8;
	vm3 =	vmand vm3, vm4  }
0x232: {  	v63 =	vld [tilespmem:$0x4050];
	vm5 =	vmor vm2, vm0;
	vm1 =	vmor vm14, vm1;
	vm4 =	vmor vm9, vm3  }
0x233: {  	v56 =	vld [tilespmem:$0x4070];
	v37 =	vnsel vm5, $0xFF61B1E6, v37;
	v45 =	vsel vm5, $0xFFFFFFFF, v45;
	v38 =	vnsel vm5, $0x0, v38  }
0x234: {  	v49 =	vld [tilespmem:$0x4100];
	v47 =	vsel vm1, $0xFFFFFFFF, v47;
	v39 =	vnsel vm1, $0xFF61B1E6, v39;
	v40 =	vnsel vm1, $0x0, v40  }
0x235: {  	v50 =	vld [tilespmem:$0x4120];
	v41 =	vnsel vm4, $0xFF61B1E6, v41;
	v48 =	vsel vm4, $0xFFFFFFFF, v48;
	vm1 =	vmand vm11, vm12  }
0x236: {  	v42 =	vnsel vm4, $0x0, v42;
	vm13 =	veq.f32 v62, v37;
	vm14 =	vlt.f32 v46, v38  }
0x237: {  	v57 =	vld [tilespmem:$0x4110];
	vm15 =	vmor vm10, vm1;
	vm8 =	vgt.f32 v62, v37;
	vm10 =	vgt.f32 v63, v39  }
0x238: {  	v52 =	vld [tilespmem:$0x4130];
	vm11 =	veq.f32 v63, v39;
	vm12 =	vlt.f32 v56, v40;
	v51 =	vsel vm15, $0xFFFFFFFF, v51  }
0x239: {  	vm9 =	vmand vm13, vm14;
	v43 =	vnsel vm15, $0xFF61B1E6, v43;
	v44 =	vnsel vm15, $0x0, v44  }
0x23a: {  	vm1 =	vmand vm11, vm12;
	vm13 =	veq.f32 v49, v41;
	vm14 =	vlt.f32 v50, v42  }
0x23b: {  	vm0 =	vmor vm8, vm9;
	vm15 =	vmor vm10, vm1;
	vm8 =	vgt.f32 v49, v41  }
0x23c: {  	v58 =	vld [tilespmem:$0x41C0];
	vm9 =	vmand vm13, vm14;
	vm11 =	vgt.f32 v57, v43;
	vm12 =	veq.f32 v57, v43  }
0x23d: {  	v61 =	vld [tilespmem:$0x42A0];
	vm13 =	vlt.f32 v52, v44;
	v53 =	vsel vm0, $0xFFFFFFFF, v53;
	v37 =	vsel vm0, v62, v37  }
0x23e: {  	[tilespmem:$0x1FEC0] =	vst v47;
	v47 =	vld [tilespmem:$0x41F0];
	v38 =	vsel vm0, v46, v38;
	v39 =	vsel vm15, v63, v39;
	v40 =	vsel vm15, v56, v40  }
0x23f: {  	[tilespmem:$0x1FED0] =	vst v48;
	v46 =	vld [tilespmem:$0x41E0];
	vm10 =	vmor vm8, vm9;
	vm1 =	vmand vm12, vm13;
	v62 =	vimm.s32 $0x0  }
0x240: {  	v54 =	vld [tilespmem:$0x4290];
	[tilespmem:$0x1FEF0] =	vst v53;
	v53 =	vsel vm15, $0xFFFFFFFF, v59;
	v41 =	vsel vm10, v49, v41;
	v48 =	vsel vm10, $0xFFFFFFFF, v60  }
0x241: {  	vm14 =	veq.f32 v58, v37;
	vm7 =	vgt.f32 v58, v37;
	vm0 =	vmor vm11, vm1;
	[tilespmem:$0x1FF00] =	vst v53;
	v53 =	vld [tilespmem:$0x41D0]  }
0x242: {  	v42 =	vsel vm10, v50, v42;
	v60 =	vimm.s32 $0x0;
	[tilespmem:$0x1FF10] =	vst v48;
	v48 =	vld [tilespmem:$0x4280];
	v50 =	vsel vm0, $0xFFFFFFFF, v62  }
0x243: {  	v43 =	vsel vm0, v57, v43;
	v44 =	vsel vm0, v52, v44;
	v57 =	vimm.s32 $0x0  }
0x244: {  	v63 =	vld [tilespmem:$0x42B0];
	vm10 =	vlt.f32 v47, v40;
	vm12 =	vlt.f32 v61, v42;
	vm15 =	vlt.f32 v46, v38  }
0x245: {  	v59 =	vld [tilespmem:$0x4360];
	v62 =	vimm.s32 $0x0;
	vm6 =	vgt.f32 v54, v43;
	vm3 =	vmand vm14, vm15  }
0x246: {  	vm4 =	vmor vm7, vm3;
	vm8 =	vgt.f32 v53, v39;
	vm9 =	veq.f32 v53, v39  }
0x247: {  	vm11 =	veq.f32 v48, v41;
	vm14 =	vgt.f32 v48, v41;
	vm7 =	veq.f32 v54, v43  }
0x248: {  	[tilespmem:$0x1FEB0] =	vst v45;
	v37 =	vsel vm4, v58, v37;
	v45 =	vsel vm4, $0xFFFFFFFF, v57;
	vm1 =	vmand vm9, vm10  }
0x249: {  	v52 =	vld [tilespmem:$0x4350];
	vm15 =	vmand vm11, vm12;
	v38 =	vsel vm4, v46, v38;
	vm13 =	vmor vm8, vm1  }
0x24a: {  	v49 =	vld [tilespmem:$0x4430];
	vm0 =	vmor vm14, vm15;
	vm8 =	vlt.f32 v63, v44;
	vm10 =	vlt.f32 v59, v38  }
0x24b: {  	v58 =	vld [tilespmem:$0x4340];
	v55 =	vsel vm13, $0xFFFFFFFF, v55;
	v39 =	vsel vm13, v53, v39;
	v40 =	vsel vm13, v47, v40  }
0x24c: {  	v46 =	vld [tilespmem:$0x4400];
	v47 =	vsel vm0, $0xFFFFFFFF, v60;
	v41 =	vsel vm0, v48, v41;
	v42 =	vsel vm0, v61, v42  }
0x24d: {  	v48 =	vld [tilespmem:$0x4410];
	vm1 =	vmand vm7, vm8;
	v61 =	vimm.s32 $0x0;
	v60 =	vimm.s32 $0x0  }
0x24e: {  	[tilespmem:$0x1FF40] =	vst v55;
	v55 =	vld [tilespmem:$0x4370];
	vm11 =	vmor vm6, vm1;
	vm14 =	veq.f32 v52, v39;
	vm4 =	vgt.f32 v52, v39  }
0x24f: {  	[tilespmem:$0x1FF50] =	vst v47;
	v47 =	vld [tilespmem:$0x4420];
	v53 =	vsel vm11, $0xFFFFFFFF, v61;
	v43 =	vsel vm11, v54, v43;
	v44 =	vsel vm11, v63, v44  }
0x250: {  	v61 =	vimm.s32 $0x0;
	vm9 =	veq.f32 v58, v37;
	vm12 =	vgt.f32 v58, v37  }
0x251: {  	v63 =	vld [tilespmem:$0x44E0];
	vm5 =	veq.f32 v46, v41;
	vm8 =	vgt.f32 v46, v41;
	vm13 =	vmand vm9, vm10  }
0x252: {  	[tilespmem:$0x1FF60] =	vst v53;
	v53 =	vld [tilespmem:$0x44C0];
	vm10 =	vlt.f32 v49, v44;
	vm2 =	vmor vm12, vm13;
	vm9 =	veq.f32 v48, v43  }
0x253: {  	[tilespmem:$0x1FF20] =	vst v50;
	v50 =	vsel vm2, $0xFFFFFFFF, v62;
	v37 =	vsel vm2, v58, v37;
	vm15 =	vlt.f32 v55, v40  }
0x254: {  	v38 =	vsel vm2, v59, v38;
	vm7 =	vlt.f32 v47, v42;
	vm13 =	vmand vm9, vm10  }
0x255: {  	[tilespmem:$0x1FEE0] =	vst v51;
	v51 =	vld [tilespmem:$0x44F0];
	v58 =	vimm.s32 $0x0;
	v62 =	vimm.s32 $0x0;
	v59 =	vimm.s32 $0x0  }
0x256: {  	[tilespmem:$0x1FF30] =	vst v45;
	v45 =	vld [tilespmem:$0x44D0];
	vm0 =	vmand vm14, vm15;
	vm12 =	vlt.f32 v63, v38;
	vm15 =	vgt.f32 v48, v43  }
0x257: {  	vm6 =	vmor vm4, vm0;
	vm0 =	vmand vm5, vm7;
	vm11 =	veq.f32 v53, v37  }
0x258: {  	v57 =	vld [tilespmem:$0x4590];
	vm2 =	vmor vm15, vm13;
	vm7 =	vmor vm8, vm0;
	vm14 =	vmand vm11, vm12  }
0x259: {  	v54 =	vld [tilespmem:$0x4580];
	v58 =	vsel vm6, $0xFFFFFFFF, v58;
	v39 =	vsel vm6, v52, v39;
	v40 =	vsel vm6, v55, v40  }
0x25a: {  	v56 =	vld [tilespmem:$0x45A0];
	vm8 =	vgt.f32 v53, v37;
	v43 =	vsel vm2, v48, v43;
	v44 =	vsel vm2, v49, v44  }
0x25b: {  	vm9 =	veq.f32 v45, v39;
	vm10 =	vlt.f32 v51, v40;
	vm6 =	vmor vm8, vm14  }
0x25c: {  	[tilespmem:$0x1FF80] =	vst v58;
	v58 =	vsel vm7, $0xFFFFFFFF, v60;
	v41 =	vsel vm7, v46, v41;
	v42 =	vsel vm7, v47, v42  }
0x25d: {  	v52 =	vld [tilespmem:$0x45B0];
	v46 =	vsel vm2, $0xFFFFFFFF, v61;
	vm12 =	vgt.f32 v45, v39;
	vm15 =	veq.f32 v57, v43  }
0x25e: {  	v55 =	vld [tilespmem:$0x4640];
	v61 =	vimm.s32 $0x0;
	vm11 =	vmand vm9, vm10;
	vm13 =	veq.f32 v54, v41  }
0x25f: {  	v48 =	vld [tilespmem:$0x4670];
	[tilespmem:$0x1FF90] =	vst v58;
	vm14 =	vlt.f32 v56, v42;
	v58 =	vsel vm6, $0xFFFFFFFF, v62;
	v37 =	vsel vm6, v53, v37  }
0x260: {  	v47 =	vld [tilespmem:$0x4650];
	v38 =	vsel vm6, v63, v38;
	v63 =	vimm.s32 $0x0;
	v62 =	vimm.s32 $0x0  }
0x261: {  	[tilespmem:$0x1FFA0] =	vst v46;
	v46 =	vld [tilespmem:$0x4660];
	vm7 =	vmor vm12, vm11;
	vm10 =	vmand vm13, vm14;
	vm12 =	vgt.f32 v54, v41  }
0x262: {  	v49 =	vld [tilespmem:$0x4700];
	[tilespmem:$0x1FFB0] =	vst v58;
	vm13 =	vgt.f32 v57, v43;
	vm2 =	vmor vm12, vm10;
	v58 =	vsel vm7, $0xFFFFFFFF, v63  }
0x263: {  	[tilespmem:$0x1FF70] =	vst v50;
	v50 =	vld [tilespmem:$0x4720];
	v39 =	vsel vm7, v45, v39;
	v40 =	vsel vm7, v51, v40;
	vm9 =	vlt.f32 v52, v44  }
0x264: {  	vm14 =	veq.f32 v55, v37;
	v45 =	vsel vm2, $0xFFFFFFFF, v59;
	v41 =	vsel vm2, v54, v41  }
0x265: {  	v42 =	vsel vm2, v56, v42;
	vm10 =	vgt.f32 v55, v37;
	vm12 =	vlt.f32 v48, v40  }
0x266: {  	v53 =	vld [tilespmem:$0x4710];
	vm11 =	vmand vm15, vm9;
	vm8 =	vgt.f32 v47, v39;
	vm15 =	vlt.f32 v46, v38  }
0x267: {  	v60 =	vld [tilespmem:$0x47E0];
	vm6 =	vmor vm13, vm11;
	vm11 =	veq.f32 v47, v39;
	vm13 =	veq.f32 v49, v41  }
0x268: {  	[tilespmem:$0x1FFC0] =	vst v58;
	v56 =	vld [tilespmem:$0x47D0];
	vm9 =	vmand vm14, vm15;
	vm14 =	vlt.f32 v50, v42;
	vm15 =	vmand vm11, vm12  }
0x269: {  	[tilespmem:$0x1FFD0] =	vst v45;
	v45 =	vld [tilespmem:$0x4730];
	v58 =	vsel vm6, $0xFFFFFFFF, v61;
	v43 =	vsel vm6, v57, v43;
	v44 =	vsel vm6, v52, v44  }
0x26a: {  	v51 =	vld [tilespmem:$0x47C0];
	vm7 =	vmor vm10, vm9;
	vm1 =	vmand vm13, vm14;
	vm9 =	vgt.f32 v49, v41  }
0x26b: {  	v52 =	vld [tilespmem:$0x47F0];
	vm10 =	veq.f32 v53, v43;
	vm14 =	vmor vm8, vm15;
	vm15 =	vgt.f32 v53, v43  }
0x26c: {  	v63 =	vld [tilespmem:$0x48A0];
	[tilespmem:$0x1FFE0] =	vst v58;
	vm13 =	vmor vm9, vm1;
	v58 =	vsel vm7, $0xFFFFFFFF, v62;
	v37 =	vsel vm7, v55, v37  }
0x26d: {  	v57 =	vld [tilespmem:$0x4880];
	v38 =	vsel vm7, v46, v38;
	v39 =	vsel vm14, v47, v39;
	v40 =	vsel vm14, v48, v40  }
0x26e: {  	vm11 =	vlt.f32 v45, v44;
	vm8 =	veq.f32 v56, v39;
	v41 =	vsel vm13, v49, v41  }
0x26f: {  	v47 =	vld [tilespmem:$0x4890];
	v42 =	vsel vm13, v50, v42;
	vm3 =	vgt.f32 v56, v39;
	vm12 =	vmand vm10, vm11  }
0x270: {  	v48 =	vld [tilespmem:$0x48B0];
	vm10 =	veq.f32 v51, v37;
	vm11 =	vlt.f32 v60, v38;
	vm9 =	vlt.f32 v52, v40  }
0x271: {  	v55 =	vld [tilespmem:$0x4940];
	vm12 =	vmor vm15, vm12;
	vm10 =	vmand vm10, vm11;
	vm11 =	vgt.f32 v51, v37  }
0x272: {  	v49 =	vld [tilespmem:$0x4960];
	vm4 =	veq.f32 v57, v41;
	vm15 =	vlt.f32 v63, v42;
	vm1 =	vmand vm8, vm9  }
0x273: {  	vm10 =	vmor vm11, vm10;
	vm8 =	vmand vm4, vm15;
	v43 =	vsel vm12, v53, v43  }
0x274: {  	v59 =	vld [tilespmem:$0x4970];
	v44 =	vsel vm12, v45, v44;
	vm9 =	vgt.f32 v57, v41;
	vm11 =	vmor vm3, vm1  }
0x275: {  	[tilespmem:$0x1FFF0] =	vst v58;
	v58 =	vld [tilespmem:$0x4950];
	v37 =	vsel vm10, v51, v37;
	v38 =	vsel vm10, v60, v38;
	vm2 =	veq.f32 v47, v43  }
0x276: {  	vm3 =	vlt.f32 v48, v44;
	vm9 =	vmor vm9, vm8;
	vm8 =	vgt.f32 v47, v43  }
0x277: {  	v61 =	vld [tilespmem:$0x4A20];
	vm4 =	veq.f32 v55, v37;
	vm15 =	vlt.f32 v49, v38;
	vm0 =	vmand vm2, vm3  }
0x278: {  	v62 =	vld [tilespmem:$0x4A10];
	v39 =	vsel vm11, v56, v39;
	v40 =	vsel vm11, v52, v40;
	vm3 =	vgt.f32 v55, v37  }
0x279: {  	v60 =	vld [tilespmem:$0x4A00];
	v41 =	vsel vm9, v57, v41;
	v42 =	vsel vm9, v63, v42;
	vm1 =	vmand vm4, vm15  }
0x27a: {  	vm4 =	veq.f32 v58, v39;
	vm15 =	vlt.f32 v59, v40;
	vm8 =	vmor vm8, vm0  }
0x27b: {  	v63 =	vld [tilespmem:$0x4A30];
	vm6 =	vgt.f32 v58, v39;
	vm7 =	vmor vm3, vm1;
	vm5 =	vmand vm4, vm15  }
0x27c: {  	vm4 =	vlt.f32 v61, v42;
	v43 =	vsel vm8, v47, v43;
	v44 =	vsel vm8, v48, v44  }
0x27d: {  	vm6 =	vmor vm6, vm5;
	v37 =	vsel vm7, v55, v37;
	v38 =	vsel vm7, v49, v38  }
0x27e: {  	vm1 =	veq.f32 v62, v43;
	vm15 =	veq.f32 v60, v41;
	v39 =	vsel vm6, v58, v39  }
0x27f: {  	v40 =	vsel vm6, v59, v40;
	vm5 =	vgt.f32 v60, v41;
	vm0 =	vmand vm15, vm4  }
0x280: {  	vm15 =	veq.f32 v39, v37;
	vm4 =	vlt.f32 v40, v38;
	vm2 =	vlt.f32 v63, v44  }
0x281: {  	vm5 =	vmor vm5, vm0;
	vm0 =	vmand vm15, vm4;
	vm15 =	vgt.f32 v39, v37  }
0x282: {  	vm2 =	vmand vm1, vm2;
	vm4 =	vmor vm15, vm0;
	v41 =	vsel vm5, v60, v41  }
0x283: {  	v42 =	vsel vm5, v61, v42;
	v37 =	vsel vm4, v39, v37;
	v38 =	vsel vm4, v40, v38  }
0x284: {  	vm0 =	vgt.f32 v62, v43;
	vm3 =	veq.f32 v41, v37;
	vm15 =	vlt.f32 v42, v38  }
0x285: {  	vm2 =	vmor vm0, vm2;
	vm0 =	vmand vm3, vm15;
	vm15 =	vgt.f32 v41, v37  }
0x286: {  	v55 =	vsel vm2, v62, v43;
	vm1 =	vmor vm15, vm0  }
0x287: {  	v56 =	vsel vm2, v63, v44;
	v37 =	vsel vm1, v41, v37;
	v38 =	vsel vm1, v42, v38  }
0x288: {  	vm0 =	veq.f32 v55, v37;
	vm15 =	vlt.f32 v56, v38  }
0x289: {  	vm0 =	vmand vm0, vm15;
	vm15 =	vgt.f32 v55, v37  }
0x28a: {  	vm0 =	vmor vm15, vm0  }
0x28b: {  	v37 =	vsel vm0, v55, v37  }
0x28c: {  	v39 =	vperm.xlane v37, v33;
	_ =	sdelay $0x1  }
0x28d: {  	v39 =	vmax.f32 v37, v39  }
0x28e: {  	v57 =	vperm.xlane v39, v34  }
0x28f: {  	v58 =	vld [tilespmem:$0x1FEB0]  }
0x290: {  	v59 =	vld [tilespmem:$0x1FEC0];
	v39 =	vmax.f32 v39, v57  }
0x291: {  	v60 =	vld [tilespmem:$0x1FED0];
	v41 =	vperm.xlane v39, v35  }
0x292: {  	v61 =	vld [tilespmem:$0x1FEE0]  }
0x293: {  	v63 =	vld [tilespmem:$0x1FEF0];
	v39 =	vmax.f32 v39, v41  }
0x294: {  	v48 =	vld [tilespmem:$0x1FF00];
	vm15 =	vnez.u8 v58;
	v41 =	vperm.xlane v39, v36  }
0x295: {  	v50 =	vld [tilespmem:$0x1FF10];
	v42 =	vnsel vm15, $0x0, v1;
	vm15 =	vnez.u8 v59  }
0x296: {  	v51 =	vld [tilespmem:$0x1FF20];
	v39 =	vmax.f32 v39, v41;
	v41 =	vnsel vm15, $0x0, v2;
	vm15 =	vnez.u8 v60  }
0x297: {  	v52 =	vld [tilespmem:$0x1FF30];
	vm3 =	veq.f32 v37, v39;
	v37 =	vnsel vm15, $0x0, v3;
	vm15 =	vnez.u8 v61  }
0x298: {  	v53 =	vld [tilespmem:$0x1FF40];
	v40 =	vnsel vm15, $0x0, v4;
	vm15 =	vnez.u8 v63  }
0x299: {  	v54 =	vld [tilespmem:$0x1FF50];
	v42 =	vsel vm15, v5, v42;
	vm15 =	vnez.u8 v48  }
0x29a: {  	v55 =	vld [tilespmem:$0x1FF60];
	v41 =	vsel vm15, v6, v41;
	vm15 =	vnez.u8 v50  }
0x29b: {  	v38 =	vsel vm0, v56, v38;
	v56 =	vld [tilespmem:$0x1FF70];
	v37 =	vsel vm15, v7, v37;
	vm15 =	vnez.u8 v51  }
0x29c: {  	v58 =	vld [tilespmem:$0x1FF80];
	v62 =	vnsel vm3, $0x7F61B1E6, v38;
	v40 =	vsel vm15, v8, v40;
	vm15 =	vnez.u8 v52  }
0x29d: {  	v59 =	vld [tilespmem:$0x1FF90];
	v49 =	vperm.xlane v62, v33;
	v42 =	vsel vm15, v9, v42;
	vm15 =	vnez.u8 v53  }
0x29e: {  	v60 =	vld [tilespmem:$0x1FFA0];
	v41 =	vsel vm15, v10, v41;
	vm15 =	vnez.u8 v54  }
0x29f: {  	v61 =	vld [tilespmem:$0x1FFB0];
	v43 =	vmin.f32 v62, v49;
	v37 =	vsel vm15, v11, v37;
	vm15 =	vnez.u8 v55  }
0x2a0: {  	v62 =	vld [tilespmem:$0x1FFC0];
	v57 =	vperm.xlane v43, v34;
	v40 =	vsel vm15, v12, v40;
	vm15 =	vnez.u8 v56  }
0x2a1: {  	v63 =	vld [tilespmem:$0x1FFD0];
	v42 =	vsel vm15, v13, v42;
	vm15 =	vnez.u8 v58  }
0x2a2: {  	v48 =	vld [tilespmem:$0x1FFE0];
	v43 =	vmin.f32 v43, v57;
	v41 =	vsel vm15, v14, v41;
	vm15 =	vnez.u8 v59  }
0x2a3: {  	v50 =	vld [tilespmem:$0x1FFF0];
	v49 =	vperm.xlane v43, v35;
	v37 =	vsel vm15, v15, v37;
	vm15 =	vnez.u8 v60  }
0x2a4: {  	v40 =	vsel vm15, v16, v40;
	vm15 =	vnez.u8 v61  }
0x2a5: {  	v43 =	vmin.f32 v43, v49;
	v42 =	vsel vm15, v17, v42;
	vm15 =	vnez.u8 v62  }
0x2a6: {  	v44 =	vperm.xlane v43, v36;
	v41 =	vsel vm15, v18, v41;
	vm15 =	vnez.u8 v63  }
0x2a7: {  	v37 =	vsel vm15, v19, v37;
	vm15 =	vnez.u8 v48  }
0x2a8: {  	v51 =	vmin.f32 v43, v44;
	v40 =	vsel vm15, v20, v40;
	vm15 =	vnez.u8 v50  }
0x2a9: {  	v41 =	vsel vm14, v22, v41;
	v37 =	vsel vm13, v23, v37;
	v42 =	vsel vm15, v21, v42  }
0x2aa: {  	v41 =	vsel vm11, v26, v41;
	v40 =	vsel vm12, v24, v40;
	v42 =	vsel vm10, v25, v42  }
0x2ab: {  	v37 =	vsel vm9, v27, v37;
	v41 =	vsel vm6, v30, v41;
	v42 =	vsel vm7, v29, v42  }
0x2ac: {  	v40 =	vsel vm8, v28, v40;
	v37 =	vsel vm5, v31, v37;
	v41 =	vsel vm4, v41, v42  }
0x2ad: {  	vm14 =	veq.f32 v38, v51;
	v40 =	vsel vm2, v32, v40;
	v37 =	vsel vm1, v37, v41  }
0x2ae: {  	vm15 =	vmand vm3, vm14;
	v37 =	vsel vm0, v40, v37  }
0x2af: {  	v37 =	vnsel vm15, $0x7FFFFFFF, v37  }
0x2b0: {  	v52 =	vperm.xlane v37, v33;
	_ =	sdelay $0x1  }
0x2b1: {  	vm0 =	vlt.s32 v37, v52  }
0x2b2: {  	v37 =	vsel vm0, v37, v52  }
0x2b3: {  	v38 =	vperm.xlane v37, v34;
	_ =	sdelay $0x1  }
0x2b4: {  	vm0 =	vlt.s32 v37, v38  }
0x2b5: {  	v37 =	vsel vm0, v37, v38  }
0x2b6: {  	v38 =	vperm.xlane v37, v35;
	_ =	sdelay $0x1  }
0x2b7: {  	vm0 =	vlt.s32 v37, v38  }
0x2b8: {  	v37 =	vsel vm0, v37, v38  }
0x2b9: {  	v38 =	vperm.xlane v37, v36;
	_ =	sdelay $0x1  }
0x2ba: {  	vm0 =	vlt.s32 v37, v38  }
0x2bb: {  	v37 =	vsel vm0, v37, v38  }
0x2bc: {  	v38 =	vadd.s32 $0x40, v37  }
0x2bd: {  	v53 =	vadd.s32 $0x60, v37  }
0x2be: {  	v54 =	vadd.s32 $0x80, v37  }
0x2bf: {  	v55 =	vadd.s32 $0xA0, v37  }
0x2c0: {  	[tilespmem:v37+s3+$0x0] =	vst.idx.msk $0x1, v0  }
0x2c1: {  	v37 =	vld.idx.msk [tilespmem:v38+s3+$0x0], $0xffff  }
0x2c2: {  	v56 =	vld.idx.msk [tilespmem:v53+s3+$0x0], $0xffff  }
0x2c3: {  	v57 =	vld.idx.msk [tilespmem:v54+s3+$0x0], $0xffff  }
0x2c4: {  	v58 =	vld.idx.msk [tilespmem:v55+s3+$0x0], $0xffff  }
0x2c5: {  	v59 =	vmov s2;
	_ =	sdelay $0x3  }
0x2c6: {  	v60 =	vsub.f32 v57, v37;
	v61 =	vsub.f32 v58, v56  }
0x2c7: {  	p0 =	sne.s32 s2, $0x13;
	[tilespmem:v59+s4+$0x0] =	vst.idx.msk $0x1, v39  }
.Ltmp2:
0x2c8: {  	[tilespmem:v59+s5+$0x0] =	vst.idx.msk $0x1, v37;
	v62 =	vadd.f32 $1.000000000e+00, v60;
	v63 =	vadd.f32 $1.000000000e+00, v61;
	(pc) =	sbr.rel @p0 .LBB2_6-.Ltmp2, $4  }
0x2c9: {  	[tilespmem:v59+s6+$0x0] =	vst.idx.msk $0x1, v56  }
0x2ca: {  	[tilespmem:v59+s7+$0x0] =	vst.idx.msk $0x1, v57;
	v37 =	vmul.f32 v63, v62  }
0x2cb: {  	[tilespmem:v59+s8+$0x0] =	vst.idx.msk $0x1, v58  }
0x2cc: {  	s2 =	sadd.s32 $0x1, s2;
	[tilespmem:v59+s9+$0x0] =	vst.idx.msk $0x1, v37  }
0x2cd: {  	v0 =	vld [tilespmem:$0x4B40]  }
0x2ce: {  	s2 =	simm.s32 $0x0;
	v1 =	vld [tilespmem:$0x4BC0]  }
0x2cf: {  	v3 =	vld [tilespmem:$0x4C40];
	v2 =	vmov s2  }
0x2d0: {  	v4 =	vld [tilespmem:$0x4B50]  }
0x2d1: {  	v13 =	vimm.f32 $1.000000000e+00;
	v5 =	vimm.f32 $0.0e+00;
	vm0 =	vcmask $0xF00;
	v6 =	vld [tilespmem:$0x4BD0]  }
0x2d2: {  	v7 =	vld [tilespmem:$0x4CD0];
	[tilespmem:$0x4DC0] =	vst v13;
	v11 =	vsel vm0, $0x3F800000, v5  }
0x2d3: {  	v5 =	vld [tilespmem:$0x4C50];
	s2 =	simm.s32 $0x4CC0;
	[tilespmem:$0x4DD0] =	vst v11  }
0x2d4: {  	s3 =	simm.s32 $0x4B40;
	v8 =	vld.idx.msk [tilespmem:v2+s2+$0x0], $0xffff  }
0x2d5: {  	s4 =	simm.s32 $0x4BC0;
	v9 =	vld.idx.msk [tilespmem:v2+s3+$0x0], $0xffff  }
0x2d6: {  	s5 =	simm.s32 $0x4C40;
	v10 =	vld.idx.msk [tilespmem:v2+s4+$0x0], $0xffff  }
0x2d7: {  	v12 =	vld.idx.msk [tilespmem:v2+s5+$0x0], $0xffff  }
0x2d8: {  	v14 =	vld [tilespmem:$0x4CC0];
	_ =	sdelay $0x1  }
0x2d9: {  	s6 =	simm.s32 $0x4D40;
	v0 =	vmax.f32 v9, v0  }
0x2da: {  	v15 =	vld.idx.msk [tilespmem:v2+s6+$0x0], $0xffff;
	v1 =	vmax.f32 v10, v1;
	v4 =	vmax.f32 v9, v4;
	v7 =	vmin.f32 v8, v7  }
0x2db: {  	v3 =	vmin.f32 v12, v3;
	v9 =	vld [tilespmem:$0x4D50];
	v6 =	vmax.f32 v10, v6;
	v5 =	vmin.f32 v12, v5  }
0x2dc: {  	v8 =	vmin.f32 v8, v14;
	v4 =	vsub.f32 v5, v4;
	v5 =	vsub.f32 v7, v6  }
0x2dd: {  	v6 =	vld [tilespmem:$0x4D40];
	v0 =	vsub.f32 v3, v0;
	v1 =	vsub.f32 v8, v1  }
0x2de: {  	v3 =	vadd.f32 $1.000000000e+00, v4;
	v4 =	vadd.f32 $1.000000000e+00, v5  }
0x2df: {  	v0 =	vadd.f32 $1.000000000e+00, v0;
	v1 =	vadd.f32 $1.000000000e+00, v1  }
0x2e0: {  	v3 =	vmax.f32 v3, $0.0e+00;
	v4 =	vmax.f32 v4, $0.0e+00;
	v5 =	vadd.f32 v9, v15  }
0x2e1: {  	v0 =	vmax.f32 v0, $0.0e+00;
	v1 =	vmax.f32 v1, $0.0e+00;
	v3 =	vmul.f32 v4, v3  }
0x2e2: {  	v1 =	vmul.f32 v1, v0;
	v0 =	vadd.f32 v6, v15  }
0x2e3: {  	v4 =	vsub.f32 v5, v3  }
0x2e4: {  	v0 =	vsub.f32 v0, v1  }
0x2e5: {  	(erf) = vrcp.f32 v4  }
0x2e6: {  	(erf) = vrcp.f32 v0;
	_ =	sdelay $0x4  }
0x2e7: {  	s7 =	simm.s32 $0x4DC0  }
0x2e8: {  	v4 =	vld.idx.msk [tilespmem:v2+s7+$0x0], $0xffff;
	_ =	sdelay $0x1  }
0x2e9: {  	v0 =	vpop (erf)  }
0x2ea: {  	s8 =	simm.s32 $0x1;
	v10 =	vld [tilespmem:$0x4BD0];
	v3 =	vmul.f32 v0, v3;
	v7 =	vpop (erf)  }
0x2eb: {  	v12 =	vmov s8;
	v8 =	vld [tilespmem:$0x4C40];
	v0 =	vlaneseq.u32;
	v9 =	vmul.f32 v7, v1  }
0x2ec: {  	v6 =	vld [tilespmem:$0x4BC0];
	vm15 =	vgt.f32 v4, $0.0e+00;
	v1 =	vor.u32 $0x10, v0;
	vm1 =	vgt.f32 v3, $6.999999880e-01  }
0x2ed: {  	v5 =	vld [tilespmem:$0x4B40];
	vm3 =	vlt.u32 v2, v1;
	vm2 =	vgt.f32 v9, $6.999999880e-01;
	vm1 =	vmand vm1, vm15  }
0x2ee: {  	v4 =	vmovc v12;
	v7 =	vld [tilespmem:$0x4CC0];
	vm4 =	vlt.u32 v2, v0;
	vm0 =	vmand vm2, vm15;
	vm1 =	vmand vm1, vm3  }
0x2ef: {  	v9 =	vld [tilespmem:$0x4B50];
	vm0 =	vmand vm0, vm4;
	v3 =	vsel vm1, $0x0, v11  }
0x2f0: {  	s8 =	simm.s32 $0x2;
	v11 =	vld [tilespmem:$0x4C50];
	v2 =	vsel vm0, $0x0, v13;
	[tilespmem:$0x4DD0] =	vst v3  }
.LBB2_8:
0x2f1: {  	p0 =	sne.s32 s8, $0x13;
	v13 =	vld [tilespmem:$0x4CD0];
	[tilespmem:$0x4DC0] =	vst v2  }
0x2f2: {  	v12 =	vld.idx.msk [tilespmem:v12+s2+$0x0], $0xffff  }
0x2f3: {  	v14 =	vld.idx.msk [tilespmem:v4+s3+$0x0], $0xffff  }
0x2f4: {  	v15 =	vld.idx.msk [tilespmem:v4+s4+$0x0], $0xffff  }
0x2f5: {  	v16 =	vld.idx.msk [tilespmem:v4+s5+$0x0], $0xffff  }
0x2f6: {  	v17 =	vld.idx.msk [tilespmem:v4+s6+$0x0], $0xffff  }
0x2f7: {  	v18 =	vld.idx.msk [tilespmem:v4+s7+$0x0], $0xffff;
	_ =	sdelay $0x1  }
0x2f8: {  	v5 =	vmax.f32 v14, v5  }
0x2f9: {  	v13 =	vmin.f32 v12, v13;
	v9 =	vmax.f32 v14, v9;
	v6 =	vmax.f32 v15, v6  }
0x2fa: {  	v10 =	vmax.f32 v15, v10;
	v8 =	vmin.f32 v16, v8;
	v11 =	vmin.f32 v16, v11;
	v14 =	vld [tilespmem:$0x4D50]  }
0x2fb: {  	v7 =	vmin.f32 v12, v7;
	v10 =	vsub.f32 v13, v10;
	v9 =	vsub.f32 v11, v9  }
0x2fc: {  	v6 =	vsub.f32 v7, v6;
	v5 =	vsub.f32 v8, v5;
	v11 =	vld [tilespmem:$0x4D40]  }
0x2fd: {  	v8 =	vadd.f32 $1.000000000e+00, v10;
	v7 =	vadd.f32 $1.000000000e+00, v9  }
0x2fe: {  	v6 =	vadd.f32 $1.000000000e+00, v6;
	v5 =	vadd.f32 $1.000000000e+00, v5  }
0x2ff: {  	v8 =	vmax.f32 v8, $0.0e+00;
	v7 =	vmax.f32 v7, $0.0e+00;
	v9 =	vadd.f32 v14, v17  }
0x300: {  	v6 =	vmax.f32 v6, $0.0e+00;
	v5 =	vmax.f32 v5, $0.0e+00;
	v7 =	vmul.f32 v8, v7  }
0x301: {  	v8 =	vmul.f32 v6, v5;
	v5 =	vadd.f32 v11, v17  }
0x302: {  	v6 =	vsub.f32 v9, v7  }
0x303: {  	v5 =	vsub.f32 v5, v8  }
0x304: {  	(erf) = vrcp.f32 v6  }
0x305: {  	(erf) = vrcp.f32 v5;
	_ =	sdelay $0x7  }
0x306: {  	v6 =	vpop (erf)  }
0x307: {  	v5 =	vld [tilespmem:$0x4B40];
	v7 =	vmul.f32 v6, v7;
	v9 =	vpop (erf)  }
0x308: {  	v6 =	vld [tilespmem:$0x4BC0];
	v9 =	vmul.f32 v9, v8  }
.Ltmp3:
0x309: {  	v12 =	vmov s8;
	vm0 =	vgt.f32 v18, $0.0e+00;
	v8 =	vld [tilespmem:$0x4C40];
	vm1 =	vgt.f32 v7, $6.999999880e-01;
	(pc) =	sbr.rel @p0 .LBB2_8-.Ltmp3, $4  }
0x30a: {  	vm3 =	vlt.u32 v4, v1;
	v7 =	vld [tilespmem:$0x4CC0];
	vm2 =	vgt.f32 v9, $6.999999880e-01;
	vm1 =	vmand vm1, vm0  }
0x30b: {  	vm4 =	vlt.u32 v4, v0;
	v4 =	vmovc v12;
	v9 =	vld [tilespmem:$0x4B50];
	vm0 =	vmand vm2, vm0;
	vm1 =	vmand vm1, vm3  }
0x30c: {  	v10 =	vld [tilespmem:$0x4BD0];
	vm0 =	vmand vm0, vm4;
	v3 =	vsel vm1, $0x0, v3  }
0x30d: {  	s8 =	sadd.s32 $0x1, s8;
	v11 =	vld [tilespmem:$0x4C50];
	v2 =	vsel vm0, $0x0, v2;
	[tilespmem:$0x4DD0] =	vst v3  }
0x30e: {  	_ =	sdelay $0x2  }
0x30f: {  	v13 =	vld [tilespmem:$0x4CD0];
	[tilespmem:$0x4DC0] =	vst v2  }
0x310: {  	v12 =	vld.idx.msk [tilespmem:v12+s2+$0x0], $0xffff  }
0x311: {  	v14 =	vld.idx.msk [tilespmem:v4+s3+$0x0], $0xffff  }
0x312: {  	v15 =	vld.idx.msk [tilespmem:v4+s4+$0x0], $0xffff  }
0x313: {  	v16 =	vld.idx.msk [tilespmem:v4+s5+$0x0], $0xffff;
	_ =	sdelay $0x3  }
0x314: {  	v9 =	vmax.f32 v14, v9  }
0x315: {  	v18 =	vld [tilespmem:$0x4D50];
	v13 =	vmin.f32 v12, v13;
	v10 =	vmax.f32 v15, v10;
	v11 =	vmin.f32 v16, v11  }
0x316: {  	v17 =	vld.idx.msk [tilespmem:v4+s6+$0x0], $0xffff;
	v9 =	vsub.f32 v11, v9;
	v10 =	vsub.f32 v13, v10;
	_ =	sdelay $0x1  }
0x317: {  	v5 =	vmax.f32 v14, v5;
	v9 =	vadd.f32 $1.000000000e+00, v9;
	v10 =	vadd.f32 $1.000000000e+00, v10  }
0x318: {  	v6 =	vmax.f32 v15, v6;
	v8 =	vmin.f32 v16, v8;
	v7 =	vmin.f32 v12, v7  }
0x319: {  	v5 =	vsub.f32 v8, v5;
	v9 =	vmax.f32 v9, $0.0e+00;
	v10 =	vmax.f32 v10, $0.0e+00  }
0x31a: {  	v11 =	vadd.f32 v18, v17;
	v6 =	vsub.f32 v7, v6;
	v9 =	vmul.f32 v10, v9;
	v10 =	vld [tilespmem:$0x4D40]  }
0x31b: {  	v5 =	vadd.f32 $1.000000000e+00, v5  }
0x31c: {  	v6 =	vadd.f32 $1.000000000e+00, v6;
	v7 =	vsub.f32 v11, v9;
	_ =	sdelay $0x1  }
0x31d: {  	v5 =	vmax.f32 v5, $0.0e+00;
	v6 =	vmax.f32 v6, $0.0e+00;
	(erf) = vrcp.f32 v7  }
0x31e: {  	v5 =	vmul.f32 v6, v5;
	v6 =	vadd.f32 v10, v17;
	_ =	sdelay $0x1  }
0x31f: {  	v6 =	vsub.f32 v6, v5;
	_ =	sdelay $0x1  }
0x320: {  	(erf) = vrcp.f32 v6;
	_ =	sdelay $0x1  }
0x321: {  	v6 =	vld.idx.msk [tilespmem:v4+s7+$0x0], $0xffff;
	_ =	sdelay $0x1  }
0x322: {  	v7 =	vpop (erf)  }
0x323: {  	v7 =	vmul.f32 v7, v9;
	_ =	sdelay $0x1  }
0x324: {  	vm0 =	vgt.f32 v6, $0.0e+00;
	vm1 =	vgt.f32 v7, $6.999999880e-01  }
0x325: {  	vm2 =	vlt.u32 v4, v1;
	vm1 =	vmand vm1, vm0  }
0x326: {  	vm1 =	vmand vm1, vm2;
	v1 =	vpop (erf)  }
0x327: {  	v3 =	vsel vm1, $0x0, v3;
	v1 =	vmul.f32 v1, v5  }
0x328: {  	[tilespmem:$0x4DD0] =	vst v3;
	v3 =	vld [tilespmem:$0x4AC0]  }
0x329: {  	v5 =	vld [tilespmem:$0x4DD0];
	vm1 =	vgt.f32 v1, $6.999999880e-01  }
0x32a: {  	vm2 =	vlt.u32 v4, v0;
	v1 =	vld [tilespmem:$0x4AD0];
	vm0 =	vmand vm1, vm0  }
0x32b: {  	vm0 =	vmand vm0, vm2  }
0x32c: {  	v6 =	vsel vm0, $0x0, v2  }
0x32d: {  	v2 =	vimm.s32 $0xEFCDAB89;
	vm0 =	vgt.f32 v6, $0.0e+00  }
0x32e: {  	vm1 =	vgt.f32 v5, $0.0e+00;
	v0 =	vnsel vm0, $0xCE6E6B28, v3;
	vm0 =	vmmov $0xf  }
0x32f: {  	v1 =	vnsel vm1, $0xCE6E6B28, v1;
	[tilespmem:$0x4E40] =	vst v0;
	v0 =	vunpack.c.l.s4.s8 v2;
	v2 =	vimm.s32 $0x67452301  }
0x330: {  	v4 =	vimm.s32 $0x54761032;
	v1 =	vnsel vm0, $0xFF61B1E6, v1;
	v2 =	vunpack.c.l.s4.s8 v2;
	v3 =	vld [tilespmem:$0x4E40]  }
0x331: {  	v4 =	vunpack.c.l.s4.s8 v4;
	[tilespmem:$0x4E50] =	vst v1;
	v1 =	vimm.s32 $0xDCFE98BA  }
0x332: {  	v0 =	vunpack.c.0.s8.s32 v0;
	v2 =	vunpack.c.0.s8.s32 v2;
	v1 =	vunpack.c.l.s4.s8 v1;
	v5 =	vld [tilespmem:$0x4E50];
	_ =	sdelay $0x1  }
0x333: {  	v0 =	vcombine.low v2, v0;
	v1 =	vunpack.c.0.s8.s32 v1;
	v2 =	vunpack.c.0.s8.s32 v4  }
0x334: {  	vm0 =	vgt.f32 v3, $-3.000000010e+38  }
0x335: {  	v4 =	vimm.s32 $0x32107654;
	v1 =	vcombine.low v2, v1;
	v2 =	vnsel vm0, $0xFF61B1E6, v3  }
0x336: {  	v4 =	vunpack.c.l.s4.s8 v4;
	v3 =	vimm.s32 $0xBA98FEDC;
	vm1 =	vgt.f32 v5, v2  }
0x337: {  	v0 =	vand.u32 $0xF, v0;
	v3 =	vunpack.c.l.s4.s8 v3;
	v7 =	vsel vm1, v5, v2  }
0x338: {  	v8 =	vimm.s32 $0x76543210;
	v2 =	vperm.xlane v7, v0  }
0x339: {  	v4 =	vunpack.c.0.s8.s32 v4;
	v5 =	vimm.s32 $0xFEDCBA98;
	v3 =	vunpack.c.0.s8.s32 v3  }
0x33a: {  	v1 =	vand.u32 $0xF, v1;
	v5 =	vunpack.c.l.s4.s8 v5;
	v9 =	vmax.f32 v7, v2  }
0x33b: {  	v2 =	vcombine.low v4, v3;
	v3 =	vunpack.c.l.s4.s8 v8;
	v4 =	vperm.xlane v9, v1  }
0x33c: {  	v5 =	vunpack.c.0.s8.s32 v5  }
0x33d: {  	v2 =	vand.u32 $0xF, v2;
	v3 =	vunpack.c.0.s8.s32 v3;
	v4 =	vmax.f32 v9, v4  }
0x33e: {  	v5 =	vand.u32 $0xF, v5;
	v8 =	vperm.xlane v4, v2  }
0x33f: {  	v3 =	vcombine.low v5, v3  }
0x340: {  	v8 =	vmax.f32 v4, v8  }
0x341: {  	v9 =	vperm.xlane v8, v3  }
0x342: {  	v4 =	vlaneseq.u32  }
0x343: {  	v5 =	vor.u32 $0x10, v4;
	v10 =	vnsel vm0, $0x0, v4;
	v8 =	vmax.f32 v8, v9  }
0x344: {  	v9 =	vsel vm1, v5, v10;
	vm0 =	veq.f32 v7, v8  }
0x345: {  	v7 =	vnsel vm0, $0x7FFFFFFF, v9  }
0x346: {  	v8 =	vperm.xlane v7, v0;
	_ =	sdelay $0x1  }
0x347: {  	vm0 =	vlt.s32 v7, v8  }
0x348: {  	v7 =	vsel vm0, v7, v8  }
0x349: {  	v8 =	vperm.xlane v7, v1;
	_ =	sdelay $0x1  }
0x34a: {  	vm0 =	vlt.s32 v7, v8  }
0x34b: {  	v7 =	vsel vm0, v7, v8  }
0x34c: {  	v8 =	vperm.xlane v7, v2;
	_ =	sdelay $0x1  }
0x34d: {  	vm0 =	vlt.s32 v7, v8  }
0x34e: {  	v7 =	vsel vm0, v7, v8  }
0x34f: {  	v8 =	vperm.xlane v7, v3;
	_ =	sdelay $0x1  }
0x350: {  	vm0 =	vlt.s32 v7, v8  }
0x351: {  	[tilespmem:$0x4DC0] =	vst v6;
	v6 =	vimm.f32 $0.0e+00;
	v8 =	vsel vm0, v7, v8  }
0x352: {  	[tilespmem:$0x4EC0] =	vst v6  }
0x353: {  	[tilespmem:$0x4ED0] =	vst v6  }
0x354: {  	[tilespmem:$0x4EE0] =	vst v6  }
0x355: {  	s2 =	simm.s32 $0x4E40;
	[tilespmem:$0x4EF0] =	vst v6;
	v6 =	vimm.f32 $-3.000000010e+38  }
0x356: {  	s3 =	simm.s32 $0x4C40;
	[tilespmem:v8+s2+$0x0] =	vst.idx.msk $0x1, v6  }
0x357: {  	s4 =	simm.s32 $0x4CC0;
	v10 =	vld.idx.msk [tilespmem:v8+s3+$0x0], $0xffff  }
0x358: {  	s5 =	simm.s32 $0x4BC0;
	v11 =	vld.idx.msk [tilespmem:v8+s4+$0x0], $0xffff  }
0x359: {  	s6 =	simm.s32 $0x4B40;
	v7 =	vld.idx.msk [tilespmem:v8+s5+$0x0], $0xffff  }
0x35a: {  	s9 =	simm.s32 $0x0;
	v8 =	vld.idx.msk [tilespmem:v8+s6+$0x0], $0xffff  }
0x35b: {  	v9 =	vadd.s32 s9, v4  }
0x35c: {  	vm1 =	vcmask $0x3F0C  }
0x35d: {  	s8 =	simm.s32 $0x4;
	s7 =	simm.s32 $0x4EC0;
	vm2 =	vcmask $0x3F08;
	vm0 =	vmmov $0x1;
	v10 =	vsel vm1, v11, v10  }
.LBB2_10:
0x35e: {  	p0 =	sne.s32 s8, $0x24;
	v7 =	vsel vm2, v10, v7;
	s9 =	smov.u32 s8;
	s8 =	sadd.s32 $0x4, s8  }
0x35f: {  	v7 =	vsel vm0, v8, v7  }
0x360: {  	[tilespmem:v9+s7+$0x0] =	vst.idx.msk $0xf, v7  }
0x361: {  	v7 =	vld [tilespmem:$0x4E40];
	_ =	sdelay $0x1  }
0x362: {  	v8 =	vld [tilespmem:$0x4E50];
	_ =	sdelay $0x2  }
0x363: {  	vm3 =	vgt.f32 v7, $-3.000000010e+38  }
0x364: {  	v7 =	vnsel vm3, $0xFF61B1E6, v7  }
0x365: {  	vm4 =	vgt.f32 v8, v7  }
0x366: {  	v7 =	vsel vm4, v8, v7  }
0x367: {  	v8 =	vperm.xlane v7, v0;
	_ =	sdelay $0x1  }
0x368: {  	v8 =	vmax.f32 v7, v8  }
0x369: {  	v9 =	vperm.xlane v8, v1;
	_ =	sdelay $0x1  }
0x36a: {  	v8 =	vmax.f32 v8, v9  }
0x36b: {  	v9 =	vperm.xlane v8, v2;
	_ =	sdelay $0x1  }
0x36c: {  	v8 =	vmax.f32 v8, v9  }
0x36d: {  	v9 =	vperm.xlane v8, v3;
	_ =	sdelay $0x1  }
0x36e: {  	v10 =	vnsel vm3, $0x0, v4;
	v8 =	vmax.f32 v8, v9  }
0x36f: {  	v9 =	vsel vm4, v5, v10;
	vm3 =	veq.f32 v7, v8  }
0x370: {  	v7 =	vnsel vm3, $0x7FFFFFFF, v9  }
0x371: {  	v8 =	vperm.xlane v7, v0;
	_ =	sdelay $0x1  }
0x372: {  	vm3 =	vlt.s32 v7, v8  }
0x373: {  	v7 =	vsel vm3, v7, v8  }
0x374: {  	v8 =	vperm.xlane v7, v1;
	_ =	sdelay $0x1  }
0x375: {  	vm3 =	vlt.s32 v7, v8  }
0x376: {  	v7 =	vsel vm3, v7, v8  }
0x377: {  	v8 =	vperm.xlane v7, v2;
	_ =	sdelay $0x1  }
0x378: {  	vm3 =	vlt.s32 v7, v8  }
0x379: {  	v7 =	vsel vm3, v7, v8  }
0x37a: {  	v8 =	vperm.xlane v7, v3;
	_ =	sdelay $0x1  }
0x37b: {  	vm3 =	vlt.s32 v7, v8  }
0x37c: {  	v8 =	vsel vm3, v7, v8;
	_ =	sdelay $0x4  }
0x37d: {  	[tilespmem:v8+s2+$0x0] =	vst.idx.msk $0x1, v6  }
0x37e: {  	v7 =	vld.idx.msk [tilespmem:v8+s5+$0x0], $0xffff  }
0x37f: {  	v10 =	vld.idx.msk [tilespmem:v8+s3+$0x0], $0xffff  }
0x380: {  	v11 =	vld.idx.msk [tilespmem:v8+s4+$0x0], $0xffff  }
0x381: {  	v8 =	vld.idx.msk [tilespmem:v8+s6+$0x0], $0xffff  }
.Ltmp4:
0x382: {  	(pc) =	sbr.rel @p0 .LBB2_10-.Ltmp4, $2  }
0x383: {  	v9 =	vadd.s32 s9, v4;
	_ =	sdelay $0x2  }
0x384: {  	v10 =	vsel vm1, v11, v10  }
0x385: {  	_ =	sdelay $0x1  }
0x386: {  	v0 =	vsel vm2, v10, v7  }
0x387: {  	v0 =	vsel vm0, v8, v0  }
0x388: {  	s2 =	simm.s32 $0x0;
	s3 =	simm.s32 $0x4EC0;
	s31 =	simm.s32 $0x2;
	[tilespmem:v9+s7+$0x0] =	vst.idx.msk $0xf, v0  }
0x389: {  	[hbm4b:s1+s2] =	stream.linear.scatter [tilespmem:s3], [sflag:$0x2], $0x80, $0x38;
	[tilespmem:$0x4F40] =	vst v63  }
0x38a: {  	_ =	swait.ge [sflag:s31], $0x80  }
0x38b: {  	[sflag:s31] =	ssyncset.done $0x0  }
0x38c: {  	[sflag:s31] =	ssyncadd.s32 $0xFFFFFF80  }
0x38d: {  	_ =	sfence.sel $0x180000  }
0x38e: {  	[bflag:$0x0] =	sbarrier.arrive $0xFFFF  }
0x38f: {  	_ =	strace $0x90000047  }
0x390: {  	s0 =	sadd.s32 $0x100000, s0;
	[bflag:$0x2] =	sbarrier.arrive $0xFFFF  }
0x391: {  	[sflag:s0] =	ssyncadd.tile.s32 $0x1;
	_ =	shalt  }
.Lfunc_end2:
_tile_overlayer_lowered:
.L_overlay_start_2:
0x392: {  	(tag) =	ssettag $0x2  }
0x393: {  	s0 =	rddreg [dreg:$0x0];
	s2 =	stileid.u32  }
0x394: {  	s1 =	rddreg [dreg:$0x1];
	p0 =	sne.s32 s2, $0x0  }
0x395: {  	s3 =	rddreg [dreg:$0x2];
	[bflag:$0x3] =	sbarrier.arrive $0xFFFF;
	s2 =	simm.s32 @!p0 $0x1C02  }
0x396: {  	[timem:s3], [sflag:s2] =	dma.local @!p0 [hbm:s0], s1  }
0x397: {  	s0 =	simm.s32 @!p0 $0x2  }
0x398: {  	_ =	swait.ge @!p0 [sflag:s0], s1  }
0x399: {  	s1 =	ssub.s32 @!p0 $0x0, s1;
	[sflag:s0] =	ssyncset.done @!p0 $0x0  }
0x39a: {  	[sflag:s0] =	ssyncadd.s32 @!p0 s1  }
0x39b: {  	[bflag:$0x3] =	sbarrier.arrive $0xFFFF  }
0x39c: {  	_ =	shalt  }

</sc_bundles>
